<compile_context>
chip_gen: v7x
topology: tpu7x:2x2x1
jax: 0.10.2.dev20260603
libtpu: 0.0.44.dev20260713+nightly
codegen_flags: <defaults>
</compile_context>

<pallas_src>
import functools

import jax
import jax.numpy as jnp
from jax import lax
from jax.experimental import pallas as pl
from jax.experimental.pallas import tpu as pltpu
from jax.experimental.pallas import tpu_sc as plsc

VOCAB = 100000
EMBED_DIM = 200
BATCH = 4096
HIST = 200

ROW_BLOCK = 10240
VOCAB_PAD = 102400
HALF_BLOCK = ROW_BLOCK // 2

NC = 2
NS = 16
L = 16
NW = NC * NS
ROWS_W = BATCH // NW
CROWS = 16
N_CHUNK = ROWS_W // CROWS
COLS = tuple(range(0, HIST - L, L)) + (HIST - L,)


def _matvec_body(wt_ref, ta_ref, tb_ref, b_ref, o_ref):
    wt = wt_ref[...]
    dn = (((1,), (1,)), ((), ()))
    o_ref[pl.ds(0, HALF_BLOCK)] = (
        lax.dot_general(wt, ta_ref[...], dn, preferred_element_type=jnp.float32)
        + b_ref[0]
    )[0]
    o_ref[pl.ds(HALF_BLOCK, HALF_BLOCK)] = (
        lax.dot_general(wt, tb_ref[...], dn, preferred_element_type=jnp.float32)
        + b_ref[0]
    )[0]


def _project_table(table, Wt, b):
    return pl.pallas_call(
        _matvec_body,
        grid=(VOCAB_PAD // ROW_BLOCK,),
        in_specs=[
            pl.BlockSpec((1, EMBED_DIM), lambda i: (0, 0)),
            pl.BlockSpec((HALF_BLOCK, EMBED_DIM), lambda i: (2 * i, 0)),
            pl.BlockSpec((HALF_BLOCK, EMBED_DIM), lambda i: (2 * i + 1, 0)),
            pl.BlockSpec(memory_space=pltpu.SMEM),
        ],
        out_specs=pl.BlockSpec((ROW_BLOCK,), lambda i: (i,)),
        out_shape=jax.ShapeDtypeStruct((VOCAB_PAD,), jnp.float32),
    )(Wt, table, table, b)


_SC_MESH = plsc.VectorSubcoreMesh(core_axis_name="c", subcore_axis_name="s")


@functools.partial(
    pl.kernel,
    mesh=_SC_MESH,
    out_type=jax.ShapeDtypeStruct((BATCH, HIST), jnp.float32),
    compiler_params=pltpu.CompilerParams(
        needs_layout_passes=False, skip_device_barrier=True
    ),
    scratch_types=[
        pltpu.VMEM((VOCAB,), jnp.float32),
        pltpu.VMEM((CROWS, HIST), jnp.int32),
        pltpu.VMEM((CROWS, HIST), jnp.int32),
        pltpu.VMEM((CROWS, HIST), jnp.float32),
        pltpu.VMEM((CROWS, HIST), jnp.float32),
        pltpu.SemaphoreType.DMA,
        pltpu.SemaphoreType.DMA((2,)),
        pltpu.SemaphoreType.DMA((2,)),
    ],
)
def _sc_gather(
    tv_hbm, idx_hbm, out_hbm,
    tv_v, idx_v0, idx_v1, out_v0, out_v1, tv_sem, idx_sem, out_sem,
):
    wid = lax.axis_index("s") * NC + lax.axis_index("c")
    base = pl.multiple_of(wid * ROWS_W, 8)
    idx_bufs = (idx_v0, idx_v1)
    out_bufs = (out_v0, out_v1)

    tv_cp = pltpu.async_copy(tv_hbm.at[pl.ds(0, VOCAB)], tv_v, tv_sem)

    def start_idx(ch):
        r0 = pl.multiple_of(base + ch * CROWS, 8)
        return pltpu.async_copy(
            idx_hbm.at[pl.ds(r0, CROWS)], idx_bufs[ch % 2], idx_sem.at[ch % 2]
        )

    def start_out(ch):
        r0 = pl.multiple_of(base + ch * CROWS, 8)
        return pltpu.async_copy(
            out_bufs[ch % 2], out_hbm.at[pl.ds(r0, CROWS)], out_sem.at[ch % 2]
        )

    idx_cp = [None, None]
    out_cp = [None, None]
    idx_cp[0] = start_idx(0)
    tv_cp.wait()
    for ch in range(N_CHUNK):
        b = ch % 2
        if ch + 1 < N_CHUNK:
            idx_cp[(ch + 1) % 2] = start_idx(ch + 1)
        idx_cp[b].wait()
        if out_cp[b] is not None:
            out_cp[b].wait()
        idx_ref = idx_bufs[b]
        o_ref = out_bufs[b]

        @plsc.parallel_loop(0, CROWS, 1, unroll=2)
        def _(r):
            for c in COLS:
                iv = idx_ref[r, pl.ds(c, L)]
                o_ref[r, pl.ds(c, L)] = plsc.load_gather(tv_v, [iv])
        out_cp[b] = start_out(ch)
    for cp in out_cp:
        if cp is not None:
            cp.wait()


def kernel(inputs, table, W, b):
    tv = _project_table(table, W.reshape(1, EMBED_DIM), b)
    return _sc_gather(tv, inputs.astype(jnp.int32))

# --- scband reference (transcript-rebuilt; emitter-appended) ---
"""Pipeline reference for scband-rlcritic-27504970563714 (READ-ONLY COPY).

The authoritative reference and input builder live on the scoring server;
editing this copy changes nothing except your own understanding.
"""

import jax, jax.numpy as jnp
import numpy as np

VOCAB = 100000
EMBED_DIM = 200
BATCH = 4096
HIST = 200

def setup_inputs(seed: int = 0) -> dict:
    key = jax.random.key(seed)
    k1, k2, k3, k4 = jax.random.split(key, 4)
    inputs = jax.random.randint(k1, (BATCH, HIST), 0, VOCAB)
    # Embedding table (glorot uniform approximation)
    limit_e = np.sqrt(6.0 / (VOCAB + EMBED_DIM))
    table = jax.random.uniform(k2, (VOCAB, EMBED_DIM), minval=-limit_e, maxval=limit_e, dtype=jnp.float32)
    # Dense layer: units=1
    limit_d = np.sqrt(6.0 / (EMBED_DIM + 1))
    W = jax.random.uniform(k3, (EMBED_DIM, 1), minval=-limit_d, maxval=limit_d, dtype=jnp.float32)
    b = jnp.zeros((1,), dtype=jnp.float32)
    return {"inputs": inputs, "table": table, "W": W, "b": b}

def reference(inputs, table, W, b):
    # X = embedding_layer(inputs) -> [B, L, 200]
    X = jnp.take(table, inputs, axis=0)
    # X = dense_layer(X) -> [B, L, 1]
    X = jnp.dot(X, W) + b
    # tf.squeeze -> [B, L]
    return jnp.squeeze(X)

if __name__ == "__main__":
    import jax
    _d = setup_inputs()
    print(jax.jit(kernel)(*tuple(_d.values())))

</pallas_src>

<mosaic_0001>
#map = affine_map<(d0, d1) -> (0)>
#map1 = affine_map<(d0, d1) -> (0, 0)>
module attributes {stable_mosaic.version = 14 : i64} {
  func.func @_sc_gather(%arg0: i32, %arg1: i32, %arg2: memref<102400xf32, #tpu.memory_space<hbm>>, %arg3: memref<4096x200xi32, #tpu.memory_space<hbm>>, %arg4: memref<4096x200xf32, #tpu.memory_space<hbm>>, %arg5: memref<100000xf32, #tpu.memory_space<vmem>>, %arg6: memref<16x200xi32, #tpu.memory_space<vmem>>, %arg7: memref<16x200xi32, #tpu.memory_space<vmem>>, %arg8: memref<16x200xf32, #tpu.memory_space<vmem>>, %arg9: memref<16x200xf32, #tpu.memory_space<vmem>>, %arg10: memref<!tpu.dma_semaphore, #tpu.memory_space<semaphore_mem>>, %arg11: memref<2x!tpu.dma_semaphore, #tpu.memory_space<semaphore_mem>>, %arg12: memref<2x!tpu.dma_semaphore, #tpu.memory_space<semaphore_mem>>) attributes {dimension_semantics = [#tpu.dimension_semantics<core_parallel>, #tpu.dimension_semantics<subcore_parallel>], iteration_bounds = array<i64: 2, 16>, scalar_prefetch = 0 : i64, scratch_operands = 8 : i64, tpu.core_type = #tpu.core_type<sc_vector_subcore>, window_params = [{transform_indices = #map}, {transform_indices = #map1}, {transform_indices = #map1}]} {
    %mul3A = arith.constant 2 : i32
    %mul3A_0 = arith.muli %arg1, %mul3A : i32
    %add3A = arith.addi %mul3A_0, %arg0 : i32
    %mul3A_1 = arith.constant 128 : i32
    %mul3A_2 = arith.muli %add3A, %mul3A_1 : i32
    %multiple_of3A = tpu.assume_multiple %mul3A_2, 8 : i32
    %dma_start3A = arith.constant 0 : i32
    %dma_start3A_3 = tpu.memref_slice %arg2[%dma_start3A] : memref<102400xf32, #tpu.memory_space<hbm>> -> memref<100000xf32, #tpu.memory_space<hbm>>
    %dma_start3A_4 = arith.constant 0 : i32
    %dma_start3A_5 = tpu.memref_slice %arg2[%dma_start3A_4] : memref<102400xf32, #tpu.memory_space<hbm>> -> memref<100000xf32, #tpu.memory_space<hbm>>
    tpu.enqueue_dma source(%dma_start3A_5 : memref<100000xf32, #tpu.memory_space<hbm>>) target(%arg5 : memref<100000xf32, #tpu.memory_space<vmem>>) target_semaphore(%arg10 : memref<!tpu.dma_semaphore, #tpu.memory_space<semaphore_mem>>)
    %add3A_6 = arith.constant 0 : i32
    %add3A_7 = arith.addi %multiple_of3A, %add3A_6 : i32
    %multiple_of3A_8 = tpu.assume_multiple %add3A_7, 8 : i32
    %dma_start3A_9 = arith.constant 0 : i32
    %dma_start3A_10 = arith.constant 0 : i32
    %dma_start3A_11 = tpu.memref_slice %arg3[%multiple_of3A_8, %dma_start3A_10] : memref<4096x200xi32, #tpu.memory_space<hbm>> -> memref<16x200xi32, #tpu.memory_space<hbm>>
    %dma_start3A_12 = tpu.memref_slice %arg11[%dma_start3A_9] : memref<2x!tpu.dma_semaphore, #tpu.memory_space<semaphore_mem>> -> memref<1x!tpu.dma_semaphore, #tpu.memory_space<semaphore_mem>>
    %dma_start3A_13 = tpu.memref_squeeze %dma_start3A_12 : memref<1x!tpu.dma_semaphore, #tpu.memory_space<semaphore_mem>> -> memref<!tpu.dma_semaphore, #tpu.memory_space<semaphore_mem>>
    %dma_start3A_14 = arith.constant 0 : i32
    %dma_start3A_15 = tpu.memref_slice %arg3[%multiple_of3A_8, %dma_start3A_14] : memref<4096x200xi32, #tpu.memory_space<hbm>> -> memref<16x200xi32, #tpu.memory_space<hbm>>
    tpu.enqueue_dma source(%dma_start3A_15 : memref<16x200xi32, #tpu.memory_space<hbm>>) target(%arg6 : memref<16x200xi32, #tpu.memory_space<vmem>>) target_semaphore(%dma_start3A_13 : memref<!tpu.dma_semaphore, #tpu.memory_space<semaphore_mem>>)
    %dma_wait3A = arith.constant 0 : i32
    %dma_wait3A_16 = tpu.memref_slice %arg2[%dma_wait3A] : memref<102400xf32, #tpu.memory_space<hbm>> -> memref<100000xf32, #tpu.memory_space<hbm>>
    %dma_wait3A_17 = arith.constant 0 : i32
    %dma_wait3A_18 = tpu.memref_slice %arg2[%dma_wait3A_17] : memref<102400xf32, #tpu.memory_space<hbm>> -> memref<100000xf32, #tpu.memory_space<hbm>>
    tpu.wait_dma2 semaphore(%arg10 : memref<!tpu.dma_semaphore, #tpu.memory_space<semaphore_mem>>) src(%dma_wait3A_18 : memref<100000xf32, #tpu.memory_space<hbm>>) dst(%arg5 : memref<100000xf32, #tpu.memory_space<vmem>>)
    %add3A_19 = arith.constant 16 : i32
    %add3A_20 = arith.addi %multiple_of3A, %add3A_19 : i32
    %multiple_of3A_21 = tpu.assume_multiple %add3A_20, 8 : i32
    %dma_start3A_22 = arith.constant 1 : i32
    %dma_start3A_23 = arith.constant 0 : i32
    %dma_start3A_24 = tpu.memref_slice %arg3[%multiple_of3A_21, %dma_start3A_23] : memref<4096x200xi32, #tpu.memory_space<hbm>> -> memref<16x200xi32, #tpu.memory_space<hbm>>
    %dma_start3A_25 = tpu.memref_slice %arg11[%dma_start3A_22] : memref<2x!tpu.dma_semaphore, #tpu.memory_space<semaphore_mem>> -> memref<1x!tpu.dma_semaphore, #tpu.memory_space<semaphore_mem>>
    %dma_start3A_26 = tpu.memref_squeeze %dma_start3A_25 : memref<1x!tpu.dma_semaphore, #tpu.memory_space<semaphore_mem>> -> memref<!tpu.dma_semaphore, #tpu.memory_space<semaphore_mem>>
    %dma_start3A_27 = arith.constant 0 : i32
    %dma_start3A_28 = tpu.memref_slice %arg3[%multiple_of3A_21, %dma_start3A_27] : memref<4096x200xi32, #tpu.memory_space<hbm>> -> memref<16x200xi32, #tpu.memory_space<hbm>>
    tpu.enqueue_dma source(%dma_start3A_28 : memref<16x200xi32, #tpu.memory_space<hbm>>) target(%arg7 : memref<16x200xi32, #tpu.memory_space<vmem>>) target_semaphore(%dma_start3A_26 : memref<!tpu.dma_semaphore, #tpu.memory_space<semaphore_mem>>)
    %dma_wait3A_29 = arith.constant 0 : i32
    %dma_wait3A_30 = arith.constant 0 : i32
    %dma_wait3A_31 = tpu.memref_slice %arg3[%multiple_of3A_8, %dma_wait3A_30] : memref<4096x200xi32, #tpu.memory_space<hbm>> -> memref<16x200xi32, #tpu.memory_space<hbm>>
    %dma_wait3A_32 = tpu.memref_slice %arg11[%dma_wait3A_29] : memref<2x!tpu.dma_semaphore, #tpu.memory_space<semaphore_mem>> -> memref<1x!tpu.dma_semaphore, #tpu.memory_space<semaphore_mem>>
    %dma_wait3A_33 = tpu.memref_squeeze %dma_wait3A_32 : memref<1x!tpu.dma_semaphore, #tpu.memory_space<semaphore_mem>> -> memref<!tpu.dma_semaphore, #tpu.memory_space<semaphore_mem>>
    %dma_wait3A_34 = arith.constant 0 : i32
    %dma_wait3A_35 = tpu.memref_slice %arg3[%multiple_of3A_8, %dma_wait3A_34] : memref<4096x200xi32, #tpu.memory_space<hbm>> -> memref<16x200xi32, #tpu.memory_space<hbm>>
    tpu.wait_dma2 semaphore(%dma_wait3A_33 : memref<!tpu.dma_semaphore, #tpu.memory_space<semaphore_mem>>) src(%dma_wait3A_35 : memref<16x200xi32, #tpu.memory_space<hbm>>) dst(%arg6 : memref<16x200xi32, #tpu.memory_space<vmem>>)
    %parallel_loop3A = arith.constant 0 : i32
    %parallel_loop3A_36 = arith.constant 16 : i32
    %parallel_loop3A_37 = arith.constant 1 : i32
    scf.for %parallel_loop3A_304 = %parallel_loop3A to %parallel_loop3A_36 step %parallel_loop3A_37  : i32 {
      %parallel_loop3A_305 = arith.index_cast %parallel_loop3A_304 : i32 to index
      %parallel_loop3A_306 = arith.constant 0 : index
      %parallel_loop3A_307 = tpu.vector_load %arg6[%parallel_loop3A_305, %parallel_loop3A_306] {strides = array<i32>} : memref<16x200xi32, #tpu.memory_space<vmem>>, vector<16xi32>,
      %parallel_loop3A_308 = tpu.vector_load_idx %arg5[%parallel_loop3A_307] : memref<100000xf32, #tpu.memory_space<vmem>>[vector<16xi32>], vector<16xf32>,
      %parallel_loop3A_309 = arith.index_cast %parallel_loop3A_304 : i32 to index
      %parallel_loop3A_310 = arith.constant 0 : index
      %parallel_loop3A_311 = tpu.vector_load %arg8[%parallel_loop3A_309, %parallel_loop3A_310] {strides = array<i32>} : memref<16x200xf32, #tpu.memory_space<vmem>>, vector<16xf32>,
      tpu.vector_store %arg8[%parallel_loop3A_309, %parallel_loop3A_310], %parallel_loop3A_308 {strides = array<i32>} : memref<16x200xf32, #tpu.memory_space<vmem>>, vector<16xf32>,
      %parallel_loop3A_312 = arith.index_cast %parallel_loop3A_304 : i32 to index
      %parallel_loop3A_313 = arith.constant 16 : index
      %parallel_loop3A_314 = tpu.vector_load %arg6[%parallel_loop3A_312, %parallel_loop3A_313] {strides = array<i32>} : memref<16x200xi32, #tpu.memory_space<vmem>>, vector<16xi32>,
      %parallel_loop3A_315 = tpu.vector_load_idx %arg5[%parallel_loop3A_314] : memref<100000xf32, #tpu.memory_space<vmem>>[vector<16xi32>], vector<16xf32>,
      %parallel_loop3A_316 = arith.index_cast %parallel_loop3A_304 : i32 to index
      %parallel_loop3A_317 = arith.constant 16 : index
      %parallel_loop3A_318 = tpu.vector_load %arg8[%parallel_loop3A_316, %parallel_loop3A_317] {strides = array<i32>} : memref<16x200xf32, #tpu.memory_space<vmem>>, vector<16xf32>,
      tpu.vector_store %arg8[%parallel_loop3A_316, %parallel_loop3A_317], %parallel_loop3A_315 {strides = array<i32>} : memref<16x200xf32, #tpu.memory_space<vmem>>, vector<16xf32>,
      %parallel_loop3A_319 = arith.index_cast %parallel_loop3A_304 : i32 to index
      %parallel_loop3A_320 = arith.constant 32 : index
      %parallel_loop3A_321 = tpu.vector_load %arg6[%parallel_loop3A_319, %parallel_loop3A_320] {strides = array<i32>} : memref<16x200xi32, #tpu.memory_space<vmem>>, vector<16xi32>,
      %parallel_loop3A_322 = tpu.vector_load_idx %arg5[%parallel_loop3A_321] : memref<100000xf32, #tpu.memory_space<vmem>>[vector<16xi32>], vector<16xf32>,
      %parallel_loop3A_323 = arith.index_cast %parallel_loop3A_304 : i32 to index
      %parallel_loop3A_324 = arith.constant 32 : index
      %parallel_loop3A_325 = tpu.vector_load %arg8[%parallel_loop3A_323, %parallel_loop3A_324] {strides = array<i32>} : memref<16x200xf32, #tpu.memory_space<vmem>>, vector<16xf32>,
      tpu.vector_store %arg8[%parallel_loop3A_323, %parallel_loop3A_324], %parallel_loop3A_322 {strides = array<i32>} : memref<16x200xf32, #tpu.memory_space<vmem>>, vector<16xf32>,
      %parallel_loop3A_326 = arith.index_cast %parallel_loop3A_304 : i32 to index
      %parallel_loop3A_327 = arith.constant 48 : index
      %parallel_loop3A_328 = tpu.vector_load %arg6[%parallel_loop3A_326, %parallel_loop3A_327] {strides = array<i32>} : memref<16x200xi32, #tpu.memory_space<vmem>>, vector<16xi32>,
      %parallel_loop3A_329 = tpu.vector_load_idx %arg5[%parallel_loop3A_328] : memref<100000xf32, #tpu.memory_space<vmem>>[vector<16xi32>], vector<16xf32>,
      %parallel_loop3A_330 = arith.index_cast %parallel_loop3A_304 : i32 to index
      %parallel_loop3A_331 = arith.constant 48 : index
      %parallel_loop3A_332 = tpu.vector_load %arg8[%parallel_loop3A_330, %parallel_loop3A_331] {strides = array<i32>} : memref<16x200xf32, #tpu.memory_space<vmem>>, vector<16xf32>,
      tpu.vector_store %arg8[%parallel_loop3A_330, %parallel_loop3A_331], %parallel_loop3A_329 {strides = array<i32>} : memref<16x200xf32, #tpu.memory_space<vmem>>, vector<16xf32>,
      %parallel_loop3A_333 = arith.index_cast %parallel_loop3A_304 : i32 to index
      %parallel_loop3A_334 = arith.constant 64 : index
      %parallel_loop3A_335 = tpu.vector_load %arg6[%parallel_loop3A_333, %parallel_loop3A_334] {strides = array<i32>} : memref<16x200xi32, #tpu.memory_space<vmem>>, vector<16xi32>,
      %parallel_loop3A_336 = tpu.vector_load_idx %arg5[%parallel_loop3A_335] : memref<100000xf32, #tpu.memory_space<vmem>>[vector<16xi32>], vector<16xf32>,
      %parallel_loop3A_337 = arith.index_cast %parallel_loop3A_304 : i32 to index
      %parallel_loop3A_338 = arith.constant 64 : index
      %parallel_loop3A_339 = tpu.vector_load %arg8[%parallel_loop3A_337, %parallel_loop3A_338] {strides = array<i32>} : memref<16x200xf32, #tpu.memory_space<vmem>>, vector<16xf32>,
      tpu.vector_store %arg8[%parallel_loop3A_337, %parallel_loop3A_338], %parallel_loop3A_336 {strides = array<i32>} : memref<16x200xf32, #tpu.memory_space<vmem>>, vector<16xf32>,
      %parallel_loop3A_340 = arith.index_cast %parallel_loop3A_304 : i32 to index
      %parallel_loop3A_341 = arith.constant 80 : index
      %parallel_loop3A_342 = tpu.vector_load %arg6[%parallel_loop3A_340, %parallel_loop3A_341] {strides = array<i32>} : memref<16x200xi32, #tpu.memory_space<vmem>>, vector<16xi32>,
      %parallel_loop3A_343 = tpu.vector_load_idx %arg5[%parallel_loop3A_342] : memref<100000xf32, #tpu.memory_space<vmem>>[vector<16xi32>], vector<16xf32>,
      %parallel_loop3A_344 = arith.index_cast %parallel_loop3A_304 : i32 to index
      %parallel_loop3A_345 = arith.constant 80 : index
      %parallel_loop3A_346 = tpu.vector_load %arg8[%parallel_loop3A_344, %parallel_loop3A_345] {strides = array<i32>} : memref<16x200xf32, #tpu.memory_space<vmem>>, vector<16xf32>,
      tpu.vector_store %arg8[%parallel_loop3A_344, %parallel_loop3A_345], %parallel_loop3A_343 {strides = array<i32>} : memref<16x200xf32, #tpu.memory_space<vmem>>, vector<16xf32>,
      %parallel_loop3A_347 = arith.index_cast %parallel_loop3A_304 : i32 to index
      %parallel_loop3A_348 = arith.constant 96 : index
      %parallel_loop3A_349 = tpu.vector_load %arg6[%parallel_loop3A_347, %parallel_loop3A_348] {strides = array<i32>} : memref<16x200xi32, #tpu.memory_space<vmem>>, vector<16xi32>,
      %parallel_loop3A_350 = tpu.vector_load_idx %arg5[%parallel_loop3A_349] : memref<100000xf32, #tpu.memory_space<vmem>>[vector<16xi32>], vector<16xf32>,
      %parallel_loop3A_351 = arith.index_cast %parallel_loop3A_304 : i32 to index
      %parallel_loop3A_352 = arith.constant 96 : index
      %parallel_loop3A_353 = tpu.vector_load %arg8[%parallel_loop3A_351, %parallel_loop3A_352] {strides = array<i32>} : memref<16x200xf32, #tpu.memory_space<vmem>>, vector<16xf32>,
      tpu.vector_store %arg8[%parallel_loop3A_351, %parallel_loop3A_352], %parallel_loop3A_350 {strides = array<i32>} : memref<16x200xf32, #tpu.memory_space<vmem>>, vector<16xf32>,
      %parallel_loop3A_354 = arith.index_cast %parallel_loop3A_304 : i32 to index
      %parallel_loop3A_355 = arith.constant 112 : index
      %parallel_loop3A_356 = tpu.vector_load %arg6[%parallel_loop3A_354, %parallel_loop3A_355] {strides = array<i32>} : memref<16x200xi32, #tpu.memory_space<vmem>>, vector<16xi32>,
      %parallel_loop3A_357 = tpu.vector_load_idx %arg5[%parallel_loop3A_356] : memref<100000xf32, #tpu.memory_space<vmem>>[vector<16xi32>], vector<16xf32>,
      %parallel_loop3A_358 = arith.index_cast %parallel_loop3A_304 : i32 to index
      %parallel_loop3A_359 = arith.constant 112 : index
      %parallel_loop3A_360 = tpu.vector_load %arg8[%parallel_loop3A_358, %parallel_loop3A_359] {strides = array<i32>} : memref<16x200xf32, #tpu.memory_space<vmem>>, vector<16xf32>,
      tpu.vector_store %arg8[%parallel_loop3A_358, %parallel_loop3A_359], %parallel_loop3A_357 {strides = array<i32>} : memref<16x200xf32, #tpu.memory_space<vmem>>, vector<16xf32>,
      %parallel_loop3A_361 = arith.index_cast %parallel_loop3A_304 : i32 to index
      %parallel_loop3A_362 = arith.constant 128 : index
      %parallel_loop3A_363 = tpu.vector_load %arg6[%parallel_loop3A_361, %parallel_loop3A_362] {strides = array<i32>} : memref<16x200xi32, #tpu.memory_space<vmem>>, vector<16xi32>,
      %parallel_loop3A_364 = tpu.vector_load_idx %arg5[%parallel_loop3A_363] : memref<100000xf32, #tpu.memory_space<vmem>>[vector<16xi32>], vector<16xf32>,
      %parallel_loop3A_365 = arith.index_cast %parallel_loop3A_304 : i32 to index
      %parallel_loop3A_366 = arith.constant 128 : index
      %parallel_loop3A_367 = tpu.vector_load %arg8[%parallel_loop3A_365, %parallel_loop3A_366] {strides = array<i32>} : memref<16x200xf32, #tpu.memory_space<vmem>>, vector<16xf32>,
      tpu.vector_store %arg8[%parallel_loop3A_365, %parallel_loop3A_366], %parallel_loop3A_364 {strides = array<i32>} : memref<16x200xf32, #tpu.memory_space<vmem>>, vector<16xf32>,
      %parallel_loop3A_368 = arith.index_cast %parallel_loop3A_304 : i32 to index
      %parallel_loop3A_369 = arith.constant 144 : index
      %parallel_loop3A_370 = tpu.vector_load %arg6[%parallel_loop3A_368, %parallel_loop3A_369] {strides = array<i32>} : memref<16x200xi32, #tpu.memory_space<vmem>>, vector<16xi32>,
      %parallel_loop3A_371 = tpu.vector_load_idx %arg5[%parallel_loop3A_370] : memref<100000xf32, #tpu.memory_space<vmem>>[vector<16xi32>], vector<16xf32>,
      %parallel_loop3A_372 = arith.index_cast %parallel_loop3A_304 : i32 to index
      %parallel_loop3A_373 = arith.constant 144 : index
      %parallel_loop3A_374 = tpu.vector_load %arg8[%parallel_loop3A_372, %parallel_loop3A_373] {strides = array<i32>} : memref<16x200xf32, #tpu.memory_space<vmem>>, vector<16xf32>,
      tpu.vector_store %arg8[%parallel_loop3A_372, %parallel_loop3A_373], %parallel_loop3A_371 {strides = array<i32>} : memref<16x200xf32, #tpu.memory_space<vmem>>, vector<16xf32>,
      %parallel_loop3A_375 = arith.index_cast %parallel_loop3A_304 : i32 to index
      %parallel_loop3A_376 = arith.constant 160 : index
      %parallel_loop3A_377 = tpu.vector_load %arg6[%parallel_loop3A_375, %parallel_loop3A_376] {strides = array<i32>} : memref<16x200xi32, #tpu.memory_space<vmem>>, vector<16xi32>,
      %parallel_loop3A_378 = tpu.vector_load_idx %arg5[%parallel_loop3A_377] : memref<100000xf32, #tpu.memory_space<vmem>>[vector<16xi32>], vector<16xf32>,
      %parallel_loop3A_379 = arith.index_cast %parallel_loop3A_304 : i32 to index
      %parallel_loop3A_380 = arith.constant 160 : index
      %parallel_loop3A_381 = tpu.vector_load %arg8[%parallel_loop3A_379, %parallel_loop3A_380] {strides = array<i32>} : memref<16x200xf32, #tpu.memory_space<vmem>>, vector<16xf32>,
      tpu.vector_store %arg8[%parallel_loop3A_379, %parallel_loop3A_380], %parallel_loop3A_378 {strides = array<i32>} : memref<16x200xf32, #tpu.memory_space<vmem>>, vector<16xf32>,
      %parallel_loop3A_382 = arith.index_cast %parallel_loop3A_304 : i32 to index
      %parallel_loop3A_383 = arith.constant 176 : index
      %parallel_loop3A_384 = tpu.vector_load %arg6[%parallel_loop3A_382, %parallel_loop3A_383] {strides = array<i32>} : memref<16x200xi32, #tpu.memory_space<vmem>>, vector<16xi32>,
      %parallel_loop3A_385 = tpu.vector_load_idx %arg5[%parallel_loop3A_384] : memref<100000xf32, #tpu.memory_space<vmem>>[vector<16xi32>], vector<16xf32>,
      %parallel_loop3A_386 = arith.index_cast %parallel_loop3A_304 : i32 to index
      %parallel_loop3A_387 = arith.constant 176 : index
      %parallel_loop3A_388 = tpu.vector_load %arg8[%parallel_loop3A_386, %parallel_loop3A_387] {strides = array<i32>} : memref<16x200xf32, #tpu.memory_space<vmem>>, vector<16xf32>,
      tpu.vector_store %arg8[%parallel_loop3A_386, %parallel_loop3A_387], %parallel_loop3A_385 {strides = array<i32>} : memref<16x200xf32, #tpu.memory_space<vmem>>, vector<16xf32>,
      %parallel_loop3A_389 = arith.index_cast %parallel_loop3A_304 : i32 to index
      %parallel_loop3A_390 = arith.constant 184 : index
      %parallel_loop3A_391 = tpu.vector_load %arg6[%parallel_loop3A_389, %parallel_loop3A_390] {strides = array<i32>} : memref<16x200xi32, #tpu.memory_space<vmem>>, vector<16xi32>,
      %parallel_loop3A_392 = tpu.vector_load_idx %arg5[%parallel_loop3A_391] : memref<100000xf32, #tpu.memory_space<vmem>>[vector<16xi32>], vector<16xf32>,
      %parallel_loop3A_393 = arith.index_cast %parallel_loop3A_304 : i32 to index
      %parallel_loop3A_394 = arith.constant 184 : index
      %parallel_loop3A_395 = tpu.vector_load %arg8[%parallel_loop3A_393, %parallel_loop3A_394] {strides = array<i32>} : memref<16x200xf32, #tpu.memory_space<vmem>>, vector<16xf32>,
      tpu.vector_store %arg8[%parallel_loop3A_393, %parallel_loop3A_394], %parallel_loop3A_392 {strides = array<i32>} : memref<16x200xf32, #tpu.memory_space<vmem>>, vector<16xf32>,
    } {sc.loop_unroll_factor = 2 : i64, sc.parallel_access}
    %add3A_38 = arith.constant 0 : i32
    %add3A_39 = arith.addi %multiple_of3A, %add3A_38 : i32
    %multiple_of3A_40 = tpu.assume_multiple %add3A_39, 8 : i32
    %dma_start3A_41 = arith.constant 0 : i32
    %dma_start3A_42 = arith.constant 0 : i32
    %dma_start3A_43 = tpu.memref_slice %arg4[%multiple_of3A_40, %dma_start3A_42] : memref<4096x200xf32, #tpu.memory_space<hbm>> -> memref<16x200xf32, #tpu.memory_space<hbm>>
    %dma_start3A_44 = tpu.memref_slice %arg12[%dma_start3A_41] : memref<2x!tpu.dma_semaphore, #tpu.memory_space<semaphore_mem>> -> memref<1x!tpu.dma_semaphore, #tpu.memory_space<semaphore_mem>>
    %dma_start3A_45 = tpu.memref_squeeze %dma_start3A_44 : memref<1x!tpu.dma_semaphore, #tpu.memory_space<semaphore_mem>> -> memref<!tpu.dma_semaphore, #tpu.memory_space<semaphore_mem>>
    %dma_start3A_46 = arith.constant 0 : i32
    %dma_start3A_47 = tpu.memref_slice %arg4[%multiple_of3A_40, %dma_start3A_46] : memref<4096x200xf32, #tpu.memory_space<hbm>> -> memref<16x200xf32, #tpu.memory_space<hbm>>
    tpu.enqueue_dma source(%arg8 : memref<16x200xf32, #tpu.memory_space<vmem>>) target(%dma_start3A_47 : memref<16x200xf32, #tpu.memory_space<hbm>>) target_semaphore(%dma_start3A_45 : memref<!tpu.dma_semaphore, #tpu.memory_space<semaphore_mem>>)
    %add3A_48 = arith.constant 32 : i32
    %add3A_49 = arith.addi %multiple_of3A, %add3A_48 : i32
    %multiple_of3A_50 = tpu.assume_multiple %add3A_49, 8 : i32
    %dma_start3A_51 = arith.constant 0 : i32
    %dma_start3A_52 = arith.constant 0 : i32
    %dma_start3A_53 = tpu.memref_slice %arg3[%multiple_of3A_50, %dma_start3A_52] : memref<4096x200xi32, #tpu.memory_space<hbm>> -> memref<16x200xi32, #tpu.memory_space<hbm>>
    %dma_start3A_54 = tpu.memref_slice %arg11[%dma_start3A_51] : memref<2x!tpu.dma_semaphore, #tpu.memory_space<semaphore_mem>> -> memref<1x!tpu.dma_semaphore, #tpu.memory_space<semaphore_mem>>
    %dma_start3A_55 = tpu.memref_squeeze %dma_start3A_54 : memref<1x!tpu.dma_semaphore, #tpu.memory_space<semaphore_mem>> -> memref<!tpu.dma_semaphore, #tpu.memory_space<semaphore_mem>>
    %dma_start3A_56 = arith.constant 0 : i32
    %dma_start3A_57 = tpu.memref_slice %arg3[%multiple_of3A_50, %dma_start3A_56] : memref<4096x200xi32, #tpu.memory_space<hbm>> -> memref<16x200xi32, #tpu.memory_space<hbm>>
    tpu.enqueue_dma source(%dma_start3A_57 : memref<16x200xi32, #tpu.memory_space<hbm>>) target(%arg6 : memref<16x200xi32, #tpu.memory_space<vmem>>) target_semaphore(%dma_start3A_55 : memref<!tpu.dma_semaphore, #tpu.memory_space<semaphore_mem>>)
    %dma_wait3A_58 = arith.constant 1 : i32
    %dma_wait3A_59 = arith.constant 0 : i32
    %dma_wait3A_60 = tpu.memref_slice %arg3[%multiple_of3A_21, %dma_wait3A_59] : memref<4096x200xi32, #tpu.memory_space<hbm>> -> memref<16x200xi32, #tpu.memory_space<hbm>>
    %dma_wait3A_61 = tpu.memref_slice %arg11[%dma_wait3A_58] : memref<2x!tpu.dma_semaphore, #tpu.memory_space<semaphore_mem>> -> memref<1x!tpu.dma_semaphore, #tpu.memory_space<semaphore_mem>>
    %dma_wait3A_62 = tpu.memref_squeeze %dma_wait3A_61 : memref<1x!tpu.dma_semaphore, #tpu.memory_space<semaphore_mem>> -> memref<!tpu.dma_semaphore, #tpu.memory_space<semaphore_mem>>
    %dma_wait3A_63 = arith.constant 0 : i32
    %dma_wait3A_64 = tpu.memref_slice %arg3[%multiple_of3A_21, %dma_wait3A_63] : memref<4096x200xi32, #tpu.memory_space<hbm>> -> memref<16x200xi32, #tpu.memory_space<hbm>>
    tpu.wait_dma2 semaphore(%dma_wait3A_62 : memref<!tpu.dma_semaphore, #tpu.memory_space<semaphore_mem>>) src(%dma_wait3A_64 : memref<16x200xi32, #tpu.memory_space<hbm>>) dst(%arg7 : memref<16x200xi32, #tpu.memory_space<vmem>>)
    %parallel_loop3A_65 = arith.constant 0 : i32
    %parallel_loop3A_66 = arith.constant 16 : i32
    %parallel_loop3A_67 = arith.constant 1 : i32
    scf.for %parallel_loop3A_304 = %parallel_loop3A_65 to %parallel_loop3A_66 step %parallel_loop3A_67  : i32 {
      %parallel_loop3A_305 = arith.index_cast %parallel_loop3A_304 : i32 to index
      %parallel_loop3A_306 = arith.constant 0 : index
      %parallel_loop3A_307 = tpu.vector_load %arg7[%parallel_loop3A_305, %parallel_loop3A_306] {strides = array<i32>} : memref<16x200xi32, #tpu.memory_space<vmem>>, vector<16xi32>,
      %parallel_loop3A_308 = tpu.vector_load_idx %arg5[%parallel_loop3A_307] : memref<100000xf32, #tpu.memory_space<vmem>>[vector<16xi32>], vector<16xf32>,
      %parallel_loop3A_309 = arith.index_cast %parallel_loop3A_304 : i32 to index
      %parallel_loop3A_310 = arith.constant 0 : index
      %parallel_loop3A_311 = tpu.vector_load %arg9[%parallel_loop3A_309, %parallel_loop3A_310] {strides = array<i32>} : memref<16x200xf32, #tpu.memory_space<vmem>>, vector<16xf32>,
      tpu.vector_store %arg9[%parallel_loop3A_309, %parallel_loop3A_310], %parallel_loop3A_308 {strides = array<i32>} : memref<16x200xf32, #tpu.memory_space<vmem>>, vector<16xf32>,
      %parallel_loop3A_312 = arith.index_cast %parallel_loop3A_304 : i32 to index
      %parallel_loop3A_313 = arith.constant 16 : index
      %parallel_loop3A_314 = tpu.vector_load %arg7[%parallel_loop3A_312, %parallel_loop3A_313] {strides = array<i32>} : memref<16x200xi32, #tpu.memory_space<vmem>>, vector<16xi32>,
      %parallel_loop3A_315 = tpu.vector_load_idx %arg5[%parallel_loop3A_314] : memref<100000xf32, #tpu.memory_space<vmem>>[vector<16xi32>], vector<16xf32>,
      %parallel_loop3A_316 = arith.index_cast %parallel_loop3A_304 : i32 to index
      %parallel_loop3A_317 = arith.constant 16 : index
      %parallel_loop3A_318 = tpu.vector_load %arg9[%parallel_loop3A_316, %parallel_loop3A_317] {strides = array<i32>} : memref<16x200xf32, #tpu.memory_space<vmem>>, vector<16xf32>,
      tpu.vector_store %arg9[%parallel_loop3A_316, %parallel_loop3A_317], %parallel_loop3A_315 {strides = array<i32>} : memref<16x200xf32, #tpu.memory_space<vmem>>, vector<16xf32>,
      %parallel_loop3A_319 = arith.index_cast %parallel_loop3A_304 : i32 to index
      %parallel_loop3A_320 = arith.constant 32 : index
      %parallel_loop3A_321 = tpu.vector_load %arg7[%parallel_loop3A_319, %parallel_loop3A_320] {strides = array<i32>} : memref<16x200xi32, #tpu.memory_space<vmem>>, vector<16xi32>,
      %parallel_loop3A_322 = tpu.vector_load_idx %arg5[%parallel_loop3A_321] : memref<100000xf32, #tpu.memory_space<vmem>>[vector<16xi32>], vector<16xf32>,
      %parallel_loop3A_323 = arith.index_cast %parallel_loop3A_304 : i32 to index
      %parallel_loop3A_324 = arith.constant 32 : index
      %parallel_loop3A_325 = tpu.vector_load %arg9[%parallel_loop3A_323, %parallel_loop3A_324] {strides = array<i32>} : memref<16x200xf32, #tpu.memory_space<vmem>>, vector<16xf32>,
      tpu.vector_store %arg9[%parallel_loop3A_323, %parallel_loop3A_324], %parallel_loop3A_322 {strides = array<i32>} : memref<16x200xf32, #tpu.memory_space<vmem>>, vector<16xf32>,
      %parallel_loop3A_326 = arith.index_cast %parallel_loop3A_304 : i32 to index
      %parallel_loop3A_327 = arith.constant 48 : index
      %parallel_loop3A_328 = tpu.vector_load %arg7[%parallel_loop3A_326, %parallel_loop3A_327] {strides = array<i32>} : memref<16x200xi32, #tpu.memory_space<vmem>>, vector<16xi32>,
      %parallel_loop3A_329 = tpu.vector_load_idx %arg5[%parallel_loop3A_328] : memref<100000xf32, #tpu.memory_space<vmem>>[vector<16xi32>], vector<16xf32>,
      %parallel_loop3A_330 = arith.index_cast %parallel_loop3A_304 : i32 to index
      %parallel_loop3A_331 = arith.constant 48 : index
      %parallel_loop3A_332 = tpu.vector_load %arg9[%parallel_loop3A_330, %parallel_loop3A_331] {strides = array<i32>} : memref<16x200xf32, #tpu.memory_space<vmem>>, vector<16xf32>,
      tpu.vector_store %arg9[%parallel_loop3A_330, %parallel_loop3A_331], %parallel_loop3A_329 {strides = array<i32>} : memref<16x200xf32, #tpu.memory_space<vmem>>, vector<16xf32>,
      %parallel_loop3A_333 = arith.index_cast %parallel_loop3A_304 : i32 to index
      %parallel_loop3A_334 = arith.constant 64 : index
      %parallel_loop3A_335 = tpu.vector_load %arg7[%parallel_loop3A_333, %parallel_loop3A_334] {strides = array<i32>} : memref<16x200xi32, #tpu.memory_space<vmem>>, vector<16xi32>,
      %parallel_loop3A_336 = tpu.vector_load_idx %arg5[%parallel_loop3A_335] : memref<100000xf32, #tpu.memory_space<vmem>>[vector<16xi32>], vector<16xf32>,
      %parallel_loop3A_337 = arith.index_cast %parallel_loop3A_304 : i32 to index
      %parallel_loop3A_338 = arith.constant 64 : index
      %parallel_loop3A_339 = tpu.vector_load %arg9[%parallel_loop3A_337, %parallel_loop3A_338] {strides = array<i32>} : memref<16x200xf32, #tpu.memory_space<vmem>>, vector<16xf32>,
      tpu.vector_store %arg9[%parallel_loop3A_337, %parallel_loop3A_338], %parallel_loop3A_336 {strides = array<i32>} : memref<16x200xf32, #tpu.memory_space<vmem>>, vector<16xf32>,
      %parallel_loop3A_340 = arith.index_cast %parallel_loop3A_304 : i32 to index
      %parallel_loop3A_341 = arith.constant 80 : index
      %parallel_loop3A_342 = tpu.vector_load %arg7[%parallel_loop3A_340, %parallel_loop3A_341] {strides = array<i32>} : memref<16x200xi32, #tpu.memory_space<vmem>>, vector<16xi32>,
      %parallel_loop3A_343 = tpu.vector_load_idx %arg5[%parallel_loop3A_342] : memref<100000xf32, #tpu.memory_space<vmem>>[vector<16xi32>], vector<16xf32>,
      %parallel_loop3A_344 = arith.index_cast %parallel_loop3A_304 : i32 to index
      %parallel_loop3A_345 = arith.constant 80 : index
      %parallel_loop3A_346 = tpu.vector_load %arg9[%parallel_loop3A_344, %parallel_loop3A_345] {strides = array<i32>} : memref<16x200xf32, #tpu.memory_space<vmem>>, vector<16xf32>,
      tpu.vector_store %arg9[%parallel_loop3A_344, %parallel_loop3A_345], %parallel_loop3A_343 {strides = array<i32>} : memref<16x200xf32, #tpu.memory_space<vmem>>, vector<16xf32>,
      %parallel_loop3A_347 = arith.index_cast %parallel_loop3A_304 : i32 to index
      %parallel_loop3A_348 = arith.constant 96 : index
      %parallel_loop3A_349 = tpu.vector_load %arg7[%parallel_loop3A_347, %parallel_loop3A_348] {strides = array<i32>} : memref<16x200xi32, #tpu.memory_space<vmem>>, vector<16xi32>,
      %parallel_loop3A_350 = tpu.vector_load_idx %arg5[%parallel_loop3A_349] : memref<100000xf32, #tpu.memory_space<vmem>>[vector<16xi32>], vector<16xf32>,
      %parallel_loop3A_351 = arith.index_cast %parallel_loop3A_304 : i32 to index
      %parallel_loop3A_352 = arith.constant 96 : index
      %parallel_loop3A_353 = tpu.vector_load %arg9[%parallel_loop3A_351, %parallel_loop3A_352] {strides = array<i32>} : memref<16x200xf32, #tpu.memory_space<vmem>>, vector<16xf32>,
      tpu.vector_store %arg9[%parallel_loop3A_351, %parallel_loop3A_352], %parallel_loop3A_350 {strides = array<i32>} : memref<16x200xf32, #tpu.memory_space<vmem>>, vector<16xf32>,
      %parallel_loop3A_354 = arith.index_cast %parallel_loop3A_304 : i32 to index
      %parallel_loop3A_355 = arith.constant 112 : index
      %parallel_loop3A_356 = tpu.vector_load %arg7[%parallel_loop3A_354, %parallel_loop3A_355] {strides = array<i32>} : memref<16x200xi32, #tpu.memory_space<vmem>>, vector<16xi32>,
      %parallel_loop3A_357 = tpu.vector_load_idx %arg5[%parallel_loop3A_356] : memref<100000xf32, #tpu.memory_space<vmem>>[vector<16xi32>], vector<16xf32>,
      %parallel_loop3A_358 = arith.index_cast %parallel_loop3A_304 : i32 to index
      %parallel_loop3A_359 = arith.constant 112 : index
      %parallel_loop3A_360 = tpu.vector_load %arg9[%parallel_loop3A_358, %parallel_loop3A_359] {strides = array<i32>} : memref<16x200xf32, #tpu.memory_space<vmem>>, vector<16xf32>,
      tpu.vector_store %arg9[%parallel_loop3A_358, %parallel_loop3A_359], %parallel_loop3A_357 {strides = array<i32>} : memref<16x200xf32, #tpu.memory_space<vmem>>, vector<16xf32>,
      %parallel_loop3A_361 = arith.index_cast %parallel_loop3A_304 : i32 to index
      %parallel_loop3A_362 = arith.constant 128 : index
      %parallel_loop3A_363 = tpu.vector_load %arg7[%parallel_loop3A_361, %parallel_loop3A_362] {strides = array<i32>} : memref<16x200xi32, #tpu.memory_space<vmem>>, vector<16xi32>,
      %parallel_loop3A_364 = tpu.vector_load_idx %arg5[%parallel_loop3A_363] : memref<100000xf32, #tpu.memory_space<vmem>>[vector<16xi32>], vector<16xf32>,
      %parallel_loop3A_365 = arith.index_cast %parallel_loop3A_304 : i32 to index
      %parallel_loop3A_366 = arith.constant 128 : index
      %parallel_loop3A_367 = tpu.vector_load %arg9[%parallel_loop3A_365, %parallel_loop3A_366] {strides = array<i32>} : memref<16x200xf32, #tpu.memory_space<vmem>>, vector<16xf32>,
      tpu.vector_store %arg9[%parallel_loop3A_365, %parallel_loop3A_366], %parallel_loop3A_364 {strides = array<i32>} : memref<16x200xf32, #tpu.memory_space<vmem>>, vector<16xf32>,
      %parallel_loop3A_368 = arith.index_cast %parallel_loop3A_304 : i32 to index
      %parallel_loop3A_369 = arith.constant 144 : index
      %parallel_loop3A_370 = tpu.vector_load %arg7[%parallel_loop3A_368, %parallel_loop3A_369] {strides = array<i32>} : memref<16x200xi32, #tpu.memory_space<vmem>>, vector<16xi32>,
      %parallel_loop3A_371 = tpu.vector_load_idx %arg5[%parallel_loop3A_370] : memref<100000xf32, #tpu.memory_space<vmem>>[vector<16xi32>], vector<16xf32>,
      %parallel_loop3A_372 = arith.index_cast %parallel_loop3A_304 : i32 to index
      %parallel_loop3A_373 = arith.constant 144 : index
      %parallel_loop3A_374 = tpu.vector_load %arg9[%parallel_loop3A_372, %parallel_loop3A_373] {strides = array<i32>} : memref<16x200xf32, #tpu.memory_space<vmem>>, vector<16xf32>,
      tpu.vector_store %arg9[%parallel_loop3A_372, %parallel_loop3A_373], %parallel_loop3A_371 {strides = array<i32>} : memref<16x200xf32, #tpu.memory_space<vmem>>, vector<16xf32>,
      %parallel_loop3A_375 = arith.index_cast %parallel_loop3A_304 : i32 to index
      %parallel_loop3A_376 = arith.constant 160 : index
      %parallel_loop3A_377 = tpu.vector_load %arg7[%parallel_loop3A_375, %parallel_loop3A_376] {strides = array<i32>} : memref<16x200xi32, #tpu.memory_space<vmem>>, vector<16xi32>,
      %parallel_loop3A_378 = tpu.vector_load_idx %arg5[%parallel_loop3A_377] : memref<100000xf32, #tpu.memory_space<vmem>>[vector<16xi32>], vector<16xf32>,
      %parallel_loop3A_379 = arith.index_cast %parallel_loop3A_304 : i32 to index
      %parallel_loop3A_380 = arith.constant 160 : index
      %parallel_loop3A_381 = tpu.vector_load %arg9[%parallel_loop3A_379, %parallel_loop3A_380] {strides = array<i32>} : memref<16x200xf32, #tpu.memory_space<vmem>>, vector<16xf32>,
      tpu.vector_store %arg9[%parallel_loop3A_379, %parallel_loop3A_380], %parallel_loop3A_378 {strides = array<i32>} : memref<16x200xf32, #tpu.memory_space<vmem>>, vector<16xf32>,
      %parallel_loop3A_382 = arith.index_cast %parallel_loop3A_304 : i32 to index
      %parallel_loop3A_383 = arith.constant 176 : index
      %parallel_loop3A_384 = tpu.vector_load %arg7[%parallel_loop3A_382, %parallel_loop3A_383] {strides = array<i32>} : memref<16x200xi32, #tpu.memory_space<vmem>>, vector<16xi32>,
      %parallel_loop3A_385 = tpu.vector_load_idx %arg5[%parallel_loop3A_384] : memref<100000xf32, #tpu.memory_space<vmem>>[vector<16xi32>], vector<16xf32>,
      %parallel_loop3A_386 = arith.index_cast %parallel_loop3A_304 : i32 to index
      %parallel_loop3A_387 = arith.constant 176 : index
      %parallel_loop3A_388 = tpu.vector_load %arg9[%parallel_loop3A_386, %parallel_loop3A_387] {strides = array<i32>} : memref<16x200xf32, #tpu.memory_space<vmem>>, vector<16xf32>,
      tpu.vector_store %arg9[%parallel_loop3A_386, %parallel_loop3A_387], %parallel_loop3A_385 {strides = array<i32>} : memref<16x200xf32, #tpu.memory_space<vmem>>, vector<16xf32>,
      %parallel_loop3A_389 = arith.index_cast %parallel_loop3A_304 : i32 to index
      %parallel_loop3A_390 = arith.constant 184 : index
      %parallel_loop3A_391 = tpu.vector_load %arg7[%parallel_loop3A_389, %parallel_loop3A_390] {strides = array<i32>} : memref<16x200xi32, #tpu.memory_space<vmem>>, vector<16xi32>,
      %parallel_loop3A_392 = tpu.vector_load_idx %arg5[%parallel_loop3A_391] : memref<100000xf32, #tpu.memory_space<vmem>>[vector<16xi32>], vector<16xf32>,
      %parallel_loop3A_393 = arith.index_cast %parallel_loop3A_304 : i32 to index
      %parallel_loop3A_394 = arith.constant 184 : index
      %parallel_loop3A_395 = tpu.vector_load %arg9[%parallel_loop3A_393, %parallel_loop3A_394] {strides = array<i32>} : memref<16x200xf32, #tpu.memory_space<vmem>>, vector<16xf32>,
      tpu.vector_store %arg9[%parallel_loop3A_393, %parallel_loop3A_394], %parallel_loop3A_392 {strides = array<i32>} : memref<16x200xf32, #tpu.memory_space<vmem>>, vector<16xf32>,
    } {sc.loop_unroll_factor = 2 : i64, sc.parallel_access}
    %add3A_68 = arith.constant 16 : i32
    %add3A_69 = arith.addi %multiple_of3A, %add3A_68 : i32
    %multiple_of3A_70 = tpu.assume_multiple %add3A_69, 8 : i32
    %dma_start3A_71 = arith.constant 1 : i32
    %dma_start3A_72 = arith.constant 0 : i32
    %dma_start3A_73 = tpu.memref_slice %arg4[%multiple_of3A_70, %dma_start3A_72] : memref<4096x200xf32, #tpu.memory_space<hbm>> -> memref<16x200xf32, #tpu.memory_space<hbm>>
    %dma_start3A_74 = tpu.memref_slice %arg12[%dma_start3A_71] : memref<2x!tpu.dma_semaphore, #tpu.memory_space<semaphore_mem>> -> memref<1x!tpu.dma_semaphore, #tpu.memory_space<semaphore_mem>>
    %dma_start3A_75 = tpu.memref_squeeze %dma_start3A_74 : memref<1x!tpu.dma_semaphore, #tpu.memory_space<semaphore_mem>> -> memref<!tpu.dma_semaphore, #tpu.memory_space<semaphore_mem>>
    %dma_start3A_76 = arith.constant 0 : i32
    %dma_start3A_77 = tpu.memref_slice %arg4[%multiple_of3A_70, %dma_start3A_76] : memref<4096x200xf32, #tpu.memory_space<hbm>> -> memref<16x200xf32, #tpu.memory_space<hbm>>
    tpu.enqueue_dma source(%arg9 : memref<16x200xf32, #tpu.memory_space<vmem>>) target(%dma_start3A_77 : memref<16x200xf32, #tpu.memory_space<hbm>>) target_semaphore(%dma_start3A_75 : memref<!tpu.dma_semaphore, #tpu.memory_space<semaphore_mem>>)
    %add3A_78 = arith.constant 48 : i32
    %add3A_79 = arith.addi %multiple_of3A, %add3A_78 : i32
    %multiple_of3A_80 = tpu.assume_multiple %add3A_79, 8 : i32
    %dma_start3A_81 = arith.constant 1 : i32
    %dma_start3A_82 = arith.constant 0 : i32
    %dma_start3A_83 = tpu.memref_slice %arg3[%multiple_of3A_80, %dma_start3A_82] : memref<4096x200xi32, #tpu.memory_space<hbm>> -> memref<16x200xi32, #tpu.memory_space<hbm>>
    %dma_start3A_84 = tpu.memref_slice %arg11[%dma_start3A_81] : memref<2x!tpu.dma_semaphore, #tpu.memory_space<semaphore_mem>> -> memref<1x!tpu.dma_semaphore, #tpu.memory_space<semaphore_mem>>
    %dma_start3A_85 = tpu.memref_squeeze %dma_start3A_84 : memref<1x!tpu.dma_semaphore, #tpu.memory_space<semaphore_mem>> -> memref<!tpu.dma_semaphore, #tpu.memory_space<semaphore_mem>>
    %dma_start3A_86 = arith.constant 0 : i32
    %dma_start3A_87 = tpu.memref_slice %arg3[%multiple_of3A_80, %dma_start3A_86] : memref<4096x200xi32, #tpu.memory_space<hbm>> -> memref<16x200xi32, #tpu.memory_space<hbm>>
    tpu.enqueue_dma source(%dma_start3A_87 : memref<16x200xi32, #tpu.memory_space<hbm>>) target(%arg7 : memref<16x200xi32, #tpu.memory_space<vmem>>) target_semaphore(%dma_start3A_85 : memref<!tpu.dma_semaphore, #tpu.memory_space<semaphore_mem>>)
    %dma_wait3A_88 = arith.constant 0 : i32
    %dma_wait3A_89 = arith.constant 0 : i32
    %dma_wait3A_90 = tpu.memref_slice %arg3[%multiple_of3A_50, %dma_wait3A_89] : memref<4096x200xi32, #tpu.memory_space<hbm>> -> memref<16x200xi32, #tpu.memory_space<hbm>>
    %dma_wait3A_91 = tpu.memref_slice %arg11[%dma_wait3A_88] : memref<2x!tpu.dma_semaphore, #tpu.memory_space<semaphore_mem>> -> memref<1x!tpu.dma_semaphore, #tpu.memory_space<semaphore_mem>>
    %dma_wait3A_92 = tpu.memref_squeeze %dma_wait3A_91 : memref<1x!tpu.dma_semaphore, #tpu.memory_space<semaphore_mem>> -> memref<!tpu.dma_semaphore, #tpu.memory_space<semaphore_mem>>
    %dma_wait3A_93 = arith.constant 0 : i32
    %dma_wait3A_94 = tpu.memref_slice %arg3[%multiple_of3A_50, %dma_wait3A_93] : memref<4096x200xi32, #tpu.memory_space<hbm>> -> memref<16x200xi32, #tpu.memory_space<hbm>>
    tpu.wait_dma2 semaphore(%dma_wait3A_92 : memref<!tpu.dma_semaphore, #tpu.memory_space<semaphore_mem>>) src(%dma_wait3A_94 : memref<16x200xi32, #tpu.memory_space<hbm>>) dst(%arg6 : memref<16x200xi32, #tpu.memory_space<vmem>>)
    %dma_wait3A_95 = arith.constant 0 : i32
    %dma_wait3A_96 = arith.constant 0 : i32
    %dma_wait3A_97 = tpu.memref_slice %arg4[%multiple_of3A_40, %dma_wait3A_96] : memref<4096x200xf32, #tpu.memory_space<hbm>> -> memref<16x200xf32, #tpu.memory_space<hbm>>
    %dma_wait3A_98 = tpu.memref_slice %arg12[%dma_wait3A_95] : memref<2x!tpu.dma_semaphore, #tpu.memory_space<semaphore_mem>> -> memref<1x!tpu.dma_semaphore, #tpu.memory_space<semaphore_mem>>
    %dma_wait3A_99 = tpu.memref_squeeze %dma_wait3A_98 : memref<1x!tpu.dma_semaphore, #tpu.memory_space<semaphore_mem>> -> memref<!tpu.dma_semaphore, #tpu.memory_space<semaphore_mem>>
    %dma_wait3A_100 = arith.constant 0 : i32
    %dma_wait3A_101 = tpu.memref_slice %arg4[%multiple_of3A_40, %dma_wait3A_100] : memref<4096x200xf32, #tpu.memory_space<hbm>> -> memref<16x200xf32, #tpu.memory_space<hbm>>
    tpu.wait_dma2 semaphore(%dma_wait3A_99 : memref<!tpu.dma_semaphore, #tpu.memory_space<semaphore_mem>>) src(%arg8 : memref<16x200xf32, #tpu.memory_space<vmem>>) dst(%dma_wait3A_101 : memref<16x200xf32, #tpu.memory_space<hbm>>)
    %parallel_loop3A_102 = arith.constant 0 : i32
    %parallel_loop3A_103 = arith.constant 16 : i32
    %parallel_loop3A_104 = arith.constant 1 : i32
    scf.for %parallel_loop3A_304 = %parallel_loop3A_102 to %parallel_loop3A_103 step %parallel_loop3A_104  : i32 {
      %parallel_loop3A_305 = arith.index_cast %parallel_loop3A_304 : i32 to index
      %parallel_loop3A_306 = arith.constant 0 : index
      %parallel_loop3A_307 = tpu.vector_load %arg6[%parallel_loop3A_305, %parallel_loop3A_306] {strides = array<i32>} : memref<16x200xi32, #tpu.memory_space<vmem>>, vector<16xi32>,
      %parallel_loop3A_308 = tpu.vector_load_idx %arg5[%parallel_loop3A_307] : memref<100000xf32, #tpu.memory_space<vmem>>[vector<16xi32>], vector<16xf32>,
      %parallel_loop3A_309 = arith.index_cast %parallel_loop3A_304 : i32 to index
      %parallel_loop3A_310 = arith.constant 0 : index
      %parallel_loop3A_311 = tpu.vector_load %arg8[%parallel_loop3A_309, %parallel_loop3A_310] {strides = array<i32>} : memref<16x200xf32, #tpu.memory_space<vmem>>, vector<16xf32>,
      tpu.vector_store %arg8[%parallel_loop3A_309, %parallel_loop3A_310], %parallel_loop3A_308 {strides = array<i32>} : memref<16x200xf32, #tpu.memory_space<vmem>>, vector<16xf32>,
      %parallel_loop3A_312 = arith.index_cast %parallel_loop3A_304 : i32 to index
      %parallel_loop3A_313 = arith.constant 16 : index
      %parallel_loop3A_314 = tpu.vector_load %arg6[%parallel_loop3A_312, %parallel_loop3A_313] {strides = array<i32>} : memref<16x200xi32, #tpu.memory_space<vmem>>, vector<16xi32>,
      %parallel_loop3A_315 = tpu.vector_load_idx %arg5[%parallel_loop3A_314] : memref<100000xf32, #tpu.memory_space<vmem>>[vector<16xi32>], vector<16xf32>,
      %parallel_loop3A_316 = arith.index_cast %parallel_loop3A_304 : i32 to index
      %parallel_loop3A_317 = arith.constant 16 : index
      %parallel_loop3A_318 = tpu.vector_load %arg8[%parallel_loop3A_316, %parallel_loop3A_317] {strides = array<i32>} : memref<16x200xf32, #tpu.memory_space<vmem>>, vector<16xf32>,
      tpu.vector_store %arg8[%parallel_loop3A_316, %parallel_loop3A_317], %parallel_loop3A_315 {strides = array<i32>} : memref<16x200xf32, #tpu.memory_space<vmem>>, vector<16xf32>,
      %parallel_loop3A_319 = arith.index_cast %parallel_loop3A_304 : i32 to index
      %parallel_loop3A_320 = arith.constant 32 : index
      %parallel_loop3A_321 = tpu.vector_load %arg6[%parallel_loop3A_319, %parallel_loop3A_320] {strides = array<i32>} : memref<16x200xi32, #tpu.memory_space<vmem>>, vector<16xi32>,
      %parallel_loop3A_322 = tpu.vector_load_idx %arg5[%parallel_loop3A_321] : memref<100000xf32, #tpu.memory_space<vmem>>[vector<16xi32>], vector<16xf32>,
      %parallel_loop3A_323 = arith.index_cast %parallel_loop3A_304 : i32 to index
      %parallel_loop3A_324 = arith.constant 32 : index
      %parallel_loop3A_325 = tpu.vector_load %arg8[%parallel_loop3A_323, %parallel_loop3A_324] {strides = array<i32>} : memref<16x200xf32, #tpu.memory_space<vmem>>, vector<16xf32>,
      tpu.vector_store %arg8[%parallel_loop3A_323, %parallel_loop3A_324], %parallel_loop3A_322 {strides = array<i32>} : memref<16x200xf32, #tpu.memory_space<vmem>>, vector<16xf32>,
      %parallel_loop3A_326 = arith.index_cast %parallel_loop3A_304 : i32 to index
      %parallel_loop3A_327 = arith.constant 48 : index
      %parallel_loop3A_328 = tpu.vector_load %arg6[%parallel_loop3A_326, %parallel_loop3A_327] {strides = array<i32>} : memref<16x200xi32, #tpu.memory_space<vmem>>, vector<16xi32>,
      %parallel_loop3A_329 = tpu.vector_load_idx %arg5[%parallel_loop3A_328] : memref<100000xf32, #tpu.memory_space<vmem>>[vector<16xi32>], vector<16xf32>,
      %parallel_loop3A_330 = arith.index_cast %parallel_loop3A_304 : i32 to index
      %parallel_loop3A_331 = arith.constant 48 : index
      %parallel_loop3A_332 = tpu.vector_load %arg8[%parallel_loop3A_330, %parallel_loop3A_331] {strides = array<i32>} : memref<16x200xf32, #tpu.memory_space<vmem>>, vector<16xf32>,
      tpu.vector_store %arg8[%parallel_loop3A_330, %parallel_loop3A_331], %parallel_loop3A_329 {strides = array<i32>} : memref<16x200xf32, #tpu.memory_space<vmem>>, vector<16xf32>,
      %parallel_loop3A_333 = arith.index_cast %parallel_loop3A_304 : i32 to index
      %parallel_loop3A_334 = arith.constant 64 : index
      %parallel_loop3A_335 = tpu.vector_load %arg6[%parallel_loop3A_333, %parallel_loop3A_334] {strides = array<i32>} : memref<16x200xi32, #tpu.memory_space<vmem>>, vector<16xi32>,
      %parallel_loop3A_336 = tpu.vector_load_idx %arg5[%parallel_loop3A_335] : memref<100000xf32, #tpu.memory_space<vmem>>[vector<16xi32>], vector<16xf32>,
      %parallel_loop3A_337 = arith.index_cast %parallel_loop3A_304 : i32 to index
      %parallel_loop3A_338 = arith.constant 64 : index
      %parallel_loop3A_339 = tpu.vector_load %arg8[%parallel_loop3A_337, %parallel_loop3A_338] {strides = array<i32>} : memref<16x200xf32, #tpu.memory_space<vmem>>, vector<16xf32>,
      tpu.vector_store %arg8[%parallel_loop3A_337, %parallel_loop3A_338], %parallel_loop3A_336 {strides = array<i32>} : memref<16x200xf32, #tpu.memory_space<vmem>>, vector<16xf32>,
      %parallel_loop3A_340 = arith.index_cast %parallel_loop3A_304 : i32 to index
      %parallel_loop3A_341 = arith.constant 80 : index
      %parallel_loop3A_342 = tpu.vector_load %arg6[%parallel_loop3A_340, %parallel_loop3A_341] {strides = array<i32>} : memref<16x200xi32, #tpu.memory_space<vmem>>, vector<16xi32>,
      %parallel_loop3A_343 = tpu.vector_load_idx %arg5[%parallel_loop3A_342] : memref<100000xf32, #tpu.memory_space<vmem>>[vector<16xi32>], vector<16xf32>,
      %parallel_loop3A_344 = arith.index_cast %parallel_loop3A_304 : i32 to index
      %parallel_loop3A_345 = arith.constant 80 : index
      %parallel_loop3A_346 = tpu.vector_load %arg8[%parallel_loop3A_344, %parallel_loop3A_345] {strides = array<i32>} : memref<16x200xf32, #tpu.memory_space<vmem>>, vector<16xf32>,
      tpu.vector_store %arg8[%parallel_loop3A_344, %parallel_loop3A_345], %parallel_loop3A_343 {strides = array<i32>} : memref<16x200xf32, #tpu.memory_space<vmem>>, vector<16xf32>,
      %parallel_loop3A_347 = arith.index_cast %parallel_loop3A_304 : i32 to index
      %parallel_loop3A_348 = arith.constant 96 : index
      %parallel_loop3A_349 = tpu.vector_load %arg6[%parallel_loop3A_347, %parallel_loop3A_348] {strides = array<i32>} : memref<16x200xi32, #tpu.memory_space<vmem>>, vector<16xi32>,
      %parallel_loop3A_350 = tpu.vector_load_idx %arg5[%parallel_loop3A_349] : memref<100000xf32, #tpu.memory_space<vmem>>[vector<16xi32>], vector<16xf32>,
      %parallel_loop3A_351 = arith.index_cast %parallel_loop3A_304 : i32 to index
      %parallel_loop3A_352 = arith.constant 96 : index
      %parallel_loop3A_353 = tpu.vector_load %arg8[%parallel_loop3A_351, %parallel_loop3A_352] {strides = array<i32>} : memref<16x200xf32, #tpu.memory_space<vmem>>, vector<16xf32>,
      tpu.vector_store %arg8[%parallel_loop3A_351, %parallel_loop3A_352], %parallel_loop3A_350 {strides = array<i32>} : memref<16x200xf32, #tpu.memory_space<vmem>>, vector<16xf32>,
      %parallel_loop3A_354 = arith.index_cast %parallel_loop3A_304 : i32 to index
      %parallel_loop3A_355 = arith.constant 112 : index
      %parallel_loop3A_356 = tpu.vector_load %arg6[%parallel_loop3A_354, %parallel_loop3A_355] {strides = array<i32>} : memref<16x200xi32, #tpu.memory_space<vmem>>, vector<16xi32>,
      %parallel_loop3A_357 = tpu.vector_load_idx %arg5[%parallel_loop3A_356] : memref<100000xf32, #tpu.memory_space<vmem>>[vector<16xi32>], vector<16xf32>,
      %parallel_loop3A_358 = arith.index_cast %parallel_loop3A_304 : i32 to index
      %parallel_loop3A_359 = arith.constant 112 : index
      %parallel_loop3A_360 = tpu.vector_load %arg8[%parallel_loop3A_358, %parallel_loop3A_359] {strides = array<i32>} : memref<16x200xf32, #tpu.memory_space<vmem>>, vector<16xf32>,
      tpu.vector_store %arg8[%parallel_loop3A_358, %parallel_loop3A_359], %parallel_loop3A_357 {strides = array<i32>} : memref<16x200xf32, #tpu.memory_space<vmem>>, vector<16xf32>,
      %parallel_loop3A_361 = arith.index_cast %parallel_loop3A_304 : i32 to index
      %parallel_loop3A_362 = arith.constant 128 : index
      %parallel_loop3A_363 = tpu.vector_load %arg6[%parallel_loop3A_361, %parallel_loop3A_362] {strides = array<i32>} : memref<16x200xi32, #tpu.memory_space<vmem>>, vector<16xi32>,
      %parallel_loop3A_364 = tpu.vector_load_idx %arg5[%parallel_loop3A_363] : memref<100000xf32, #tpu.memory_space<vmem>>[vector<16xi32>], vector<16xf32>,
      %parallel_loop3A_365 = arith.index_cast %parallel_loop3A_304 : i32 to index
      %parallel_loop3A_366 = arith.constant 128 : index
      %parallel_loop3A_367 = tpu.vector_load %arg8[%parallel_loop3A_365, %parallel_loop3A_366] {strides = array<i32>} : memref<16x200xf32, #tpu.memory_space<vmem>>, vector<16xf32>,
      tpu.vector_store %arg8[%parallel_loop3A_365, %parallel_loop3A_366], %parallel_loop3A_364 {strides = array<i32>} : memref<16x200xf32, #tpu.memory_space<vmem>>, vector<16xf32>,
      %parallel_loop3A_368 = arith.index_cast %parallel_loop3A_304 : i32 to index
      %parallel_loop3A_369 = arith.constant 144 : index
      %parallel_loop3A_370 = tpu.vector_load %arg6[%parallel_loop3A_368, %parallel_loop3A_369] {strides = array<i32>} : memref<16x200xi32, #tpu.memory_space<vmem>>, vector<16xi32>,
      %parallel_loop3A_371 = tpu.vector_load_idx %arg5[%parallel_loop3A_370] : memref<100000xf32, #tpu.memory_space<vmem>>[vector<16xi32>], vector<16xf32>,
      %parallel_loop3A_372 = arith.index_cast %parallel_loop3A_304 : i32 to index
      %parallel_loop3A_373 = arith.constant 144 : index
      %parallel_loop3A_374 = tpu.vector_load %arg8[%parallel_loop3A_372, %parallel_loop3A_373] {strides = array<i32>} : memref<16x200xf32, #tpu.memory_space<vmem>>, vector<16xf32>,
      tpu.vector_store %arg8[%parallel_loop3A_372, %parallel_loop3A_373], %parallel_loop3A_371 {strides = array<i32>} : memref<16x200xf32, #tpu.memory_space<vmem>>, vector<16xf32>,
      %parallel_loop3A_375 = arith.index_cast %parallel_loop3A_304 : i32 to index
      %parallel_loop3A_376 = arith.constant 160 : index
      %parallel_loop3A_377 = tpu.vector_load %arg6[%parallel_loop3A_375, %parallel_loop3A_376] {strides = array<i32>} : memref<16x200xi32, #tpu.memory_space<vmem>>, vector<16xi32>,
      %parallel_loop3A_378 = tpu.vector_load_idx %arg5[%parallel_loop3A_377] : memref<100000xf32, #tpu.memory_space<vmem>>[vector<16xi32>], vector<16xf32>,
      %parallel_loop3A_379 = arith.index_cast %parallel_loop3A_304 : i32 to index
      %parallel_loop3A_380 = arith.constant 160 : index
      %parallel_loop3A_381 = tpu.vector_load %arg8[%parallel_loop3A_379, %parallel_loop3A_380] {strides = array<i32>} : memref<16x200xf32, #tpu.memory_space<vmem>>, vector<16xf32>,
      tpu.vector_store %arg8[%parallel_loop3A_379, %parallel_loop3A_380], %parallel_loop3A_378 {strides = array<i32>} : memref<16x200xf32, #tpu.memory_space<vmem>>, vector<16xf32>,
      %parallel_loop3A_382 = arith.index_cast %parallel_loop3A_304 : i32 to index
      %parallel_loop3A_383 = arith.constant 176 : index
      %parallel_loop3A_384 = tpu.vector_load %arg6[%parallel_loop3A_382, %parallel_loop3A_383] {strides = array<i32>} : memref<16x200xi32, #tpu.memory_space<vmem>>, vector<16xi32>,
      %parallel_loop3A_385 = tpu.vector_load_idx %arg5[%parallel_loop3A_384] : memref<100000xf32, #tpu.memory_space<vmem>>[vector<16xi32>], vector<16xf32>,
      %parallel_loop3A_386 = arith.index_cast %parallel_loop3A_304 : i32 to index
      %parallel_loop3A_387 = arith.constant 176 : index
      %parallel_loop3A_388 = tpu.vector_load %arg8[%parallel_loop3A_386, %parallel_loop3A_387] {strides = array<i32>} : memref<16x200xf32, #tpu.memory_space<vmem>>, vector<16xf32>,
      tpu.vector_store %arg8[%parallel_loop3A_386, %parallel_loop3A_387], %parallel_loop3A_385 {strides = array<i32>} : memref<16x200xf32, #tpu.memory_space<vmem>>, vector<16xf32>,
      %parallel_loop3A_389 = arith.index_cast %parallel_loop3A_304 : i32 to index
      %parallel_loop3A_390 = arith.constant 184 : index
      %parallel_loop3A_391 = tpu.vector_load %arg6[%parallel_loop3A_389, %parallel_loop3A_390] {strides = array<i32>} : memref<16x200xi32, #tpu.memory_space<vmem>>, vector<16xi32>,
      %parallel_loop3A_392 = tpu.vector_load_idx %arg5[%parallel_loop3A_391] : memref<100000xf32, #tpu.memory_space<vmem>>[vector<16xi32>], vector<16xf32>,
      %parallel_loop3A_393 = arith.index_cast %parallel_loop3A_304 : i32 to index
      %parallel_loop3A_394 = arith.constant 184 : index
      %parallel_loop3A_395 = tpu.vector_load %arg8[%parallel_loop3A_393, %parallel_loop3A_394] {strides = array<i32>} : memref<16x200xf32, #tpu.memory_space<vmem>>, vector<16xf32>,
      tpu.vector_store %arg8[%parallel_loop3A_393, %parallel_loop3A_394], %parallel_loop3A_392 {strides = array<i32>} : memref<16x200xf32, #tpu.memory_space<vmem>>, vector<16xf32>,
    } {sc.loop_unroll_factor = 2 : i64, sc.parallel_access}
    %add3A_105 = arith.constant 32 : i32
    %add3A_106 = arith.addi %multiple_of3A, %add3A_105 : i32
    %multiple_of3A_107 = tpu.assume_multiple %add3A_106, 8 : i32
    %dma_start3A_108 = arith.constant 0 : i32
    %dma_start3A_109 = arith.constant 0 : i32
    %dma_start3A_110 = tpu.memref_slice %arg4[%multiple_of3A_107, %dma_start3A_109] : memref<4096x200xf32, #tpu.memory_space<hbm>> -> memref<16x200xf32, #tpu.memory_space<hbm>>
    %dma_start3A_111 = tpu.memref_slice %arg12[%dma_start3A_108] : memref<2x!tpu.dma_semaphore, #tpu.memory_space<semaphore_mem>> -> memref<1x!tpu.dma_semaphore, #tpu.memory_space<semaphore_mem>>
    %dma_start3A_112 = tpu.memref_squeeze %dma_start3A_111 : memref<1x!tpu.dma_semaphore, #tpu.memory_space<semaphore_mem>> -> memref<!tpu.dma_semaphore, #tpu.memory_space<semaphore_mem>>
    %dma_start3A_113 = arith.constant 0 : i32
    %dma_start3A_114 = tpu.memref_slice %arg4[%multiple_of3A_107, %dma_start3A_113] : memref<4096x200xf32, #tpu.memory_space<hbm>> -> memref<16x200xf32, #tpu.memory_space<hbm>>
    tpu.enqueue_dma source(%arg8 : memref<16x200xf32, #tpu.memory_space<vmem>>) target(%dma_start3A_114 : memref<16x200xf32, #tpu.memory_space<hbm>>) target_semaphore(%dma_start3A_112 : memref<!tpu.dma_semaphore, #tpu.memory_space<semaphore_mem>>)
    %add3A_115 = arith.constant 64 : i32
    %add3A_116 = arith.addi %multiple_of3A, %add3A_115 : i32
    %multiple_of3A_117 = tpu.assume_multiple %add3A_116, 8 : i32
    %dma_start3A_118 = arith.constant 0 : i32
    %dma_start3A_119 = arith.constant 0 : i32
    %dma_start3A_120 = tpu.memref_slice %arg3[%multiple_of3A_117, %dma_start3A_119] : memref<4096x200xi32, #tpu.memory_space<hbm>> -> memref<16x200xi32, #tpu.memory_space<hbm>>
    %dma_start3A_121 = tpu.memref_slice %arg11[%dma_start3A_118] : memref<2x!tpu.dma_semaphore, #tpu.memory_space<semaphore_mem>> -> memref<1x!tpu.dma_semaphore, #tpu.memory_space<semaphore_mem>>
    %dma_start3A_122 = tpu.memref_squeeze %dma_start3A_121 : memref<1x!tpu.dma_semaphore, #tpu.memory_space<semaphore_mem>> -> memref<!tpu.dma_semaphore, #tpu.memory_space<semaphore_mem>>
    %dma_start3A_123 = arith.constant 0 : i32
    %dma_start3A_124 = tpu.memref_slice %arg3[%multiple_of3A_117, %dma_start3A_123] : memref<4096x200xi32, #tpu.memory_space<hbm>> -> memref<16x200xi32, #tpu.memory_space<hbm>>
    tpu.enqueue_dma source(%dma_start3A_124 : memref<16x200xi32, #tpu.memory_space<hbm>>) target(%arg6 : memref<16x200xi32, #tpu.memory_space<vmem>>) target_semaphore(%dma_start3A_122 : memref<!tpu.dma_semaphore, #tpu.memory_space<semaphore_mem>>)
    %dma_wait3A_125 = arith.constant 1 : i32
    %dma_wait3A_126 = arith.constant 0 : i32
    %dma_wait3A_127 = tpu.memref_slice %arg3[%multiple_of3A_80, %dma_wait3A_126] : memref<4096x200xi32, #tpu.memory_space<hbm>> -> memref<16x200xi32, #tpu.memory_space<hbm>>
    %dma_wait3A_128 = tpu.memref_slice %arg11[%dma_wait3A_125] : memref<2x!tpu.dma_semaphore, #tpu.memory_space<semaphore_mem>> -> memref<1x!tpu.dma_semaphore, #tpu.memory_space<semaphore_mem>>
    %dma_wait3A_129 = tpu.memref_squeeze %dma_wait3A_128 : memref<1x!tpu.dma_semaphore, #tpu.memory_space<semaphore_mem>> -> memref<!tpu.dma_semaphore, #tpu.memory_space<semaphore_mem>>
    %dma_wait3A_130 = arith.constant 0 : i32
    %dma_wait3A_131 = tpu.memref_slice %arg3[%multiple_of3A_80, %dma_wait3A_130] : memref<4096x200xi32, #tpu.memory_space<hbm>> -> memref<16x200xi32, #tpu.memory_space<hbm>>
    tpu.wait_dma2 semaphore(%dma_wait3A_129 : memref<!tpu.dma_semaphore, #tpu.memory_space<semaphore_mem>>) src(%dma_wait3A_131 : memref<16x200xi32, #tpu.memory_space<hbm>>) dst(%arg7 : memref<16x200xi32, #tpu.memory_space<vmem>>)
    %dma_wait3A_132 = arith.constant 1 : i32
    %dma_wait3A_133 = arith.constant 0 : i32
    %dma_wait3A_134 = tpu.memref_slice %arg4[%multiple_of3A_70, %dma_wait3A_133] : memref<4096x200xf32, #tpu.memory_space<hbm>> -> memref<16x200xf32, #tpu.memory_space<hbm>>
    %dma_wait3A_135 = tpu.memref_slice %arg12[%dma_wait3A_132] : memref<2x!tpu.dma_semaphore, #tpu.memory_space<semaphore_mem>> -> memref<1x!tpu.dma_semaphore, #tpu.memory_space<semaphore_mem>>
    %dma_wait3A_136 = tpu.memref_squeeze %dma_wait3A_135 : memref<1x!tpu.dma_semaphore, #tpu.memory_space<semaphore_mem>> -> memref<!tpu.dma_semaphore, #tpu.memory_space<semaphore_mem>>
    %dma_wait3A_137 = arith.constant 0 : i32
    %dma_wait3A_138 = tpu.memref_slice %arg4[%multiple_of3A_70, %dma_wait3A_137] : memref<4096x200xf32, #tpu.memory_space<hbm>> -> memref<16x200xf32, #tpu.memory_space<hbm>>
    tpu.wait_dma2 semaphore(%dma_wait3A_136 : memref<!tpu.dma_semaphore, #tpu.memory_space<semaphore_mem>>) src(%arg9 : memref<16x200xf32, #tpu.memory_space<vmem>>) dst(%dma_wait3A_138 : memref<16x200xf32, #tpu.memory_space<hbm>>)
    %parallel_loop3A_139 = arith.constant 0 : i32
    %parallel_loop3A_140 = arith.constant 16 : i32
    %parallel_loop3A_141 = arith.constant 1 : i32
    scf.for %parallel_loop3A_304 = %parallel_loop3A_139 to %parallel_loop3A_140 step %parallel_loop3A_141  : i32 {
      %parallel_loop3A_305 = arith.index_cast %parallel_loop3A_304 : i32 to index
      %parallel_loop3A_306 = arith.constant 0 : index
      %parallel_loop3A_307 = tpu.vector_load %arg7[%parallel_loop3A_305, %parallel_loop3A_306] {strides = array<i32>} : memref<16x200xi32, #tpu.memory_space<vmem>>, vector<16xi32>,
      %parallel_loop3A_308 = tpu.vector_load_idx %arg5[%parallel_loop3A_307] : memref<100000xf32, #tpu.memory_space<vmem>>[vector<16xi32>], vector<16xf32>,
      %parallel_loop3A_309 = arith.index_cast %parallel_loop3A_304 : i32 to index
      %parallel_loop3A_310 = arith.constant 0 : index
      %parallel_loop3A_311 = tpu.vector_load %arg9[%parallel_loop3A_309, %parallel_loop3A_310] {strides = array<i32>} : memref<16x200xf32, #tpu.memory_space<vmem>>, vector<16xf32>,
      tpu.vector_store %arg9[%parallel_loop3A_309, %parallel_loop3A_310], %parallel_loop3A_308 {strides = array<i32>} : memref<16x200xf32, #tpu.memory_space<vmem>>, vector<16xf32>,
      %parallel_loop3A_312 = arith.index_cast %parallel_loop3A_304 : i32 to index
      %parallel_loop3A_313 = arith.constant 16 : index
      %parallel_loop3A_314 = tpu.vector_load %arg7[%parallel_loop3A_312, %parallel_loop3A_313] {strides = array<i32>} : memref<16x200xi32, #tpu.memory_space<vmem>>, vector<16xi32>,
      %parallel_loop3A_315 = tpu.vector_load_idx %arg5[%parallel_loop3A_314] : memref<100000xf32, #tpu.memory_space<vmem>>[vector<16xi32>], vector<16xf32>,
      %parallel_loop3A_316 = arith.index_cast %parallel_loop3A_304 : i32 to index
      %parallel_loop3A_317 = arith.constant 16 : index
      %parallel_loop3A_318 = tpu.vector_load %arg9[%parallel_loop3A_316, %parallel_loop3A_317] {strides = array<i32>} : memref<16x200xf32, #tpu.memory_space<vmem>>, vector<16xf32>,
      tpu.vector_store %arg9[%parallel_loop3A_316, %parallel_loop3A_317], %parallel_loop3A_315 {strides = array<i32>} : memref<16x200xf32, #tpu.memory_space<vmem>>, vector<16xf32>,
      %parallel_loop3A_319 = arith.index_cast %parallel_loop3A_304 : i32 to index
      %parallel_loop3A_320 = arith.constant 32 : index
      %parallel_loop3A_321 = tpu.vector_load %arg7[%parallel_loop3A_319, %parallel_loop3A_320] {strides = array<i32>} : memref<16x200xi32, #tpu.memory_space<vmem>>, vector<16xi32>,
      %parallel_loop3A_322 = tpu.vector_load_idx %arg5[%parallel_loop3A_321] : memref<100000xf32, #tpu.memory_space<vmem>>[vector<16xi32>], vector<16xf32>,
      %parallel_loop3A_323 = arith.index_cast %parallel_loop3A_304 : i32 to index
      %parallel_loop3A_324 = arith.constant 32 : index
      %parallel_loop3A_325 = tpu.vector_load %arg9[%parallel_loop3A_323, %parallel_loop3A_324] {strides = array<i32>} : memref<16x200xf32, #tpu.memory_space<vmem>>, vector<16xf32>,
      tpu.vector_store %arg9[%parallel_loop3A_323, %parallel_loop3A_324], %parallel_loop3A_322 {strides = array<i32>} : memref<16x200xf32, #tpu.memory_space<vmem>>, vector<16xf32>,
      %parallel_loop3A_326 = arith.index_cast %parallel_loop3A_304 : i32 to index
      %parallel_loop3A_327 = arith.constant 48 : index
      %parallel_loop3A_328 = tpu.vector_load %arg7[%parallel_loop3A_326, %parallel_loop3A_327] {strides = array<i32>} : memref<16x200xi32, #tpu.memory_space<vmem>>, vector<16xi32>,
      %parallel_loop3A_329 = tpu.vector_load_idx %arg5[%parallel_loop3A_328] : memref<100000xf32, #tpu.memory_space<vmem>>[vector<16xi32>], vector<16xf32>,
      %parallel_loop3A_330 = arith.index_cast %parallel_loop3A_304 : i32 to index
      %parallel_loop3A_331 = arith.constant 48 : index
      %parallel_loop3A_332 = tpu.vector_load %arg9[%parallel_loop3A_330, %parallel_loop3A_331] {strides = array<i32>} : memref<16x200xf32, #tpu.memory_space<vmem>>, vector<16xf32>,
      tpu.vector_store %arg9[%parallel_loop3A_330, %parallel_loop3A_331], %parallel_loop3A_329 {strides = array<i32>} : memref<16x200xf32, #tpu.memory_space<vmem>>, vector<16xf32>,
      %parallel_loop3A_333 = arith.index_cast %parallel_loop3A_304 : i32 to index
      %parallel_loop3A_334 = arith.constant 64 : index
      %parallel_loop3A_335 = tpu.vector_load %arg7[%parallel_loop3A_333, %parallel_loop3A_334] {strides = array<i32>} : memref<16x200xi32, #tpu.memory_space<vmem>>, vector<16xi32>,
      %parallel_loop3A_336 = tpu.vector_load_idx %arg5[%parallel_loop3A_335] : memref<100000xf32, #tpu.memory_space<vmem>>[vector<16xi32>], vector<16xf32>,
      %parallel_loop3A_337 = arith.index_cast %parallel_loop3A_304 : i32 to index
      %parallel_loop3A_338 = arith.constant 64 : index
      %parallel_loop3A_339 = tpu.vector_load %arg9[%parallel_loop3A_337, %parallel_loop3A_338] {strides = array<i32>} : memref<16x200xf32, #tpu.memory_space<vmem>>, vector<16xf32>,
      tpu.vector_store %arg9[%parallel_loop3A_337, %parallel_loop3A_338], %parallel_loop3A_336 {strides = array<i32>} : memref<16x200xf32, #tpu.memory_space<vmem>>, vector<16xf32>,
      %parallel_loop3A_340 = arith.index_cast %parallel_loop3A_304 : i32 to index
      %parallel_loop3A_341 = arith.constant 80 : index
      %parallel_loop3A_342 = tpu.vector_load %arg7[%parallel_loop3A_340, %parallel_loop3A_341] {strides = array<i32>} : memref<16x200xi32, #tpu.memory_space<vmem>>, vector<16xi32>,
      %parallel_loop3A_343 = tpu.vector_load_idx %arg5[%parallel_loop3A_342] : memref<100000xf32, #tpu.memory_space<vmem>>[vector<16xi32>], vector<16xf32>,
      %parallel_loop3A_344 = arith.index_cast %parallel_loop3A_304 : i32 to index
      %parallel_loop3A_345 = arith.constant 80 : index
      %parallel_loop3A_346 = tpu.vector_load %arg9[%parallel_loop3A_344, %parallel_loop3A_345] {strides = array<i32>} : memref<16x200xf32, #tpu.memory_space<vmem>>, vector<16xf32>,
      tpu.vector_store %arg9[%parallel_loop3A_344, %parallel_loop3A_345], %parallel_loop3A_343 {strides = array<i32>} : memref<16x200xf32, #tpu.memory_space<vmem>>, vector<16xf32>,
      %parallel_loop3A_347 = arith.index_cast %parallel_loop3A_304 : i32 to index
      %parallel_loop3A_348 = arith.constant 96 : index
      %parallel_loop3A_349 = tpu.vector_load %arg7[%parallel_loop3A_347, %parallel_loop3A_348] {strides = array<i32>} : memref<16x200xi32, #tpu.memory_space<vmem>>, vector<16xi32>,
      %parallel_loop3A_350 = tpu.vector_load_idx %arg5[%parallel_loop3A_349] : memref<100000xf32, #tpu.memory_space<vmem>>[vector<16xi32>], vector<16xf32>,
      %parallel_loop3A_351 = arith.index_cast %parallel_loop3A_304 : i32 to index
      %parallel_loop3A_352 = arith.constant 96 : index
      %parallel_loop3A_353 = tpu.vector_load %arg9[%parallel_loop3A_351, %parallel_loop3A_352] {strides = array<i32>} : memref<16x200xf32, #tpu.memory_space<vmem>>, vector<16xf32>,
      tpu.vector_store %arg9[%parallel_loop3A_351, %parallel_loop3A_352], %parallel_loop3A_350 {strides = array<i32>} : memref<16x200xf32, #tpu.memory_space<vmem>>, vector<16xf32>,
      %parallel_loop3A_354 = arith.index_cast %parallel_loop3A_304 : i32 to index
      %parallel_loop3A_355 = arith.constant 112 : index
      %parallel_loop3A_356 = tpu.vector_load %arg7[%parallel_loop3A_354, %parallel_loop3A_355] {strides = array<i32>} : memref<16x200xi32, #tpu.memory_space<vmem>>, vector<16xi32>,
      %parallel_loop3A_357 = tpu.vector_load_idx %arg5[%parallel_loop3A_356] : memref<100000xf32, #tpu.memory_space<vmem>>[vector<16xi32>], vector<16xf32>,
      %parallel_loop3A_358 = arith.index_cast %parallel_loop3A_304 : i32 to index
      %parallel_loop3A_359 = arith.constant 112 : index
      %parallel_loop3A_360 = tpu.vector_load %arg9[%parallel_loop3A_358, %parallel_loop3A_359] {strides = array<i32>} : memref<16x200xf32, #tpu.memory_space<vmem>>, vector<16xf32>,
      tpu.vector_store %arg9[%parallel_loop3A_358, %parallel_loop3A_359], %parallel_loop3A_357 {strides = array<i32>} : memref<16x200xf32, #tpu.memory_space<vmem>>, vector<16xf32>,
      %parallel_loop3A_361 = arith.index_cast %parallel_loop3A_304 : i32 to index
      %parallel_loop3A_362 = arith.constant 128 : index
      %parallel_loop3A_363 = tpu.vector_load %arg7[%parallel_loop3A_361, %parallel_loop3A_362] {strides = array<i32>} : memref<16x200xi32, #tpu.memory_space<vmem>>, vector<16xi32>,
      %parallel_loop3A_364 = tpu.vector_load_idx %arg5[%parallel_loop3A_363] : memref<100000xf32, #tpu.memory_space<vmem>>[vector<16xi32>], vector<16xf32>,
      %parallel_loop3A_365 = arith.index_cast %parallel_loop3A_304 : i32 to index
      %parallel_loop3A_366 = arith.constant 128 : index
      %parallel_loop3A_367 = tpu.vector_load %arg9[%parallel_loop3A_365, %parallel_loop3A_366] {strides = array<i32>} : memref<16x200xf32, #tpu.memory_space<vmem>>, vector<16xf32>,
      tpu.vector_store %arg9[%parallel_loop3A_365, %parallel_loop3A_366], %parallel_loop3A_364 {strides = array<i32>} : memref<16x200xf32, #tpu.memory_space<vmem>>, vector<16xf32>,
      %parallel_loop3A_368 = arith.index_cast %parallel_loop3A_304 : i32 to index
      %parallel_loop3A_369 = arith.constant 144 : index
      %parallel_loop3A_370 = tpu.vector_load %arg7[%parallel_loop3A_368, %parallel_loop3A_369] {strides = array<i32>} : memref<16x200xi32, #tpu.memory_space<vmem>>, vector<16xi32>,
      %parallel_loop3A_371 = tpu.vector_load_idx %arg5[%parallel_loop3A_370] : memref<100000xf32, #tpu.memory_space<vmem>>[vector<16xi32>], vector<16xf32>,
      %parallel_loop3A_372 = arith.index_cast %parallel_loop3A_304 : i32 to index
      %parallel_loop3A_373 = arith.constant 144 : index
      %parallel_loop3A_374 = tpu.vector_load %arg9[%parallel_loop3A_372, %parallel_loop3A_373] {strides = array<i32>} : memref<16x200xf32, #tpu.memory_space<vmem>>, vector<16xf32>,
      tpu.vector_store %arg9[%parallel_loop3A_372, %parallel_loop3A_373], %parallel_loop3A_371 {strides = array<i32>} : memref<16x200xf32, #tpu.memory_space<vmem>>, vector<16xf32>,
      %parallel_loop3A_375 = arith.index_cast %parallel_loop3A_304 : i32 to index
      %parallel_loop3A_376 = arith.constant 160 : index
      %parallel_loop3A_377 = tpu.vector_load %arg7[%parallel_loop3A_375, %parallel_loop3A_376] {strides = array<i32>} : memref<16x200xi32, #tpu.memory_space<vmem>>, vector<16xi32>,
      %parallel_loop3A_378 = tpu.vector_load_idx %arg5[%parallel_loop3A_377] : memref<100000xf32, #tpu.memory_space<vmem>>[vector<16xi32>], vector<16xf32>,
      %parallel_loop3A_379 = arith.index_cast %parallel_loop3A_304 : i32 to index
      %parallel_loop3A_380 = arith.constant 160 : index
      %parallel_loop3A_381 = tpu.vector_load %arg9[%parallel_loop3A_379, %parallel_loop3A_380] {strides = array<i32>} : memref<16x200xf32, #tpu.memory_space<vmem>>, vector<16xf32>,
      tpu.vector_store %arg9[%parallel_loop3A_379, %parallel_loop3A_380], %parallel_loop3A_378 {strides = array<i32>} : memref<16x200xf32, #tpu.memory_space<vmem>>, vector<16xf32>,
      %parallel_loop3A_382 = arith.index_cast %parallel_loop3A_304 : i32 to index
      %parallel_loop3A_383 = arith.constant 176 : index
      %parallel_loop3A_384 = tpu.vector_load %arg7[%parallel_loop3A_382, %parallel_loop3A_383] {strides = array<i32>} : memref<16x200xi32, #tpu.memory_space<vmem>>, vector<16xi32>,
      %parallel_loop3A_385 = tpu.vector_load_idx %arg5[%parallel_loop3A_384] : memref<100000xf32, #tpu.memory_space<vmem>>[vector<16xi32>], vector<16xf32>,
      %parallel_loop3A_386 = arith.index_cast %parallel_loop3A_304 : i32 to index
      %parallel_loop3A_387 = arith.constant 176 : index
      %parallel_loop3A_388 = tpu.vector_load %arg9[%parallel_loop3A_386, %parallel_loop3A_387] {strides = array<i32>} : memref<16x200xf32, #tpu.memory_space<vmem>>, vector<16xf32>,
      tpu.vector_store %arg9[%parallel_loop3A_386, %parallel_loop3A_387], %parallel_loop3A_385 {strides = array<i32>} : memref<16x200xf32, #tpu.memory_space<vmem>>, vector<16xf32>,
      %parallel_loop3A_389 = arith.index_cast %parallel_loop3A_304 : i32 to index
      %parallel_loop3A_390 = arith.constant 184 : index
      %parallel_loop3A_391 = tpu.vector_load %arg7[%parallel_loop3A_389, %parallel_loop3A_390] {strides = array<i32>} : memref<16x200xi32, #tpu.memory_space<vmem>>, vector<16xi32>,
      %parallel_loop3A_392 = tpu.vector_load_idx %arg5[%parallel_loop3A_391] : memref<100000xf32, #tpu.memory_space<vmem>>[vector<16xi32>], vector<16xf32>,
      %parallel_loop3A_393 = arith.index_cast %parallel_loop3A_304 : i32 to index
      %parallel_loop3A_394 = arith.constant 184 : index
      %parallel_loop3A_395 = tpu.vector_load %arg9[%parallel_loop3A_393, %parallel_loop3A_394] {strides = array<i32>} : memref<16x200xf32, #tpu.memory_space<vmem>>, vector<16xf32>,
      tpu.vector_store %arg9[%parallel_loop3A_393, %parallel_loop3A_394], %parallel_loop3A_392 {strides = array<i32>} : memref<16x200xf32, #tpu.memory_space<vmem>>, vector<16xf32>,
    } {sc.loop_unroll_factor = 2 : i64, sc.parallel_access}
    %add3A_142 = arith.constant 48 : i32
    %add3A_143 = arith.addi %multiple_of3A, %add3A_142 : i32
    %multiple_of3A_144 = tpu.assume_multiple %add3A_143, 8 : i32
    %dma_start3A_145 = arith.constant 1 : i32
    %dma_start3A_146 = arith.constant 0 : i32
    %dma_start3A_147 = tpu.memref_slice %arg4[%multiple_of3A_144, %dma_start3A_146] : memref<4096x200xf32, #tpu.memory_space<hbm>> -> memref<16x200xf32, #tpu.memory_space<hbm>>
    %dma_start3A_148 = tpu.memref_slice %arg12[%dma_start3A_145] : memref<2x!tpu.dma_semaphore, #tpu.memory_space<semaphore_mem>> -> memref<1x!tpu.dma_semaphore, #tpu.memory_space<semaphore_mem>>
    %dma_start3A_149 = tpu.memref_squeeze %dma_start3A_148 : memref<1x!tpu.dma_semaphore, #tpu.memory_space<semaphore_mem>> -> memref<!tpu.dma_semaphore, #tpu.memory_space<semaphore_mem>>
    %dma_start3A_150 = arith.constant 0 : i32
    %dma_start3A_151 = tpu.memref_slice %arg4[%multiple_of3A_144, %dma_start3A_150] : memref<4096x200xf32, #tpu.memory_space<hbm>> -> memref<16x200xf32, #tpu.memory_space<hbm>>
    tpu.enqueue_dma source(%arg9 : memref<16x200xf32, #tpu.memory_space<vmem>>) target(%dma_start3A_151 : memref<16x200xf32, #tpu.memory_space<hbm>>) target_semaphore(%dma_start3A_149 : memref<!tpu.dma_semaphore, #tpu.memory_space<semaphore_mem>>)
    %add3A_152 = arith.constant 80 : i32
    %add3A_153 = arith.addi %multiple_of3A, %add3A_152 : i32
    %multiple_of3A_154 = tpu.assume_multiple %add3A_153, 8 : i32
    %dma_start3A_155 = arith.constant 1 : i32
    %dma_start3A_156 = arith.constant 0 : i32
    %dma_start3A_157 = tpu.memref_slice %arg3[%multiple_of3A_154, %dma_start3A_156] : memref<4096x200xi32, #tpu.memory_space<hbm>> -> memref<16x200xi32, #tpu.memory_space<hbm>>
    %dma_start3A_158 = tpu.memref_slice %arg11[%dma_start3A_155] : memref<2x!tpu.dma_semaphore, #tpu.memory_space<semaphore_mem>> -> memref<1x!tpu.dma_semaphore, #tpu.memory_space<semaphore_mem>>
    %dma_start3A_159 = tpu.memref_squeeze %dma_start3A_158 : memref<1x!tpu.dma_semaphore, #tpu.memory_space<semaphore_mem>> -> memref<!tpu.dma_semaphore, #tpu.memory_space<semaphore_mem>>
    %dma_start3A_160 = arith.constant 0 : i32
    %dma_start3A_161 = tpu.memref_slice %arg3[%multiple_of3A_154, %dma_start3A_160] : memref<4096x200xi32, #tpu.memory_space<hbm>> -> memref<16x200xi32, #tpu.memory_space<hbm>>
    tpu.enqueue_dma source(%dma_start3A_161 : memref<16x200xi32, #tpu.memory_space<hbm>>) target(%arg7 : memref<16x200xi32, #tpu.memory_space<vmem>>) target_semaphore(%dma_start3A_159 : memref<!tpu.dma_semaphore, #tpu.memory_space<semaphore_mem>>)
    %dma_wait3A_162 = arith.constant 0 : i32
    %dma_wait3A_163 = arith.constant 0 : i32
    %dma_wait3A_164 = tpu.memref_slice %arg3[%multiple_of3A_117, %dma_wait3A_163] : memref<4096x200xi32, #tpu.memory_space<hbm>> -> memref<16x200xi32, #tpu.memory_space<hbm>>
    %dma_wait3A_165 = tpu.memref_slice %arg11[%dma_wait3A_162] : memref<2x!tpu.dma_semaphore, #tpu.memory_space<semaphore_mem>> -> memref<1x!tpu.dma_semaphore, #tpu.memory_space<semaphore_mem>>
    %dma_wait3A_166 = tpu.memref_squeeze %dma_wait3A_165 : memref<1x!tpu.dma_semaphore, #tpu.memory_space<semaphore_mem>> -> memref<!tpu.dma_semaphore, #tpu.memory_space<semaphore_mem>>
    %dma_wait3A_167 = arith.constant 0 : i32
    %dma_wait3A_168 = tpu.memref_slice %arg3[%multiple_of3A_117, %dma_wait3A_167] : memref<4096x200xi32, #tpu.memory_space<hbm>> -> memref<16x200xi32, #tpu.memory_space<hbm>>
    tpu.wait_dma2 semaphore(%dma_wait3A_166 : memref<!tpu.dma_semaphore, #tpu.memory_space<semaphore_mem>>) src(%dma_wait3A_168 : memref<16x200xi32, #tpu.memory_space<hbm>>) dst(%arg6 : memref<16x200xi32, #tpu.memory_space<vmem>>)
    %dma_wait3A_169 = arith.constant 0 : i32
    %dma_wait3A_170 = arith.constant 0 : i32
    %dma_wait3A_171 = tpu.memref_slice %arg4[%multiple_of3A_107, %dma_wait3A_170] : memref<4096x200xf32, #tpu.memory_space<hbm>> -> memref<16x200xf32, #tpu.memory_space<hbm>>
    %dma_wait3A_172 = tpu.memref_slice %arg12[%dma_wait3A_169] : memref<2x!tpu.dma_semaphore, #tpu.memory_space<semaphore_mem>> -> memref<1x!tpu.dma_semaphore, #tpu.memory_space<semaphore_mem>>
    %dma_wait3A_173 = tpu.memref_squeeze %dma_wait3A_172 : memref<1x!tpu.dma_semaphore, #tpu.memory_space<semaphore_mem>> -> memref<!tpu.dma_semaphore, #tpu.memory_space<semaphore_mem>>
    %dma_wait3A_174 = arith.constant 0 : i32
    %dma_wait3A_175 = tpu.memref_slice %arg4[%multiple_of3A_107, %dma_wait3A_174] : memref<4096x200xf32, #tpu.memory_space<hbm>> -> memref<16x200xf32, #tpu.memory_space<hbm>>
    tpu.wait_dma2 semaphore(%dma_wait3A_173 : memref<!tpu.dma_semaphore, #tpu.memory_space<semaphore_mem>>) src(%arg8 : memref<16x200xf32, #tpu.memory_space<vmem>>) dst(%dma_wait3A_175 : memref<16x200xf32, #tpu.memory_space<hbm>>)
    %parallel_loop3A_176 = arith.constant 0 : i32
    %parallel_loop3A_177 = arith.constant 16 : i32
    %parallel_loop3A_178 = arith.constant 1 : i32
    scf.for %parallel_loop3A_304 = %parallel_loop3A_176 to %parallel_loop3A_177 step %parallel_loop3A_178  : i32 {
      %parallel_loop3A_305 = arith.index_cast %parallel_loop3A_304 : i32 to index
      %parallel_loop3A_306 = arith.constant 0 : index
      %parallel_loop3A_307 = tpu.vector_load %arg6[%parallel_loop3A_305, %parallel_loop3A_306] {strides = array<i32>} : memref<16x200xi32, #tpu.memory_space<vmem>>, vector<16xi32>,
      %parallel_loop3A_308 = tpu.vector_load_idx %arg5[%parallel_loop3A_307] : memref<100000xf32, #tpu.memory_space<vmem>>[vector<16xi32>], vector<16xf32>,
      %parallel_loop3A_309 = arith.index_cast %parallel_loop3A_304 : i32 to index
      %parallel_loop3A_310 = arith.constant 0 : index
      %parallel_loop3A_311 = tpu.vector_load %arg8[%parallel_loop3A_309, %parallel_loop3A_310] {strides = array<i32>} : memref<16x200xf32, #tpu.memory_space<vmem>>, vector<16xf32>,
      tpu.vector_store %arg8[%parallel_loop3A_309, %parallel_loop3A_310], %parallel_loop3A_308 {strides = array<i32>} : memref<16x200xf32, #tpu.memory_space<vmem>>, vector<16xf32>,
      %parallel_loop3A_312 = arith.index_cast %parallel_loop3A_304 : i32 to index
      %parallel_loop3A_313 = arith.constant 16 : index
      %parallel_loop3A_314 = tpu.vector_load %arg6[%parallel_loop3A_312, %parallel_loop3A_313] {strides = array<i32>} : memref<16x200xi32, #tpu.memory_space<vmem>>, vector<16xi32>,
      %parallel_loop3A_315 = tpu.vector_load_idx %arg5[%parallel_loop3A_314] : memref<100000xf32, #tpu.memory_space<vmem>>[vector<16xi32>], vector<16xf32>,
      %parallel_loop3A_316 = arith.index_cast %parallel_loop3A_304 : i32 to index
      %parallel_loop3A_317 = arith.constant 16 : index
      %parallel_loop3A_318 = tpu.vector_load %arg8[%parallel_loop3A_316, %parallel_loop3A_317] {strides = array<i32>} : memref<16x200xf32, #tpu.memory_space<vmem>>, vector<16xf32>,
      tpu.vector_store %arg8[%parallel_loop3A_316, %parallel_loop3A_317], %parallel_loop3A_315 {strides = array<i32>} : memref<16x200xf32, #tpu.memory_space<vmem>>, vector<16xf32>,
      %parallel_loop3A_319 = arith.index_cast %parallel_loop3A_304 : i32 to index
      %parallel_loop3A_320 = arith.constant 32 : index
      %parallel_loop3A_321 = tpu.vector_load %arg6[%parallel_loop3A_319, %parallel_loop3A_320] {strides = array<i32>} : memref<16x200xi32, #tpu.memory_space<vmem>>, vector<16xi32>,
      %parallel_loop3A_322 = tpu.vector_load_idx %arg5[%parallel_loop3A_321] : memref<100000xf32, #tpu.memory_space<vmem>>[vector<16xi32>], vector<16xf32>,
      %parallel_loop3A_323 = arith.index_cast %parallel_loop3A_304 : i32 to index
      %parallel_loop3A_324 = arith.constant 32 : index
      %parallel_loop3A_325 = tpu.vector_load %arg8[%parallel_loop3A_323, %parallel_loop3A_324] {strides = array<i32>} : memref<16x200xf32, #tpu.memory_space<vmem>>, vector<16xf32>,
      tpu.vector_store %arg8[%parallel_loop3A_323, %parallel_loop3A_324], %parallel_loop3A_322 {strides = array<i32>} : memref<16x200xf32, #tpu.memory_space<vmem>>, vector<16xf32>,
      %parallel_loop3A_326 = arith.index_cast %parallel_loop3A_304 : i32 to index
      %parallel_loop3A_327 = arith.constant 48 : index
      %parallel_loop3A_328 = tpu.vector_load %arg6[%parallel_loop3A_326, %parallel_loop3A_327] {strides = array<i32>} : memref<16x200xi32, #tpu.memory_space<vmem>>, vector<16xi32>,
      %parallel_loop3A_329 = tpu.vector_load_idx %arg5[%parallel_loop3A_328] : memref<100000xf32, #tpu.memory_space<vmem>>[vector<16xi32>], vector<16xf32>,
      %parallel_loop3A_330 = arith.index_cast %parallel_loop3A_304 : i32 to index
      %parallel_loop3A_331 = arith.constant 48 : index
      %parallel_loop3A_332 = tpu.vector_load %arg8[%parallel_loop3A_330, %parallel_loop3A_331] {strides = array<i32>} : memref<16x200xf32, #tpu.memory_space<vmem>>, vector<16xf32>,
      tpu.vector_store %arg8[%parallel_loop3A_330, %parallel_loop3A_331], %parallel_loop3A_329 {strides = array<i32>} : memref<16x200xf32, #tpu.memory_space<vmem>>, vector<16xf32>,
      %parallel_loop3A_333 = arith.index_cast %parallel_loop3A_304 : i32 to index
      %parallel_loop3A_334 = arith.constant 64 : index
      %parallel_loop3A_335 = tpu.vector_load %arg6[%parallel_loop3A_333, %parallel_loop3A_334] {strides = array<i32>} : memref<16x200xi32, #tpu.memory_space<vmem>>, vector<16xi32>,
      %parallel_loop3A_336 = tpu.vector_load_idx %arg5[%parallel_loop3A_335] : memref<100000xf32, #tpu.memory_space<vmem>>[vector<16xi32>], vector<16xf32>,
      %parallel_loop3A_337 = arith.index_cast %parallel_loop3A_304 : i32 to index
      %parallel_loop3A_338 = arith.constant 64 : index
      %parallel_loop3A_339 = tpu.vector_load %arg8[%parallel_loop3A_337, %parallel_loop3A_338] {strides = array<i32>} : memref<16x200xf32, #tpu.memory_space<vmem>>, vector<16xf32>,
      tpu.vector_store %arg8[%parallel_loop3A_337, %parallel_loop3A_338], %parallel_loop3A_336 {strides = array<i32>} : memref<16x200xf32, #tpu.memory_space<vmem>>, vector<16xf32>,
      %parallel_loop3A_340 = arith.index_cast %parallel_loop3A_304 : i32 to index
      %parallel_loop3A_341 = arith.constant 80 : index
      %parallel_loop3A_342 = tpu.vector_load %arg6[%parallel_loop3A_340, %parallel_loop3A_341] {strides = array<i32>} : memref<16x200xi32, #tpu.memory_space<vmem>>, vector<16xi32>,
      %parallel_loop3A_343 = tpu.vector_load_idx %arg5[%parallel_loop3A_342] : memref<100000xf32, #tpu.memory_space<vmem>>[vector<16xi32>], vector<16xf32>,
      %parallel_loop3A_344 = arith.index_cast %parallel_loop3A_304 : i32 to index
      %parallel_loop3A_345 = arith.constant 80 : index
      %parallel_loop3A_346 = tpu.vector_load %arg8[%parallel_loop3A_344, %parallel_loop3A_345] {strides = array<i32>} : memref<16x200xf32, #tpu.memory_space<vmem>>, vector<16xf32>,
      tpu.vector_store %arg8[%parallel_loop3A_344, %parallel_loop3A_345], %parallel_loop3A_343 {strides = array<i32>} : memref<16x200xf32, #tpu.memory_space<vmem>>, vector<16xf32>,
      %parallel_loop3A_347 = arith.index_cast %parallel_loop3A_304 : i32 to index
      %parallel_loop3A_348 = arith.constant 96 : index
      %parallel_loop3A_349 = tpu.vector_load %arg6[%parallel_loop3A_347, %parallel_loop3A_348] {strides = array<i32>} : memref<16x200xi32, #tpu.memory_space<vmem>>, vector<16xi32>,
      %parallel_loop3A_350 = tpu.vector_load_idx %arg5[%parallel_loop3A_349] : memref<100000xf32, #tpu.memory_space<vmem>>[vector<16xi32>], vector<16xf32>,
      %parallel_loop3A_351 = arith.index_cast %parallel_loop3A_304 : i32 to index
      %parallel_loop3A_352 = arith.constant 96 : index
      %parallel_loop3A_353 = tpu.vector_load %arg8[%parallel_loop3A_351, %parallel_loop3A_352] {strides = array<i32>} : memref<16x200xf32, #tpu.memory_space<vmem>>, vector<16xf32>,
      tpu.vector_store %arg8[%parallel_loop3A_351, %parallel_loop3A_352], %parallel_loop3A_350 {strides = array<i32>} : memref<16x200xf32, #tpu.memory_space<vmem>>, vector<16xf32>,
      %parallel_loop3A_354 = arith.index_cast %parallel_loop3A_304 : i32 to index
      %parallel_loop3A_355 = arith.constant 112 : index
      %parallel_loop3A_356 = tpu.vector_load %arg6[%parallel_loop3A_354, %parallel_loop3A_355] {strides = array<i32>} : memref<16x200xi32, #tpu.memory_space<vmem>>, vector<16xi32>,
      %parallel_loop3A_357 = tpu.vector_load_idx %arg5[%parallel_loop3A_356] : memref<100000xf32, #tpu.memory_space<vmem>>[vector<16xi32>], vector<16xf32>,
      %parallel_loop3A_358 = arith.index_cast %parallel_loop3A_304 : i32 to index
      %parallel_loop3A_359 = arith.constant 112 : index
      %parallel_loop3A_360 = tpu.vector_load %arg8[%parallel_loop3A_358, %parallel_loop3A_359] {strides = array<i32>} : memref<16x200xf32, #tpu.memory_space<vmem>>, vector<16xf32>,
      tpu.vector_store %arg8[%parallel_loop3A_358, %parallel_loop3A_359], %parallel_loop3A_357 {strides = array<i32>} : memref<16x200xf32, #tpu.memory_space<vmem>>, vector<16xf32>,
      %parallel_loop3A_361 = arith.index_cast %parallel_loop3A_304 : i32 to index
      %parallel_loop3A_362 = arith.constant 128 : index
      %parallel_loop3A_363 = tpu.vector_load %arg6[%parallel_loop3A_361, %parallel_loop3A_362] {strides = array<i32>} : memref<16x200xi32, #tpu.memory_space<vmem>>, vector<16xi32>,
      %parallel_loop3A_364 = tpu.vector_load_idx %arg5[%parallel_loop3A_363] : memref<100000xf32, #tpu.memory_space<vmem>>[vector<16xi32>], vector<16xf32>,
      %parallel_loop3A_365 = arith.index_cast %parallel_loop3A_304 : i32 to index
      %parallel_loop3A_366 = arith.constant 128 : index
      %parallel_loop3A_367 = tpu.vector_load %arg8[%parallel_loop3A_365, %parallel_loop3A_366] {strides = array<i32>} : memref<16x200xf32, #tpu.memory_space<vmem>>, vector<16xf32>,
      tpu.vector_store %arg8[%parallel_loop3A_365, %parallel_loop3A_366], %parallel_loop3A_364 {strides = array<i32>} : memref<16x200xf32, #tpu.memory_space<vmem>>, vector<16xf32>,
      %parallel_loop3A_368 = arith.index_cast %parallel_loop3A_304 : i32 to index
      %parallel_loop3A_369 = arith.constant 144 : index
      %parallel_loop3A_370 = tpu.vector_load %arg6[%parallel_loop3A_368, %parallel_loop3A_369] {strides = array<i32>} : memref<16x200xi32, #tpu.memory_space<vmem>>, vector<16xi32>,
      %parallel_loop3A_371 = tpu.vector_load_idx %arg5[%parallel_loop3A_370] : memref<100000xf32, #tpu.memory_space<vmem>>[vector<16xi32>], vector<16xf32>,
      %parallel_loop3A_372 = arith.index_cast %parallel_loop3A_304 : i32 to index
      %parallel_loop3A_373 = arith.constant 144 : index
      %parallel_loop3A_374 = tpu.vector_load %arg8[%parallel_loop3A_372, %parallel_loop3A_373] {strides = array<i32>} : memref<16x200xf32, #tpu.memory_space<vmem>>, vector<16xf32>,
      tpu.vector_store %arg8[%parallel_loop3A_372, %parallel_loop3A_373], %parallel_loop3A_371 {strides = array<i32>} : memref<16x200xf32, #tpu.memory_space<vmem>>, vector<16xf32>,
      %parallel_loop3A_375 = arith.index_cast %parallel_loop3A_304 : i32 to index
      %parallel_loop3A_376 = arith.constant 160 : index
      %parallel_loop3A_377 = tpu.vector_load %arg6[%parallel_loop3A_375, %parallel_loop3A_376] {strides = array<i32>} : memref<16x200xi32, #tpu.memory_space<vmem>>, vector<16xi32>,
      %parallel_loop3A_378 = tpu.vector_load_idx %arg5[%parallel_loop3A_377] : memref<100000xf32, #tpu.memory_space<vmem>>[vector<16xi32>], vector<16xf32>,
      %parallel_loop3A_379 = arith.index_cast %parallel_loop3A_304 : i32 to index
      %parallel_loop3A_380 = arith.constant 160 : index
      %parallel_loop3A_381 = tpu.vector_load %arg8[%parallel_loop3A_379, %parallel_loop3A_380] {strides = array<i32>} : memref<16x200xf32, #tpu.memory_space<vmem>>, vector<16xf32>,
      tpu.vector_store %arg8[%parallel_loop3A_379, %parallel_loop3A_380], %parallel_loop3A_378 {strides = array<i32>} : memref<16x200xf32, #tpu.memory_space<vmem>>, vector<16xf32>,
      %parallel_loop3A_382 = arith.index_cast %parallel_loop3A_304 : i32 to index
      %parallel_loop3A_383 = arith.constant 176 : index
      %parallel_loop3A_384 = tpu.vector_load %arg6[%parallel_loop3A_382, %parallel_loop3A_383] {strides = array<i32>} : memref<16x200xi32, #tpu.memory_space<vmem>>, vector<16xi32>,
      %parallel_loop3A_385 = tpu.vector_load_idx %arg5[%parallel_loop3A_384] : memref<100000xf32, #tpu.memory_space<vmem>>[vector<16xi32>], vector<16xf32>,
      %parallel_loop3A_386 = arith.index_cast %parallel_loop3A_304 : i32 to index
      %parallel_loop3A_387 = arith.constant 176 : index
      %parallel_loop3A_388 = tpu.vector_load %arg8[%parallel_loop3A_386, %parallel_loop3A_387] {strides = array<i32>} : memref<16x200xf32, #tpu.memory_space<vmem>>, vector<16xf32>,
      tpu.vector_store %arg8[%parallel_loop3A_386, %parallel_loop3A_387], %parallel_loop3A_385 {strides = array<i32>} : memref<16x200xf32, #tpu.memory_space<vmem>>, vector<16xf32>,
      %parallel_loop3A_389 = arith.index_cast %parallel_loop3A_304 : i32 to index
      %parallel_loop3A_390 = arith.constant 184 : index
      %parallel_loop3A_391 = tpu.vector_load %arg6[%parallel_loop3A_389, %parallel_loop3A_390] {strides = array<i32>} : memref<16x200xi32, #tpu.memory_space<vmem>>, vector<16xi32>,
      %parallel_loop3A_392 = tpu.vector_load_idx %arg5[%parallel_loop3A_391] : memref<100000xf32, #tpu.memory_space<vmem>>[vector<16xi32>], vector<16xf32>,
      %parallel_loop3A_393 = arith.index_cast %parallel_loop3A_304 : i32 to index
      %parallel_loop3A_394 = arith.constant 184 : index
      %parallel_loop3A_395 = tpu.vector_load %arg8[%parallel_loop3A_393, %parallel_loop3A_394] {strides = array<i32>} : memref<16x200xf32, #tpu.memory_space<vmem>>, vector<16xf32>,
      tpu.vector_store %arg8[%parallel_loop3A_393, %parallel_loop3A_394], %parallel_loop3A_392 {strides = array<i32>} : memref<16x200xf32, #tpu.memory_space<vmem>>, vector<16xf32>,
    } {sc.loop_unroll_factor = 2 : i64, sc.parallel_access}
    %add3A_179 = arith.constant 64 : i32
    %add3A_180 = arith.addi %multiple_of3A, %add3A_179 : i32
    %multiple_of3A_181 = tpu.assume_multiple %add3A_180, 8 : i32
    %dma_start3A_182 = arith.constant 0 : i32
    %dma_start3A_183 = arith.constant 0 : i32
    %dma_start3A_184 = tpu.memref_slice %arg4[%multiple_of3A_181, %dma_start3A_183] : memref<4096x200xf32, #tpu.memory_space<hbm>> -> memref<16x200xf32, #tpu.memory_space<hbm>>
    %dma_start3A_185 = tpu.memref_slice %arg12[%dma_start3A_182] : memref<2x!tpu.dma_semaphore, #tpu.memory_space<semaphore_mem>> -> memref<1x!tpu.dma_semaphore, #tpu.memory_space<semaphore_mem>>
    %dma_start3A_186 = tpu.memref_squeeze %dma_start3A_185 : memref<1x!tpu.dma_semaphore, #tpu.memory_space<semaphore_mem>> -> memref<!tpu.dma_semaphore, #tpu.memory_space<semaphore_mem>>
    %dma_start3A_187 = arith.constant 0 : i32
    %dma_start3A_188 = tpu.memref_slice %arg4[%multiple_of3A_181, %dma_start3A_187] : memref<4096x200xf32, #tpu.memory_space<hbm>> -> memref<16x200xf32, #tpu.memory_space<hbm>>
    tpu.enqueue_dma source(%arg8 : memref<16x200xf32, #tpu.memory_space<vmem>>) target(%dma_start3A_188 : memref<16x200xf32, #tpu.memory_space<hbm>>) target_semaphore(%dma_start3A_186 : memref<!tpu.dma_semaphore, #tpu.memory_space<semaphore_mem>>)
    %add3A_189 = arith.constant 96 : i32
    %add3A_190 = arith.addi %multiple_of3A, %add3A_189 : i32
    %multiple_of3A_191 = tpu.assume_multiple %add3A_190, 8 : i32
    %dma_start3A_192 = arith.constant 0 : i32
    %dma_start3A_193 = arith.constant 0 : i32
    %dma_start3A_194 = tpu.memref_slice %arg3[%multiple_of3A_191, %dma_start3A_193] : memref<4096x200xi32, #tpu.memory_space<hbm>> -> memref<16x200xi32, #tpu.memory_space<hbm>>
    %dma_start3A_195 = tpu.memref_slice %arg11[%dma_start3A_192] : memref<2x!tpu.dma_semaphore, #tpu.memory_space<semaphore_mem>> -> memref<1x!tpu.dma_semaphore, #tpu.memory_space<semaphore_mem>>
    %dma_start3A_196 = tpu.memref_squeeze %dma_start3A_195 : memref<1x!tpu.dma_semaphore, #tpu.memory_space<semaphore_mem>> -> memref<!tpu.dma_semaphore, #tpu.memory_space<semaphore_mem>>
    %dma_start3A_197 = arith.constant 0 : i32
    %dma_start3A_198 = tpu.memref_slice %arg3[%multiple_of3A_191, %dma_start3A_197] : memref<4096x200xi32, #tpu.memory_space<hbm>> -> memref<16x200xi32, #tpu.memory_space<hbm>>
    tpu.enqueue_dma source(%dma_start3A_198 : memref<16x200xi32, #tpu.memory_space<hbm>>) target(%arg6 : memref<16x200xi32, #tpu.memory_space<vmem>>) target_semaphore(%dma_start3A_196 : memref<!tpu.dma_semaphore, #tpu.memory_space<semaphore_mem>>)
    %dma_wait3A_199 = arith.constant 1 : i32
    %dma_wait3A_200 = arith.constant 0 : i32
    %dma_wait3A_201 = tpu.memref_slice %arg3[%multiple_of3A_154, %dma_wait3A_200] : memref<4096x200xi32, #tpu.memory_space<hbm>> -> memref<16x200xi32, #tpu.memory_space<hbm>>
    %dma_wait3A_202 = tpu.memref_slice %arg11[%dma_wait3A_199] : memref<2x!tpu.dma_semaphore, #tpu.memory_space<semaphore_mem>> -> memref<1x!tpu.dma_semaphore, #tpu.memory_space<semaphore_mem>>
    %dma_wait3A_203 = tpu.memref_squeeze %dma_wait3A_202 : memref<1x!tpu.dma_semaphore, #tpu.memory_space<semaphore_mem>> -> memref<!tpu.dma_semaphore, #tpu.memory_space<semaphore_mem>>
    %dma_wait3A_204 = arith.constant 0 : i32
    %dma_wait3A_205 = tpu.memref_slice %arg3[%multiple_of3A_154, %dma_wait3A_204] : memref<4096x200xi32, #tpu.memory_space<hbm>> -> memref<16x200xi32, #tpu.memory_space<hbm>>
    tpu.wait_dma2 semaphore(%dma_wait3A_203 : memref<!tpu.dma_semaphore, #tpu.memory_space<semaphore_mem>>) src(%dma_wait3A_205 : memref<16x200xi32, #tpu.memory_space<hbm>>) dst(%arg7 : memref<16x200xi32, #tpu.memory_space<vmem>>)
    %dma_wait3A_206 = arith.constant 1 : i32
    %dma_wait3A_207 = arith.constant 0 : i32
    %dma_wait3A_208 = tpu.memref_slice %arg4[%multiple_of3A_144, %dma_wait3A_207] : memref<4096x200xf32, #tpu.memory_space<hbm>> -> memref<16x200xf32, #tpu.memory_space<hbm>>
    %dma_wait3A_209 = tpu.memref_slice %arg12[%dma_wait3A_206] : memref<2x!tpu.dma_semaphore, #tpu.memory_space<semaphore_mem>> -> memref<1x!tpu.dma_semaphore, #tpu.memory_space<semaphore_mem>>
    %dma_wait3A_210 = tpu.memref_squeeze %dma_wait3A_209 : memref<1x!tpu.dma_semaphore, #tpu.memory_space<semaphore_mem>> -> memref<!tpu.dma_semaphore, #tpu.memory_space<semaphore_mem>>
    %dma_wait3A_211 = arith.constant 0 : i32
    %dma_wait3A_212 = tpu.memref_slice %arg4[%multiple_of3A_144, %dma_wait3A_211] : memref<4096x200xf32, #tpu.memory_space<hbm>> -> memref<16x200xf32, #tpu.memory_space<hbm>>
    tpu.wait_dma2 semaphore(%dma_wait3A_210 : memref<!tpu.dma_semaphore, #tpu.memory_space<semaphore_mem>>) src(%arg9 : memref<16x200xf32, #tpu.memory_space<vmem>>) dst(%dma_wait3A_212 : memref<16x200xf32, #tpu.memory_space<hbm>>)
    %parallel_loop3A_213 = arith.constant 0 : i32
    %parallel_loop3A_214 = arith.constant 16 : i32
    %parallel_loop3A_215 = arith.constant 1 : i32
    scf.for %parallel_loop3A_304 = %parallel_loop3A_213 to %parallel_loop3A_214 step %parallel_loop3A_215  : i32 {
      %parallel_loop3A_305 = arith.index_cast %parallel_loop3A_304 : i32 to index
      %parallel_loop3A_306 = arith.constant 0 : index
      %parallel_loop3A_307 = tpu.vector_load %arg7[%parallel_loop3A_305, %parallel_loop3A_306] {strides = array<i32>} : memref<16x200xi32, #tpu.memory_space<vmem>>, vector<16xi32>,
      %parallel_loop3A_308 = tpu.vector_load_idx %arg5[%parallel_loop3A_307] : memref<100000xf32, #tpu.memory_space<vmem>>[vector<16xi32>], vector<16xf32>,
      %parallel_loop3A_309 = arith.index_cast %parallel_loop3A_304 : i32 to index
      %parallel_loop3A_310 = arith.constant 0 : index
      %parallel_loop3A_311 = tpu.vector_load %arg9[%parallel_loop3A_309, %parallel_loop3A_310] {strides = array<i32>} : memref<16x200xf32, #tpu.memory_space<vmem>>, vector<16xf32>,
      tpu.vector_store %arg9[%parallel_loop3A_309, %parallel_loop3A_310], %parallel_loop3A_308 {strides = array<i32>} : memref<16x200xf32, #tpu.memory_space<vmem>>, vector<16xf32>,
      %parallel_loop3A_312 = arith.index_cast %parallel_loop3A_304 : i32 to index
      %parallel_loop3A_313 = arith.constant 16 : index
      %parallel_loop3A_314 = tpu.vector_load %arg7[%parallel_loop3A_312, %parallel_loop3A_313] {strides = array<i32>} : memref<16x200xi32, #tpu.memory_space<vmem>>, vector<16xi32>,
      %parallel_loop3A_315 = tpu.vector_load_idx %arg5[%parallel_loop3A_314] : memref<100000xf32, #tpu.memory_space<vmem>>[vector<16xi32>], vector<16xf32>,
      %parallel_loop3A_316 = arith.index_cast %parallel_loop3A_304 : i32 to index
      %parallel_loop3A_317 = arith.constant 16 : index
      %parallel_loop3A_318 = tpu.vector_load %arg9[%parallel_loop3A_316, %parallel_loop3A_317] {strides = array<i32>} : memref<16x200xf32, #tpu.memory_space<vmem>>, vector<16xf32>,
      tpu.vector_store %arg9[%parallel_loop3A_316, %parallel_loop3A_317], %parallel_loop3A_315 {strides = array<i32>} : memref<16x200xf32, #tpu.memory_space<vmem>>, vector<16xf32>,
      %parallel_loop3A_319 = arith.index_cast %parallel_loop3A_304 : i32 to index
      %parallel_loop3A_320 = arith.constant 32 : index
      %parallel_loop3A_321 = tpu.vector_load %arg7[%parallel_loop3A_319, %parallel_loop3A_320] {strides = array<i32>} : memref<16x200xi32, #tpu.memory_space<vmem>>, vector<16xi32>,
      %parallel_loop3A_322 = tpu.vector_load_idx %arg5[%parallel_loop3A_321] : memref<100000xf32, #tpu.memory_space<vmem>>[vector<16xi32>], vector<16xf32>,
      %parallel_loop3A_323 = arith.index_cast %parallel_loop3A_304 : i32 to index
      %parallel_loop3A_324 = arith.constant 32 : index
      %parallel_loop3A_325 = tpu.vector_load %arg9[%parallel_loop3A_323, %parallel_loop3A_324] {strides = array<i32>} : memref<16x200xf32, #tpu.memory_space<vmem>>, vector<16xf32>,
      tpu.vector_store %arg9[%parallel_loop3A_323, %parallel_loop3A_324], %parallel_loop3A_322 {strides = array<i32>} : memref<16x200xf32, #tpu.memory_space<vmem>>, vector<16xf32>,
      %parallel_loop3A_326 = arith.index_cast %parallel_loop3A_304 : i32 to index
      %parallel_loop3A_327 = arith.constant 48 : index
      %parallel_loop3A_328 = tpu.vector_load %arg7[%parallel_loop3A_326, %parallel_loop3A_327] {strides = array<i32>} : memref<16x200xi32, #tpu.memory_space<vmem>>, vector<16xi32>,
      %parallel_loop3A_329 = tpu.vector_load_idx %arg5[%parallel_loop3A_328] : memref<100000xf32, #tpu.memory_space<vmem>>[vector<16xi32>], vector<16xf32>,
      %parallel_loop3A_330 = arith.index_cast %parallel_loop3A_304 : i32 to index
      %parallel_loop3A_331 = arith.constant 48 : index
      %parallel_loop3A_332 = tpu.vector_load %arg9[%parallel_loop3A_330, %parallel_loop3A_331] {strides = array<i32>} : memref<16x200xf32, #tpu.memory_space<vmem>>, vector<16xf32>,
      tpu.vector_store %arg9[%parallel_loop3A_330, %parallel_loop3A_331], %parallel_loop3A_329 {strides = array<i32>} : memref<16x200xf32, #tpu.memory_space<vmem>>, vector<16xf32>,
      %parallel_loop3A_333 = arith.index_cast %parallel_loop3A_304 : i32 to index
      %parallel_loop3A_334 = arith.constant 64 : index
      %parallel_loop3A_335 = tpu.vector_load %arg7[%parallel_loop3A_333, %parallel_loop3A_334] {strides = array<i32>} : memref<16x200xi32, #tpu.memory_space<vmem>>, vector<16xi32>,
      %parallel_loop3A_336 = tpu.vector_load_idx %arg5[%parallel_loop3A_335] : memref<100000xf32, #tpu.memory_space<vmem>>[vector<16xi32>], vector<16xf32>,
      %parallel_loop3A_337 = arith.index_cast %parallel_loop3A_304 : i32 to index
      %parallel_loop3A_338 = arith.constant 64 : index
      %parallel_loop3A_339 = tpu.vector_load %arg9[%parallel_loop3A_337, %parallel_loop3A_338] {strides = array<i32>} : memref<16x200xf32, #tpu.memory_space<vmem>>, vector<16xf32>,
      tpu.vector_store %arg9[%parallel_loop3A_337, %parallel_loop3A_338], %parallel_loop3A_336 {strides = array<i32>} : memref<16x200xf32, #tpu.memory_space<vmem>>, vector<16xf32>,
      %parallel_loop3A_340 = arith.index_cast %parallel_loop3A_304 : i32 to index
      %parallel_loop3A_341 = arith.constant 80 : index
      %parallel_loop3A_342 = tpu.vector_load %arg7[%parallel_loop3A_340, %parallel_loop3A_341] {strides = array<i32>} : memref<16x200xi32, #tpu.memory_space<vmem>>, vector<16xi32>,
      %parallel_loop3A_343 = tpu.vector_load_idx %arg5[%parallel_loop3A_342] : memref<100000xf32, #tpu.memory_space<vmem>>[vector<16xi32>], vector<16xf32>,
      %parallel_loop3A_344 = arith.index_cast %parallel_loop3A_304 : i32 to index
      %parallel_loop3A_345 = arith.constant 80 : index
      %parallel_loop3A_346 = tpu.vector_load %arg9[%parallel_loop3A_344, %parallel_loop3A_345] {strides = array<i32>} : memref<16x200xf32, #tpu.memory_space<vmem>>, vector<16xf32>,
      tpu.vector_store %arg9[%parallel_loop3A_344, %parallel_loop3A_345], %parallel_loop3A_343 {strides = array<i32>} : memref<16x200xf32, #tpu.memory_space<vmem>>, vector<16xf32>,
      %parallel_loop3A_347 = arith.index_cast %parallel_loop3A_304 : i32 to index
      %parallel_loop3A_348 = arith.constant 96 : index
      %parallel_loop3A_349 = tpu.vector_load %arg7[%parallel_loop3A_347, %parallel_loop3A_348] {strides = array<i32>} : memref<16x200xi32, #tpu.memory_space<vmem>>, vector<16xi32>,
      %parallel_loop3A_350 = tpu.vector_load_idx %arg5[%parallel_loop3A_349] : memref<100000xf32, #tpu.memory_space<vmem>>[vector<16xi32>], vector<16xf32>,
      %parallel_loop3A_351 = arith.index_cast %parallel_loop3A_304 : i32 to index
      %parallel_loop3A_352 = arith.constant 96 : index
      %parallel_loop3A_353 = tpu.vector_load %arg9[%parallel_loop3A_351, %parallel_loop3A_352] {strides = array<i32>} : memref<16x200xf32, #tpu.memory_space<vmem>>, vector<16xf32>,
      tpu.vector_store %arg9[%parallel_loop3A_351, %parallel_loop3A_352], %parallel_loop3A_350 {strides = array<i32>} : memref<16x200xf32, #tpu.memory_space<vmem>>, vector<16xf32>,
      %parallel_loop3A_354 = arith.index_cast %parallel_loop3A_304 : i32 to index
      %parallel_loop3A_355 = arith.constant 112 : index
      %parallel_loop3A_356 = tpu.vector_load %arg7[%parallel_loop3A_354, %parallel_loop3A_355] {strides = array<i32>} : memref<16x200xi32, #tpu.memory_space<vmem>>, vector<16xi32>,
      %parallel_loop3A_357 = tpu.vector_load_idx %arg5[%parallel_loop3A_356] : memref<100000xf32, #tpu.memory_space<vmem>>[vector<16xi32>], vector<16xf32>,
      %parallel_loop3A_358 = arith.index_cast %parallel_loop3A_304 : i32 to index
      %parallel_loop3A_359 = arith.constant 112 : index
      %parallel_loop3A_360 = tpu.vector_load %arg9[%parallel_loop3A_358, %parallel_loop3A_359] {strides = array<i32>} : memref<16x200xf32, #tpu.memory_space<vmem>>, vector<16xf32>,
      tpu.vector_store %arg9[%parallel_loop3A_358, %parallel_loop3A_359], %parallel_loop3A_357 {strides = array<i32>} : memref<16x200xf32, #tpu.memory_space<vmem>>, vector<16xf32>,
      %parallel_loop3A_361 = arith.index_cast %parallel_loop3A_304 : i32 to index
      %parallel_loop3A_362 = arith.constant 128 : index
      %parallel_loop3A_363 = tpu.vector_load %arg7[%parallel_loop3A_361, %parallel_loop3A_362] {strides = array<i32>} : memref<16x200xi32, #tpu.memory_space<vmem>>, vector<16xi32>,
      %parallel_loop3A_364 = tpu.vector_load_idx %arg5[%parallel_loop3A_363] : memref<100000xf32, #tpu.memory_space<vmem>>[vector<16xi32>], vector<16xf32>,
      %parallel_loop3A_365 = arith.index_cast %parallel_loop3A_304 : i32 to index
      %parallel_loop3A_366 = arith.constant 128 : index
      %parallel_loop3A_367 = tpu.vector_load %arg9[%parallel_loop3A_365, %parallel_loop3A_366] {strides = array<i32>} : memref<16x200xf32, #tpu.memory_space<vmem>>, vector<16xf32>,
      tpu.vector_store %arg9[%parallel_loop3A_365, %parallel_loop3A_366], %parallel_loop3A_364 {strides = array<i32>} : memref<16x200xf32, #tpu.memory_space<vmem>>, vector<16xf32>,
      %parallel_loop3A_368 = arith.index_cast %parallel_loop3A_304 : i32 to index
      %parallel_loop3A_369 = arith.constant 144 : index
      %parallel_loop3A_370 = tpu.vector_load %arg7[%parallel_loop3A_368, %parallel_loop3A_369] {strides = array<i32>} : memref<16x200xi32, #tpu.memory_space<vmem>>, vector<16xi32>,
      %parallel_loop3A_371 = tpu.vector_load_idx %arg5[%parallel_loop3A_370] : memref<100000xf32, #tpu.memory_space<vmem>>[vector<16xi32>], vector<16xf32>,
      %parallel_loop3A_372 = arith.index_cast %parallel_loop3A_304 : i32 to index
      %parallel_loop3A_373 = arith.constant 144 : index
      %parallel_loop3A_374 = tpu.vector_load %arg9[%parallel_loop3A_372, %parallel_loop3A_373] {strides = array<i32>} : memref<16x200xf32, #tpu.memory_space<vmem>>, vector<16xf32>,
      tpu.vector_store %arg9[%parallel_loop3A_372, %parallel_loop3A_373], %parallel_loop3A_371 {strides = array<i32>} : memref<16x200xf32, #tpu.memory_space<vmem>>, vector<16xf32>,
      %parallel_loop3A_375 = arith.index_cast %parallel_loop3A_304 : i32 to index
      %parallel_loop3A_376 = arith.constant 160 : index
      %parallel_loop3A_377 = tpu.vector_load %arg7[%parallel_loop3A_375, %parallel_loop3A_376] {strides = array<i32>} : memref<16x200xi32, #tpu.memory_space<vmem>>, vector<16xi32>,
      %parallel_loop3A_378 = tpu.vector_load_idx %arg5[%parallel_loop3A_377] : memref<100000xf32, #tpu.memory_space<vmem>>[vector<16xi32>], vector<16xf32>,
      %parallel_loop3A_379 = arith.index_cast %parallel_loop3A_304 : i32 to index
      %parallel_loop3A_380 = arith.constant 160 : index
      %parallel_loop3A_381 = tpu.vector_load %arg9[%parallel_loop3A_379, %parallel_loop3A_380] {strides = array<i32>} : memref<16x200xf32, #tpu.memory_space<vmem>>, vector<16xf32>,
      tpu.vector_store %arg9[%parallel_loop3A_379, %parallel_loop3A_380], %parallel_loop3A_378 {strides = array<i32>} : memref<16x200xf32, #tpu.memory_space<vmem>>, vector<16xf32>,
      %parallel_loop3A_382 = arith.index_cast %parallel_loop3A_304 : i32 to index
      %parallel_loop3A_383 = arith.constant 176 : index
      %parallel_loop3A_384 = tpu.vector_load %arg7[%parallel_loop3A_382, %parallel_loop3A_383] {strides = array<i32>} : memref<16x200xi32, #tpu.memory_space<vmem>>, vector<16xi32>,
      %parallel_loop3A_385 = tpu.vector_load_idx %arg5[%parallel_loop3A_384] : memref<100000xf32, #tpu.memory_space<vmem>>[vector<16xi32>], vector<16xf32>,
      %parallel_loop3A_386 = arith.index_cast %parallel_loop3A_304 : i32 to index
      %parallel_loop3A_387 = arith.constant 176 : index
      %parallel_loop3A_388 = tpu.vector_load %arg9[%parallel_loop3A_386, %parallel_loop3A_387] {strides = array<i32>} : memref<16x200xf32, #tpu.memory_space<vmem>>, vector<16xf32>,
      tpu.vector_store %arg9[%parallel_loop3A_386, %parallel_loop3A_387], %parallel_loop3A_385 {strides = array<i32>} : memref<16x200xf32, #tpu.memory_space<vmem>>, vector<16xf32>,
      %parallel_loop3A_389 = arith.index_cast %parallel_loop3A_304 : i32 to index
      %parallel_loop3A_390 = arith.constant 184 : index
      %parallel_loop3A_391 = tpu.vector_load %arg7[%parallel_loop3A_389, %parallel_loop3A_390] {strides = array<i32>} : memref<16x200xi32, #tpu.memory_space<vmem>>, vector<16xi32>,
      %parallel_loop3A_392 = tpu.vector_load_idx %arg5[%parallel_loop3A_391] : memref<100000xf32, #tpu.memory_space<vmem>>[vector<16xi32>], vector<16xf32>,
      %parallel_loop3A_393 = arith.index_cast %parallel_loop3A_304 : i32 to index
      %parallel_loop3A_394 = arith.constant 184 : index
      %parallel_loop3A_395 = tpu.vector_load %arg9[%parallel_loop3A_393, %parallel_loop3A_394] {strides = array<i32>} : memref<16x200xf32, #tpu.memory_space<vmem>>, vector<16xf32>,
      tpu.vector_store %arg9[%parallel_loop3A_393, %parallel_loop3A_394], %parallel_loop3A_392 {strides = array<i32>} : memref<16x200xf32, #tpu.memory_space<vmem>>, vector<16xf32>,
    } {sc.loop_unroll_factor = 2 : i64, sc.parallel_access}
    %add3A_216 = arith.constant 80 : i32
    %add3A_217 = arith.addi %multiple_of3A, %add3A_216 : i32
    %multiple_of3A_218 = tpu.assume_multiple %add3A_217, 8 : i32
    %dma_start3A_219 = arith.constant 1 : i32
    %dma_start3A_220 = arith.constant 0 : i32
    %dma_start3A_221 = tpu.memref_slice %arg4[%multiple_of3A_218, %dma_start3A_220] : memref<4096x200xf32, #tpu.memory_space<hbm>> -> memref<16x200xf32, #tpu.memory_space<hbm>>
    %dma_start3A_222 = tpu.memref_slice %arg12[%dma_start3A_219] : memref<2x!tpu.dma_semaphore, #tpu.memory_space<semaphore_mem>> -> memref<1x!tpu.dma_semaphore, #tpu.memory_space<semaphore_mem>>
    %dma_start3A_223 = tpu.memref_squeeze %dma_start3A_222 : memref<1x!tpu.dma_semaphore, #tpu.memory_space<semaphore_mem>> -> memref<!tpu.dma_semaphore, #tpu.memory_space<semaphore_mem>>
    %dma_start3A_224 = arith.constant 0 : i32
    %dma_start3A_225 = tpu.memref_slice %arg4[%multiple_of3A_218, %dma_start3A_224] : memref<4096x200xf32, #tpu.memory_space<hbm>> -> memref<16x200xf32, #tpu.memory_space<hbm>>
    tpu.enqueue_dma source(%arg9 : memref<16x200xf32, #tpu.memory_space<vmem>>) target(%dma_start3A_225 : memref<16x200xf32, #tpu.memory_space<hbm>>) target_semaphore(%dma_start3A_223 : memref<!tpu.dma_semaphore, #tpu.memory_space<semaphore_mem>>)
    %add3A_226 = arith.constant 112 : i32
    %add3A_227 = arith.addi %multiple_of3A, %add3A_226 : i32
    %multiple_of3A_228 = tpu.assume_multiple %add3A_227, 8 : i32
    %dma_start3A_229 = arith.constant 1 : i32
    %dma_start3A_230 = arith.constant 0 : i32
    %dma_start3A_231 = tpu.memref_slice %arg3[%multiple_of3A_228, %dma_start3A_230] : memref<4096x200xi32, #tpu.memory_space<hbm>> -> memref<16x200xi32, #tpu.memory_space<hbm>>
    %dma_start3A_232 = tpu.memref_slice %arg11[%dma_start3A_229] : memref<2x!tpu.dma_semaphore, #tpu.memory_space<semaphore_mem>> -> memref<1x!tpu.dma_semaphore, #tpu.memory_space<semaphore_mem>>
    %dma_start3A_233 = tpu.memref_squeeze %dma_start3A_232 : memref<1x!tpu.dma_semaphore, #tpu.memory_space<semaphore_mem>> -> memref<!tpu.dma_semaphore, #tpu.memory_space<semaphore_mem>>
    %dma_start3A_234 = arith.constant 0 : i32
    %dma_start3A_235 = tpu.memref_slice %arg3[%multiple_of3A_228, %dma_start3A_234] : memref<4096x200xi32, #tpu.memory_space<hbm>> -> memref<16x200xi32, #tpu.memory_space<hbm>>
    tpu.enqueue_dma source(%dma_start3A_235 : memref<16x200xi32, #tpu.memory_space<hbm>>) target(%arg7 : memref<16x200xi32, #tpu.memory_space<vmem>>) target_semaphore(%dma_start3A_233 : memref<!tpu.dma_semaphore, #tpu.memory_space<semaphore_mem>>)
    %dma_wait3A_236 = arith.constant 0 : i32
    %dma_wait3A_237 = arith.constant 0 : i32
    %dma_wait3A_238 = tpu.memref_slice %arg3[%multiple_of3A_191, %dma_wait3A_237] : memref<4096x200xi32, #tpu.memory_space<hbm>> -> memref<16x200xi32, #tpu.memory_space<hbm>>
    %dma_wait3A_239 = tpu.memref_slice %arg11[%dma_wait3A_236] : memref<2x!tpu.dma_semaphore, #tpu.memory_space<semaphore_mem>> -> memref<1x!tpu.dma_semaphore, #tpu.memory_space<semaphore_mem>>
    %dma_wait3A_240 = tpu.memref_squeeze %dma_wait3A_239 : memref<1x!tpu.dma_semaphore, #tpu.memory_space<semaphore_mem>> -> memref<!tpu.dma_semaphore, #tpu.memory_space<semaphore_mem>>
    %dma_wait3A_241 = arith.constant 0 : i32
    %dma_wait3A_242 = tpu.memref_slice %arg3[%multiple_of3A_191, %dma_wait3A_241] : memref<4096x200xi32, #tpu.memory_space<hbm>> -> memref<16x200xi32, #tpu.memory_space<hbm>>
    tpu.wait_dma2 semaphore(%dma_wait3A_240 : memref<!tpu.dma_semaphore, #tpu.memory_space<semaphore_mem>>) src(%dma_wait3A_242 : memref<16x200xi32, #tpu.memory_space<hbm>>) dst(%arg6 : memref<16x200xi32, #tpu.memory_space<vmem>>)
    %dma_wait3A_243 = arith.constant 0 : i32
    %dma_wait3A_244 = arith.constant 0 : i32
    %dma_wait3A_245 = tpu.memref_slice %arg4[%multiple_of3A_181, %dma_wait3A_244] : memref<4096x200xf32, #tpu.memory_space<hbm>> -> memref<16x200xf32, #tpu.memory_space<hbm>>
    %dma_wait3A_246 = tpu.memref_slice %arg12[%dma_wait3A_243] : memref<2x!tpu.dma_semaphore, #tpu.memory_space<semaphore_mem>> -> memref<1x!tpu.dma_semaphore, #tpu.memory_space<semaphore_mem>>
    %dma_wait3A_247 = tpu.memref_squeeze %dma_wait3A_246 : memref<1x!tpu.dma_semaphore, #tpu.memory_space<semaphore_mem>> -> memref<!tpu.dma_semaphore, #tpu.memory_space<semaphore_mem>>
    %dma_wait3A_248 = arith.constant 0 : i32
    %dma_wait3A_249 = tpu.memref_slice %arg4[%multiple_of3A_181, %dma_wait3A_248] : memref<4096x200xf32, #tpu.memory_space<hbm>> -> memref<16x200xf32, #tpu.memory_space<hbm>>
    tpu.wait_dma2 semaphore(%dma_wait3A_247 : memref<!tpu.dma_semaphore, #tpu.memory_space<semaphore_mem>>) src(%arg8 : memref<16x200xf32, #tpu.memory_space<vmem>>) dst(%dma_wait3A_249 : memref<16x200xf32, #tpu.memory_space<hbm>>)
    %parallel_loop3A_250 = arith.constant 0 : i32
    %parallel_loop3A_251 = arith.constant 16 : i32
    %parallel_loop3A_252 = arith.constant 1 : i32
    scf.for %parallel_loop3A_304 = %parallel_loop3A_250 to %parallel_loop3A_251 step %parallel_loop3A_252  : i32 {
      %parallel_loop3A_305 = arith.index_cast %parallel_loop3A_304 : i32 to index
      %parallel_loop3A_306 = arith.constant 0 : index
      %parallel_loop3A_307 = tpu.vector_load %arg6[%parallel_loop3A_305, %parallel_loop3A_306] {strides = array<i32>} : memref<16x200xi32, #tpu.memory_space<vmem>>, vector<16xi32>,
      %parallel_loop3A_308 = tpu.vector_load_idx %arg5[%parallel_loop3A_307] : memref<100000xf32, #tpu.memory_space<vmem>>[vector<16xi32>], vector<16xf32>,
      %parallel_loop3A_309 = arith.index_cast %parallel_loop3A_304 : i32 to index
      %parallel_loop3A_310 = arith.constant 0 : index
      %parallel_loop3A_311 = tpu.vector_load %arg8[%parallel_loop3A_309, %parallel_loop3A_310] {strides = array<i32>} : memref<16x200xf32, #tpu.memory_space<vmem>>, vector<16xf32>,
      tpu.vector_store %arg8[%parallel_loop3A_309, %parallel_loop3A_310], %parallel_loop3A_308 {strides = array<i32>} : memref<16x200xf32, #tpu.memory_space<vmem>>, vector<16xf32>,
      %parallel_loop3A_312 = arith.index_cast %parallel_loop3A_304 : i32 to index
      %parallel_loop3A_313 = arith.constant 16 : index
      %parallel_loop3A_314 = tpu.vector_load %arg6[%parallel_loop3A_312, %parallel_loop3A_313] {strides = array<i32>} : memref<16x200xi32, #tpu.memory_space<vmem>>, vector<16xi32>,
      %parallel_loop3A_315 = tpu.vector_load_idx %arg5[%parallel_loop3A_314] : memref<100000xf32, #tpu.memory_space<vmem>>[vector<16xi32>], vector<16xf32>,
      %parallel_loop3A_316 = arith.index_cast %parallel_loop3A_304 : i32 to index
      %parallel_loop3A_317 = arith.constant 16 : index
      %parallel_loop3A_318 = tpu.vector_load %arg8[%parallel_loop3A_316, %parallel_loop3A_317] {strides = array<i32>} : memref<16x200xf32, #tpu.memory_space<vmem>>, vector<16xf32>,
      tpu.vector_store %arg8[%parallel_loop3A_316, %parallel_loop3A_317], %parallel_loop3A_315 {strides = array<i32>} : memref<16x200xf32, #tpu.memory_space<vmem>>, vector<16xf32>,
      %parallel_loop3A_319 = arith.index_cast %parallel_loop3A_304 : i32 to index
      %parallel_loop3A_320 = arith.constant 32 : index
      %parallel_loop3A_321 = tpu.vector_load %arg6[%parallel_loop3A_319, %parallel_loop3A_320] {strides = array<i32>} : memref<16x200xi32, #tpu.memory_space<vmem>>, vector<16xi32>,
      %parallel_loop3A_322 = tpu.vector_load_idx %arg5[%parallel_loop3A_321] : memref<100000xf32, #tpu.memory_space<vmem>>[vector<16xi32>], vector<16xf32>,
      %parallel_loop3A_323 = arith.index_cast %parallel_loop3A_304 : i32 to index
      %parallel_loop3A_324 = arith.constant 32 : index
      %parallel_loop3A_325 = tpu.vector_load %arg8[%parallel_loop3A_323, %parallel_loop3A_324] {strides = array<i32>} : memref<16x200xf32, #tpu.memory_space<vmem>>, vector<16xf32>,
      tpu.vector_store %arg8[%parallel_loop3A_323, %parallel_loop3A_324], %parallel_loop3A_322 {strides = array<i32>} : memref<16x200xf32, #tpu.memory_space<vmem>>, vector<16xf32>,
      %parallel_loop3A_326 = arith.index_cast %parallel_loop3A_304 : i32 to index
      %parallel_loop3A_327 = arith.constant 48 : index
      %parallel_loop3A_328 = tpu.vector_load %arg6[%parallel_loop3A_326, %parallel_loop3A_327] {strides = array<i32>} : memref<16x200xi32, #tpu.memory_space<vmem>>, vector<16xi32>,
      %parallel_loop3A_329 = tpu.vector_load_idx %arg5[%parallel_loop3A_328] : memref<100000xf32, #tpu.memory_space<vmem>>[vector<16xi32>], vector<16xf32>,
      %parallel_loop3A_330 = arith.index_cast %parallel_loop3A_304 : i32 to index
      %parallel_loop3A_331 = arith.constant 48 : index
      %parallel_loop3A_332 = tpu.vector_load %arg8[%parallel_loop3A_330, %parallel_loop3A_331] {strides = array<i32>} : memref<16x200xf32, #tpu.memory_space<vmem>>, vector<16xf32>,
      tpu.vector_store %arg8[%parallel_loop3A_330, %parallel_loop3A_331], %parallel_loop3A_329 {strides = array<i32>} : memref<16x200xf32, #tpu.memory_space<vmem>>, vector<16xf32>,
      %parallel_loop3A_333 = arith.index_cast %parallel_loop3A_304 : i32 to index
      %parallel_loop3A_334 = arith.constant 64 : index
      %parallel_loop3A_335 = tpu.vector_load %arg6[%parallel_loop3A_333, %parallel_loop3A_334] {strides = array<i32>} : memref<16x200xi32, #tpu.memory_space<vmem>>, vector<16xi32>,
      %parallel_loop3A_336 = tpu.vector_load_idx %arg5[%parallel_loop3A_335] : memref<100000xf32, #tpu.memory_space<vmem>>[vector<16xi32>], vector<16xf32>,
      %parallel_loop3A_337 = arith.index_cast %parallel_loop3A_304 : i32 to index
      %parallel_loop3A_338 = arith.constant 64 : index
      %parallel_loop3A_339 = tpu.vector_load %arg8[%parallel_loop3A_337, %parallel_loop3A_338] {strides = array<i32>} : memref<16x200xf32, #tpu.memory_space<vmem>>, vector<16xf32>,
      tpu.vector_store %arg8[%parallel_loop3A_337, %parallel_loop3A_338], %parallel_loop3A_336 {strides = array<i32>} : memref<16x200xf32, #tpu.memory_space<vmem>>, vector<16xf32>,
      %parallel_loop3A_340 = arith.index_cast %parallel_loop3A_304 : i32 to index
      %parallel_loop3A_341 = arith.constant 80 : index
      %parallel_loop3A_342 = tpu.vector_load %arg6[%parallel_loop3A_340, %parallel_loop3A_341] {strides = array<i32>} : memref<16x200xi32, #tpu.memory_space<vmem>>, vector<16xi32>,
      %parallel_loop3A_343 = tpu.vector_load_idx %arg5[%parallel_loop3A_342] : memref<100000xf32, #tpu.memory_space<vmem>>[vector<16xi32>], vector<16xf32>,
      %parallel_loop3A_344 = arith.index_cast %parallel_loop3A_304 : i32 to index
      %parallel_loop3A_345 = arith.constant 80 : index
      %parallel_loop3A_346 = tpu.vector_load %arg8[%parallel_loop3A_344, %parallel_loop3A_345] {strides = array<i32>} : memref<16x200xf32, #tpu.memory_space<vmem>>, vector<16xf32>,
      tpu.vector_store %arg8[%parallel_loop3A_344, %parallel_loop3A_345], %parallel_loop3A_343 {strides = array<i32>} : memref<16x200xf32, #tpu.memory_space<vmem>>, vector<16xf32>,
      %parallel_loop3A_347 = arith.index_cast %parallel_loop3A_304 : i32 to index
      %parallel_loop3A_348 = arith.constant 96 : index
      %parallel_loop3A_349 = tpu.vector_load %arg6[%parallel_loop3A_347, %parallel_loop3A_348] {strides = array<i32>} : memref<16x200xi32, #tpu.memory_space<vmem>>, vector<16xi32>,
      %parallel_loop3A_350 = tpu.vector_load_idx %arg5[%parallel_loop3A_349] : memref<100000xf32, #tpu.memory_space<vmem>>[vector<16xi32>], vector<16xf32>,
      %parallel_loop3A_351 = arith.index_cast %parallel_loop3A_304 : i32 to index
      %parallel_loop3A_352 = arith.constant 96 : index
      %parallel_loop3A_353 = tpu.vector_load %arg8[%parallel_loop3A_351, %parallel_loop3A_352] {strides = array<i32>} : memref<16x200xf32, #tpu.memory_space<vmem>>, vector<16xf32>,
      tpu.vector_store %arg8[%parallel_loop3A_351, %parallel_loop3A_352], %parallel_loop3A_350 {strides = array<i32>} : memref<16x200xf32, #tpu.memory_space<vmem>>, vector<16xf32>,
      %parallel_loop3A_354 = arith.index_cast %parallel_loop3A_304 : i32 to index
      %parallel_loop3A_355 = arith.constant 112 : index
      %parallel_loop3A_356 = tpu.vector_load %arg6[%parallel_loop3A_354, %parallel_loop3A_355] {strides = array<i32>} : memref<16x200xi32, #tpu.memory_space<vmem>>, vector<16xi32>,
      %parallel_loop3A_357 = tpu.vector_load_idx %arg5[%parallel_loop3A_356] : memref<100000xf32, #tpu.memory_space<vmem>>[vector<16xi32>], vector<16xf32>,
      %parallel_loop3A_358 = arith.index_cast %parallel_loop3A_304 : i32 to index
      %parallel_loop3A_359 = arith.constant 112 : index
      %parallel_loop3A_360 = tpu.vector_load %arg8[%parallel_loop3A_358, %parallel_loop3A_359] {strides = array<i32>} : memref<16x200xf32, #tpu.memory_space<vmem>>, vector<16xf32>,
      tpu.vector_store %arg8[%parallel_loop3A_358, %parallel_loop3A_359], %parallel_loop3A_357 {strides = array<i32>} : memref<16x200xf32, #tpu.memory_space<vmem>>, vector<16xf32>,
      %parallel_loop3A_361 = arith.index_cast %parallel_loop3A_304 : i32 to index
      %parallel_loop3A_362 = arith.constant 128 : index
      %parallel_loop3A_363 = tpu.vector_load %arg6[%parallel_loop3A_361, %parallel_loop3A_362] {strides = array<i32>} : memref<16x200xi32, #tpu.memory_space<vmem>>, vector<16xi32>,
      %parallel_loop3A_364 = tpu.vector_load_idx %arg5[%parallel_loop3A_363] : memref<100000xf32, #tpu.memory_space<vmem>>[vector<16xi32>], vector<16xf32>,
      %parallel_loop3A_365 = arith.index_cast %parallel_loop3A_304 : i32 to index
      %parallel_loop3A_366 = arith.constant 128 : index
      %parallel_loop3A_367 = tpu.vector_load %arg8[%parallel_loop3A_365, %parallel_loop3A_366] {strides = array<i32>} : memref<16x200xf32, #tpu.memory_space<vmem>>, vector<16xf32>,
      tpu.vector_store %arg8[%parallel_loop3A_365, %parallel_loop3A_366], %parallel_loop3A_364 {strides = array<i32>} : memref<16x200xf32, #tpu.memory_space<vmem>>, vector<16xf32>,
      %parallel_loop3A_368 = arith.index_cast %parallel_loop3A_304 : i32 to index
      %parallel_loop3A_369 = arith.constant 144 : index
      %parallel_loop3A_370 = tpu.vector_load %arg6[%parallel_loop3A_368, %parallel_loop3A_369] {strides = array<i32>} : memref<16x200xi32, #tpu.memory_space<vmem>>, vector<16xi32>,
      %parallel_loop3A_371 = tpu.vector_load_idx %arg5[%parallel_loop3A_370] : memref<100000xf32, #tpu.memory_space<vmem>>[vector<16xi32>], vector<16xf32>,
      %parallel_loop3A_372 = arith.index_cast %parallel_loop3A_304 : i32 to index
      %parallel_loop3A_373 = arith.constant 144 : index
      %parallel_loop3A_374 = tpu.vector_load %arg8[%parallel_loop3A_372, %parallel_loop3A_373] {strides = array<i32>} : memref<16x200xf32, #tpu.memory_space<vmem>>, vector<16xf32>,
      tpu.vector_store %arg8[%parallel_loop3A_372, %parallel_loop3A_373], %parallel_loop3A_371 {strides = array<i32>} : memref<16x200xf32, #tpu.memory_space<vmem>>, vector<16xf32>,
      %parallel_loop3A_375 = arith.index_cast %parallel_loop3A_304 : i32 to index
      %parallel_loop3A_376 = arith.constant 160 : index
      %parallel_loop3A_377 = tpu.vector_load %arg6[%parallel_loop3A_375, %parallel_loop3A_376] {strides = array<i32>} : memref<16x200xi32, #tpu.memory_space<vmem>>, vector<16xi32>,
      %parallel_loop3A_378 = tpu.vector_load_idx %arg5[%parallel_loop3A_377] : memref<100000xf32, #tpu.memory_space<vmem>>[vector<16xi32>], vector<16xf32>,
      %parallel_loop3A_379 = arith.index_cast %parallel_loop3A_304 : i32 to index
      %parallel_loop3A_380 = arith.constant 160 : index
      %parallel_loop3A_381 = tpu.vector_load %arg8[%parallel_loop3A_379, %parallel_loop3A_380] {strides = array<i32>} : memref<16x200xf32, #tpu.memory_space<vmem>>, vector<16xf32>,
      tpu.vector_store %arg8[%parallel_loop3A_379, %parallel_loop3A_380], %parallel_loop3A_378 {strides = array<i32>} : memref<16x200xf32, #tpu.memory_space<vmem>>, vector<16xf32>,
      %parallel_loop3A_382 = arith.index_cast %parallel_loop3A_304 : i32 to index
      %parallel_loop3A_383 = arith.constant 176 : index
      %parallel_loop3A_384 = tpu.vector_load %arg6[%parallel_loop3A_382, %parallel_loop3A_383] {strides = array<i32>} : memref<16x200xi32, #tpu.memory_space<vmem>>, vector<16xi32>,
      %parallel_loop3A_385 = tpu.vector_load_idx %arg5[%parallel_loop3A_384] : memref<100000xf32, #tpu.memory_space<vmem>>[vector<16xi32>], vector<16xf32>,
      %parallel_loop3A_386 = arith.index_cast %parallel_loop3A_304 : i32 to index
      %parallel_loop3A_387 = arith.constant 176 : index
      %parallel_loop3A_388 = tpu.vector_load %arg8[%parallel_loop3A_386, %parallel_loop3A_387] {strides = array<i32>} : memref<16x200xf32, #tpu.memory_space<vmem>>, vector<16xf32>,
      tpu.vector_store %arg8[%parallel_loop3A_386, %parallel_loop3A_387], %parallel_loop3A_385 {strides = array<i32>} : memref<16x200xf32, #tpu.memory_space<vmem>>, vector<16xf32>,
      %parallel_loop3A_389 = arith.index_cast %parallel_loop3A_304 : i32 to index
      %parallel_loop3A_390 = arith.constant 184 : index
      %parallel_loop3A_391 = tpu.vector_load %arg6[%parallel_loop3A_389, %parallel_loop3A_390] {strides = array<i32>} : memref<16x200xi32, #tpu.memory_space<vmem>>, vector<16xi32>,
      %parallel_loop3A_392 = tpu.vector_load_idx %arg5[%parallel_loop3A_391] : memref<100000xf32, #tpu.memory_space<vmem>>[vector<16xi32>], vector<16xf32>,
      %parallel_loop3A_393 = arith.index_cast %parallel_loop3A_304 : i32 to index
      %parallel_loop3A_394 = arith.constant 184 : index
      %parallel_loop3A_395 = tpu.vector_load %arg8[%parallel_loop3A_393, %parallel_loop3A_394] {strides = array<i32>} : memref<16x200xf32, #tpu.memory_space<vmem>>, vector<16xf32>,
      tpu.vector_store %arg8[%parallel_loop3A_393, %parallel_loop3A_394], %parallel_loop3A_392 {strides = array<i32>} : memref<16x200xf32, #tpu.memory_space<vmem>>, vector<16xf32>,
    } {sc.loop_unroll_factor = 2 : i64, sc.parallel_access}
    %add3A_253 = arith.constant 96 : i32
    %add3A_254 = arith.addi %multiple_of3A, %add3A_253 : i32
    %multiple_of3A_255 = tpu.assume_multiple %add3A_254, 8 : i32
    %dma_start3A_256 = arith.constant 0 : i32
    %dma_start3A_257 = arith.constant 0 : i32
    %dma_start3A_258 = tpu.memref_slice %arg4[%multiple_of3A_255, %dma_start3A_257] : memref<4096x200xf32, #tpu.memory_space<hbm>> -> memref<16x200xf32, #tpu.memory_space<hbm>>
    %dma_start3A_259 = tpu.memref_slice %arg12[%dma_start3A_256] : memref<2x!tpu.dma_semaphore, #tpu.memory_space<semaphore_mem>> -> memref<1x!tpu.dma_semaphore, #tpu.memory_space<semaphore_mem>>
    %dma_start3A_260 = tpu.memref_squeeze %dma_start3A_259 : memref<1x!tpu.dma_semaphore, #tpu.memory_space<semaphore_mem>> -> memref<!tpu.dma_semaphore, #tpu.memory_space<semaphore_mem>>
    %dma_start3A_261 = arith.constant 0 : i32
    %dma_start3A_262 = tpu.memref_slice %arg4[%multiple_of3A_255, %dma_start3A_261] : memref<4096x200xf32, #tpu.memory_space<hbm>> -> memref<16x200xf32, #tpu.memory_space<hbm>>
    tpu.enqueue_dma source(%arg8 : memref<16x200xf32, #tpu.memory_space<vmem>>) target(%dma_start3A_262 : memref<16x200xf32, #tpu.memory_space<hbm>>) target_semaphore(%dma_start3A_260 : memref<!tpu.dma_semaphore, #tpu.memory_space<semaphore_mem>>)
    %dma_wait3A_263 = arith.constant 1 : i32
    %dma_wait3A_264 = arith.constant 0 : i32
    %dma_wait3A_265 = tpu.memref_slice %arg3[%multiple_of3A_228, %dma_wait3A_264] : memref<4096x200xi32, #tpu.memory_space<hbm>> -> memref<16x200xi32, #tpu.memory_space<hbm>>
    %dma_wait3A_266 = tpu.memref_slice %arg11[%dma_wait3A_263] : memref<2x!tpu.dma_semaphore, #tpu.memory_space<semaphore_mem>> -> memref<1x!tpu.dma_semaphore, #tpu.memory_space<semaphore_mem>>
    %dma_wait3A_267 = tpu.memref_squeeze %dma_wait3A_266 : memref<1x!tpu.dma_semaphore, #tpu.memory_space<semaphore_mem>> -> memref<!tpu.dma_semaphore, #tpu.memory_space<semaphore_mem>>
    %dma_wait3A_268 = arith.constant 0 : i32
    %dma_wait3A_269 = tpu.memref_slice %arg3[%multiple_of3A_228, %dma_wait3A_268] : memref<4096x200xi32, #tpu.memory_space<hbm>> -> memref<16x200xi32, #tpu.memory_space<hbm>>
    tpu.wait_dma2 semaphore(%dma_wait3A_267 : memref<!tpu.dma_semaphore, #tpu.memory_space<semaphore_mem>>) src(%dma_wait3A_269 : memref<16x200xi32, #tpu.memory_space<hbm>>) dst(%arg7 : memref<16x200xi32, #tpu.memory_space<vmem>>)
    %dma_wait3A_270 = arith.constant 1 : i32
    %dma_wait3A_271 = arith.constant 0 : i32
    %dma_wait3A_272 = tpu.memref_slice %arg4[%multiple_of3A_218, %dma_wait3A_271] : memref<4096x200xf32, #tpu.memory_space<hbm>> -> memref<16x200xf32, #tpu.memory_space<hbm>>
    %dma_wait3A_273 = tpu.memref_slice %arg12[%dma_wait3A_270] : memref<2x!tpu.dma_semaphore, #tpu.memory_space<semaphore_mem>> -> memref<1x!tpu.dma_semaphore, #tpu.memory_space<semaphore_mem>>
    %dma_wait3A_274 = tpu.memref_squeeze %dma_wait3A_273 : memref<1x!tpu.dma_semaphore, #tpu.memory_space<semaphore_mem>> -> memref<!tpu.dma_semaphore, #tpu.memory_space<semaphore_mem>>
    %dma_wait3A_275 = arith.constant 0 : i32
    %dma_wait3A_276 = tpu.memref_slice %arg4[%multiple_of3A_218, %dma_wait3A_275] : memref<4096x200xf32, #tpu.memory_space<hbm>> -> memref<16x200xf32, #tpu.memory_space<hbm>>
    tpu.wait_dma2 semaphore(%dma_wait3A_274 : memref<!tpu.dma_semaphore, #tpu.memory_space<semaphore_mem>>) src(%arg9 : memref<16x200xf32, #tpu.memory_space<vmem>>) dst(%dma_wait3A_276 : memref<16x200xf32, #tpu.memory_space<hbm>>)
    %parallel_loop3A_277 = arith.constant 0 : i32
    %parallel_loop3A_278 = arith.constant 16 : i32
    %parallel_loop3A_279 = arith.constant 1 : i32
    scf.for %parallel_loop3A_304 = %parallel_loop3A_277 to %parallel_loop3A_278 step %parallel_loop3A_279  : i32 {
      %parallel_loop3A_305 = arith.index_cast %parallel_loop3A_304 : i32 to index
      %parallel_loop3A_306 = arith.constant 0 : index
      %parallel_loop3A_307 = tpu.vector_load %arg7[%parallel_loop3A_305, %parallel_loop3A_306] {strides = array<i32>} : memref<16x200xi32, #tpu.memory_space<vmem>>, vector<16xi32>,
      %parallel_loop3A_308 = tpu.vector_load_idx %arg5[%parallel_loop3A_307] : memref<100000xf32, #tpu.memory_space<vmem>>[vector<16xi32>], vector<16xf32>,
      %parallel_loop3A_309 = arith.index_cast %parallel_loop3A_304 : i32 to index
      %parallel_loop3A_310 = arith.constant 0 : index
      %parallel_loop3A_311 = tpu.vector_load %arg9[%parallel_loop3A_309, %parallel_loop3A_310] {strides = array<i32>} : memref<16x200xf32, #tpu.memory_space<vmem>>, vector<16xf32>,
      tpu.vector_store %arg9[%parallel_loop3A_309, %parallel_loop3A_310], %parallel_loop3A_308 {strides = array<i32>} : memref<16x200xf32, #tpu.memory_space<vmem>>, vector<16xf32>,
      %parallel_loop3A_312 = arith.index_cast %parallel_loop3A_304 : i32 to index
      %parallel_loop3A_313 = arith.constant 16 : index
      %parallel_loop3A_314 = tpu.vector_load %arg7[%parallel_loop3A_312, %parallel_loop3A_313] {strides = array<i32>} : memref<16x200xi32, #tpu.memory_space<vmem>>, vector<16xi32>,
      %parallel_loop3A_315 = tpu.vector_load_idx %arg5[%parallel_loop3A_314] : memref<100000xf32, #tpu.memory_space<vmem>>[vector<16xi32>], vector<16xf32>,
      %parallel_loop3A_316 = arith.index_cast %parallel_loop3A_304 : i32 to index
      %parallel_loop3A_317 = arith.constant 16 : index
      %parallel_loop3A_318 = tpu.vector_load %arg9[%parallel_loop3A_316, %parallel_loop3A_317] {strides = array<i32>} : memref<16x200xf32, #tpu.memory_space<vmem>>, vector<16xf32>,
      tpu.vector_store %arg9[%parallel_loop3A_316, %parallel_loop3A_317], %parallel_loop3A_315 {strides = array<i32>} : memref<16x200xf32, #tpu.memory_space<vmem>>, vector<16xf32>,
      %parallel_loop3A_319 = arith.index_cast %parallel_loop3A_304 : i32 to index
      %parallel_loop3A_320 = arith.constant 32 : index
      %parallel_loop3A_321 = tpu.vector_load %arg7[%parallel_loop3A_319, %parallel_loop3A_320] {strides = array<i32>} : memref<16x200xi32, #tpu.memory_space<vmem>>, vector<16xi32>,
      %parallel_loop3A_322 = tpu.vector_load_idx %arg5[%parallel_loop3A_321] : memref<100000xf32, #tpu.memory_space<vmem>>[vector<16xi32>], vector<16xf32>,
      %parallel_loop3A_323 = arith.index_cast %parallel_loop3A_304 : i32 to index
      %parallel_loop3A_324 = arith.constant 32 : index
      %parallel_loop3A_325 = tpu.vector_load %arg9[%parallel_loop3A_323, %parallel_loop3A_324] {strides = array<i32>} : memref<16x200xf32, #tpu.memory_space<vmem>>, vector<16xf32>,
      tpu.vector_store %arg9[%parallel_loop3A_323, %parallel_loop3A_324], %parallel_loop3A_322 {strides = array<i32>} : memref<16x200xf32, #tpu.memory_space<vmem>>, vector<16xf32>,
      %parallel_loop3A_326 = arith.index_cast %parallel_loop3A_304 : i32 to index
      %parallel_loop3A_327 = arith.constant 48 : index
      %parallel_loop3A_328 = tpu.vector_load %arg7[%parallel_loop3A_326, %parallel_loop3A_327] {strides = array<i32>} : memref<16x200xi32, #tpu.memory_space<vmem>>, vector<16xi32>,
      %parallel_loop3A_329 = tpu.vector_load_idx %arg5[%parallel_loop3A_328] : memref<100000xf32, #tpu.memory_space<vmem>>[vector<16xi32>], vector<16xf32>,
      %parallel_loop3A_330 = arith.index_cast %parallel_loop3A_304 : i32 to index
      %parallel_loop3A_331 = arith.constant 48 : index
      %parallel_loop3A_332 = tpu.vector_load %arg9[%parallel_loop3A_330, %parallel_loop3A_331] {strides = array<i32>} : memref<16x200xf32, #tpu.memory_space<vmem>>, vector<16xf32>,
      tpu.vector_store %arg9[%parallel_loop3A_330, %parallel_loop3A_331], %parallel_loop3A_329 {strides = array<i32>} : memref<16x200xf32, #tpu.memory_space<vmem>>, vector<16xf32>,
      %parallel_loop3A_333 = arith.index_cast %parallel_loop3A_304 : i32 to index
      %parallel_loop3A_334 = arith.constant 64 : index
      %parallel_loop3A_335 = tpu.vector_load %arg7[%parallel_loop3A_333, %parallel_loop3A_334] {strides = array<i32>} : memref<16x200xi32, #tpu.memory_space<vmem>>, vector<16xi32>,
      %parallel_loop3A_336 = tpu.vector_load_idx %arg5[%parallel_loop3A_335] : memref<100000xf32, #tpu.memory_space<vmem>>[vector<16xi32>], vector<16xf32>,
      %parallel_loop3A_337 = arith.index_cast %parallel_loop3A_304 : i32 to index
      %parallel_loop3A_338 = arith.constant 64 : index
      %parallel_loop3A_339 = tpu.vector_load %arg9[%parallel_loop3A_337, %parallel_loop3A_338] {strides = array<i32>} : memref<16x200xf32, #tpu.memory_space<vmem>>, vector<16xf32>,
      tpu.vector_store %arg9[%parallel_loop3A_337, %parallel_loop3A_338], %parallel_loop3A_336 {strides = array<i32>} : memref<16x200xf32, #tpu.memory_space<vmem>>, vector<16xf32>,
      %parallel_loop3A_340 = arith.index_cast %parallel_loop3A_304 : i32 to index
      %parallel_loop3A_341 = arith.constant 80 : index
      %parallel_loop3A_342 = tpu.vector_load %arg7[%parallel_loop3A_340, %parallel_loop3A_341] {strides = array<i32>} : memref<16x200xi32, #tpu.memory_space<vmem>>, vector<16xi32>,
      %parallel_loop3A_343 = tpu.vector_load_idx %arg5[%parallel_loop3A_342] : memref<100000xf32, #tpu.memory_space<vmem>>[vector<16xi32>], vector<16xf32>,
      %parallel_loop3A_344 = arith.index_cast %parallel_loop3A_304 : i32 to index
      %parallel_loop3A_345 = arith.constant 80 : index
      %parallel_loop3A_346 = tpu.vector_load %arg9[%parallel_loop3A_344, %parallel_loop3A_345] {strides = array<i32>} : memref<16x200xf32, #tpu.memory_space<vmem>>, vector<16xf32>,
      tpu.vector_store %arg9[%parallel_loop3A_344, %parallel_loop3A_345], %parallel_loop3A_343 {strides = array<i32>} : memref<16x200xf32, #tpu.memory_space<vmem>>, vector<16xf32>,
      %parallel_loop3A_347 = arith.index_cast %parallel_loop3A_304 : i32 to index
      %parallel_loop3A_348 = arith.constant 96 : index
      %parallel_loop3A_349 = tpu.vector_load %arg7[%parallel_loop3A_347, %parallel_loop3A_348] {strides = array<i32>} : memref<16x200xi32, #tpu.memory_space<vmem>>, vector<16xi32>,
      %parallel_loop3A_350 = tpu.vector_load_idx %arg5[%parallel_loop3A_349] : memref<100000xf32, #tpu.memory_space<vmem>>[vector<16xi32>], vector<16xf32>,
      %parallel_loop3A_351 = arith.index_cast %parallel_loop3A_304 : i32 to index
      %parallel_loop3A_352 = arith.constant 96 : index
      %parallel_loop3A_353 = tpu.vector_load %arg9[%parallel_loop3A_351, %parallel_loop3A_352] {strides = array<i32>} : memref<16x200xf32, #tpu.memory_space<vmem>>, vector<16xf32>,
      tpu.vector_store %arg9[%parallel_loop3A_351, %parallel_loop3A_352], %parallel_loop3A_350 {strides = array<i32>} : memref<16x200xf32, #tpu.memory_space<vmem>>, vector<16xf32>,
      %parallel_loop3A_354 = arith.index_cast %parallel_loop3A_304 : i32 to index
      %parallel_loop3A_355 = arith.constant 112 : index
      %parallel_loop3A_356 = tpu.vector_load %arg7[%parallel_loop3A_354, %parallel_loop3A_355] {strides = array<i32>} : memref<16x200xi32, #tpu.memory_space<vmem>>, vector<16xi32>,
      %parallel_loop3A_357 = tpu.vector_load_idx %arg5[%parallel_loop3A_356] : memref<100000xf32, #tpu.memory_space<vmem>>[vector<16xi32>], vector<16xf32>,
      %parallel_loop3A_358 = arith.index_cast %parallel_loop3A_304 : i32 to index
      %parallel_loop3A_359 = arith.constant 112 : index
      %parallel_loop3A_360 = tpu.vector_load %arg9[%parallel_loop3A_358, %parallel_loop3A_359] {strides = array<i32>} : memref<16x200xf32, #tpu.memory_space<vmem>>, vector<16xf32>,
      tpu.vector_store %arg9[%parallel_loop3A_358, %parallel_loop3A_359], %parallel_loop3A_357 {strides = array<i32>} : memref<16x200xf32, #tpu.memory_space<vmem>>, vector<16xf32>,
      %parallel_loop3A_361 = arith.index_cast %parallel_loop3A_304 : i32 to index
      %parallel_loop3A_362 = arith.constant 128 : index
      %parallel_loop3A_363 = tpu.vector_load %arg7[%parallel_loop3A_361, %parallel_loop3A_362] {strides = array<i32>} : memref<16x200xi32, #tpu.memory_space<vmem>>, vector<16xi32>,
      %parallel_loop3A_364 = tpu.vector_load_idx %arg5[%parallel_loop3A_363] : memref<100000xf32, #tpu.memory_space<vmem>>[vector<16xi32>], vector<16xf32>,
      %parallel_loop3A_365 = arith.index_cast %parallel_loop3A_304 : i32 to index
      %parallel_loop3A_366 = arith.constant 128 : index
      %parallel_loop3A_367 = tpu.vector_load %arg9[%parallel_loop3A_365, %parallel_loop3A_366] {strides = array<i32>} : memref<16x200xf32, #tpu.memory_space<vmem>>, vector<16xf32>,
      tpu.vector_store %arg9[%parallel_loop3A_365, %parallel_loop3A_366], %parallel_loop3A_364 {strides = array<i32>} : memref<16x200xf32, #tpu.memory_space<vmem>>, vector<16xf32>,
      %parallel_loop3A_368 = arith.index_cast %parallel_loop3A_304 : i32 to index
      %parallel_loop3A_369 = arith.constant 144 : index
      %parallel_loop3A_370 = tpu.vector_load %arg7[%parallel_loop3A_368, %parallel_loop3A_369] {strides = array<i32>} : memref<16x200xi32, #tpu.memory_space<vmem>>, vector<16xi32>,
      %parallel_loop3A_371 = tpu.vector_load_idx %arg5[%parallel_loop3A_370] : memref<100000xf32, #tpu.memory_space<vmem>>[vector<16xi32>], vector<16xf32>,
      %parallel_loop3A_372 = arith.index_cast %parallel_loop3A_304 : i32 to index
      %parallel_loop3A_373 = arith.constant 144 : index
      %parallel_loop3A_374 = tpu.vector_load %arg9[%parallel_loop3A_372, %parallel_loop3A_373] {strides = array<i32>} : memref<16x200xf32, #tpu.memory_space<vmem>>, vector<16xf32>,
      tpu.vector_store %arg9[%parallel_loop3A_372, %parallel_loop3A_373], %parallel_loop3A_371 {strides = array<i32>} : memref<16x200xf32, #tpu.memory_space<vmem>>, vector<16xf32>,
      %parallel_loop3A_375 = arith.index_cast %parallel_loop3A_304 : i32 to index
      %parallel_loop3A_376 = arith.constant 160 : index
      %parallel_loop3A_377 = tpu.vector_load %arg7[%parallel_loop3A_375, %parallel_loop3A_376] {strides = array<i32>} : memref<16x200xi32, #tpu.memory_space<vmem>>, vector<16xi32>,
      %parallel_loop3A_378 = tpu.vector_load_idx %arg5[%parallel_loop3A_377] : memref<100000xf32, #tpu.memory_space<vmem>>[vector<16xi32>], vector<16xf32>,
      %parallel_loop3A_379 = arith.index_cast %parallel_loop3A_304 : i32 to index
      %parallel_loop3A_380 = arith.constant 160 : index
      %parallel_loop3A_381 = tpu.vector_load %arg9[%parallel_loop3A_379, %parallel_loop3A_380] {strides = array<i32>} : memref<16x200xf32, #tpu.memory_space<vmem>>, vector<16xf32>,
      tpu.vector_store %arg9[%parallel_loop3A_379, %parallel_loop3A_380], %parallel_loop3A_378 {strides = array<i32>} : memref<16x200xf32, #tpu.memory_space<vmem>>, vector<16xf32>,
      %parallel_loop3A_382 = arith.index_cast %parallel_loop3A_304 : i32 to index
      %parallel_loop3A_383 = arith.constant 176 : index
      %parallel_loop3A_384 = tpu.vector_load %arg7[%parallel_loop3A_382, %parallel_loop3A_383] {strides = array<i32>} : memref<16x200xi32, #tpu.memory_space<vmem>>, vector<16xi32>,
      %parallel_loop3A_385 = tpu.vector_load_idx %arg5[%parallel_loop3A_384] : memref<100000xf32, #tpu.memory_space<vmem>>[vector<16xi32>], vector<16xf32>,
      %parallel_loop3A_386 = arith.index_cast %parallel_loop3A_304 : i32 to index
      %parallel_loop3A_387 = arith.constant 176 : index
      %parallel_loop3A_388 = tpu.vector_load %arg9[%parallel_loop3A_386, %parallel_loop3A_387] {strides = array<i32>} : memref<16x200xf32, #tpu.memory_space<vmem>>, vector<16xf32>,
      tpu.vector_store %arg9[%parallel_loop3A_386, %parallel_loop3A_387], %parallel_loop3A_385 {strides = array<i32>} : memref<16x200xf32, #tpu.memory_space<vmem>>, vector<16xf32>,
      %parallel_loop3A_389 = arith.index_cast %parallel_loop3A_304 : i32 to index
      %parallel_loop3A_390 = arith.constant 184 : index
      %parallel_loop3A_391 = tpu.vector_load %arg7[%parallel_loop3A_389, %parallel_loop3A_390] {strides = array<i32>} : memref<16x200xi32, #tpu.memory_space<vmem>>, vector<16xi32>,
      %parallel_loop3A_392 = tpu.vector_load_idx %arg5[%parallel_loop3A_391] : memref<100000xf32, #tpu.memory_space<vmem>>[vector<16xi32>], vector<16xf32>,
      %parallel_loop3A_393 = arith.index_cast %parallel_loop3A_304 : i32 to index
      %parallel_loop3A_394 = arith.constant 184 : index
      %parallel_loop3A_395 = tpu.vector_load %arg9[%parallel_loop3A_393, %parallel_loop3A_394] {strides = array<i32>} : memref<16x200xf32, #tpu.memory_space<vmem>>, vector<16xf32>,
      tpu.vector_store %arg9[%parallel_loop3A_393, %parallel_loop3A_394], %parallel_loop3A_392 {strides = array<i32>} : memref<16x200xf32, #tpu.memory_space<vmem>>, vector<16xf32>,
    } {sc.loop_unroll_factor = 2 : i64, sc.parallel_access}
    %add3A_280 = arith.constant 112 : i32
    %add3A_281 = arith.addi %multiple_of3A, %add3A_280 : i32
    %multiple_of3A_282 = tpu.assume_multiple %add3A_281, 8 : i32
    %dma_start3A_283 = arith.constant 1 : i32
    %dma_start3A_284 = arith.constant 0 : i32
    %dma_start3A_285 = tpu.memref_slice %arg4[%multiple_of3A_282, %dma_start3A_284] : memref<4096x200xf32, #tpu.memory_space<hbm>> -> memref<16x200xf32, #tpu.memory_space<hbm>>
    %dma_start3A_286 = tpu.memref_slice %arg12[%dma_start3A_283] : memref<2x!tpu.dma_semaphore, #tpu.memory_space<semaphore_mem>> -> memref<1x!tpu.dma_semaphore, #tpu.memory_space<semaphore_mem>>
    %dma_start3A_287 = tpu.memref_squeeze %dma_start3A_286 : memref<1x!tpu.dma_semaphore, #tpu.memory_space<semaphore_mem>> -> memref<!tpu.dma_semaphore, #tpu.memory_space<semaphore_mem>>
    %dma_start3A_288 = arith.constant 0 : i32
    %dma_start3A_289 = tpu.memref_slice %arg4[%multiple_of3A_282, %dma_start3A_288] : memref<4096x200xf32, #tpu.memory_space<hbm>> -> memref<16x200xf32, #tpu.memory_space<hbm>>
    tpu.enqueue_dma source(%arg9 : memref<16x200xf32, #tpu.memory_space<vmem>>) target(%dma_start3A_289 : memref<16x200xf32, #tpu.memory_space<hbm>>) target_semaphore(%dma_start3A_287 : memref<!tpu.dma_semaphore, #tpu.memory_space<semaphore_mem>>)
    %dma_wait3A_290 = arith.constant 0 : i32
    %dma_wait3A_291 = arith.constant 0 : i32
    %dma_wait3A_292 = tpu.memref_slice %arg4[%multiple_of3A_255, %dma_wait3A_291] : memref<4096x200xf32, #tpu.memory_space<hbm>> -> memref<16x200xf32, #tpu.memory_space<hbm>>
    %dma_wait3A_293 = tpu.memref_slice %arg12[%dma_wait3A_290] : memref<2x!tpu.dma_semaphore, #tpu.memory_space<semaphore_mem>> -> memref<1x!tpu.dma_semaphore, #tpu.memory_space<semaphore_mem>>
    %dma_wait3A_294 = tpu.memref_squeeze %dma_wait3A_293 : memref<1x!tpu.dma_semaphore, #tpu.memory_space<semaphore_mem>> -> memref<!tpu.dma_semaphore, #tpu.memory_space<semaphore_mem>>
    %dma_wait3A_295 = arith.constant 0 : i32
    %dma_wait3A_296 = tpu.memref_slice %arg4[%multiple_of3A_255, %dma_wait3A_295] : memref<4096x200xf32, #tpu.memory_space<hbm>> -> memref<16x200xf32, #tpu.memory_space<hbm>>
    tpu.wait_dma2 semaphore(%dma_wait3A_294 : memref<!tpu.dma_semaphore, #tpu.memory_space<semaphore_mem>>) src(%arg8 : memref<16x200xf32, #tpu.memory_space<vmem>>) dst(%dma_wait3A_296 : memref<16x200xf32, #tpu.memory_space<hbm>>)
    %dma_wait3A_297 = arith.constant 1 : i32
    %dma_wait3A_298 = arith.constant 0 : i32
    %dma_wait3A_299 = tpu.memref_slice %arg4[%multiple_of3A_282, %dma_wait3A_298] : memref<4096x200xf32, #tpu.memory_space<hbm>> -> memref<16x200xf32, #tpu.memory_space<hbm>>
    %dma_wait3A_300 = tpu.memref_slice %arg12[%dma_wait3A_297] : memref<2x!tpu.dma_semaphore, #tpu.memory_space<semaphore_mem>> -> memref<1x!tpu.dma_semaphore, #tpu.memory_space<semaphore_mem>>
    %dma_wait3A_301 = tpu.memref_squeeze %dma_wait3A_300 : memref<1x!tpu.dma_semaphore, #tpu.memory_space<semaphore_mem>> -> memref<!tpu.dma_semaphore, #tpu.memory_space<semaphore_mem>>
    %dma_wait3A_302 = arith.constant 0 : i32
    %dma_wait3A_303 = tpu.memref_slice %arg4[%multiple_of3A_282, %dma_wait3A_302] : memref<4096x200xf32, #tpu.memory_space<hbm>> -> memref<16x200xf32, #tpu.memory_space<hbm>>
    tpu.wait_dma2 semaphore(%dma_wait3A_301 : memref<!tpu.dma_semaphore, #tpu.memory_space<semaphore_mem>>) src(%arg9 : memref<16x200xf32, #tpu.memory_space<vmem>>) dst(%dma_wait3A_303 : memref<16x200xf32, #tpu.memory_space<hbm>>)
    return
  }
}

module attributes {stable_mosaic.version = 14 : i64} {
  func.func @_matvec_body(%arg0: i32, %arg1: memref<1x200xf32, #tpu.memory_space<vmem>>, %arg2: memref<5120x200xf32, #tpu.memory_space<vmem>>, %arg3: memref<5120x200xf32, #tpu.memory_space<vmem>>, %arg4: memref<1xf32, #tpu.memory_space<smem>>, %arg5: memref<10240xf32, #tpu.memory_space<vmem>>) attributes {dimension_semantics = [#tpu.dimension_semantics<arbitrary>], iteration_bounds = array<i64: 10>, scalar_prefetch = 0 : i64, scratch_operands = 0 : i64, tpu.core_type = #tpu.core_type<tc>, window_params = [{pipeline_mode = #tpu.pipeline_mode<synchronous>, transform_indices = @transform_0, window_bounds = array<i64: 1, 200>}, {transform_indices = @transform_1, window_bounds = array<i64: 5120, 200>}, {transform_indices = @transform_2, window_bounds = array<i64: 5120, 200>}, {transform_indices = @transform_3, window_bounds = array<i64: 1>}, {transform_indices = @transform_4, window_bounds = array<i64: 10240>}]} {
    %get3A = arith.constant 0 : index
    %get3A_0 = arith.constant 0 : index
    %get3A_1 = vector.load %arg1[%get3A, %get3A_0] : memref<1x200xf32, #tpu.memory_space<vmem>>, vector<1x200xf32>
    %get3A_2 = arith.constant 0 : index
    %get3A_3 = arith.constant 0 : index
    %get3A_4 = vector.load %arg2[%get3A_2, %get3A_3] : memref<5120x200xf32, #tpu.memory_space<vmem>>, vector<5120x200xf32>
    %dot_general3A = arith.constant dense<0.000000e+00> : vector<1x5120xf32>
    %dot_general3A_5 = tpu.matmul %get3A_1, %get3A_4, %dot_general3A {dimension_numbers = #tpu.dot_dimension_numbers<[1], [1], [0], [0], [0, 0, 1, 0], [], []>, transpose_lhs_hint = false} : vector<1x200xf32>, vector<5120x200xf32>, vector<1x5120xf32> -> vector<1x5120xf32>
    %get3A_6 = arith.constant 0 : index
    %get3A_7 = memref.load %arg4[%get3A_6] : memref<1xf32, #tpu.memory_space<smem>>
    %add3A = vector.broadcast %get3A_7 : f32 to vector<1x5120xf32>
    %add3A_8 = arith.addf %dot_general3A_5, %add3A : vector<1x5120xf32>
    %squeeze3A = vector.shape_cast %add3A_8 : vector<1x5120xf32> to vector<5120xf32>
    %swap3A = arith.constant 0 : index
    %swap3A_9 = vector.load %arg5[%swap3A] : memref<10240xf32, #tpu.memory_space<vmem>>, vector<5120xf32>
    tpu.vector_store %arg5[%swap3A], %squeeze3A {strides = array<i32>} : memref<10240xf32, #tpu.memory_space<vmem>>, vector<5120xf32>,
    %get3A_10 = arith.constant 0 : index
    %get3A_11 = arith.constant 0 : index
    %get3A_12 = vector.load %arg3[%get3A_10, %get3A_11] : memref<5120x200xf32, #tpu.memory_space<vmem>>, vector<5120x200xf32>
    %dot_general3A_13 = arith.constant dense<0.000000e+00> : vector<1x5120xf32>
    %dot_general3A_14 = tpu.matmul %get3A_1, %get3A_12, %dot_general3A_13 {dimension_numbers = #tpu.dot_dimension_numbers<[1], [1], [0], [0], [0, 0, 1, 0], [], []>, transpose_lhs_hint = false} : vector<1x200xf32>, vector<5120x200xf32>, vector<1x5120xf32> -> vector<1x5120xf32>
    %get3A_15 = arith.constant 0 : index
    %get3A_16 = memref.load %arg4[%get3A_15] : memref<1xf32, #tpu.memory_space<smem>>
    %add3A_17 = vector.broadcast %get3A_16 : f32 to vector<1x5120xf32>
    %add3A_18 = arith.addf %dot_general3A_14, %add3A_17 : vector<1x5120xf32>
    %squeeze3A_19 = vector.shape_cast %add3A_18 : vector<1x5120xf32> to vector<5120xf32>
    %swap3A_20 = arith.constant 5120 : index
    %swap3A_21 = vector.load %arg5[%swap3A_20] : memref<10240xf32, #tpu.memory_space<vmem>>, vector<5120xf32>
    tpu.vector_store %arg5[%swap3A_20], %squeeze3A_19 {strides = array<i32>} : memref<10240xf32, #tpu.memory_space<vmem>>, vector<5120xf32>,
    return
  }
  func.func @transform_0(%arg0: i32) -> (i32, i32) {
    %c0_i32 = arith.constant 0 : i32
    %c0_i32_0 = arith.constant 0 : i32
    %c0_i32_1 = arith.constant 0 : i32
    return %c0_i32, %c0_i32_0 : i32, i32
  }
  func.func @transform_1(%arg0: i32) -> (i32, i32) {
    %mul3A = arith.constant 2 : i32
    %mul3A_0 = arith.muli %mul3A, %arg0 : i32
    %c0_i32 = arith.constant 0 : i32
    %c0_i32_1 = arith.constant 0 : i32
    return %mul3A_0, %c0_i32 : i32, i32
  }
  func.func @transform_2(%arg0: i32) -> (i32, i32) {
    %mul3A = arith.constant 2 : i32
    %mul3A_0 = arith.muli %mul3A, %arg0 : i32
    %add3A = arith.constant 1 : i32
    %add3A_1 = arith.addi %mul3A_0, %add3A : i32
    %c0_i32 = arith.constant 0 : i32
    %c0_i32_2 = arith.constant 0 : i32
    return %add3A_1, %c0_i32 : i32, i32
  }
  func.func @transform_3(%arg0: i32) -> i32 {
    %c0_i32 = arith.constant 0 : i32
    %c0_i32_0 = arith.constant 0 : i32
    return %c0_i32 : i32
  }
  func.func @transform_4(%arg0: i32) -> i32 {
    %c0_i32 = arith.constant 0 : i32
    return %arg0 : i32
  }
}

</mosaic_0001>

<sc_bundles>
// kernel: kernel.4.cloned.1.call-start
scs
__scs_entry_jumppad:
0x0: {  	(pc) =	sbr.rel $0x88, $3  }
0x1: {  	(tag) =	ssettag $0x0;
	lr =	simm.s32 $0x1  }
0x2: {  	[smem:$0x3F9D] =	sst lr;
	_ =	strace $0xD0000000  }
0x3: {  	_ = 	snop  }
0x4: {  	_ = 	snop  }
0x5: {  	_ = 	snop  }
0x6: {  	_ = 	snop  }
0x7: {  	_ = 	snop  }
__scs_overlays_trampoline_lowered:
0x8: {  	[smem:$0x3FAC] =	sst s0  }
0x9: {  	[smem:$0x3FAD] =	sst s1  }
0xa: {  	[smem:$0x3FAE] =	sst s2  }
0xb: {  	[smem:$0x3FAF] =	sst s3  }
0xc: {  	[smem:$0x3FB0] =	sst s4  }
0xd: {  	[smem:$0x3FB1] =	sst s5  }
0xe: {  	[smem:$0x3FB2] =	sst s6  }
0xf: {  	[smem:$0x3FB3] =	sst s7  }
0x10: {  	[smem:$0x3FB4] =	sst s8  }
0x11: {  	[smem:$0x3FB5] =	sst s9;
	s0 =	simm.s32 @!p0 $0x0  }
0x12: {  	s1 =	sld [smem:$0x3F9B];
	s0 =	simm.s32 @p0 $0x1  }
0x13: {  	[smem:$0x3FB6] =	sst s0;
	s0 =	simm.s32 @!p1 $0x0  }
0x14: {  	s2 =	sld [smem:$0x3F9A];
	s0 =	simm.s32 @p1 $0x1  }
0x15: {  	[smem:$0x3FB7] =	sst s0;
	s0 =	simm.s32 @!p2 $0x0  }
0x16: {  	s3 =	sld [smem:$0x3FDB];
	s0 =	simm.s32 @p2 $0x1  }
0x17: {  	s4 =	simm.s32 $0x1BF5;
	[smem:$0x3FB9] =	sst s0  }
0x18: {  	s0 =	sld [smem:$0x3F9C];
	_ =	swait.ge [sflag:s4], $0x0  }
0x19: {  	s7 =	sld [smem:$0x3F9D]  }
0x1a: {  	s8 =	sadd.s32 $0xFFFFE003, lr  }
0x1b: {  	s9 =	sadd.s32 $0xFFFFFEF7, lr;
	s5 =	simm.s32 $0xFFFFFFFF;
	p2 =	slt.u32 s8, $0xFFFFF086  }
0x1c: {  	p1 =	slt.u32 s9, $0xF7A;
	s5 =	simm.s32 @!p2 $0x0  }
0x1d: {  	s5 =	simm.s32 @p1 $0x1;
	p0 =	seq.s32 s7, s2  }
0x1e: {  	s7 =	smul.u32 @!p0 $0xF7A, s2;
	p2 =	seq.s32 @!p0 s5, $0x0  }
0x1f: {  	s9 =	smul.u32 $0xF7A, s1;
	s8 =	simm.s32 @!p0 $0x1BF5;
	p2 =	por !p2, p0  }
0x20: {  	[sflag:s8] =	ssyncset.s32 @!p0 $0xFFFFF086;
	s6 =	sadd.s32 @!p0 s3, s7;
	s7 =	simm.s32 @!p0 $0x108  }
0x21: {  	s3 =	sadd.s32 s3, s9;
	s6 =	sadd.s32 @!p0 $0x88, s6;
	s7 =	simm.s32 @p2 $0x1082  }
0x22: {  	[simem:s7], [sflag:s8] =	dma.local @!p0 [hbm:s6], $0xF7A  }
0x23: {  	s9 =	sor.u32 $0xD0000000, s2;
	s6 =	simm.s32 $0x108;
	_ =	swait.ge @!p0 [sflag:s8], $0x0  }
0x24: {  	s3 =	sadd.s32 $0x88, s3;
	s6 =	simm.s32 @!p1 $0x1082;
	[sflag:s4] =	ssyncset.s32 $0xFFFFF086  }
0x25: {  	[simem:s6], [sflag:s4] =	dma.local [hbm:s3], $0xF7A  }
0x26: {  	[smem:$0x3F9D] =	sst s1;
	(tag) =	ssettag s2;
	_ =	strace s9  }
0x27: {  	s1 =	sld [smem:$0x3FAD]  }
0x28: {  	s2 =	sld [smem:$0x3FAE]  }
0x29: {  	s4 =	sld [smem:$0x3FB0]  }
0x2a: {  	p0 =	seq.s32 s5, $0x0;
	s5 =	sld [smem:$0x3FB1]  }
0x2b: {  	s6 =	sld [smem:$0x3FB2]  }
0x2c: {  	s7 =	sld [smem:$0x3FB3]  }
0x2d: {  	s3 =	simm.s32 $0x108;
	s8 =	sld [smem:$0x3FB4]  }
0x2e: {  	s3 =	simm.s32 @!p0 $0x1082;
	s9 =	sld [smem:$0x3FB5]  }
0x2f: {  	lr =	sadd.s32 s0, s3;
	s0 =	sld [smem:$0x3FAC]  }
0x30: {  	s3 =	sld [smem:$0x3FAF]  }
0x31: {  	[smem:$0x3FB8] =	sst s10  }
0x32: {  	s10 =	sld [smem:$0x3FB6];
	_ =	sdelay $0x3  }
0x33: {  	p0 =	seq.s32 s10, $0x1;
	s10 =	sld [smem:$0x3FB8];
	_ =	sdelay $0x3  }
0x34: {  	[smem:$0x3FB8] =	sst s10  }
0x35: {  	s10 =	sld [smem:$0x3FB7];
	_ =	sdelay $0x3  }
0x36: {  	p1 =	seq.s32 s10, $0x1;
	s10 =	sld [smem:$0x3FB8];
	_ =	sdelay $0x3  }
0x37: {  	[smem:$0x3FB8] =	sst s10  }
0x38: {  	s10 =	sld [smem:$0x3FB9]  }
0x39: {  	_ = 	snop;
	(pc) =	sbr.ind lr, $3  }
0x3a: {  	_ = 	snop  }
0x3b: {  	_ = 	snop  }
0x3c: {  	p2 =	seq.s32 s10, $0x1;
	s10 =	sld [smem:$0x3FB8]  }
0x3d: {  	_ =	shalt  }
0x3e: {  	_ =	shalt  }
0x3f: {  	_ =	shalt  }
0x40: {  	_ =	shalt  }
0x41: {  	_ =	shalt  }
0x42: {  	_ =	shalt  }
0x43: {  	_ =	shalt  }
0x44: {  	_ =	shalt  }
0x45: {  	_ =	shalt  }
0x46: {  	_ =	shalt  }
0x47: {  	_ =	shalt  }
0x48: {  	_ =	shalt  }
0x49: {  	_ =	shalt  }
0x4a: {  	_ =	shalt  }
0x4b: {  	_ =	shalt  }
0x4c: {  	_ =	shalt  }
0x4d: {  	_ =	shalt  }
0x4e: {  	_ =	shalt  }
0x4f: {  	_ =	shalt  }
0x50: {  	_ =	shalt  }
0x51: {  	_ =	shalt  }
0x52: {  	_ =	shalt  }
0x53: {  	_ =	shalt  }
0x54: {  	_ =	shalt  }
0x55: {  	_ =	shalt  }
0x56: {  	_ =	shalt  }
0x57: {  	_ =	shalt  }
0x58: {  	_ =	shalt  }
0x59: {  	_ =	shalt  }
0x5a: {  	_ =	shalt  }
0x5b: {  	_ =	shalt  }
0x5c: {  	_ =	shalt  }
0x5d: {  	_ =	shalt  }
0x5e: {  	_ =	shalt  }
0x5f: {  	_ =	shalt  }
0x60: {  	_ =	shalt  }
0x61: {  	_ =	shalt  }
0x62: {  	_ =	shalt  }
0x63: {  	_ =	shalt  }
0x64: {  	_ =	shalt  }
0x65: {  	_ =	shalt  }
0x66: {  	_ =	shalt  }
0x67: {  	_ =	shalt  }
0x68: {  	_ =	shalt  }
0x69: {  	_ =	shalt  }
0x6a: {  	_ =	shalt  }
0x6b: {  	_ =	shalt  }
0x6c: {  	_ =	shalt  }
0x6d: {  	_ =	shalt  }
0x6e: {  	_ =	shalt  }
0x6f: {  	_ =	shalt  }
0x70: {  	_ =	shalt  }
0x71: {  	_ =	shalt  }
0x72: {  	_ =	shalt  }
0x73: {  	_ =	shalt  }
0x74: {  	_ =	shalt  }
0x75: {  	_ =	shalt  }
0x76: {  	_ =	shalt  }
0x77: {  	_ =	shalt  }
0x78: {  	_ =	shalt  }
0x79: {  	_ =	shalt  }
0x7a: {  	_ =	shalt  }
0x7b: {  	_ =	shalt  }
0x7c: {  	_ =	shalt  }
0x7d: {  	_ =	shalt  }
0x7e: {  	_ =	shalt  }
0x7f: {  	_ =	shalt  }
0x80: {  	_ =	shalt  }
0x81: {  	_ =	shalt  }
0x82: {  	_ =	shalt  }
0x83: {  	_ =	shalt  }
0x84: {  	_ =	shalt  }
0x85: {  	_ =	shalt  }
0x86: {  	_ =	shalt  }
0x87: {  	_ =	shalt  }
.Lfunc_end0:
.L_simem_size_0:
called_computation_lowered:
.L_overlay_start_0:
0x88: {  	s2 =	sld [smem:$0x3FD9]  }
0x89: {  	s3 =	sld [smem:$0x3FFE];
	_ =	sdelay $0x1  }
0x8a: {  	s1 =	srdreg.scid  }
0x8b: {  	s0 =	sand.u32 $0x1, s1  }
0x8c: {  	s17 =	sshll.u32 s0, $0xA;
	s2 =	sadd.s32 s3, s2  }
0x8d: {  	s2 =	sadd.s32 s2, s17  }
0x8e: {  	[smem:$0x3FC4] =	sst s2  }
0x8f: {  	_ = 	snop  }
0x90: {  	s2 =	sld [smem:$0x3FD0];
	(tm) =	ssettm $0x1  }
0x91: {  	s18 =	sld [smem:$0x3FFB];
	_ =	sdelay $0x3  }
0x92: {  	_ =	strace s18  }
0x93: {  	s3 =	sld [smem:$0x3FFC];
	_ =	sdelay $0x3  }
0x94: {  	_ =	strace s3  }
0x95: {  	s3 =	sld [smem:$0x3FFD];
	_ =	sdelay $0x3  }
0x96: {  	_ =	strace s3  }
0x97: {  	_ =	strace $0x8FFFFFFF  }
0x98: {  	s19 =	sld [smem:$0x3FDB];
	_ =	sdelay $0x1  }
0x99: {  	s4 =	simm.s32 $_scs_section_size  }
0x9a: {  	s5 =	simm.s32 $_size__tile_overlayer_lowered;
	s6 =	simm.s32 $_tile_overlayer_lowered  }
0x9b: {  	s22 =	simm.s32 $0x1BFF;
	s21 =	sshll.u32 s6, $0x1;
	s3 =	sadd.s32 s4, s19  }
0x9c: {  	s7 =	simm.s32 $0x0;
	s20 =	sshll.u32 s5, $0x1;
	s5 =	sadd.s32 s21, s3  }
0x9d: {  	[timem:s7], [sflag:s22] =	dma.local [hbm:s5], s20  }
0x9e: {  	_ =	swait.ge [sflag:s22], s20  }
0x9f: {  	s4 =	ssub.s32 $0x0, s20;
	[sflag:s22] =	ssyncset.done $0x0  }
0xa0: {  	[sflag:s22] =	ssyncadd.s32 s4;
	_ =	sdelay $0x1  }
0xa1: {  	s23 =	simm.s32 $0x1B8B  }
0xa2: {  	_ =	swait.ge [sflag:s23], $0x1  }
0xa3: {  	[sflag:s23] =	ssyncset.done $0x0  }
0xa4: {  	s25 =	simm.s32 $0x1B8E;
	s24 =	sld [smem:$0x3FFE];
	[sflag:s23] =	ssyncadd.s32 $0xFFFFFFFF  }
0xa5: {  	s26 =	simm.s32 $execute0_lowered;
	[smem:$0x3FD2] =	sst s25  }
0xa6: {  	s5 =	sshll.u32 s26, $0x1;
	_ =	strace $0x80000046;
	[dreg:$0x1] =	wrdreg $0xFFFFFFFF  }
0xa7: {  	s28 =	simm.s32 $_size_execute0_lowered;
	s3 =	sadd.s32 s3, s5;
	[dreg:$0x0] =	wrdreg $0x0  }
0xa8: {  	s5 =	sshll.u32 s28, $0x1;
	[dreg:$0x2] =	wrdreg s3  }
0xa9: {  	[dreg:$0x3] =	wrdreg s5  }
0xaa: {  	[dreg:$0x4] =	wrdreg $0xC0  }
0xab: {  	_ =	task [dreg:s7], $0x5FFFF  }
0xac: {  	[dreg:$0x1] =	wrdreg $0xFFFFFFFF  }
0xad: {  	[dreg:$0x0] =	wrdreg $0x60  }
0xae: {  	[dreg:$0x2] =	wrdreg s2  }
0xaf: {  	[dreg:$0x3] =	wrdreg s24  }
0xb0: {  	[dreg:$0x4] =	wrdreg $0x9  }
0xb1: {  	_ =	task.clear_ibuf [dreg:s7], $0x5FFFF;
	_ =	strace $0x90000046  }
0xb2: {  	s29 =	simm.s32 $0x9;
	_ =	strace $0x80000048  }
0xb3: {  	_ =	swait.ge [sflag:s29], $0x1  }
0xb4: {  	[sflag:s29] =	ssyncadd.s32 $0xFFFFFFFF  }
0xb5: {  	_ =	strace $0x90000048  }
0xb6: {  	_ =	sfence  }
0xb7: {  	s30 =	sld [smem:$0x0];
	_ =	sdelay $0x2  }
0xb8: {  	s31 =	sshll.u32 s1, $0xD;
	s1 =	sshrl.u32 s1, $0x2  }
0xb9: {  	s3 =	sand.u32 $0x4000, s31;
	s1 =	sadd.s32 s1, s30  }
0xba: {  	s0 =	sor.u32 s3, s0;
	s1 =	sshll.u32 s1, $0x11  }
0xbb: {  	s0 =	sor.u32 s1, s0  }
0xbc: {  	s0 =	sadd.s32 $0x8F2B, s0  }
0xbd: {  	[sflag:s0] =	ssyncadd.remote.s32 $0x1  }
0xbe: {  	_ =	sfence.sel $0xFFFF  }
0xbf: {  	[dreg:$0x0] =	wrdreg $0xFFFFFFFF;
	(pc) =	sbr.abs _section_cstart, $3  }
0xc0: {  	[dreg:$0x1] =	wrdreg $0xFFFFFFFF  }
0xc1: {  	_ =	task.clear_ibuf [dreg:s7], $0x2FFFF;
	_ =	strace $0x9FFFFFFF  }
0xc2: {  	(tm) =	ssettm $0x7FFFFFFF  }
0xc3: {  	_ =	shalt  }
tec
execute0_lowered:
.L_overlay_start_1:
0x0: {  	(tag) =	ssettag $0x1  }
0x1: {  	s0 =	rddreg [dreg:$0x1]  }
0x2: {  	s3 =	simm.s32 $0x0;
	s1 =	srdreg.scid;
	s4 =	stileid.u32  }
0x3: {  	s28 =	simm.s32 $0x1B700;
	s29 =	simm.s32 $0x4;
	s30 =	simm.s32 $0x5  }
0x4: {  	s31 =	simm.s32 $0x0;
	[smem:$0x7FF] =	sst s3;
	s1 =	sand.u32 $0x1, s1  }
0x5: {  	s4 =	sshll.u32 s4, $0xD;
	s5 =	sadd.s32 $0x30DE00, s0;
	s2 =	ssub.s32 $0x2, s1  }
0x6: {  	s0 =	sadd.s32 $0xA00, s0;
	s1 =	sshll.u32 s1, $0xC;
	s6 =	sshrl.u32 s2, $0x1  }
0x7: {  	_ =	strace $0x80000047;
	s1 =	sor.u32 s1, s4;
	s2 =	ssub.s32 s2, s6  }
0x8: {  	s4 =	sor.u32 $0x200, s1;
	s18 =	sadd.s32 s5, s1;
	s20 =	sor.u32 $0x400, s1  }
0x9: {  	s7 =	sadd.s32 s0, s1;
	s22 =	sor.u32 $0x600, s1;
	s24 =	sor.u32 $0x800, s1  }
0xa: {  	s25 =	sor.u32 $0xA00, s1;
	s26 =	sor.u32 $0xC00, s1;
	[dreg:$0x3] =	wrdreg s18  }
0xb: {  	s1 =	sor.u32 $0xE00, s1;
	s19 =	sadd.s32 s5, s4;
	[dreg:$0x5] =	wrdreg s7  }
0xc: {  	s21 =	sadd.s32 s5, s20;
	s4 =	sadd.s32 s0, s4;
	s23 =	sadd.s32 s5, s22  }
0xd: {  	s10 =	sadd.s32 s0, s20;
	s11 =	sadd.s32 s5, s24;
	s12 =	sadd.s32 s0, s22  }
0xe: {  	s13 =	sadd.s32 s5, s25;
	s14 =	sadd.s32 s0, s24;
	s15 =	sadd.s32 s5, s26  }
0xf: {  	s16 =	sadd.s32 s0, s25;
	s17 =	sadd.s32 s5, s1;
	[dreg:$0x4] =	wrdreg s19  }
0x10: {  	s18 =	sadd.s32 s0, s26;
	s20 =	smax.u32 s2, $0x1;
	[dreg:$0x6] =	wrdreg s21  }
0x11: {  	s22 =	simm.s32 $0x1;
	s24 =	simm.s32 $0x2;
	[dreg:$0x7] =	wrdreg s4  }
0x12: {  	s25 =	simm.s32 $0x1A700;
	s26 =	simm.s32 $0x3;
	[dreg:$0x8] =	wrdreg s23  }
0x13: {  	s19 =	sadd.s32 s0, s1;
	s21 =	simm.s32 $0x18700;
	s23 =	simm.s32 $0x19700  }
.LBB2_1:
0x14: {  	s0 =	rddreg [dreg:$0x0]  }
0x15: {  	[tilespmem:s3], [sflag:$0x1] =	stream.linear.gather [hbm4b:s0+s3], $0x186A0, $0x38;
	[tilespmem:$0x1C700] =	vst v63  }
0x16: {  	s4 =	rddreg [dreg:$0x3]  }
0x17: {  	[tilespmem:s21], [sflag:$0x2] =	stream.linear.gather [hbm4b:s4+s3], $0x1000, $0x38;
	[tilespmem:$0x1C700] =	vst v63  }
0x18: {  	_ =	swait.ge [sflag:s22], $0x186A0  }
0x19: {  	[sflag:s22] =	ssyncset.done $0x0  }
0x1a: {  	s5 =	rddreg [dreg:$0x4];
	[sflag:s22] =	ssyncadd.s32 $0xFFFE7960  }
0x1b: {  	[tilespmem:s23], [sflag:$0x3] =	stream.linear.gather [hbm4b:s5+s3], $0x1000, $0x38;
	[tilespmem:$0x1C700] =	vst v63  }
0x1c: {  	_ =	swait.ge [sflag:s24], $0x1000  }
0x1d: {  	s6 =	sand.u32 $0x800, s3;
	s1 =	sand.u32 $0x300, s3;
	[sflag:s24] =	ssyncset.done $0x0  }
0x1e: {  	s0 =	sor.u32 s1, s6;
	[sflag:s24] =	ssyncadd.s32 $0xFFFFF000  }
0x1f: {  	v1 =	vld [tilespmem:s0+$0x18700];
	_ =	sdelay $0x1  }
0x20: {  	v0 =	vld [tilespmem:s0+$0x18780];
	_ =	sdelay $0x2  }
0x21: {  	v2 =	vld [tilespmem:s0+$0x18790]  }
0x22: {  	v3 =	vld [tilespmem:s0+$0x18710]  }
0x23: {  	v4 =	vld [tilespmem:s0+$0x18720]  }
0x24: {  	v1 =	vld.idx.msk [tilespmem:v1+s3+$0x0], $0xffff  }
0x25: {  	v5 =	vld [tilespmem:s0+$0x18730]  }
0x26: {  	v0 =	vld.idx.msk [tilespmem:v0+s3+$0x0], $0xffff  }
0x27: {  	v6 =	vld [tilespmem:s0+$0x18740]  }
0x28: {  	v7 =	vld [tilespmem:s0+$0x18750]  }
0x29: {  	v8 =	vld [tilespmem:s0+$0x18760];
	[tilespmem:s0+$0x1A700] =	vst v1  }
0x2a: {  	v1 =	vld.idx.msk [tilespmem:v3+s3+$0x0], $0xffff  }
0x2b: {  	s7 =	simm.s32 $0x100;
	s2 =	simm.s32 $0x200;
	[tilespmem:s0+$0x1A780] =	vst v0;
	v0 =	vld [tilespmem:s0+$0x187A0]  }
0x2c: {  	s2 =	sand.u32 $0x800, s2;
	s1 =	sand.u32 $0x300, s7;
	v9 =	vld [tilespmem:s0+$0x18770]  }
0x2d: {  	s2 =	sor.u32 s1, s2;
	v2 =	vld.idx.msk [tilespmem:v2+s3+$0x0], $0xffff  }
0x2e: {  	v11 =	vld [tilespmem:s2+$0x18710]  }
0x2f: {  	v12 =	vld [tilespmem:s2+$0x18720];
	[tilespmem:s0+$0x1A710] =	vst v1  }
0x30: {  	v1 =	vld.idx.msk [tilespmem:v4+s3+$0x0], $0xffff  }
0x31: {  	v13 =	vld [tilespmem:s2+$0x18730]  }
0x32: {  	[tilespmem:s0+$0x1A790] =	vst v2;
	v2 =	vld [tilespmem:s0+$0x187B0]  }
0x33: {  	v0 =	vld.idx.msk [tilespmem:v0+s3+$0x0], $0xffff  }
0x34: {  	v14 =	vld [tilespmem:s2+$0x18790]  }
0x35: {  	v15 =	vld [tilespmem:s2+$0x18740];
	[tilespmem:s0+$0x1A720] =	vst v1  }
0x36: {  	v1 =	vld.idx.msk [tilespmem:v5+s3+$0x0], $0xffff  }
0x37: {  	v16 =	vld [tilespmem:s2+$0x18750]  }
0x38: {  	s8 =	simm.s32 $0x200;
	s4 =	simm.s32 $0x400;
	[tilespmem:s0+$0x1A7A0] =	vst v0;
	v0 =	vld [tilespmem:s0+$0x187C0]  }
0x39: {  	s1 =	sand.u32 $0x300, s8;
	s4 =	sand.u32 $0x800, s4;
	v17 =	vld [tilespmem:s2+$0x18770]  }
0x3a: {  	s1 =	sor.u32 s1, s4;
	v2 =	vld.idx.msk [tilespmem:v2+s3+$0x0], $0xffff  }
0x3b: {  	v18 =	vld [tilespmem:s1+$0x18730];
	[tilespmem:s0+$0x1A730] =	vst v1  }
0x3c: {  	v6 =	vld.idx.msk [tilespmem:v6+s3+$0x0], $0xffff  }
0x3d: {  	v19 =	vld [tilespmem:s1+$0x18790]  }
0x3e: {  	v3 =	vld [tilespmem:s0+$0x187D0]  }
0x3f: {  	v20 =	vld [tilespmem:s1+$0x18740];
	[tilespmem:s0+$0x1A7B0] =	vst v2  }
0x40: {  	v0 =	vld.idx.msk [tilespmem:v0+s3+$0x0], $0xffff  }
0x41: {  	s9 =	simm.s32 $0x300;
	s5 =	simm.s32 $0x600;
	v21 =	vld [tilespmem:s1+$0x18750];
	[tilespmem:s0+$0x1A740] =	vst v6  }
0x42: {  	s4 =	sand.u32 $0x300, s9;
	s5 =	sand.u32 $0x800, s5;
	v6 =	vld.idx.msk [tilespmem:v7+s3+$0x0], $0xffff  }
0x43: {  	s4 =	sor.u32 s4, s5;
	v22 =	vld [tilespmem:s1+$0x18770]  }
0x44: {  	v61 =	vld [tilespmem:s4+$0x18740]  }
0x45: {  	v23 =	vld [tilespmem:s4+$0x18750];
	[tilespmem:s0+$0x1A7C0] =	vst v0  }
0x46: {  	v10 =	vld.idx.msk [tilespmem:v3+s3+$0x0], $0xffff  }
0x47: {  	v0 =	vld [tilespmem:s0+$0x187E0];
	[tilespmem:s0+$0x1A750] =	vst v6  }
0x48: {  	v6 =	vld.idx.msk [tilespmem:v8+s3+$0x0], $0xffff  }
0x49: {  	v8 =	vld [tilespmem:s2+$0x18780]  }
0x4a: {  	v24 =	vld [tilespmem:s1+$0x18BA0]  }
0x4b: {  	[tilespmem:s0+$0x1A7D0] =	vst v10;
	v10 =	vld [tilespmem:s2+$0x18700]  }
0x4c: {  	v63 =	vld [tilespmem:s4+$0x187C0]  }
0x4d: {  	v4 =	vld [tilespmem:s0+$0x18B00]  }
0x4e: {  	v5 =	vld [tilespmem:s0+$0x18B10]  }
0x4f: {  	v7 =	vld [tilespmem:s0+$0x187F0]  }
0x50: {  	v0 =	vld.idx.msk [tilespmem:v0+s3+$0x0], $0xffff  }
0x51: {  	v8 =	vld.idx.msk [tilespmem:v8+s3+$0x0], $0xffff  }
0x52: {  	v1 =	vld [tilespmem:s0+$0x18B20]  }
0x53: {  	v10 =	vld.idx.msk [tilespmem:v10+s3+$0x0], $0xffff  }
0x54: {  	v2 =	vld [tilespmem:s0+$0x18B30]  }
0x55: {  	[tilespmem:s0+$0x1A7E0] =	vst v0;
	v0 =	vld [tilespmem:s0+$0x18B80]  }
0x56: {  	[tilespmem:s2+$0x1A780] =	vst v8;
	v8 =	vld [tilespmem:s2+$0x187A0]  }
0x57: {  	v7 =	vld.idx.msk [tilespmem:v7+s3+$0x0], $0xffff  }
0x58: {  	[tilespmem:s2+$0x1A700] =	vst v10;
	v10 =	vld.idx.msk [tilespmem:v14+s3+$0x0], $0xffff  }
0x59: {  	v3 =	vld [tilespmem:s0+$0x18B38];
	[tilespmem:s0+$0x1A760] =	vst v6  }
0x5a: {  	v9 =	vld.idx.msk [tilespmem:v9+s3+$0x0], $0xffff  }
0x5b: {  	v11 =	vld.idx.msk [tilespmem:v11+s3+$0x0], $0xffff  }
0x5c: {  	[tilespmem:s0+$0x1A7F0] =	vst v7;
	v7 =	vld [tilespmem:s0+$0x18B90]  }
0x5d: {  	[tilespmem:s2+$0x1A790] =	vst v10;
	v10 =	vld [tilespmem:s2+$0x187B0]  }
0x5e: {  	v8 =	vld.idx.msk [tilespmem:v8+s3+$0x0], $0xffff  }
0x5f: {  	[tilespmem:s0+$0x1A770] =	vst v9;
	v0 =	vld.idx.msk [tilespmem:v0+s3+$0x0], $0xffff  }
0x60: {  	v9 =	vld [tilespmem:s2+$0x18B30];
	[tilespmem:s2+$0x1A710] =	vst v11  }
0x61: {  	v6 =	vld.idx.msk [tilespmem:v12+s3+$0x0], $0xffff  }
0x62: {  	v4 =	vld.idx.msk [tilespmem:v4+s3+$0x0], $0xffff  }
0x63: {  	[tilespmem:s2+$0x1A7A0] =	vst v8;
	v8 =	vld [tilespmem:s2+$0x187C0]  }
0x64: {  	[tilespmem:s0+$0x1AB80] =	vst v0;
	v0 =	vld [tilespmem:s0+$0x18BA0]  }
0x65: {  	v10 =	vld.idx.msk [tilespmem:v10+s3+$0x0], $0xffff  }
0x66: {  	v7 =	vld.idx.msk [tilespmem:v7+s3+$0x0], $0xffff;
	[tilespmem:s2+$0x1A720] =	vst v6  }
0x67: {  	v6 =	vld.idx.msk [tilespmem:v13+s3+$0x0], $0xffff  }
0x68: {  	v14 =	vld [tilespmem:s2+$0x18760];
	[tilespmem:s0+$0x1AB00] =	vst v4  }
0x69: {  	v5 =	vld.idx.msk [tilespmem:v5+s3+$0x0], $0xffff  }
0x6a: {  	[tilespmem:s2+$0x1A7B0] =	vst v10;
	v10 =	vld [tilespmem:s2+$0x187D0]  }
0x6b: {  	[tilespmem:s0+$0x1AB90] =	vst v7;
	v8 =	vld.idx.msk [tilespmem:v8+s3+$0x0], $0xffff  }
0x6c: {  	v7 =	vld [tilespmem:s0+$0x18BB0];
	[tilespmem:s2+$0x1A730] =	vst v6  }
0x6d: {  	v6 =	vld.idx.msk [tilespmem:v15+s3+$0x0], $0xffff  }
0x6e: {  	v12 =	vld [tilespmem:s2+$0x18B00]  }
0x6f: {  	v0 =	vld.idx.msk [tilespmem:v0+s3+$0x0], $0xffff  }
0x70: {  	[tilespmem:s2+$0x1A7C0] =	vst v8;
	v8 =	vld [tilespmem:s2+$0x187E0]  }
0x71: {  	v13 =	vld [tilespmem:s2+$0x18B10]  }
0x72: {  	[tilespmem:s2+$0x1A740] =	vst v6;
	v10 =	vld.idx.msk [tilespmem:v10+s3+$0x0], $0xffff  }
0x73: {  	v4 =	vld.idx.msk [tilespmem:v16+s3+$0x0], $0xffff  }
0x74: {  	v15 =	vld [tilespmem:s2+$0x18B20];
	[tilespmem:s0+$0x1ABA0] =	vst v0  }
0x75: {  	v7 =	vld.idx.msk [tilespmem:v7+s3+$0x0], $0xffff  }
0x76: {  	v6 =	vld [tilespmem:s2+$0x187F0]  }
0x77: {  	[tilespmem:s2+$0x1A7D0] =	vst v10;
	v10 =	vld [tilespmem:s1+$0x18700]  }
0x78: {  	[tilespmem:s2+$0x1A750] =	vst v4;
	v4 =	vld.idx.msk [tilespmem:v8+s3+$0x0], $0xffff  }
0x79: {  	v0 =	vld [tilespmem:s0+$0x18BB8]  }
0x7a: {  	[tilespmem:s0+$0x1ABB0] =	vst v7;
	v7 =	vld.idx.msk [tilespmem:v14+s3+$0x0], $0xffff  }
0x7b: {  	v8 =	vld [tilespmem:s1+$0x18780]  }
0x7c: {  	v14 =	vld [tilespmem:s1+$0x18710]  }
0x7d: {  	[tilespmem:s2+$0x1A7E0] =	vst v4;
	v4 =	vld [tilespmem:s2+$0x18B80]  }
0x7e: {  	v6 =	vld.idx.msk [tilespmem:v6+s3+$0x0], $0xffff  }
0x7f: {  	v10 =	vld.idx.msk [tilespmem:v10+s3+$0x0], $0xffff  }
0x80: {  	v16 =	vld [tilespmem:s1+$0x18720]  }
0x81: {  	v11 =	vld.idx.msk [tilespmem:v0+s3+$0x0], $0xffff  }
0x82: {  	v0 =	vld [tilespmem:s2+$0x18B38]  }
0x83: {  	v8 =	vld.idx.msk [tilespmem:v8+s3+$0x0], $0xffff;
	[tilespmem:s2+$0x1A7F0] =	vst v6  }
0x84: {  	v6 =	vld [tilespmem:s2+$0x18B90];
	[tilespmem:s1+$0x1A700] =	vst v10  }
0x85: {  	v14 =	vld.idx.msk [tilespmem:v14+s3+$0x0], $0xffff  }
0x86: {  	v4 =	vld.idx.msk [tilespmem:v4+s3+$0x0], $0xffff  }
0x87: {  	[tilespmem:s0+$0x1ABB8] =	vst v11;
	v11 =	vld [tilespmem:s4+$0x18B38]  }
0x88: {  	[tilespmem:s1+$0x1A780] =	vst v8;
	v8 =	vld [tilespmem:s1+$0x187A0]  }
0x89: {  	[tilespmem:s2+$0x1A760] =	vst v7;
	v10 =	vld.idx.msk [tilespmem:v19+s3+$0x0], $0xffff  }
0x8a: {  	[tilespmem:s1+$0x1A710] =	vst v14;
	v14 =	vld.idx.msk [tilespmem:v17+s3+$0x0], $0xffff  }
0x8b: {  	[tilespmem:s2+$0x1AB80] =	vst v4;
	v4 =	vld [tilespmem:s2+$0x18BA0]  }
0x8c: {  	v7 =	vld.idx.msk [tilespmem:v16+s3+$0x0], $0xffff  }
0x8d: {  	v6 =	vld.idx.msk [tilespmem:v6+s3+$0x0], $0xffff  }
0x8e: {  	[tilespmem:s1+$0x1A790] =	vst v10;
	v10 =	vld [tilespmem:s1+$0x187B0]  }
0x8f: {  	v19 =	vld [tilespmem:s1+$0x18760]  }
0x90: {  	v8 =	vld.idx.msk [tilespmem:v8+s3+$0x0], $0xffff  }
0x91: {  	v16 =	vld [tilespmem:s1+$0x18B00];
	[tilespmem:s2+$0x1A770] =	vst v14  }
0x92: {  	[tilespmem:s1+$0x1A720] =	vst v7;
	v7 =	vld.idx.msk [tilespmem:v12+s3+$0x0], $0xffff  }
0x93: {  	[tilespmem:s2+$0x1AB90] =	vst v6;
	v6 =	vld [tilespmem:s2+$0x18BB0]  }
0x94: {  	v4 =	vld.idx.msk [tilespmem:v4+s3+$0x0], $0xffff  }
0x95: {  	[tilespmem:s1+$0x1A7A0] =	vst v8;
	v8 =	vld [tilespmem:s1+$0x187C0]  }
0x96: {  	[tilespmem:s0+$0x1AB10] =	vst v5;
	v5 =	vld.idx.msk [tilespmem:v10+s3+$0x0], $0xffff  }
0x97: {  	v10 =	vld.idx.msk [tilespmem:v1+s3+$0x0], $0xffff  }
0x98: {  	v1 =	vld.idx.msk [tilespmem:v18+s3+$0x0], $0xffff;
	[tilespmem:s2+$0x1AB00] =	vst v7  }
0x99: {  	v7 =	vld.idx.msk [tilespmem:v13+s3+$0x0], $0xffff  }
0x9a: {  	[tilespmem:s2+$0x1ABA0] =	vst v4;
	v4 =	vld [tilespmem:s2+$0x18BB8]  }
0x9b: {  	[tilespmem:s1+$0x1A7B0] =	vst v5;
	v5 =	vld [tilespmem:s1+$0x187D0]  }
0x9c: {  	v6 =	vld.idx.msk [tilespmem:v6+s3+$0x0], $0xffff  }
0x9d: {  	v8 =	vld.idx.msk [tilespmem:v8+s3+$0x0], $0xffff  }
0x9e: {  	v12 =	vld [tilespmem:s1+$0x18B10];
	[tilespmem:s1+$0x1A730] =	vst v1  }
0x9f: {  	v14 =	vld.idx.msk [tilespmem:v20+s3+$0x0], $0xffff  }
0xa0: {  	v13 =	vld [tilespmem:s1+$0x18B20];
	[tilespmem:s2+$0x1AB10] =	vst v7  }
0xa1: {  	v7 =	vld [tilespmem:s4+$0x18780];
	[tilespmem:s2+$0x1ABB0] =	vst v6  }
0xa2: {  	[tilespmem:s1+$0x1A7C0] =	vst v8;
	v8 =	vld [tilespmem:s1+$0x187E0]  }
0xa3: {  	v17 =	vld.idx.msk [tilespmem:v4+s3+$0x0], $0xffff  }
0xa4: {  	[tilespmem:s1+$0x1A740] =	vst v14;
	v5 =	vld.idx.msk [tilespmem:v5+s3+$0x0], $0xffff  }
0xa5: {  	v4 =	vld.idx.msk [tilespmem:v21+s3+$0x0], $0xffff  }
0xa6: {  	v1 =	vld [tilespmem:s1+$0x18B30]  }
0xa7: {  	[tilespmem:s0+$0x1AB20] =	vst v10;
	v10 =	vld [tilespmem:s4+$0x18710]  }
0xa8: {  	v60 =	vld.idx.msk [tilespmem:v2+s3+$0x0], $0xffff  }
0xa9: {  	[tilespmem:s1+$0x1A7D0] =	vst v5;
	v5 =	vld [tilespmem:s1+$0x187F0]  }
0xaa: {  	[tilespmem:s1+$0x1A750] =	vst v4;
	v4 =	vld.idx.msk [tilespmem:v8+s3+$0x0], $0xffff  }
0xab: {  	v8 =	vld [tilespmem:s4+$0x18700]  }
0xac: {  	v2 =	vld [tilespmem:s1+$0x18B38]  }
0xad: {  	v7 =	vld.idx.msk [tilespmem:v7+s3+$0x0], $0xffff  }
0xae: {  	v6 =	vld.idx.msk [tilespmem:v19+s3+$0x0], $0xffff  }
0xaf: {  	[tilespmem:s1+$0x1A7E0] =	vst v4;
	v4 =	vld [tilespmem:s1+$0x18B80]  }
0xb0: {  	v19 =	vld [tilespmem:s4+$0x18790]  }
0xb1: {  	v5 =	vld.idx.msk [tilespmem:v5+s3+$0x0], $0xffff  }
0xb2: {  	v18 =	vld.idx.msk [tilespmem:v15+s3+$0x0], $0xffff  }
0xb3: {  	v8 =	vld.idx.msk [tilespmem:v8+s3+$0x0], $0xffff  }
0xb4: {  	v15 =	vld [tilespmem:s4+$0x18730]  }
0xb5: {  	[tilespmem:s4+$0x1A780] =	vst v7;
	v7 =	vld [tilespmem:s4+$0x187A0]  }
0xb6: {  	[tilespmem:s1+$0x1A7F0] =	vst v5;
	v5 =	vld [tilespmem:s1+$0x18B90]  }
0xb7: {  	v4 =	vld.idx.msk [tilespmem:v4+s3+$0x0], $0xffff  }
0xb8: {  	[tilespmem:s4+$0x1A700] =	vst v8;
	v8 =	vld.idx.msk [tilespmem:v19+s3+$0x0], $0xffff  }
0xb9: {  	v14 =	vld [tilespmem:s4+$0x18720]  }
0xba: {  	v19 =	vld.idx.msk [tilespmem:v10+s3+$0x0], $0xffff  }
0xbb: {  	v10 =	vld [tilespmem:s4+$0x18760]  }
0xbc: {  	[tilespmem:s1+$0x1AB80] =	vst v4;
	v4 =	vld [tilespmem:s4+$0x18770]  }
0xbd: {  	[tilespmem:s4+$0x1A790] =	vst v8;
	v8 =	vld [tilespmem:s4+$0x187B0]  }
0xbe: {  	v5 =	vld.idx.msk [tilespmem:v5+s3+$0x0], $0xffff  }
0xbf: {  	v7 =	vld.idx.msk [tilespmem:v7+s3+$0x0], $0xffff  }
0xc0: {  	[tilespmem:s4+$0x1A710] =	vst v19;
	v19 =	vld [tilespmem:s1+$0x18BB0]  }
0xc1: {  	[tilespmem:s1+$0x1A760] =	vst v6;
	v6 =	vld.idx.msk [tilespmem:v14+s3+$0x0], $0xffff  }
0xc2: {  	v14 =	vld.idx.msk [tilespmem:v22+s3+$0x0], $0xffff  }
0xc3: {  	[tilespmem:s1+$0x1AB90] =	vst v5;
	v5 =	vld [tilespmem:s4+$0x18B00]  }
0xc4: {  	v62 =	vld.idx.msk [tilespmem:v24+s3+$0x0], $0xffff  }
0xc5: {  	[tilespmem:s4+$0x1A7A0] =	vst v7;
	v7 =	vld [tilespmem:s4+$0x18B10]  }
0xc6: {  	[tilespmem:s4+$0x1A720] =	vst v6;
	v6 =	vld.idx.msk [tilespmem:v8+s3+$0x0], $0xffff  }
0xc7: {  	[tilespmem:s1+$0x1A770] =	vst v14;
	v8 =	vld.idx.msk [tilespmem:v15+s3+$0x0], $0xffff  }
0xc8: {  	v14 =	vld.idx.msk [tilespmem:v16+s3+$0x0], $0xffff  }
0xc9: {  	v15 =	vld [tilespmem:s1+$0x18BB8];
	[tilespmem:s1+$0x1ABA0] =	vst v62  }
0xca: {  	v16 =	vld.idx.msk [tilespmem:v19+s3+$0x0], $0xffff  }
0xcb: {  	[tilespmem:s4+$0x1A7B0] =	vst v6;
	v19 =	vld [tilespmem:s4+$0x187D0]  }
0xcc: {  	[tilespmem:s4+$0x1A730] =	vst v8;
	v8 =	vld [tilespmem:s4+$0x18B20]  }
0xcd: {  	v6 =	vld.idx.msk [tilespmem:v63+s3+$0x0], $0xffff  }
0xce: {  	[tilespmem:s1+$0x1AB00] =	vst v14;
	v21 =	vld.idx.msk [tilespmem:v61+s3+$0x0], $0xffff  }
0xcf: {  	v12 =	vld.idx.msk [tilespmem:v12+s3+$0x0], $0xffff  }
0xd0: {  	v14 =	vld [tilespmem:s4+$0x187E0];
	[tilespmem:s1+$0x1ABB0] =	vst v16  }
0xd1: {  	[tilespmem:s0+$0x1AB30] =	vst v60;
	v16 =	vld.idx.msk [tilespmem:v15+s3+$0x0], $0xffff  }
0xd2: {  	[tilespmem:s4+$0x1A7C0] =	vst v6;
	v6 =	vld [tilespmem:s4+$0x18B30]  }
0xd3: {  	[tilespmem:s4+$0x1A740] =	vst v21;
	v19 =	vld.idx.msk [tilespmem:v19+s3+$0x0], $0xffff  }
0xd4: {  	[tilespmem:s1+$0x1AB10] =	vst v12;
	v15 =	vld.idx.msk [tilespmem:v23+s3+$0x0], $0xffff  }
0xd5: {  	[tilespmem:s2+$0x1AB20] =	vst v18;
	v13 =	vld.idx.msk [tilespmem:v13+s3+$0x0], $0xffff  }
0xd6: {  	[tilespmem:s2+$0x1ABB8] =	vst v17;
	v12 =	vld.idx.msk [tilespmem:v9+s3+$0x0], $0xffff  }
0xd7: {  	v9 =	vld.idx.msk [tilespmem:v3+s3+$0x0], $0xffff;
	[tilespmem:s1+$0x1ABB8] =	vst v16  }
0xd8: {  	s6 =	simm.s32 $0x400;
	s7 =	simm.s32 $0x800;
	s5 =	simm.s32 $0x6;
	v16 =	vld [tilespmem:s4+$0x187F0];
	[tilespmem:s4+$0x1A7D0] =	vst v19  }
.LBB2_2:
0xd9: {  	s8 =	sand.u32 $0x800, s7;
	s9 =	sand.u32 $0x300, s6;
	s5 =	sadd.s32 $0x2, s5;
	[tilespmem:s4+$0x1A750] =	vst v15;
	v14 =	vld.idx.msk [tilespmem:v14+s3+$0x0], $0xffff  }
0xda: {  	s8 =	sor.u32 s9, s8;
	p0 =	slt.u32 s5, $0xE;
	v10 =	vld.idx.msk [tilespmem:v10+s3+$0x0], $0xffff;
	[tilespmem:s1+$0x1AB20] =	vst v13  }
0xdb: {  	v13 =	vld [tilespmem:s8+$0x18780];
	[tilespmem:s2+$0x1AB30] =	vst v12;
	v3 =	vmov v11  }
0xdc: {  	v11 =	vld [tilespmem:s8+$0x18700]  }
0xdd: {  	v12 =	vld [tilespmem:s8+$0x18710];
	[tilespmem:s0+$0x1AB38] =	vst v9;
	s0 =	smov.u32 s2;
	s2 =	smov.u32 s1;
	s1 =	smov.u32 s4  }
0xde: {  	s4 =	smov.u32 s8;
	v9 =	vld [tilespmem:s8+$0x18720]  }
0xdf: {  	[tilespmem:s1+$0x1A7E0] =	vst v14;
	v14 =	vld [tilespmem:s1+$0x18B80]  }
0xe0: {  	[tilespmem:s1+$0x1A760] =	vst v10;
	v10 =	vld.idx.msk [tilespmem:v16+s3+$0x0], $0xffff  }
0xe1: {  	v15 =	vld [tilespmem:s4+$0x18730]  }
0xe2: {  	v16 =	vld [tilespmem:s4+$0x18790]  }
0xe3: {  	v13 =	vld.idx.msk [tilespmem:v13+s3+$0x0], $0xffff  }
0xe4: {  	v11 =	vld.idx.msk [tilespmem:v11+s3+$0x0], $0xffff  }
0xe5: {  	v17 =	vld [tilespmem:s4+$0x18740]  }
0xe6: {  	[tilespmem:s1+$0x1A7F0] =	vst v10;
	v18 =	vld [tilespmem:s1+$0x18B90]  }
0xe7: {  	v14 =	vld.idx.msk [tilespmem:v14+s3+$0x0], $0xffff  }
0xe8: {  	v19 =	vld [tilespmem:s4+$0x18750]  }
0xe9: {  	[tilespmem:s4+$0x1A780] =	vst v13;
	v13 =	vld [tilespmem:s4+$0x187A0]  }
0xea: {  	[tilespmem:s4+$0x1A700] =	vst v11;
	v11 =	vld.idx.msk [tilespmem:v16+s3+$0x0], $0xffff  }
0xeb: {  	v12 =	vld.idx.msk [tilespmem:v12+s3+$0x0], $0xffff  }
0xec: {  	v10 =	vld [tilespmem:s4+$0x18760]  }
0xed: {  	[tilespmem:s1+$0x1AB80] =	vst v14;
	v14 =	vld [tilespmem:s1+$0x18BA0]  }
0xee: {  	v16 =	vld.idx.msk [tilespmem:v18+s3+$0x0], $0xffff  }
0xef: {  	v18 =	vld [tilespmem:s4+$0x18770]  }
0xf0: {  	[tilespmem:s4+$0x1A790] =	vst v11;
	v11 =	vld [tilespmem:s4+$0x187B0]  }
0xf1: {  	[tilespmem:s4+$0x1A710] =	vst v12;
	v12 =	vld.idx.msk [tilespmem:v13+s3+$0x0], $0xffff  }
0xf2: {  	v9 =	vld.idx.msk [tilespmem:v9+s3+$0x0], $0xffff  }
0xf3: {  	v13 =	vld.idx.msk [tilespmem:v4+s3+$0x0], $0xffff  }
0xf4: {  	[tilespmem:s1+$0x1AB90] =	vst v16;
	v16 =	vld [tilespmem:s1+$0x18BB0];
	v4 =	vmov v18  }
0xf5: {  	v14 =	vld.idx.msk [tilespmem:v14+s3+$0x0], $0xffff  }
0xf6: {  	v18 =	vld [tilespmem:s4+$0x18B00]  }
0xf7: {  	[tilespmem:s4+$0x1A7A0] =	vst v12;
	v12 =	vld [tilespmem:s4+$0x187C0]  }
0xf8: {  	[tilespmem:s4+$0x1A720] =	vst v9;
	v9 =	vld.idx.msk [tilespmem:v11+s3+$0x0], $0xffff  }
0xf9: {  	v11 =	vld.idx.msk [tilespmem:v15+s3+$0x0], $0xffff;
	[tilespmem:s1+$0x1A770] =	vst v13  }
0xfa: {  	v13 =	vld.idx.msk [tilespmem:v5+s3+$0x0], $0xffff  }
0xfb: {  	[tilespmem:s1+$0x1ABA0] =	vst v14;
	v14 =	vld [tilespmem:s1+$0x18BB8];
	v5 =	vmov v18  }
0xfc: {  	v15 =	vld.idx.msk [tilespmem:v16+s3+$0x0], $0xffff  }
0xfd: {  	v16 =	vld [tilespmem:s4+$0x18B10]  }
0xfe: {  	[tilespmem:s4+$0x1A7B0] =	vst v9;
	v9 =	vld [tilespmem:s4+$0x187D0]  }
0xff: {  	[tilespmem:s4+$0x1A730] =	vst v11;
	v11 =	vld.idx.msk [tilespmem:v12+s3+$0x0], $0xffff  }
0x100: {  	v12 =	vld.idx.msk [tilespmem:v17+s3+$0x0], $0xffff;
	[tilespmem:s1+$0x1AB00] =	vst v13  }
0x101: {  	v13 =	vld.idx.msk [tilespmem:v7+s3+$0x0], $0xffff  }
0x102: {  	v17 =	vld [tilespmem:s4+$0x18B20];
	[tilespmem:s1+$0x1ABB0] =	vst v15;
	v7 =	vmov v16  }
0x103: {  	v16 =	vld.idx.msk [tilespmem:v14+s3+$0x0], $0xffff  }
0x104: {  	v18 =	vld [tilespmem:s4+$0x18B30]  }
0x105: {  	[tilespmem:s4+$0x1A7C0] =	vst v11;
	v14 =	vld [tilespmem:s4+$0x187E0]  }
0x106: {  	[tilespmem:s4+$0x1A740] =	vst v12;
	v20 =	vld.idx.msk [tilespmem:v9+s3+$0x0], $0xffff  }
0x107: {  	v15 =	vld.idx.msk [tilespmem:v19+s3+$0x0], $0xffff;
	[tilespmem:s1+$0x1AB10] =	vst v13  }
.Ltmp0:
0x108: {  	v13 =	vld.idx.msk [tilespmem:v8+s3+$0x0], $0xffff;
	v8 =	vmov v17;
	(pc) =	sbr.rel @p0 .LBB2_2-.Ltmp0, $4  }
0x109: {  	[tilespmem:s1+$0x1ABB8] =	vst v16;
	v12 =	vld.idx.msk [tilespmem:v1+s3+$0x0], $0xffff;
	v1 =	vmov v6;
	v6 =	vmov v18  }
0x10a: {  	v11 =	vld [tilespmem:s4+$0x18B38]  }
0x10b: {  	v9 =	vld.idx.msk [tilespmem:v0+s3+$0x0], $0xffff;
	v0 =	vmov v2;
	v2 =	vmov v3  }
0x10c: {  	s6 =	sadd.s32 $0x100, s6;
	s7 =	sadd.s32 $0x200, s7;
	[tilespmem:s4+$0x1A7D0] =	vst v20;
	v16 =	vld [tilespmem:s4+$0x187F0]  }
0x10d: {  	_ =	sdelay $0x3  }
0x10e: {  	v3 =	vld.idx.msk [tilespmem:v14+s3+$0x0], $0xffff;
	_ =	sdelay $0x2  }
0x10f: {  	[tilespmem:s4+$0x1A750] =	vst v15  }
0x110: {  	v10 =	vld.idx.msk [tilespmem:v10+s3+$0x0], $0xffff  }
0x111: {  	[tilespmem:s4+$0x1A7E0] =	vst v3;
	v3 =	vld [tilespmem:s4+$0x18B80];
	_ =	sdelay $0x1  }
0x112: {  	v14 =	vld.idx.msk [tilespmem:v16+s3+$0x0], $0xffff;
	_ =	sdelay $0x2  }
0x113: {  	[tilespmem:s4+$0x1A760] =	vst v10  }
0x114: {  	v4 =	vld.idx.msk [tilespmem:v4+s3+$0x0], $0xffff  }
0x115: {  	[tilespmem:s4+$0x1A7F0] =	vst v14;
	v14 =	vld [tilespmem:s4+$0x18B90]  }
0x116: {  	v3 =	vld.idx.msk [tilespmem:v3+s3+$0x0], $0xffff;
	_ =	sdelay $0x3  }
0x117: {  	[tilespmem:s4+$0x1A770] =	vst v4  }
0x118: {  	[tilespmem:s4+$0x1AB80] =	vst v3;
	v3 =	vld [tilespmem:s4+$0x18BA0]  }
0x119: {  	v4 =	vld.idx.msk [tilespmem:v5+s3+$0x0], $0xffff  }
0x11a: {  	v10 =	vld.idx.msk [tilespmem:v14+s3+$0x0], $0xffff;
	_ =	sdelay $0x3  }
0x11b: {  	[tilespmem:s4+$0x1AB00] =	vst v4  }
0x11c: {  	v4 =	vld.idx.msk [tilespmem:v7+s3+$0x0], $0xffff;
	[tilespmem:s4+$0x1AB90] =	vst v10  }
0x11d: {  	v3 =	vld.idx.msk [tilespmem:v3+s3+$0x0], $0xffff;
	_ =	sdelay $0x1  }
0x11e: {  	v5 =	vld [tilespmem:s4+$0x18BB0];
	_ =	sdelay $0x1  }
0x11f: {  	[tilespmem:s4+$0x1AB10] =	vst v4  }
0x120: {  	[tilespmem:s4+$0x1ABA0] =	vst v3;
	v3 =	vld.idx.msk [tilespmem:v8+s3+$0x0], $0xffff;
	_ =	sdelay $0x2  }
0x121: {  	[tilespmem:s1+$0x1AB20] =	vst v13;
	v4 =	vld [tilespmem:s4+$0x18BB8]  }
0x122: {  	v1 =	vld.idx.msk [tilespmem:v1+s3+$0x0], $0xffff  }
0x123: {  	v5 =	vld.idx.msk [tilespmem:v5+s3+$0x0], $0xffff;
	[tilespmem:s4+$0x1AB20] =	vst v3  }
0x124: {  	v3 =	vld.idx.msk [tilespmem:v6+s3+$0x0], $0xffff;
	_ =	sdelay $0x1  }
0x125: {  	[tilespmem:s2+$0x1AB30] =	vst v12  }
0x126: {  	v0 =	vld.idx.msk [tilespmem:v0+s3+$0x0], $0xffff;
	[tilespmem:s1+$0x1AB30] =	vst v1  }
0x127: {  	v1 =	vld.idx.msk [tilespmem:v2+s3+$0x0], $0xffff;
	[tilespmem:s4+$0x1ABB0] =	vst v5  }
0x128: {  	v4 =	vld.idx.msk [tilespmem:v4+s3+$0x0], $0xffff;
	[tilespmem:s4+$0x1AB30] =	vst v3  }
0x129: {  	v2 =	vld.idx.msk [tilespmem:v11+s3+$0x0], $0xffff  }
0x12a: {  	[tilespmem:s0+$0x1AB38] =	vst v9  }
0x12b: {  	[tilespmem:s2+$0x1AB38] =	vst v0  }
0x12c: {  	[tilespmem:s1+$0x1AB38] =	vst v1  }
0x12d: {  	[tilespmem:s4+$0x1ABB8] =	vst v4  }
0x12e: {  	[tilespmem:s4+$0x1AB38] =	vst v2  }
0x12f: {  	s9 =	simm.s32 $0x0;
	s1 =	rddreg [dreg:$0x5]  }
0x130: {  	[hbm4b:s1+s9] =	stream.linear.scatter [tilespmem:s25], [sflag:$0x4], $0x1000, $0x38;
	[tilespmem:$0x1C700] =	vst v63  }
0x131: {  	s2 =	rddreg [dreg:$0x6]  }
0x132: {  	[tilespmem:s21], [sflag:$0x2] =	stream.linear.gather [hbm4b:s2+s9], $0x1000, $0x38;
	[tilespmem:$0x1C700] =	vst v63  }
0x133: {  	_ =	swait.ge [sflag:s26], $0x1000  }
0x134: {  	s0 =	sand.u32 $0x300, s9;
	s4 =	sand.u32 $0x800, s9;
	[sflag:s26] =	ssyncset.done $0x0  }
0x135: {  	s0 =	sor.u32 s0, s4;
	[sflag:s26] =	ssyncadd.s32 $0xFFFFF000  }
0x136: {  	v1 =	vld [tilespmem:s0+$0x19700];
	_ =	sdelay $0x1  }
0x137: {  	v0 =	vld [tilespmem:s0+$0x19780];
	_ =	sdelay $0x2  }
0x138: {  	v2 =	vld [tilespmem:s0+$0x19790]  }
0x139: {  	v3 =	vld [tilespmem:s0+$0x19710]  }
0x13a: {  	v4 =	vld [tilespmem:s0+$0x19720]  }
0x13b: {  	v1 =	vld.idx.msk [tilespmem:v1+s3+$0x0], $0xffff  }
0x13c: {  	v5 =	vld [tilespmem:s0+$0x19730]  }
0x13d: {  	v0 =	vld.idx.msk [tilespmem:v0+s3+$0x0], $0xffff  }
0x13e: {  	v6 =	vld [tilespmem:s0+$0x19740]  }
0x13f: {  	v7 =	vld [tilespmem:s0+$0x19750]  }
0x140: {  	v8 =	vld [tilespmem:s0+$0x19760];
	[tilespmem:s0+$0x1B700] =	vst v1  }
0x141: {  	v1 =	vld.idx.msk [tilespmem:v3+s3+$0x0], $0xffff  }
0x142: {  	s5 =	simm.s32 $0x100;
	s6 =	simm.s32 $0x200;
	[tilespmem:s0+$0x1B780] =	vst v0;
	v0 =	vld [tilespmem:s0+$0x197A0]  }
0x143: {  	s1 =	sand.u32 $0x300, s5;
	s2 =	sand.u32 $0x800, s6;
	v9 =	vld [tilespmem:s0+$0x19770]  }
0x144: {  	s2 =	sor.u32 s1, s2;
	v2 =	vld.idx.msk [tilespmem:v2+s3+$0x0], $0xffff  }
0x145: {  	v11 =	vld [tilespmem:s2+$0x19710]  }
0x146: {  	v12 =	vld [tilespmem:s2+$0x19720];
	[tilespmem:s0+$0x1B710] =	vst v1  }
0x147: {  	v1 =	vld.idx.msk [tilespmem:v4+s3+$0x0], $0xffff  }
0x148: {  	v13 =	vld [tilespmem:s2+$0x19730]  }
0x149: {  	[tilespmem:s0+$0x1B790] =	vst v2;
	v2 =	vld [tilespmem:s0+$0x197B0]  }
0x14a: {  	v0 =	vld.idx.msk [tilespmem:v0+s3+$0x0], $0xffff  }
0x14b: {  	v14 =	vld [tilespmem:s2+$0x19790]  }
0x14c: {  	v15 =	vld [tilespmem:s2+$0x19740];
	[tilespmem:s0+$0x1B720] =	vst v1  }
0x14d: {  	v1 =	vld.idx.msk [tilespmem:v5+s3+$0x0], $0xffff  }
0x14e: {  	v16 =	vld [tilespmem:s2+$0x19750]  }
0x14f: {  	s7 =	simm.s32 $0x200;
	s8 =	simm.s32 $0x400;
	[tilespmem:s0+$0x1B7A0] =	vst v0;
	v0 =	vld [tilespmem:s0+$0x197C0]  }
0x150: {  	s4 =	sand.u32 $0x800, s8;
	s1 =	sand.u32 $0x300, s7;
	v17 =	vld [tilespmem:s2+$0x19770]  }
0x151: {  	s1 =	sor.u32 s1, s4;
	v2 =	vld.idx.msk [tilespmem:v2+s3+$0x0], $0xffff  }
0x152: {  	v18 =	vld [tilespmem:s1+$0x19730];
	[tilespmem:s0+$0x1B730] =	vst v1  }
0x153: {  	v6 =	vld.idx.msk [tilespmem:v6+s3+$0x0], $0xffff  }
0x154: {  	v19 =	vld [tilespmem:s1+$0x19790]  }
0x155: {  	v3 =	vld [tilespmem:s0+$0x197D0]  }
0x156: {  	v20 =	vld [tilespmem:s1+$0x19740];
	[tilespmem:s0+$0x1B7B0] =	vst v2  }
0x157: {  	v0 =	vld.idx.msk [tilespmem:v0+s3+$0x0], $0xffff  }
0x158: {  	s5 =	simm.s32 $0x600;
	s9 =	simm.s32 $0x300;
	v21 =	vld [tilespmem:s1+$0x19750];
	[tilespmem:s0+$0x1B740] =	vst v6  }
0x159: {  	s5 =	sand.u32 $0x800, s5;
	s4 =	sand.u32 $0x300, s9;
	v6 =	vld.idx.msk [tilespmem:v7+s3+$0x0], $0xffff  }
0x15a: {  	s4 =	sor.u32 s4, s5;
	v22 =	vld [tilespmem:s1+$0x19770]  }
0x15b: {  	v61 =	vld [tilespmem:s4+$0x19740]  }
0x15c: {  	v23 =	vld [tilespmem:s4+$0x19750];
	[tilespmem:s0+$0x1B7C0] =	vst v0  }
0x15d: {  	v10 =	vld.idx.msk [tilespmem:v3+s3+$0x0], $0xffff  }
0x15e: {  	v0 =	vld [tilespmem:s0+$0x197E0];
	[tilespmem:s0+$0x1B750] =	vst v6  }
0x15f: {  	v6 =	vld.idx.msk [tilespmem:v8+s3+$0x0], $0xffff  }
0x160: {  	v8 =	vld [tilespmem:s2+$0x19780]  }
0x161: {  	v24 =	vld [tilespmem:s1+$0x19BA0]  }
0x162: {  	[tilespmem:s0+$0x1B7D0] =	vst v10;
	v10 =	vld [tilespmem:s2+$0x19700]  }
0x163: {  	v63 =	vld [tilespmem:s4+$0x197C0]  }
0x164: {  	v4 =	vld [tilespmem:s0+$0x19B00]  }
0x165: {  	v5 =	vld [tilespmem:s0+$0x19B10]  }
0x166: {  	v7 =	vld [tilespmem:s0+$0x197F0]  }
0x167: {  	v0 =	vld.idx.msk [tilespmem:v0+s3+$0x0], $0xffff  }
0x168: {  	v8 =	vld.idx.msk [tilespmem:v8+s3+$0x0], $0xffff  }
0x169: {  	v1 =	vld [tilespmem:s0+$0x19B20]  }
0x16a: {  	v10 =	vld.idx.msk [tilespmem:v10+s3+$0x0], $0xffff  }
0x16b: {  	v2 =	vld [tilespmem:s0+$0x19B30]  }
0x16c: {  	[tilespmem:s0+$0x1B7E0] =	vst v0;
	v0 =	vld [tilespmem:s0+$0x19B80]  }
0x16d: {  	[tilespmem:s2+$0x1B780] =	vst v8;
	v8 =	vld [tilespmem:s2+$0x197A0]  }
0x16e: {  	v7 =	vld.idx.msk [tilespmem:v7+s3+$0x0], $0xffff  }
0x16f: {  	[tilespmem:s2+$0x1B700] =	vst v10;
	v10 =	vld.idx.msk [tilespmem:v14+s3+$0x0], $0xffff  }
0x170: {  	v3 =	vld [tilespmem:s0+$0x19B38];
	[tilespmem:s0+$0x1B760] =	vst v6  }
0x171: {  	v9 =	vld.idx.msk [tilespmem:v9+s3+$0x0], $0xffff  }
0x172: {  	v11 =	vld.idx.msk [tilespmem:v11+s3+$0x0], $0xffff  }
0x173: {  	[tilespmem:s0+$0x1B7F0] =	vst v7;
	v7 =	vld [tilespmem:s0+$0x19B90]  }
0x174: {  	[tilespmem:s2+$0x1B790] =	vst v10;
	v10 =	vld [tilespmem:s2+$0x197B0]  }
0x175: {  	v8 =	vld.idx.msk [tilespmem:v8+s3+$0x0], $0xffff  }
0x176: {  	[tilespmem:s0+$0x1B770] =	vst v9;
	v0 =	vld.idx.msk [tilespmem:v0+s3+$0x0], $0xffff  }
0x177: {  	v9 =	vld [tilespmem:s2+$0x19B30];
	[tilespmem:s2+$0x1B710] =	vst v11  }
0x178: {  	v6 =	vld.idx.msk [tilespmem:v12+s3+$0x0], $0xffff  }
0x179: {  	v4 =	vld.idx.msk [tilespmem:v4+s3+$0x0], $0xffff  }
0x17a: {  	[tilespmem:s2+$0x1B7A0] =	vst v8;
	v8 =	vld [tilespmem:s2+$0x197C0]  }
0x17b: {  	[tilespmem:s0+$0x1BB80] =	vst v0;
	v0 =	vld [tilespmem:s0+$0x19BA0]  }
0x17c: {  	v10 =	vld.idx.msk [tilespmem:v10+s3+$0x0], $0xffff  }
0x17d: {  	v7 =	vld.idx.msk [tilespmem:v7+s3+$0x0], $0xffff;
	[tilespmem:s2+$0x1B720] =	vst v6  }
0x17e: {  	v6 =	vld.idx.msk [tilespmem:v13+s3+$0x0], $0xffff  }
0x17f: {  	v14 =	vld [tilespmem:s2+$0x19760];
	[tilespmem:s0+$0x1BB00] =	vst v4  }
0x180: {  	v5 =	vld.idx.msk [tilespmem:v5+s3+$0x0], $0xffff  }
0x181: {  	[tilespmem:s2+$0x1B7B0] =	vst v10;
	v10 =	vld [tilespmem:s2+$0x197D0]  }
0x182: {  	[tilespmem:s0+$0x1BB90] =	vst v7;
	v8 =	vld.idx.msk [tilespmem:v8+s3+$0x0], $0xffff  }
0x183: {  	v7 =	vld [tilespmem:s0+$0x19BB0];
	[tilespmem:s2+$0x1B730] =	vst v6  }
0x184: {  	v6 =	vld.idx.msk [tilespmem:v15+s3+$0x0], $0xffff  }
0x185: {  	v12 =	vld [tilespmem:s2+$0x19B00]  }
0x186: {  	v0 =	vld.idx.msk [tilespmem:v0+s3+$0x0], $0xffff  }
0x187: {  	[tilespmem:s2+$0x1B7C0] =	vst v8;
	v8 =	vld [tilespmem:s2+$0x197E0]  }
0x188: {  	v13 =	vld [tilespmem:s2+$0x19B10]  }
0x189: {  	[tilespmem:s2+$0x1B740] =	vst v6;
	v10 =	vld.idx.msk [tilespmem:v10+s3+$0x0], $0xffff  }
0x18a: {  	v4 =	vld.idx.msk [tilespmem:v16+s3+$0x0], $0xffff  }
0x18b: {  	v15 =	vld [tilespmem:s2+$0x19B20];
	[tilespmem:s0+$0x1BBA0] =	vst v0  }
0x18c: {  	v7 =	vld.idx.msk [tilespmem:v7+s3+$0x0], $0xffff  }
0x18d: {  	v6 =	vld [tilespmem:s2+$0x197F0]  }
0x18e: {  	[tilespmem:s2+$0x1B7D0] =	vst v10;
	v10 =	vld [tilespmem:s1+$0x19700]  }
0x18f: {  	[tilespmem:s2+$0x1B750] =	vst v4;
	v4 =	vld.idx.msk [tilespmem:v8+s3+$0x0], $0xffff  }
0x190: {  	v0 =	vld [tilespmem:s0+$0x19BB8]  }
0x191: {  	[tilespmem:s0+$0x1BBB0] =	vst v7;
	v7 =	vld.idx.msk [tilespmem:v14+s3+$0x0], $0xffff  }
0x192: {  	v8 =	vld [tilespmem:s1+$0x19780]  }
0x193: {  	v14 =	vld [tilespmem:s1+$0x19710]  }
0x194: {  	[tilespmem:s2+$0x1B7E0] =	vst v4;
	v4 =	vld [tilespmem:s2+$0x19B80]  }
0x195: {  	v6 =	vld.idx.msk [tilespmem:v6+s3+$0x0], $0xffff  }
0x196: {  	v10 =	vld.idx.msk [tilespmem:v10+s3+$0x0], $0xffff  }
0x197: {  	v16 =	vld [tilespmem:s1+$0x19720]  }
0x198: {  	v11 =	vld.idx.msk [tilespmem:v0+s3+$0x0], $0xffff  }
0x199: {  	v0 =	vld [tilespmem:s2+$0x19B38]  }
0x19a: {  	v8 =	vld.idx.msk [tilespmem:v8+s3+$0x0], $0xffff;
	[tilespmem:s2+$0x1B7F0] =	vst v6  }
0x19b: {  	v6 =	vld [tilespmem:s2+$0x19B90];
	[tilespmem:s1+$0x1B700] =	vst v10  }
0x19c: {  	v14 =	vld.idx.msk [tilespmem:v14+s3+$0x0], $0xffff  }
0x19d: {  	v4 =	vld.idx.msk [tilespmem:v4+s3+$0x0], $0xffff  }
0x19e: {  	[tilespmem:s0+$0x1BBB8] =	vst v11;
	v11 =	vld [tilespmem:s4+$0x19B38]  }
0x19f: {  	[tilespmem:s1+$0x1B780] =	vst v8;
	v8 =	vld [tilespmem:s1+$0x197A0]  }
0x1a0: {  	[tilespmem:s2+$0x1B760] =	vst v7;
	v10 =	vld.idx.msk [tilespmem:v19+s3+$0x0], $0xffff  }
0x1a1: {  	[tilespmem:s1+$0x1B710] =	vst v14;
	v14 =	vld.idx.msk [tilespmem:v17+s3+$0x0], $0xffff  }
0x1a2: {  	[tilespmem:s2+$0x1BB80] =	vst v4;
	v4 =	vld [tilespmem:s2+$0x19BA0]  }
0x1a3: {  	v7 =	vld.idx.msk [tilespmem:v16+s3+$0x0], $0xffff  }
0x1a4: {  	v6 =	vld.idx.msk [tilespmem:v6+s3+$0x0], $0xffff  }
0x1a5: {  	[tilespmem:s1+$0x1B790] =	vst v10;
	v10 =	vld [tilespmem:s1+$0x197B0]  }
0x1a6: {  	v19 =	vld [tilespmem:s1+$0x19760]  }
0x1a7: {  	v8 =	vld.idx.msk [tilespmem:v8+s3+$0x0], $0xffff  }
0x1a8: {  	v16 =	vld [tilespmem:s1+$0x19B00];
	[tilespmem:s2+$0x1B770] =	vst v14  }
0x1a9: {  	[tilespmem:s1+$0x1B720] =	vst v7;
	v7 =	vld.idx.msk [tilespmem:v12+s3+$0x0], $0xffff  }
0x1aa: {  	[tilespmem:s2+$0x1BB90] =	vst v6;
	v6 =	vld [tilespmem:s2+$0x19BB0]  }
0x1ab: {  	v4 =	vld.idx.msk [tilespmem:v4+s3+$0x0], $0xffff  }
0x1ac: {  	[tilespmem:s1+$0x1B7A0] =	vst v8;
	v8 =	vld [tilespmem:s1+$0x197C0]  }
0x1ad: {  	[tilespmem:s0+$0x1BB10] =	vst v5;
	v5 =	vld.idx.msk [tilespmem:v10+s3+$0x0], $0xffff  }
0x1ae: {  	v10 =	vld.idx.msk [tilespmem:v1+s3+$0x0], $0xffff  }
0x1af: {  	v1 =	vld.idx.msk [tilespmem:v18+s3+$0x0], $0xffff;
	[tilespmem:s2+$0x1BB00] =	vst v7  }
0x1b0: {  	v7 =	vld.idx.msk [tilespmem:v13+s3+$0x0], $0xffff  }
0x1b1: {  	[tilespmem:s2+$0x1BBA0] =	vst v4;
	v4 =	vld [tilespmem:s2+$0x19BB8]  }
0x1b2: {  	[tilespmem:s1+$0x1B7B0] =	vst v5;
	v5 =	vld [tilespmem:s1+$0x197D0]  }
0x1b3: {  	v6 =	vld.idx.msk [tilespmem:v6+s3+$0x0], $0xffff  }
0x1b4: {  	v8 =	vld.idx.msk [tilespmem:v8+s3+$0x0], $0xffff  }
0x1b5: {  	v12 =	vld [tilespmem:s1+$0x19B10];
	[tilespmem:s1+$0x1B730] =	vst v1  }
0x1b6: {  	v14 =	vld.idx.msk [tilespmem:v20+s3+$0x0], $0xffff  }
0x1b7: {  	v13 =	vld [tilespmem:s1+$0x19B20];
	[tilespmem:s2+$0x1BB10] =	vst v7  }
0x1b8: {  	v7 =	vld [tilespmem:s4+$0x19780];
	[tilespmem:s2+$0x1BBB0] =	vst v6  }
0x1b9: {  	[tilespmem:s1+$0x1B7C0] =	vst v8;
	v8 =	vld [tilespmem:s1+$0x197E0]  }
0x1ba: {  	v17 =	vld.idx.msk [tilespmem:v4+s3+$0x0], $0xffff  }
0x1bb: {  	[tilespmem:s1+$0x1B740] =	vst v14;
	v5 =	vld.idx.msk [tilespmem:v5+s3+$0x0], $0xffff  }
0x1bc: {  	v4 =	vld.idx.msk [tilespmem:v21+s3+$0x0], $0xffff  }
0x1bd: {  	v1 =	vld [tilespmem:s1+$0x19B30]  }
0x1be: {  	[tilespmem:s0+$0x1BB20] =	vst v10;
	v10 =	vld [tilespmem:s4+$0x19710]  }
0x1bf: {  	v60 =	vld.idx.msk [tilespmem:v2+s3+$0x0], $0xffff  }
0x1c0: {  	[tilespmem:s1+$0x1B7D0] =	vst v5;
	v5 =	vld [tilespmem:s1+$0x197F0]  }
0x1c1: {  	[tilespmem:s1+$0x1B750] =	vst v4;
	v4 =	vld.idx.msk [tilespmem:v8+s3+$0x0], $0xffff  }
0x1c2: {  	v8 =	vld [tilespmem:s4+$0x19700]  }
0x1c3: {  	v2 =	vld [tilespmem:s1+$0x19B38]  }
0x1c4: {  	v7 =	vld.idx.msk [tilespmem:v7+s3+$0x0], $0xffff  }
0x1c5: {  	v6 =	vld.idx.msk [tilespmem:v19+s3+$0x0], $0xffff  }
0x1c6: {  	[tilespmem:s1+$0x1B7E0] =	vst v4;
	v4 =	vld [tilespmem:s1+$0x19B80]  }
0x1c7: {  	v19 =	vld [tilespmem:s4+$0x19790]  }
0x1c8: {  	v5 =	vld.idx.msk [tilespmem:v5+s3+$0x0], $0xffff  }
0x1c9: {  	v18 =	vld.idx.msk [tilespmem:v15+s3+$0x0], $0xffff  }
0x1ca: {  	v8 =	vld.idx.msk [tilespmem:v8+s3+$0x0], $0xffff  }
0x1cb: {  	v15 =	vld [tilespmem:s4+$0x19730]  }
0x1cc: {  	[tilespmem:s4+$0x1B780] =	vst v7;
	v7 =	vld [tilespmem:s4+$0x197A0]  }
0x1cd: {  	[tilespmem:s1+$0x1B7F0] =	vst v5;
	v5 =	vld [tilespmem:s1+$0x19B90]  }
0x1ce: {  	v4 =	vld.idx.msk [tilespmem:v4+s3+$0x0], $0xffff  }
0x1cf: {  	[tilespmem:s4+$0x1B700] =	vst v8;
	v8 =	vld.idx.msk [tilespmem:v19+s3+$0x0], $0xffff  }
0x1d0: {  	v14 =	vld [tilespmem:s4+$0x19720]  }
0x1d1: {  	v19 =	vld.idx.msk [tilespmem:v10+s3+$0x0], $0xffff  }
0x1d2: {  	v10 =	vld [tilespmem:s4+$0x19760]  }
0x1d3: {  	[tilespmem:s1+$0x1BB80] =	vst v4;
	v4 =	vld [tilespmem:s4+$0x19770]  }
0x1d4: {  	[tilespmem:s4+$0x1B790] =	vst v8;
	v8 =	vld [tilespmem:s4+$0x197B0]  }
0x1d5: {  	v5 =	vld.idx.msk [tilespmem:v5+s3+$0x0], $0xffff  }
0x1d6: {  	v7 =	vld.idx.msk [tilespmem:v7+s3+$0x0], $0xffff  }
0x1d7: {  	[tilespmem:s4+$0x1B710] =	vst v19;
	v19 =	vld [tilespmem:s1+$0x19BB0]  }
0x1d8: {  	[tilespmem:s1+$0x1B760] =	vst v6;
	v6 =	vld.idx.msk [tilespmem:v14+s3+$0x0], $0xffff  }
0x1d9: {  	v14 =	vld.idx.msk [tilespmem:v22+s3+$0x0], $0xffff  }
0x1da: {  	[tilespmem:s1+$0x1BB90] =	vst v5;
	v5 =	vld [tilespmem:s4+$0x19B00]  }
0x1db: {  	v62 =	vld.idx.msk [tilespmem:v24+s3+$0x0], $0xffff  }
0x1dc: {  	[tilespmem:s4+$0x1B7A0] =	vst v7;
	v7 =	vld [tilespmem:s4+$0x19B10]  }
0x1dd: {  	[tilespmem:s4+$0x1B720] =	vst v6;
	v6 =	vld.idx.msk [tilespmem:v8+s3+$0x0], $0xffff  }
0x1de: {  	[tilespmem:s1+$0x1B770] =	vst v14;
	v8 =	vld.idx.msk [tilespmem:v15+s3+$0x0], $0xffff  }
0x1df: {  	v14 =	vld.idx.msk [tilespmem:v16+s3+$0x0], $0xffff  }
0x1e0: {  	v15 =	vld [tilespmem:s1+$0x19BB8];
	[tilespmem:s1+$0x1BBA0] =	vst v62  }
0x1e1: {  	v16 =	vld.idx.msk [tilespmem:v19+s3+$0x0], $0xffff  }
0x1e2: {  	[tilespmem:s4+$0x1B7B0] =	vst v6;
	v19 =	vld [tilespmem:s4+$0x197D0]  }
0x1e3: {  	[tilespmem:s4+$0x1B730] =	vst v8;
	v8 =	vld [tilespmem:s4+$0x19B20]  }
0x1e4: {  	v6 =	vld.idx.msk [tilespmem:v63+s3+$0x0], $0xffff  }
0x1e5: {  	[tilespmem:s1+$0x1BB00] =	vst v14;
	v21 =	vld.idx.msk [tilespmem:v61+s3+$0x0], $0xffff  }
0x1e6: {  	v12 =	vld.idx.msk [tilespmem:v12+s3+$0x0], $0xffff  }
0x1e7: {  	v14 =	vld [tilespmem:s4+$0x197E0];
	[tilespmem:s1+$0x1BBB0] =	vst v16  }
0x1e8: {  	[tilespmem:s0+$0x1BB30] =	vst v60;
	v16 =	vld.idx.msk [tilespmem:v15+s3+$0x0], $0xffff  }
0x1e9: {  	[tilespmem:s4+$0x1B7C0] =	vst v6;
	v6 =	vld [tilespmem:s4+$0x19B30]  }
0x1ea: {  	[tilespmem:s4+$0x1B740] =	vst v21;
	v19 =	vld.idx.msk [tilespmem:v19+s3+$0x0], $0xffff  }
0x1eb: {  	[tilespmem:s1+$0x1BB10] =	vst v12;
	v15 =	vld.idx.msk [tilespmem:v23+s3+$0x0], $0xffff  }
0x1ec: {  	[tilespmem:s2+$0x1BB20] =	vst v18;
	v13 =	vld.idx.msk [tilespmem:v13+s3+$0x0], $0xffff  }
0x1ed: {  	[tilespmem:s2+$0x1BBB8] =	vst v17;
	v12 =	vld.idx.msk [tilespmem:v9+s3+$0x0], $0xffff  }
0x1ee: {  	v9 =	vld.idx.msk [tilespmem:v3+s3+$0x0], $0xffff;
	[tilespmem:s1+$0x1BBB8] =	vst v16  }
0x1ef: {  	s6 =	simm.s32 $0x400;
	s7 =	simm.s32 $0x800;
	s5 =	simm.s32 $0x6;
	v16 =	vld [tilespmem:s4+$0x197F0];
	[tilespmem:s4+$0x1B7D0] =	vst v19  }
.LBB2_4:
0x1f0: {  	s8 =	sand.u32 $0x800, s7;
	s9 =	sand.u32 $0x300, s6;
	s5 =	sadd.s32 $0x2, s5;
	[tilespmem:s4+$0x1B750] =	vst v15;
	v14 =	vld.idx.msk [tilespmem:v14+s3+$0x0], $0xffff  }
0x1f1: {  	s8 =	sor.u32 s9, s8;
	p0 =	slt.u32 s5, $0xE;
	v10 =	vld.idx.msk [tilespmem:v10+s3+$0x0], $0xffff;
	[tilespmem:s1+$0x1BB20] =	vst v13  }
0x1f2: {  	v13 =	vld [tilespmem:s8+$0x19780];
	[tilespmem:s2+$0x1BB30] =	vst v12;
	v3 =	vmov v11  }
0x1f3: {  	v11 =	vld [tilespmem:s8+$0x19700]  }
0x1f4: {  	v12 =	vld [tilespmem:s8+$0x19710];
	[tilespmem:s0+$0x1BB38] =	vst v9;
	s0 =	smov.u32 s2;
	s2 =	smov.u32 s1;
	s1 =	smov.u32 s4  }
0x1f5: {  	s4 =	smov.u32 s8;
	v9 =	vld [tilespmem:s8+$0x19720]  }
0x1f6: {  	[tilespmem:s1+$0x1B7E0] =	vst v14;
	v14 =	vld [tilespmem:s1+$0x19B80]  }
0x1f7: {  	[tilespmem:s1+$0x1B760] =	vst v10;
	v10 =	vld.idx.msk [tilespmem:v16+s3+$0x0], $0xffff  }
0x1f8: {  	v15 =	vld [tilespmem:s4+$0x19730]  }
0x1f9: {  	v16 =	vld [tilespmem:s4+$0x19790]  }
0x1fa: {  	v13 =	vld.idx.msk [tilespmem:v13+s3+$0x0], $0xffff  }
0x1fb: {  	v11 =	vld.idx.msk [tilespmem:v11+s3+$0x0], $0xffff  }
0x1fc: {  	v17 =	vld [tilespmem:s4+$0x19740]  }
0x1fd: {  	[tilespmem:s1+$0x1B7F0] =	vst v10;
	v18 =	vld [tilespmem:s1+$0x19B90]  }
0x1fe: {  	v14 =	vld.idx.msk [tilespmem:v14+s3+$0x0], $0xffff  }
0x1ff: {  	v19 =	vld [tilespmem:s4+$0x19750]  }
0x200: {  	[tilespmem:s4+$0x1B780] =	vst v13;
	v13 =	vld [tilespmem:s4+$0x197A0]  }
0x201: {  	[tilespmem:s4+$0x1B700] =	vst v11;
	v11 =	vld.idx.msk [tilespmem:v16+s3+$0x0], $0xffff  }
0x202: {  	v12 =	vld.idx.msk [tilespmem:v12+s3+$0x0], $0xffff  }
0x203: {  	v10 =	vld [tilespmem:s4+$0x19760]  }
0x204: {  	[tilespmem:s1+$0x1BB80] =	vst v14;
	v14 =	vld [tilespmem:s1+$0x19BA0]  }
0x205: {  	v16 =	vld.idx.msk [tilespmem:v18+s3+$0x0], $0xffff  }
0x206: {  	v18 =	vld [tilespmem:s4+$0x19770]  }
0x207: {  	[tilespmem:s4+$0x1B790] =	vst v11;
	v11 =	vld [tilespmem:s4+$0x197B0]  }
0x208: {  	[tilespmem:s4+$0x1B710] =	vst v12;
	v12 =	vld.idx.msk [tilespmem:v13+s3+$0x0], $0xffff  }
0x209: {  	v9 =	vld.idx.msk [tilespmem:v9+s3+$0x0], $0xffff  }
0x20a: {  	v13 =	vld.idx.msk [tilespmem:v4+s3+$0x0], $0xffff  }
0x20b: {  	[tilespmem:s1+$0x1BB90] =	vst v16;
	v16 =	vld [tilespmem:s1+$0x19BB0];
	v4 =	vmov v18  }
0x20c: {  	v14 =	vld.idx.msk [tilespmem:v14+s3+$0x0], $0xffff  }
0x20d: {  	v18 =	vld [tilespmem:s4+$0x19B00]  }
0x20e: {  	[tilespmem:s4+$0x1B7A0] =	vst v12;
	v12 =	vld [tilespmem:s4+$0x197C0]  }
0x20f: {  	[tilespmem:s4+$0x1B720] =	vst v9;
	v9 =	vld.idx.msk [tilespmem:v11+s3+$0x0], $0xffff  }
0x210: {  	v11 =	vld.idx.msk [tilespmem:v15+s3+$0x0], $0xffff;
	[tilespmem:s1+$0x1B770] =	vst v13  }
0x211: {  	v13 =	vld.idx.msk [tilespmem:v5+s3+$0x0], $0xffff  }
0x212: {  	[tilespmem:s1+$0x1BBA0] =	vst v14;
	v14 =	vld [tilespmem:s1+$0x19BB8];
	v5 =	vmov v18  }
0x213: {  	v15 =	vld.idx.msk [tilespmem:v16+s3+$0x0], $0xffff  }
0x214: {  	v16 =	vld [tilespmem:s4+$0x19B10]  }
0x215: {  	[tilespmem:s4+$0x1B7B0] =	vst v9;
	v9 =	vld [tilespmem:s4+$0x197D0]  }
0x216: {  	[tilespmem:s4+$0x1B730] =	vst v11;
	v11 =	vld.idx.msk [tilespmem:v12+s3+$0x0], $0xffff  }
0x217: {  	v12 =	vld.idx.msk [tilespmem:v17+s3+$0x0], $0xffff;
	[tilespmem:s1+$0x1BB00] =	vst v13  }
0x218: {  	v13 =	vld.idx.msk [tilespmem:v7+s3+$0x0], $0xffff  }
0x219: {  	v17 =	vld [tilespmem:s4+$0x19B20];
	[tilespmem:s1+$0x1BBB0] =	vst v15;
	v7 =	vmov v16  }
0x21a: {  	v16 =	vld.idx.msk [tilespmem:v14+s3+$0x0], $0xffff  }
0x21b: {  	v18 =	vld [tilespmem:s4+$0x19B30]  }
0x21c: {  	[tilespmem:s4+$0x1B7C0] =	vst v11;
	v14 =	vld [tilespmem:s4+$0x197E0]  }
0x21d: {  	[tilespmem:s4+$0x1B740] =	vst v12;
	v20 =	vld.idx.msk [tilespmem:v9+s3+$0x0], $0xffff  }
0x21e: {  	v15 =	vld.idx.msk [tilespmem:v19+s3+$0x0], $0xffff;
	[tilespmem:s1+$0x1BB10] =	vst v13  }
.Ltmp1:
0x21f: {  	v13 =	vld.idx.msk [tilespmem:v8+s3+$0x0], $0xffff;
	v8 =	vmov v17;
	(pc) =	sbr.rel @p0 .LBB2_4-.Ltmp1, $4  }
0x220: {  	[tilespmem:s1+$0x1BBB8] =	vst v16;
	v12 =	vld.idx.msk [tilespmem:v1+s3+$0x0], $0xffff;
	v1 =	vmov v6;
	v6 =	vmov v18  }
0x221: {  	v11 =	vld [tilespmem:s4+$0x19B38]  }
0x222: {  	v9 =	vld.idx.msk [tilespmem:v0+s3+$0x0], $0xffff;
	v0 =	vmov v2;
	v2 =	vmov v3  }
0x223: {  	s6 =	sadd.s32 $0x100, s6;
	s7 =	sadd.s32 $0x200, s7;
	[tilespmem:s4+$0x1B7D0] =	vst v20;
	v16 =	vld [tilespmem:s4+$0x197F0]  }
0x224: {  	_ =	sdelay $0x3  }
0x225: {  	v3 =	vld.idx.msk [tilespmem:v14+s3+$0x0], $0xffff;
	_ =	sdelay $0x2  }
0x226: {  	[tilespmem:s4+$0x1B750] =	vst v15  }
0x227: {  	v10 =	vld.idx.msk [tilespmem:v10+s3+$0x0], $0xffff  }
0x228: {  	[tilespmem:s4+$0x1B7E0] =	vst v3;
	v3 =	vld [tilespmem:s4+$0x19B80];
	_ =	sdelay $0x1  }
0x229: {  	v14 =	vld.idx.msk [tilespmem:v16+s3+$0x0], $0xffff;
	_ =	sdelay $0x2  }
0x22a: {  	[tilespmem:s4+$0x1B760] =	vst v10  }
0x22b: {  	v4 =	vld.idx.msk [tilespmem:v4+s3+$0x0], $0xffff  }
0x22c: {  	[tilespmem:s4+$0x1B7F0] =	vst v14;
	v14 =	vld [tilespmem:s4+$0x19B90]  }
0x22d: {  	v3 =	vld.idx.msk [tilespmem:v3+s3+$0x0], $0xffff;
	_ =	sdelay $0x3  }
0x22e: {  	[tilespmem:s4+$0x1B770] =	vst v4  }
0x22f: {  	[tilespmem:s4+$0x1BB80] =	vst v3;
	v3 =	vld [tilespmem:s4+$0x19BA0]  }
0x230: {  	v4 =	vld.idx.msk [tilespmem:v5+s3+$0x0], $0xffff  }
0x231: {  	v10 =	vld.idx.msk [tilespmem:v14+s3+$0x0], $0xffff;
	_ =	sdelay $0x3  }
0x232: {  	[tilespmem:s4+$0x1BB00] =	vst v4  }
0x233: {  	v4 =	vld.idx.msk [tilespmem:v7+s3+$0x0], $0xffff;
	[tilespmem:s4+$0x1BB90] =	vst v10  }
0x234: {  	v3 =	vld.idx.msk [tilespmem:v3+s3+$0x0], $0xffff;
	_ =	sdelay $0x1  }
0x235: {  	v5 =	vld [tilespmem:s4+$0x19BB0];
	_ =	sdelay $0x1  }
0x236: {  	[tilespmem:s4+$0x1BB10] =	vst v4  }
0x237: {  	[tilespmem:s4+$0x1BBA0] =	vst v3;
	v3 =	vld.idx.msk [tilespmem:v8+s3+$0x0], $0xffff;
	_ =	sdelay $0x2  }
0x238: {  	[tilespmem:s1+$0x1BB20] =	vst v13;
	v4 =	vld [tilespmem:s4+$0x19BB8]  }
0x239: {  	v1 =	vld.idx.msk [tilespmem:v1+s3+$0x0], $0xffff  }
0x23a: {  	v5 =	vld.idx.msk [tilespmem:v5+s3+$0x0], $0xffff;
	[tilespmem:s4+$0x1BB20] =	vst v3  }
0x23b: {  	v3 =	vld.idx.msk [tilespmem:v6+s3+$0x0], $0xffff;
	_ =	sdelay $0x1  }
0x23c: {  	[tilespmem:s2+$0x1BB30] =	vst v12  }
0x23d: {  	v0 =	vld.idx.msk [tilespmem:v0+s3+$0x0], $0xffff;
	[tilespmem:s1+$0x1BB30] =	vst v1  }
0x23e: {  	v1 =	vld.idx.msk [tilespmem:v2+s3+$0x0], $0xffff;
	[tilespmem:s4+$0x1BBB0] =	vst v5  }
0x23f: {  	v4 =	vld.idx.msk [tilespmem:v4+s3+$0x0], $0xffff;
	[tilespmem:s4+$0x1BB30] =	vst v3  }
0x240: {  	v2 =	vld.idx.msk [tilespmem:v11+s3+$0x0], $0xffff  }
0x241: {  	[tilespmem:s0+$0x1BB38] =	vst v9  }
0x242: {  	[tilespmem:s2+$0x1BB38] =	vst v0  }
0x243: {  	[tilespmem:s1+$0x1BB38] =	vst v1  }
0x244: {  	[tilespmem:s4+$0x1BBB8] =	vst v4  }
0x245: {  	[tilespmem:s4+$0x1BB38] =	vst v2  }
0x246: {  	s9 =	simm.s32 $0x0;
	s1 =	rddreg [dreg:$0x7]  }
0x247: {  	[hbm4b:s1+s9] =	stream.linear.scatter [tilespmem:s28], [sflag:$0x5], $0x1000, $0x38;
	[tilespmem:$0x1C700] =	vst v63  }
0x248: {  	s2 =	rddreg [dreg:$0x8]  }
0x249: {  	[tilespmem:s23], [sflag:$0x3] =	stream.linear.gather [hbm4b:s2+s9], $0x1000, $0x38;
	[tilespmem:$0x1C700] =	vst v63  }
0x24a: {  	_ =	swait.ge [sflag:s24], $0x1000  }
0x24b: {  	[sflag:s24] =	ssyncset.done $0x0  }
0x24c: {  	[sflag:s24] =	ssyncadd.s32 $0xFFFFF000  }
0x24d: {  	_ =	swait.ge [sflag:s29], $0x1000  }
0x24e: {  	s0 =	sand.u32 $0x300, s9;
	s4 =	sand.u32 $0x800, s9;
	[sflag:s29] =	ssyncset.done $0x0  }
0x24f: {  	s0 =	sor.u32 s0, s4;
	[sflag:s29] =	ssyncadd.s32 $0xFFFFF000  }
0x250: {  	v1 =	vld [tilespmem:s0+$0x18700];
	_ =	sdelay $0x1  }
0x251: {  	v0 =	vld [tilespmem:s0+$0x18780];
	_ =	sdelay $0x2  }
0x252: {  	v2 =	vld [tilespmem:s0+$0x18790]  }
0x253: {  	v3 =	vld [tilespmem:s0+$0x18710]  }
0x254: {  	v4 =	vld [tilespmem:s0+$0x18720]  }
0x255: {  	v1 =	vld.idx.msk [tilespmem:v1+s3+$0x0], $0xffff  }
0x256: {  	v5 =	vld [tilespmem:s0+$0x18730]  }
0x257: {  	v0 =	vld.idx.msk [tilespmem:v0+s3+$0x0], $0xffff  }
0x258: {  	v6 =	vld [tilespmem:s0+$0x18740]  }
0x259: {  	v7 =	vld [tilespmem:s0+$0x18750]  }
0x25a: {  	v8 =	vld [tilespmem:s0+$0x18760];
	[tilespmem:s0+$0x1A700] =	vst v1  }
0x25b: {  	v1 =	vld.idx.msk [tilespmem:v3+s3+$0x0], $0xffff  }
0x25c: {  	s5 =	simm.s32 $0x100;
	s6 =	simm.s32 $0x200;
	[tilespmem:s0+$0x1A780] =	vst v0;
	v0 =	vld [tilespmem:s0+$0x187A0]  }
0x25d: {  	s1 =	sand.u32 $0x300, s5;
	s2 =	sand.u32 $0x800, s6;
	v9 =	vld [tilespmem:s0+$0x18770]  }
0x25e: {  	s2 =	sor.u32 s1, s2;
	v2 =	vld.idx.msk [tilespmem:v2+s3+$0x0], $0xffff  }
0x25f: {  	v11 =	vld [tilespmem:s2+$0x18710]  }
0x260: {  	v12 =	vld [tilespmem:s2+$0x18720];
	[tilespmem:s0+$0x1A710] =	vst v1  }
0x261: {  	v1 =	vld.idx.msk [tilespmem:v4+s3+$0x0], $0xffff  }
0x262: {  	v13 =	vld [tilespmem:s2+$0x18730]  }
0x263: {  	[tilespmem:s0+$0x1A790] =	vst v2;
	v2 =	vld [tilespmem:s0+$0x187B0]  }
0x264: {  	v0 =	vld.idx.msk [tilespmem:v0+s3+$0x0], $0xffff  }
0x265: {  	v14 =	vld [tilespmem:s2+$0x18790]  }
0x266: {  	v15 =	vld [tilespmem:s2+$0x18740];
	[tilespmem:s0+$0x1A720] =	vst v1  }
0x267: {  	v1 =	vld.idx.msk [tilespmem:v5+s3+$0x0], $0xffff  }
0x268: {  	v16 =	vld [tilespmem:s2+$0x18750]  }
0x269: {  	s7 =	simm.s32 $0x200;
	s8 =	simm.s32 $0x400;
	[tilespmem:s0+$0x1A7A0] =	vst v0;
	v0 =	vld [tilespmem:s0+$0x187C0]  }
0x26a: {  	s4 =	sand.u32 $0x800, s8;
	s1 =	sand.u32 $0x300, s7;
	v17 =	vld [tilespmem:s2+$0x18770]  }
0x26b: {  	s1 =	sor.u32 s1, s4;
	v2 =	vld.idx.msk [tilespmem:v2+s3+$0x0], $0xffff  }
0x26c: {  	v18 =	vld [tilespmem:s1+$0x18730];
	[tilespmem:s0+$0x1A730] =	vst v1  }
0x26d: {  	v6 =	vld.idx.msk [tilespmem:v6+s3+$0x0], $0xffff  }
0x26e: {  	v19 =	vld [tilespmem:s1+$0x18790]  }
0x26f: {  	v3 =	vld [tilespmem:s0+$0x187D0]  }
0x270: {  	v20 =	vld [tilespmem:s1+$0x18740];
	[tilespmem:s0+$0x1A7B0] =	vst v2  }
0x271: {  	v0 =	vld.idx.msk [tilespmem:v0+s3+$0x0], $0xffff  }
0x272: {  	s5 =	simm.s32 $0x600;
	s9 =	simm.s32 $0x300;
	v21 =	vld [tilespmem:s1+$0x18750];
	[tilespmem:s0+$0x1A740] =	vst v6  }
0x273: {  	s5 =	sand.u32 $0x800, s5;
	s4 =	sand.u32 $0x300, s9;
	v6 =	vld.idx.msk [tilespmem:v7+s3+$0x0], $0xffff  }
0x274: {  	s4 =	sor.u32 s4, s5;
	v22 =	vld [tilespmem:s1+$0x18770]  }
0x275: {  	v61 =	vld [tilespmem:s4+$0x18740]  }
0x276: {  	v23 =	vld [tilespmem:s4+$0x18750];
	[tilespmem:s0+$0x1A7C0] =	vst v0  }
0x277: {  	v10 =	vld.idx.msk [tilespmem:v3+s3+$0x0], $0xffff  }
0x278: {  	v0 =	vld [tilespmem:s0+$0x187E0];
	[tilespmem:s0+$0x1A750] =	vst v6  }
0x279: {  	v6 =	vld.idx.msk [tilespmem:v8+s3+$0x0], $0xffff  }
0x27a: {  	v8 =	vld [tilespmem:s2+$0x18780]  }
0x27b: {  	v24 =	vld [tilespmem:s1+$0x18BA0]  }
0x27c: {  	[tilespmem:s0+$0x1A7D0] =	vst v10;
	v10 =	vld [tilespmem:s2+$0x18700]  }
0x27d: {  	v63 =	vld [tilespmem:s4+$0x187C0]  }
0x27e: {  	v4 =	vld [tilespmem:s0+$0x18B00]  }
0x27f: {  	v5 =	vld [tilespmem:s0+$0x18B10]  }
0x280: {  	v7 =	vld [tilespmem:s0+$0x187F0]  }
0x281: {  	v0 =	vld.idx.msk [tilespmem:v0+s3+$0x0], $0xffff  }
0x282: {  	v8 =	vld.idx.msk [tilespmem:v8+s3+$0x0], $0xffff  }
0x283: {  	v1 =	vld [tilespmem:s0+$0x18B20]  }
0x284: {  	v10 =	vld.idx.msk [tilespmem:v10+s3+$0x0], $0xffff  }
0x285: {  	v2 =	vld [tilespmem:s0+$0x18B30]  }
0x286: {  	[tilespmem:s0+$0x1A7E0] =	vst v0;
	v0 =	vld [tilespmem:s0+$0x18B80]  }
0x287: {  	[tilespmem:s2+$0x1A780] =	vst v8;
	v8 =	vld [tilespmem:s2+$0x187A0]  }
0x288: {  	v7 =	vld.idx.msk [tilespmem:v7+s3+$0x0], $0xffff  }
0x289: {  	[tilespmem:s2+$0x1A700] =	vst v10;
	v10 =	vld.idx.msk [tilespmem:v14+s3+$0x0], $0xffff  }
0x28a: {  	v3 =	vld [tilespmem:s0+$0x18B38];
	[tilespmem:s0+$0x1A760] =	vst v6  }
0x28b: {  	v9 =	vld.idx.msk [tilespmem:v9+s3+$0x0], $0xffff  }
0x28c: {  	v11 =	vld.idx.msk [tilespmem:v11+s3+$0x0], $0xffff  }
0x28d: {  	[tilespmem:s0+$0x1A7F0] =	vst v7;
	v7 =	vld [tilespmem:s0+$0x18B90]  }
0x28e: {  	[tilespmem:s2+$0x1A790] =	vst v10;
	v10 =	vld [tilespmem:s2+$0x187B0]  }
0x28f: {  	v8 =	vld.idx.msk [tilespmem:v8+s3+$0x0], $0xffff  }
0x290: {  	[tilespmem:s0+$0x1A770] =	vst v9;
	v0 =	vld.idx.msk [tilespmem:v0+s3+$0x0], $0xffff  }
0x291: {  	v9 =	vld [tilespmem:s2+$0x18B30];
	[tilespmem:s2+$0x1A710] =	vst v11  }
0x292: {  	v6 =	vld.idx.msk [tilespmem:v12+s3+$0x0], $0xffff  }
0x293: {  	v4 =	vld.idx.msk [tilespmem:v4+s3+$0x0], $0xffff  }
0x294: {  	[tilespmem:s2+$0x1A7A0] =	vst v8;
	v8 =	vld [tilespmem:s2+$0x187C0]  }
0x295: {  	[tilespmem:s0+$0x1AB80] =	vst v0;
	v0 =	vld [tilespmem:s0+$0x18BA0]  }
0x296: {  	v10 =	vld.idx.msk [tilespmem:v10+s3+$0x0], $0xffff  }
0x297: {  	v7 =	vld.idx.msk [tilespmem:v7+s3+$0x0], $0xffff;
	[tilespmem:s2+$0x1A720] =	vst v6  }
0x298: {  	v6 =	vld.idx.msk [tilespmem:v13+s3+$0x0], $0xffff  }
0x299: {  	v14 =	vld [tilespmem:s2+$0x18760];
	[tilespmem:s0+$0x1AB00] =	vst v4  }
0x29a: {  	v5 =	vld.idx.msk [tilespmem:v5+s3+$0x0], $0xffff  }
0x29b: {  	[tilespmem:s2+$0x1A7B0] =	vst v10;
	v10 =	vld [tilespmem:s2+$0x187D0]  }
0x29c: {  	[tilespmem:s0+$0x1AB90] =	vst v7;
	v8 =	vld.idx.msk [tilespmem:v8+s3+$0x0], $0xffff  }
0x29d: {  	v7 =	vld [tilespmem:s0+$0x18BB0];
	[tilespmem:s2+$0x1A730] =	vst v6  }
0x29e: {  	v6 =	vld.idx.msk [tilespmem:v15+s3+$0x0], $0xffff  }
0x29f: {  	v12 =	vld [tilespmem:s2+$0x18B00]  }
0x2a0: {  	v0 =	vld.idx.msk [tilespmem:v0+s3+$0x0], $0xffff  }
0x2a1: {  	[tilespmem:s2+$0x1A7C0] =	vst v8;
	v8 =	vld [tilespmem:s2+$0x187E0]  }
0x2a2: {  	v13 =	vld [tilespmem:s2+$0x18B10]  }
0x2a3: {  	[tilespmem:s2+$0x1A740] =	vst v6;
	v10 =	vld.idx.msk [tilespmem:v10+s3+$0x0], $0xffff  }
0x2a4: {  	v4 =	vld.idx.msk [tilespmem:v16+s3+$0x0], $0xffff  }
0x2a5: {  	v15 =	vld [tilespmem:s2+$0x18B20];
	[tilespmem:s0+$0x1ABA0] =	vst v0  }
0x2a6: {  	v7 =	vld.idx.msk [tilespmem:v7+s3+$0x0], $0xffff  }
0x2a7: {  	v6 =	vld [tilespmem:s2+$0x187F0]  }
0x2a8: {  	[tilespmem:s2+$0x1A7D0] =	vst v10;
	v10 =	vld [tilespmem:s1+$0x18700]  }
0x2a9: {  	[tilespmem:s2+$0x1A750] =	vst v4;
	v4 =	vld.idx.msk [tilespmem:v8+s3+$0x0], $0xffff  }
0x2aa: {  	v0 =	vld [tilespmem:s0+$0x18BB8]  }
0x2ab: {  	[tilespmem:s0+$0x1ABB0] =	vst v7;
	v7 =	vld.idx.msk [tilespmem:v14+s3+$0x0], $0xffff  }
0x2ac: {  	v8 =	vld [tilespmem:s1+$0x18780]  }
0x2ad: {  	v14 =	vld [tilespmem:s1+$0x18710]  }
0x2ae: {  	[tilespmem:s2+$0x1A7E0] =	vst v4;
	v4 =	vld [tilespmem:s2+$0x18B80]  }
0x2af: {  	v6 =	vld.idx.msk [tilespmem:v6+s3+$0x0], $0xffff  }
0x2b0: {  	v10 =	vld.idx.msk [tilespmem:v10+s3+$0x0], $0xffff  }
0x2b1: {  	v16 =	vld [tilespmem:s1+$0x18720]  }
0x2b2: {  	v11 =	vld.idx.msk [tilespmem:v0+s3+$0x0], $0xffff  }
0x2b3: {  	v0 =	vld [tilespmem:s2+$0x18B38]  }
0x2b4: {  	v8 =	vld.idx.msk [tilespmem:v8+s3+$0x0], $0xffff;
	[tilespmem:s2+$0x1A7F0] =	vst v6  }
0x2b5: {  	v6 =	vld [tilespmem:s2+$0x18B90];
	[tilespmem:s1+$0x1A700] =	vst v10  }
0x2b6: {  	v14 =	vld.idx.msk [tilespmem:v14+s3+$0x0], $0xffff  }
0x2b7: {  	v4 =	vld.idx.msk [tilespmem:v4+s3+$0x0], $0xffff  }
0x2b8: {  	[tilespmem:s0+$0x1ABB8] =	vst v11;
	v11 =	vld [tilespmem:s4+$0x18B38]  }
0x2b9: {  	[tilespmem:s1+$0x1A780] =	vst v8;
	v8 =	vld [tilespmem:s1+$0x187A0]  }
0x2ba: {  	[tilespmem:s2+$0x1A760] =	vst v7;
	v10 =	vld.idx.msk [tilespmem:v19+s3+$0x0], $0xffff  }
0x2bb: {  	[tilespmem:s1+$0x1A710] =	vst v14;
	v14 =	vld.idx.msk [tilespmem:v17+s3+$0x0], $0xffff  }
0x2bc: {  	[tilespmem:s2+$0x1AB80] =	vst v4;
	v4 =	vld [tilespmem:s2+$0x18BA0]  }
0x2bd: {  	v7 =	vld.idx.msk [tilespmem:v16+s3+$0x0], $0xffff  }
0x2be: {  	v6 =	vld.idx.msk [tilespmem:v6+s3+$0x0], $0xffff  }
0x2bf: {  	[tilespmem:s1+$0x1A790] =	vst v10;
	v10 =	vld [tilespmem:s1+$0x187B0]  }
0x2c0: {  	v19 =	vld [tilespmem:s1+$0x18760]  }
0x2c1: {  	v8 =	vld.idx.msk [tilespmem:v8+s3+$0x0], $0xffff  }
0x2c2: {  	v16 =	vld [tilespmem:s1+$0x18B00];
	[tilespmem:s2+$0x1A770] =	vst v14  }
0x2c3: {  	[tilespmem:s1+$0x1A720] =	vst v7;
	v7 =	vld.idx.msk [tilespmem:v12+s3+$0x0], $0xffff  }
0x2c4: {  	[tilespmem:s2+$0x1AB90] =	vst v6;
	v6 =	vld [tilespmem:s2+$0x18BB0]  }
0x2c5: {  	v4 =	vld.idx.msk [tilespmem:v4+s3+$0x0], $0xffff  }
0x2c6: {  	[tilespmem:s1+$0x1A7A0] =	vst v8;
	v8 =	vld [tilespmem:s1+$0x187C0]  }
0x2c7: {  	[tilespmem:s0+$0x1AB10] =	vst v5;
	v5 =	vld.idx.msk [tilespmem:v10+s3+$0x0], $0xffff  }
0x2c8: {  	v10 =	vld.idx.msk [tilespmem:v1+s3+$0x0], $0xffff  }
0x2c9: {  	v1 =	vld.idx.msk [tilespmem:v18+s3+$0x0], $0xffff;
	[tilespmem:s2+$0x1AB00] =	vst v7  }
0x2ca: {  	v7 =	vld.idx.msk [tilespmem:v13+s3+$0x0], $0xffff  }
0x2cb: {  	[tilespmem:s2+$0x1ABA0] =	vst v4;
	v4 =	vld [tilespmem:s2+$0x18BB8]  }
0x2cc: {  	[tilespmem:s1+$0x1A7B0] =	vst v5;
	v5 =	vld [tilespmem:s1+$0x187D0]  }
0x2cd: {  	v6 =	vld.idx.msk [tilespmem:v6+s3+$0x0], $0xffff  }
0x2ce: {  	v8 =	vld.idx.msk [tilespmem:v8+s3+$0x0], $0xffff  }
0x2cf: {  	v12 =	vld [tilespmem:s1+$0x18B10];
	[tilespmem:s1+$0x1A730] =	vst v1  }
0x2d0: {  	v14 =	vld.idx.msk [tilespmem:v20+s3+$0x0], $0xffff  }
0x2d1: {  	v13 =	vld [tilespmem:s1+$0x18B20];
	[tilespmem:s2+$0x1AB10] =	vst v7  }
0x2d2: {  	v7 =	vld [tilespmem:s4+$0x18780];
	[tilespmem:s2+$0x1ABB0] =	vst v6  }
0x2d3: {  	[tilespmem:s1+$0x1A7C0] =	vst v8;
	v8 =	vld [tilespmem:s1+$0x187E0]  }
0x2d4: {  	v17 =	vld.idx.msk [tilespmem:v4+s3+$0x0], $0xffff  }
0x2d5: {  	[tilespmem:s1+$0x1A740] =	vst v14;
	v5 =	vld.idx.msk [tilespmem:v5+s3+$0x0], $0xffff  }
0x2d6: {  	v4 =	vld.idx.msk [tilespmem:v21+s3+$0x0], $0xffff  }
0x2d7: {  	v1 =	vld [tilespmem:s1+$0x18B30]  }
0x2d8: {  	[tilespmem:s0+$0x1AB20] =	vst v10;
	v10 =	vld [tilespmem:s4+$0x18710]  }
0x2d9: {  	v60 =	vld.idx.msk [tilespmem:v2+s3+$0x0], $0xffff  }
0x2da: {  	[tilespmem:s1+$0x1A7D0] =	vst v5;
	v5 =	vld [tilespmem:s1+$0x187F0]  }
0x2db: {  	[tilespmem:s1+$0x1A750] =	vst v4;
	v4 =	vld.idx.msk [tilespmem:v8+s3+$0x0], $0xffff  }
0x2dc: {  	v8 =	vld [tilespmem:s4+$0x18700]  }
0x2dd: {  	v2 =	vld [tilespmem:s1+$0x18B38]  }
0x2de: {  	v7 =	vld.idx.msk [tilespmem:v7+s3+$0x0], $0xffff  }
0x2df: {  	v6 =	vld.idx.msk [tilespmem:v19+s3+$0x0], $0xffff  }
0x2e0: {  	[tilespmem:s1+$0x1A7E0] =	vst v4;
	v4 =	vld [tilespmem:s1+$0x18B80]  }
0x2e1: {  	v19 =	vld [tilespmem:s4+$0x18790]  }
0x2e2: {  	v5 =	vld.idx.msk [tilespmem:v5+s3+$0x0], $0xffff  }
0x2e3: {  	v18 =	vld.idx.msk [tilespmem:v15+s3+$0x0], $0xffff  }
0x2e4: {  	v8 =	vld.idx.msk [tilespmem:v8+s3+$0x0], $0xffff  }
0x2e5: {  	v15 =	vld [tilespmem:s4+$0x18730]  }
0x2e6: {  	[tilespmem:s4+$0x1A780] =	vst v7;
	v7 =	vld [tilespmem:s4+$0x187A0]  }
0x2e7: {  	[tilespmem:s1+$0x1A7F0] =	vst v5;
	v5 =	vld [tilespmem:s1+$0x18B90]  }
0x2e8: {  	v4 =	vld.idx.msk [tilespmem:v4+s3+$0x0], $0xffff  }
0x2e9: {  	[tilespmem:s4+$0x1A700] =	vst v8;
	v8 =	vld.idx.msk [tilespmem:v19+s3+$0x0], $0xffff  }
0x2ea: {  	v14 =	vld [tilespmem:s4+$0x18720]  }
0x2eb: {  	v19 =	vld.idx.msk [tilespmem:v10+s3+$0x0], $0xffff  }
0x2ec: {  	v10 =	vld [tilespmem:s4+$0x18760]  }
0x2ed: {  	[tilespmem:s1+$0x1AB80] =	vst v4;
	v4 =	vld [tilespmem:s4+$0x18770]  }
0x2ee: {  	[tilespmem:s4+$0x1A790] =	vst v8;
	v8 =	vld [tilespmem:s4+$0x187B0]  }
0x2ef: {  	v5 =	vld.idx.msk [tilespmem:v5+s3+$0x0], $0xffff  }
0x2f0: {  	v7 =	vld.idx.msk [tilespmem:v7+s3+$0x0], $0xffff  }
0x2f1: {  	[tilespmem:s4+$0x1A710] =	vst v19;
	v19 =	vld [tilespmem:s1+$0x18BB0]  }
0x2f2: {  	[tilespmem:s1+$0x1A760] =	vst v6;
	v6 =	vld.idx.msk [tilespmem:v14+s3+$0x0], $0xffff  }
0x2f3: {  	v14 =	vld.idx.msk [tilespmem:v22+s3+$0x0], $0xffff  }
0x2f4: {  	[tilespmem:s1+$0x1AB90] =	vst v5;
	v5 =	vld [tilespmem:s4+$0x18B00]  }
0x2f5: {  	v62 =	vld.idx.msk [tilespmem:v24+s3+$0x0], $0xffff  }
0x2f6: {  	[tilespmem:s4+$0x1A7A0] =	vst v7;
	v7 =	vld [tilespmem:s4+$0x18B10]  }
0x2f7: {  	[tilespmem:s4+$0x1A720] =	vst v6;
	v6 =	vld.idx.msk [tilespmem:v8+s3+$0x0], $0xffff  }
0x2f8: {  	[tilespmem:s1+$0x1A770] =	vst v14;
	v8 =	vld.idx.msk [tilespmem:v15+s3+$0x0], $0xffff  }
0x2f9: {  	v14 =	vld.idx.msk [tilespmem:v16+s3+$0x0], $0xffff  }
0x2fa: {  	v15 =	vld [tilespmem:s1+$0x18BB8];
	[tilespmem:s1+$0x1ABA0] =	vst v62  }
0x2fb: {  	v16 =	vld.idx.msk [tilespmem:v19+s3+$0x0], $0xffff  }
0x2fc: {  	[tilespmem:s4+$0x1A7B0] =	vst v6;
	v19 =	vld [tilespmem:s4+$0x187D0]  }
0x2fd: {  	[tilespmem:s4+$0x1A730] =	vst v8;
	v8 =	vld [tilespmem:s4+$0x18B20]  }
0x2fe: {  	v6 =	vld.idx.msk [tilespmem:v63+s3+$0x0], $0xffff  }
0x2ff: {  	[tilespmem:s1+$0x1AB00] =	vst v14;
	v21 =	vld.idx.msk [tilespmem:v61+s3+$0x0], $0xffff  }
0x300: {  	v12 =	vld.idx.msk [tilespmem:v12+s3+$0x0], $0xffff  }
0x301: {  	v14 =	vld [tilespmem:s4+$0x187E0];
	[tilespmem:s1+$0x1ABB0] =	vst v16  }
0x302: {  	[tilespmem:s0+$0x1AB30] =	vst v60;
	v16 =	vld.idx.msk [tilespmem:v15+s3+$0x0], $0xffff  }
0x303: {  	[tilespmem:s4+$0x1A7C0] =	vst v6;
	v6 =	vld [tilespmem:s4+$0x18B30]  }
0x304: {  	[tilespmem:s4+$0x1A740] =	vst v21;
	v19 =	vld.idx.msk [tilespmem:v19+s3+$0x0], $0xffff  }
0x305: {  	[tilespmem:s1+$0x1AB10] =	vst v12;
	v15 =	vld.idx.msk [tilespmem:v23+s3+$0x0], $0xffff  }
0x306: {  	[tilespmem:s2+$0x1AB20] =	vst v18;
	v13 =	vld.idx.msk [tilespmem:v13+s3+$0x0], $0xffff  }
0x307: {  	[tilespmem:s2+$0x1ABB8] =	vst v17;
	v12 =	vld.idx.msk [tilespmem:v9+s3+$0x0], $0xffff  }
0x308: {  	v9 =	vld.idx.msk [tilespmem:v3+s3+$0x0], $0xffff;
	[tilespmem:s1+$0x1ABB8] =	vst v16  }
0x309: {  	s6 =	simm.s32 $0x400;
	s7 =	simm.s32 $0x800;
	s5 =	simm.s32 $0x6;
	v16 =	vld [tilespmem:s4+$0x187F0];
	[tilespmem:s4+$0x1A7D0] =	vst v19  }
.LBB2_6:
0x30a: {  	s8 =	sand.u32 $0x800, s7;
	s9 =	sand.u32 $0x300, s6;
	s5 =	sadd.s32 $0x2, s5;
	[tilespmem:s4+$0x1A750] =	vst v15;
	v14 =	vld.idx.msk [tilespmem:v14+s3+$0x0], $0xffff  }
0x30b: {  	s8 =	sor.u32 s9, s8;
	p0 =	slt.u32 s5, $0xE;
	v10 =	vld.idx.msk [tilespmem:v10+s3+$0x0], $0xffff;
	[tilespmem:s1+$0x1AB20] =	vst v13  }
0x30c: {  	v13 =	vld [tilespmem:s8+$0x18780];
	[tilespmem:s2+$0x1AB30] =	vst v12;
	v3 =	vmov v11  }
0x30d: {  	v11 =	vld [tilespmem:s8+$0x18700]  }
0x30e: {  	v12 =	vld [tilespmem:s8+$0x18710];
	[tilespmem:s0+$0x1AB38] =	vst v9;
	s0 =	smov.u32 s2;
	s2 =	smov.u32 s1;
	s1 =	smov.u32 s4  }
0x30f: {  	s4 =	smov.u32 s8;
	v9 =	vld [tilespmem:s8+$0x18720]  }
0x310: {  	[tilespmem:s1+$0x1A7E0] =	vst v14;
	v14 =	vld [tilespmem:s1+$0x18B80]  }
0x311: {  	[tilespmem:s1+$0x1A760] =	vst v10;
	v10 =	vld.idx.msk [tilespmem:v16+s3+$0x0], $0xffff  }
0x312: {  	v15 =	vld [tilespmem:s4+$0x18730]  }
0x313: {  	v16 =	vld [tilespmem:s4+$0x18790]  }
0x314: {  	v13 =	vld.idx.msk [tilespmem:v13+s3+$0x0], $0xffff  }
0x315: {  	v11 =	vld.idx.msk [tilespmem:v11+s3+$0x0], $0xffff  }
0x316: {  	v17 =	vld [tilespmem:s4+$0x18740]  }
0x317: {  	[tilespmem:s1+$0x1A7F0] =	vst v10;
	v18 =	vld [tilespmem:s1+$0x18B90]  }
0x318: {  	v14 =	vld.idx.msk [tilespmem:v14+s3+$0x0], $0xffff  }
0x319: {  	v19 =	vld [tilespmem:s4+$0x18750]  }
0x31a: {  	[tilespmem:s4+$0x1A780] =	vst v13;
	v13 =	vld [tilespmem:s4+$0x187A0]  }
0x31b: {  	[tilespmem:s4+$0x1A700] =	vst v11;
	v11 =	vld.idx.msk [tilespmem:v16+s3+$0x0], $0xffff  }
0x31c: {  	v12 =	vld.idx.msk [tilespmem:v12+s3+$0x0], $0xffff  }
0x31d: {  	v10 =	vld [tilespmem:s4+$0x18760]  }
0x31e: {  	[tilespmem:s1+$0x1AB80] =	vst v14;
	v14 =	vld [tilespmem:s1+$0x18BA0]  }
0x31f: {  	v16 =	vld.idx.msk [tilespmem:v18+s3+$0x0], $0xffff  }
0x320: {  	v18 =	vld [tilespmem:s4+$0x18770]  }
0x321: {  	[tilespmem:s4+$0x1A790] =	vst v11;
	v11 =	vld [tilespmem:s4+$0x187B0]  }
0x322: {  	[tilespmem:s4+$0x1A710] =	vst v12;
	v12 =	vld.idx.msk [tilespmem:v13+s3+$0x0], $0xffff  }
0x323: {  	v9 =	vld.idx.msk [tilespmem:v9+s3+$0x0], $0xffff  }
0x324: {  	v13 =	vld.idx.msk [tilespmem:v4+s3+$0x0], $0xffff  }
0x325: {  	[tilespmem:s1+$0x1AB90] =	vst v16;
	v16 =	vld [tilespmem:s1+$0x18BB0];
	v4 =	vmov v18  }
0x326: {  	v14 =	vld.idx.msk [tilespmem:v14+s3+$0x0], $0xffff  }
0x327: {  	v18 =	vld [tilespmem:s4+$0x18B00]  }
0x328: {  	[tilespmem:s4+$0x1A7A0] =	vst v12;
	v12 =	vld [tilespmem:s4+$0x187C0]  }
0x329: {  	[tilespmem:s4+$0x1A720] =	vst v9;
	v9 =	vld.idx.msk [tilespmem:v11+s3+$0x0], $0xffff  }
0x32a: {  	v11 =	vld.idx.msk [tilespmem:v15+s3+$0x0], $0xffff;
	[tilespmem:s1+$0x1A770] =	vst v13  }
0x32b: {  	v13 =	vld.idx.msk [tilespmem:v5+s3+$0x0], $0xffff  }
0x32c: {  	[tilespmem:s1+$0x1ABA0] =	vst v14;
	v14 =	vld [tilespmem:s1+$0x18BB8];
	v5 =	vmov v18  }
0x32d: {  	v15 =	vld.idx.msk [tilespmem:v16+s3+$0x0], $0xffff  }
0x32e: {  	v16 =	vld [tilespmem:s4+$0x18B10]  }
0x32f: {  	[tilespmem:s4+$0x1A7B0] =	vst v9;
	v9 =	vld [tilespmem:s4+$0x187D0]  }
0x330: {  	[tilespmem:s4+$0x1A730] =	vst v11;
	v11 =	vld.idx.msk [tilespmem:v12+s3+$0x0], $0xffff  }
0x331: {  	v12 =	vld.idx.msk [tilespmem:v17+s3+$0x0], $0xffff;
	[tilespmem:s1+$0x1AB00] =	vst v13  }
0x332: {  	v13 =	vld.idx.msk [tilespmem:v7+s3+$0x0], $0xffff  }
0x333: {  	v17 =	vld [tilespmem:s4+$0x18B20];
	[tilespmem:s1+$0x1ABB0] =	vst v15;
	v7 =	vmov v16  }
0x334: {  	v16 =	vld.idx.msk [tilespmem:v14+s3+$0x0], $0xffff  }
0x335: {  	v18 =	vld [tilespmem:s4+$0x18B30]  }
0x336: {  	[tilespmem:s4+$0x1A7C0] =	vst v11;
	v14 =	vld [tilespmem:s4+$0x187E0]  }
0x337: {  	[tilespmem:s4+$0x1A740] =	vst v12;
	v20 =	vld.idx.msk [tilespmem:v9+s3+$0x0], $0xffff  }
0x338: {  	v15 =	vld.idx.msk [tilespmem:v19+s3+$0x0], $0xffff;
	[tilespmem:s1+$0x1AB10] =	vst v13  }
.Ltmp2:
0x339: {  	v13 =	vld.idx.msk [tilespmem:v8+s3+$0x0], $0xffff;
	v8 =	vmov v17;
	(pc) =	sbr.rel @p0 .LBB2_6-.Ltmp2, $4  }
0x33a: {  	[tilespmem:s1+$0x1ABB8] =	vst v16;
	v12 =	vld.idx.msk [tilespmem:v1+s3+$0x0], $0xffff;
	v1 =	vmov v6;
	v6 =	vmov v18  }
0x33b: {  	v11 =	vld [tilespmem:s4+$0x18B38]  }
0x33c: {  	v9 =	vld.idx.msk [tilespmem:v0+s3+$0x0], $0xffff;
	v0 =	vmov v2;
	v2 =	vmov v3  }
0x33d: {  	s6 =	sadd.s32 $0x100, s6;
	s7 =	sadd.s32 $0x200, s7;
	[tilespmem:s4+$0x1A7D0] =	vst v20;
	v16 =	vld [tilespmem:s4+$0x187F0]  }
0x33e: {  	_ =	sdelay $0x3  }
0x33f: {  	v3 =	vld.idx.msk [tilespmem:v14+s3+$0x0], $0xffff;
	_ =	sdelay $0x2  }
0x340: {  	[tilespmem:s4+$0x1A750] =	vst v15  }
0x341: {  	v10 =	vld.idx.msk [tilespmem:v10+s3+$0x0], $0xffff  }
0x342: {  	[tilespmem:s4+$0x1A7E0] =	vst v3;
	v3 =	vld [tilespmem:s4+$0x18B80];
	_ =	sdelay $0x1  }
0x343: {  	v14 =	vld.idx.msk [tilespmem:v16+s3+$0x0], $0xffff;
	_ =	sdelay $0x2  }
0x344: {  	[tilespmem:s4+$0x1A760] =	vst v10  }
0x345: {  	v4 =	vld.idx.msk [tilespmem:v4+s3+$0x0], $0xffff  }
0x346: {  	[tilespmem:s4+$0x1A7F0] =	vst v14;
	v14 =	vld [tilespmem:s4+$0x18B90]  }
0x347: {  	v3 =	vld.idx.msk [tilespmem:v3+s3+$0x0], $0xffff;
	_ =	sdelay $0x3  }
0x348: {  	[tilespmem:s4+$0x1A770] =	vst v4  }
0x349: {  	[tilespmem:s4+$0x1AB80] =	vst v3;
	v3 =	vld [tilespmem:s4+$0x18BA0]  }
0x34a: {  	v4 =	vld.idx.msk [tilespmem:v5+s3+$0x0], $0xffff  }
0x34b: {  	v10 =	vld.idx.msk [tilespmem:v14+s3+$0x0], $0xffff;
	_ =	sdelay $0x3  }
0x34c: {  	[tilespmem:s4+$0x1AB00] =	vst v4  }
0x34d: {  	v4 =	vld.idx.msk [tilespmem:v7+s3+$0x0], $0xffff;
	[tilespmem:s4+$0x1AB90] =	vst v10  }
0x34e: {  	v3 =	vld.idx.msk [tilespmem:v3+s3+$0x0], $0xffff;
	_ =	sdelay $0x1  }
0x34f: {  	v5 =	vld [tilespmem:s4+$0x18BB0];
	_ =	sdelay $0x1  }
0x350: {  	[tilespmem:s4+$0x1AB10] =	vst v4  }
0x351: {  	[tilespmem:s4+$0x1ABA0] =	vst v3;
	v3 =	vld.idx.msk [tilespmem:v8+s3+$0x0], $0xffff;
	_ =	sdelay $0x2  }
0x352: {  	[tilespmem:s1+$0x1AB20] =	vst v13;
	v4 =	vld [tilespmem:s4+$0x18BB8]  }
0x353: {  	v1 =	vld.idx.msk [tilespmem:v1+s3+$0x0], $0xffff  }
0x354: {  	v5 =	vld.idx.msk [tilespmem:v5+s3+$0x0], $0xffff;
	[tilespmem:s4+$0x1AB20] =	vst v3  }
0x355: {  	v3 =	vld.idx.msk [tilespmem:v6+s3+$0x0], $0xffff;
	_ =	sdelay $0x1  }
0x356: {  	[tilespmem:s2+$0x1AB30] =	vst v12  }
0x357: {  	v0 =	vld.idx.msk [tilespmem:v0+s3+$0x0], $0xffff;
	[tilespmem:s1+$0x1AB30] =	vst v1  }
0x358: {  	v1 =	vld.idx.msk [tilespmem:v2+s3+$0x0], $0xffff;
	[tilespmem:s4+$0x1ABB0] =	vst v5  }
0x359: {  	v4 =	vld.idx.msk [tilespmem:v4+s3+$0x0], $0xffff;
	[tilespmem:s4+$0x1AB30] =	vst v3  }
0x35a: {  	v2 =	vld.idx.msk [tilespmem:v11+s3+$0x0], $0xffff  }
0x35b: {  	[tilespmem:s0+$0x1AB38] =	vst v9  }
0x35c: {  	[tilespmem:s2+$0x1AB38] =	vst v0  }
0x35d: {  	[tilespmem:s1+$0x1AB38] =	vst v1  }
0x35e: {  	[tilespmem:s4+$0x1ABB8] =	vst v4  }
0x35f: {  	s2 =	simm.s32 $0x0;
	[tilespmem:s4+$0x1AB38] =	vst v2  }
0x360: {  	[hbm4b:s10+s2] =	stream.linear.scatter [tilespmem:s25], [sflag:$0x4], $0x1000, $0x38;
	[tilespmem:$0x1C700] =	vst v63  }
0x361: {  	_ = 	snop  }
0x362: {  	[tilespmem:s21], [sflag:$0x2] =	stream.linear.gather [hbm4b:s11+s2], $0x1000, $0x38;
	[tilespmem:$0x1C700] =	vst v63  }
0x363: {  	_ =	swait.ge [sflag:s26], $0x1000  }
0x364: {  	[sflag:s26] =	ssyncset.done $0x0  }
0x365: {  	[sflag:s26] =	ssyncadd.s32 $0xFFFFF000  }
0x366: {  	_ =	swait.ge [sflag:s30], $0x1000  }
0x367: {  	s0 =	sand.u32 $0x300, s2;
	s4 =	sand.u32 $0x800, s2;
	[sflag:s30] =	ssyncset.done $0x0  }
0x368: {  	s0 =	sor.u32 s0, s4;
	[sflag:s30] =	ssyncadd.s32 $0xFFFFF000  }
0x369: {  	v1 =	vld [tilespmem:s0+$0x19700];
	_ =	sdelay $0x1  }
0x36a: {  	v0 =	vld [tilespmem:s0+$0x19780];
	_ =	sdelay $0x2  }
0x36b: {  	v2 =	vld [tilespmem:s0+$0x19790]  }
0x36c: {  	v3 =	vld [tilespmem:s0+$0x19710]  }
0x36d: {  	v4 =	vld [tilespmem:s0+$0x19720]  }
0x36e: {  	v1 =	vld.idx.msk [tilespmem:v1+s3+$0x0], $0xffff  }
0x36f: {  	v5 =	vld [tilespmem:s0+$0x19730]  }
0x370: {  	v0 =	vld.idx.msk [tilespmem:v0+s3+$0x0], $0xffff  }
0x371: {  	v6 =	vld [tilespmem:s0+$0x19740]  }
0x372: {  	v7 =	vld [tilespmem:s0+$0x19750]  }
0x373: {  	v8 =	vld [tilespmem:s0+$0x19760];
	[tilespmem:s0+$0x1B700] =	vst v1  }
0x374: {  	v1 =	vld.idx.msk [tilespmem:v3+s3+$0x0], $0xffff  }
0x375: {  	s5 =	simm.s32 $0x100;
	s6 =	simm.s32 $0x200;
	[tilespmem:s0+$0x1B780] =	vst v0;
	v0 =	vld [tilespmem:s0+$0x197A0]  }
0x376: {  	s1 =	sand.u32 $0x300, s5;
	s2 =	sand.u32 $0x800, s6;
	v9 =	vld [tilespmem:s0+$0x19770]  }
0x377: {  	s2 =	sor.u32 s1, s2;
	v2 =	vld.idx.msk [tilespmem:v2+s3+$0x0], $0xffff  }
0x378: {  	v11 =	vld [tilespmem:s2+$0x19710]  }
0x379: {  	v12 =	vld [tilespmem:s2+$0x19720];
	[tilespmem:s0+$0x1B710] =	vst v1  }
0x37a: {  	v1 =	vld.idx.msk [tilespmem:v4+s3+$0x0], $0xffff  }
0x37b: {  	v13 =	vld [tilespmem:s2+$0x19730]  }
0x37c: {  	[tilespmem:s0+$0x1B790] =	vst v2;
	v2 =	vld [tilespmem:s0+$0x197B0]  }
0x37d: {  	v0 =	vld.idx.msk [tilespmem:v0+s3+$0x0], $0xffff  }
0x37e: {  	v14 =	vld [tilespmem:s2+$0x19790]  }
0x37f: {  	v15 =	vld [tilespmem:s2+$0x19740];
	[tilespmem:s0+$0x1B720] =	vst v1  }
0x380: {  	v1 =	vld.idx.msk [tilespmem:v5+s3+$0x0], $0xffff  }
0x381: {  	v16 =	vld [tilespmem:s2+$0x19750]  }
0x382: {  	s7 =	simm.s32 $0x200;
	s8 =	simm.s32 $0x400;
	[tilespmem:s0+$0x1B7A0] =	vst v0;
	v0 =	vld [tilespmem:s0+$0x197C0]  }
0x383: {  	s4 =	sand.u32 $0x800, s8;
	s1 =	sand.u32 $0x300, s7;
	v17 =	vld [tilespmem:s2+$0x19770]  }
0x384: {  	s1 =	sor.u32 s1, s4;
	v2 =	vld.idx.msk [tilespmem:v2+s3+$0x0], $0xffff  }
0x385: {  	v18 =	vld [tilespmem:s1+$0x19730];
	[tilespmem:s0+$0x1B730] =	vst v1  }
0x386: {  	v6 =	vld.idx.msk [tilespmem:v6+s3+$0x0], $0xffff  }
0x387: {  	v19 =	vld [tilespmem:s1+$0x19790]  }
0x388: {  	v3 =	vld [tilespmem:s0+$0x197D0]  }
0x389: {  	v20 =	vld [tilespmem:s1+$0x19740];
	[tilespmem:s0+$0x1B7B0] =	vst v2  }
0x38a: {  	v0 =	vld.idx.msk [tilespmem:v0+s3+$0x0], $0xffff  }
0x38b: {  	s9 =	simm.s32 $0x300;
	s5 =	simm.s32 $0x600;
	v21 =	vld [tilespmem:s1+$0x19750];
	[tilespmem:s0+$0x1B740] =	vst v6  }
0x38c: {  	s5 =	sand.u32 $0x800, s5;
	s4 =	sand.u32 $0x300, s9;
	v6 =	vld.idx.msk [tilespmem:v7+s3+$0x0], $0xffff  }
0x38d: {  	s4 =	sor.u32 s4, s5;
	v22 =	vld [tilespmem:s1+$0x19770]  }
0x38e: {  	v61 =	vld [tilespmem:s4+$0x19740]  }
0x38f: {  	v23 =	vld [tilespmem:s4+$0x19750];
	[tilespmem:s0+$0x1B7C0] =	vst v0  }
0x390: {  	v10 =	vld.idx.msk [tilespmem:v3+s3+$0x0], $0xffff  }
0x391: {  	v0 =	vld [tilespmem:s0+$0x197E0];
	[tilespmem:s0+$0x1B750] =	vst v6  }
0x392: {  	v6 =	vld.idx.msk [tilespmem:v8+s3+$0x0], $0xffff  }
0x393: {  	v8 =	vld [tilespmem:s2+$0x19780]  }
0x394: {  	v24 =	vld [tilespmem:s1+$0x19BA0]  }
0x395: {  	[tilespmem:s0+$0x1B7D0] =	vst v10;
	v10 =	vld [tilespmem:s2+$0x19700]  }
0x396: {  	v63 =	vld [tilespmem:s4+$0x197C0]  }
0x397: {  	v4 =	vld [tilespmem:s0+$0x19B00]  }
0x398: {  	v5 =	vld [tilespmem:s0+$0x19B10]  }
0x399: {  	v7 =	vld [tilespmem:s0+$0x197F0]  }
0x39a: {  	v0 =	vld.idx.msk [tilespmem:v0+s3+$0x0], $0xffff  }
0x39b: {  	v8 =	vld.idx.msk [tilespmem:v8+s3+$0x0], $0xffff  }
0x39c: {  	v1 =	vld [tilespmem:s0+$0x19B20]  }
0x39d: {  	v10 =	vld.idx.msk [tilespmem:v10+s3+$0x0], $0xffff  }
0x39e: {  	v2 =	vld [tilespmem:s0+$0x19B30]  }
0x39f: {  	[tilespmem:s0+$0x1B7E0] =	vst v0;
	v0 =	vld [tilespmem:s0+$0x19B80]  }
0x3a0: {  	[tilespmem:s2+$0x1B780] =	vst v8;
	v8 =	vld [tilespmem:s2+$0x197A0]  }
0x3a1: {  	v7 =	vld.idx.msk [tilespmem:v7+s3+$0x0], $0xffff  }
0x3a2: {  	[tilespmem:s2+$0x1B700] =	vst v10;
	v10 =	vld.idx.msk [tilespmem:v14+s3+$0x0], $0xffff  }
0x3a3: {  	v3 =	vld [tilespmem:s0+$0x19B38];
	[tilespmem:s0+$0x1B760] =	vst v6  }
0x3a4: {  	v9 =	vld.idx.msk [tilespmem:v9+s3+$0x0], $0xffff  }
0x3a5: {  	v11 =	vld.idx.msk [tilespmem:v11+s3+$0x0], $0xffff  }
0x3a6: {  	[tilespmem:s0+$0x1B7F0] =	vst v7;
	v7 =	vld [tilespmem:s0+$0x19B90]  }
0x3a7: {  	[tilespmem:s2+$0x1B790] =	vst v10;
	v10 =	vld [tilespmem:s2+$0x197B0]  }
0x3a8: {  	v8 =	vld.idx.msk [tilespmem:v8+s3+$0x0], $0xffff  }
0x3a9: {  	[tilespmem:s0+$0x1B770] =	vst v9;
	v0 =	vld.idx.msk [tilespmem:v0+s3+$0x0], $0xffff  }
0x3aa: {  	v9 =	vld [tilespmem:s2+$0x19B30];
	[tilespmem:s2+$0x1B710] =	vst v11  }
0x3ab: {  	v6 =	vld.idx.msk [tilespmem:v12+s3+$0x0], $0xffff  }
0x3ac: {  	v4 =	vld.idx.msk [tilespmem:v4+s3+$0x0], $0xffff  }
0x3ad: {  	[tilespmem:s2+$0x1B7A0] =	vst v8;
	v8 =	vld [tilespmem:s2+$0x197C0]  }
0x3ae: {  	[tilespmem:s0+$0x1BB80] =	vst v0;
	v0 =	vld [tilespmem:s0+$0x19BA0]  }
0x3af: {  	v10 =	vld.idx.msk [tilespmem:v10+s3+$0x0], $0xffff  }
0x3b0: {  	v7 =	vld.idx.msk [tilespmem:v7+s3+$0x0], $0xffff;
	[tilespmem:s2+$0x1B720] =	vst v6  }
0x3b1: {  	v6 =	vld.idx.msk [tilespmem:v13+s3+$0x0], $0xffff  }
0x3b2: {  	v14 =	vld [tilespmem:s2+$0x19760];
	[tilespmem:s0+$0x1BB00] =	vst v4  }
0x3b3: {  	v5 =	vld.idx.msk [tilespmem:v5+s3+$0x0], $0xffff  }
0x3b4: {  	[tilespmem:s2+$0x1B7B0] =	vst v10;
	v10 =	vld [tilespmem:s2+$0x197D0]  }
0x3b5: {  	[tilespmem:s0+$0x1BB90] =	vst v7;
	v8 =	vld.idx.msk [tilespmem:v8+s3+$0x0], $0xffff  }
0x3b6: {  	v7 =	vld [tilespmem:s0+$0x19BB0];
	[tilespmem:s2+$0x1B730] =	vst v6  }
0x3b7: {  	v6 =	vld.idx.msk [tilespmem:v15+s3+$0x0], $0xffff  }
0x3b8: {  	v12 =	vld [tilespmem:s2+$0x19B00]  }
0x3b9: {  	v0 =	vld.idx.msk [tilespmem:v0+s3+$0x0], $0xffff  }
0x3ba: {  	[tilespmem:s2+$0x1B7C0] =	vst v8;
	v8 =	vld [tilespmem:s2+$0x197E0]  }
0x3bb: {  	v13 =	vld [tilespmem:s2+$0x19B10]  }
0x3bc: {  	[tilespmem:s2+$0x1B740] =	vst v6;
	v10 =	vld.idx.msk [tilespmem:v10+s3+$0x0], $0xffff  }
0x3bd: {  	v4 =	vld.idx.msk [tilespmem:v16+s3+$0x0], $0xffff  }
0x3be: {  	v15 =	vld [tilespmem:s2+$0x19B20];
	[tilespmem:s0+$0x1BBA0] =	vst v0  }
0x3bf: {  	v7 =	vld.idx.msk [tilespmem:v7+s3+$0x0], $0xffff  }
0x3c0: {  	v6 =	vld [tilespmem:s2+$0x197F0]  }
0x3c1: {  	[tilespmem:s2+$0x1B7D0] =	vst v10;
	v10 =	vld [tilespmem:s1+$0x19700]  }
0x3c2: {  	[tilespmem:s2+$0x1B750] =	vst v4;
	v4 =	vld.idx.msk [tilespmem:v8+s3+$0x0], $0xffff  }
0x3c3: {  	v0 =	vld [tilespmem:s0+$0x19BB8]  }
0x3c4: {  	[tilespmem:s0+$0x1BBB0] =	vst v7;
	v7 =	vld.idx.msk [tilespmem:v14+s3+$0x0], $0xffff  }
0x3c5: {  	v8 =	vld [tilespmem:s1+$0x19780]  }
0x3c6: {  	v14 =	vld [tilespmem:s1+$0x19710]  }
0x3c7: {  	[tilespmem:s2+$0x1B7E0] =	vst v4;
	v4 =	vld [tilespmem:s2+$0x19B80]  }
0x3c8: {  	v6 =	vld.idx.msk [tilespmem:v6+s3+$0x0], $0xffff  }
0x3c9: {  	v10 =	vld.idx.msk [tilespmem:v10+s3+$0x0], $0xffff  }
0x3ca: {  	v16 =	vld [tilespmem:s1+$0x19720]  }
0x3cb: {  	v11 =	vld.idx.msk [tilespmem:v0+s3+$0x0], $0xffff  }
0x3cc: {  	v0 =	vld [tilespmem:s2+$0x19B38]  }
0x3cd: {  	v8 =	vld.idx.msk [tilespmem:v8+s3+$0x0], $0xffff;
	[tilespmem:s2+$0x1B7F0] =	vst v6  }
0x3ce: {  	v6 =	vld [tilespmem:s2+$0x19B90];
	[tilespmem:s1+$0x1B700] =	vst v10  }
0x3cf: {  	v14 =	vld.idx.msk [tilespmem:v14+s3+$0x0], $0xffff  }
0x3d0: {  	v4 =	vld.idx.msk [tilespmem:v4+s3+$0x0], $0xffff  }
0x3d1: {  	[tilespmem:s0+$0x1BBB8] =	vst v11;
	v11 =	vld [tilespmem:s4+$0x19B38]  }
0x3d2: {  	[tilespmem:s1+$0x1B780] =	vst v8;
	v8 =	vld [tilespmem:s1+$0x197A0]  }
0x3d3: {  	[tilespmem:s2+$0x1B760] =	vst v7;
	v10 =	vld.idx.msk [tilespmem:v19+s3+$0x0], $0xffff  }
0x3d4: {  	[tilespmem:s1+$0x1B710] =	vst v14;
	v14 =	vld.idx.msk [tilespmem:v17+s3+$0x0], $0xffff  }
0x3d5: {  	[tilespmem:s2+$0x1BB80] =	vst v4;
	v4 =	vld [tilespmem:s2+$0x19BA0]  }
0x3d6: {  	v7 =	vld.idx.msk [tilespmem:v16+s3+$0x0], $0xffff  }
0x3d7: {  	v6 =	vld.idx.msk [tilespmem:v6+s3+$0x0], $0xffff  }
0x3d8: {  	[tilespmem:s1+$0x1B790] =	vst v10;
	v10 =	vld [tilespmem:s1+$0x197B0]  }
0x3d9: {  	v19 =	vld [tilespmem:s1+$0x19760]  }
0x3da: {  	v8 =	vld.idx.msk [tilespmem:v8+s3+$0x0], $0xffff  }
0x3db: {  	v16 =	vld [tilespmem:s1+$0x19B00];
	[tilespmem:s2+$0x1B770] =	vst v14  }
0x3dc: {  	[tilespmem:s1+$0x1B720] =	vst v7;
	v7 =	vld.idx.msk [tilespmem:v12+s3+$0x0], $0xffff  }
0x3dd: {  	[tilespmem:s2+$0x1BB90] =	vst v6;
	v6 =	vld [tilespmem:s2+$0x19BB0]  }
0x3de: {  	v4 =	vld.idx.msk [tilespmem:v4+s3+$0x0], $0xffff  }
0x3df: {  	[tilespmem:s1+$0x1B7A0] =	vst v8;
	v8 =	vld [tilespmem:s1+$0x197C0]  }
0x3e0: {  	[tilespmem:s0+$0x1BB10] =	vst v5;
	v5 =	vld.idx.msk [tilespmem:v10+s3+$0x0], $0xffff  }
0x3e1: {  	v10 =	vld.idx.msk [tilespmem:v1+s3+$0x0], $0xffff  }
0x3e2: {  	v1 =	vld.idx.msk [tilespmem:v18+s3+$0x0], $0xffff;
	[tilespmem:s2+$0x1BB00] =	vst v7  }
0x3e3: {  	v7 =	vld.idx.msk [tilespmem:v13+s3+$0x0], $0xffff  }
0x3e4: {  	[tilespmem:s2+$0x1BBA0] =	vst v4;
	v4 =	vld [tilespmem:s2+$0x19BB8]  }
0x3e5: {  	[tilespmem:s1+$0x1B7B0] =	vst v5;
	v5 =	vld [tilespmem:s1+$0x197D0]  }
0x3e6: {  	v6 =	vld.idx.msk [tilespmem:v6+s3+$0x0], $0xffff  }
0x3e7: {  	v8 =	vld.idx.msk [tilespmem:v8+s3+$0x0], $0xffff  }
0x3e8: {  	v12 =	vld [tilespmem:s1+$0x19B10];
	[tilespmem:s1+$0x1B730] =	vst v1  }
0x3e9: {  	v14 =	vld.idx.msk [tilespmem:v20+s3+$0x0], $0xffff  }
0x3ea: {  	v13 =	vld [tilespmem:s1+$0x19B20];
	[tilespmem:s2+$0x1BB10] =	vst v7  }
0x3eb: {  	v7 =	vld [tilespmem:s4+$0x19780];
	[tilespmem:s2+$0x1BBB0] =	vst v6  }
0x3ec: {  	[tilespmem:s1+$0x1B7C0] =	vst v8;
	v8 =	vld [tilespmem:s1+$0x197E0]  }
0x3ed: {  	v17 =	vld.idx.msk [tilespmem:v4+s3+$0x0], $0xffff  }
0x3ee: {  	[tilespmem:s1+$0x1B740] =	vst v14;
	v5 =	vld.idx.msk [tilespmem:v5+s3+$0x0], $0xffff  }
0x3ef: {  	v4 =	vld.idx.msk [tilespmem:v21+s3+$0x0], $0xffff  }
0x3f0: {  	v1 =	vld [tilespmem:s1+$0x19B30]  }
0x3f1: {  	[tilespmem:s0+$0x1BB20] =	vst v10;
	v10 =	vld [tilespmem:s4+$0x19710]  }
0x3f2: {  	v60 =	vld.idx.msk [tilespmem:v2+s3+$0x0], $0xffff  }
0x3f3: {  	[tilespmem:s1+$0x1B7D0] =	vst v5;
	v5 =	vld [tilespmem:s1+$0x197F0]  }
0x3f4: {  	[tilespmem:s1+$0x1B750] =	vst v4;
	v4 =	vld.idx.msk [tilespmem:v8+s3+$0x0], $0xffff  }
0x3f5: {  	v8 =	vld [tilespmem:s4+$0x19700]  }
0x3f6: {  	v2 =	vld [tilespmem:s1+$0x19B38]  }
0x3f7: {  	v7 =	vld.idx.msk [tilespmem:v7+s3+$0x0], $0xffff  }
0x3f8: {  	v6 =	vld.idx.msk [tilespmem:v19+s3+$0x0], $0xffff  }
0x3f9: {  	[tilespmem:s1+$0x1B7E0] =	vst v4;
	v4 =	vld [tilespmem:s1+$0x19B80]  }
0x3fa: {  	v19 =	vld [tilespmem:s4+$0x19790]  }
0x3fb: {  	v5 =	vld.idx.msk [tilespmem:v5+s3+$0x0], $0xffff  }
0x3fc: {  	v18 =	vld.idx.msk [tilespmem:v15+s3+$0x0], $0xffff  }
0x3fd: {  	v8 =	vld.idx.msk [tilespmem:v8+s3+$0x0], $0xffff  }
0x3fe: {  	v15 =	vld [tilespmem:s4+$0x19730]  }
0x3ff: {  	[tilespmem:s4+$0x1B780] =	vst v7;
	v7 =	vld [tilespmem:s4+$0x197A0]  }
0x400: {  	[tilespmem:s1+$0x1B7F0] =	vst v5;
	v5 =	vld [tilespmem:s1+$0x19B90]  }
0x401: {  	v4 =	vld.idx.msk [tilespmem:v4+s3+$0x0], $0xffff  }
0x402: {  	[tilespmem:s4+$0x1B700] =	vst v8;
	v8 =	vld.idx.msk [tilespmem:v19+s3+$0x0], $0xffff  }
0x403: {  	v14 =	vld [tilespmem:s4+$0x19720]  }
0x404: {  	v19 =	vld.idx.msk [tilespmem:v10+s3+$0x0], $0xffff  }
0x405: {  	v10 =	vld [tilespmem:s4+$0x19760]  }
0x406: {  	[tilespmem:s1+$0x1BB80] =	vst v4;
	v4 =	vld [tilespmem:s4+$0x19770]  }
0x407: {  	[tilespmem:s4+$0x1B790] =	vst v8;
	v8 =	vld [tilespmem:s4+$0x197B0]  }
0x408: {  	v5 =	vld.idx.msk [tilespmem:v5+s3+$0x0], $0xffff  }
0x409: {  	v7 =	vld.idx.msk [tilespmem:v7+s3+$0x0], $0xffff  }
0x40a: {  	[tilespmem:s4+$0x1B710] =	vst v19;
	v19 =	vld [tilespmem:s1+$0x19BB0]  }
0x40b: {  	[tilespmem:s1+$0x1B760] =	vst v6;
	v6 =	vld.idx.msk [tilespmem:v14+s3+$0x0], $0xffff  }
0x40c: {  	v14 =	vld.idx.msk [tilespmem:v22+s3+$0x0], $0xffff  }
0x40d: {  	[tilespmem:s1+$0x1BB90] =	vst v5;
	v5 =	vld [tilespmem:s4+$0x19B00]  }
0x40e: {  	v62 =	vld.idx.msk [tilespmem:v24+s3+$0x0], $0xffff  }
0x40f: {  	[tilespmem:s4+$0x1B7A0] =	vst v7;
	v7 =	vld [tilespmem:s4+$0x19B10]  }
0x410: {  	[tilespmem:s4+$0x1B720] =	vst v6;
	v6 =	vld.idx.msk [tilespmem:v8+s3+$0x0], $0xffff  }
0x411: {  	[tilespmem:s1+$0x1B770] =	vst v14;
	v8 =	vld.idx.msk [tilespmem:v15+s3+$0x0], $0xffff  }
0x412: {  	v14 =	vld.idx.msk [tilespmem:v16+s3+$0x0], $0xffff  }
0x413: {  	v15 =	vld [tilespmem:s1+$0x19BB8];
	[tilespmem:s1+$0x1BBA0] =	vst v62  }
0x414: {  	v16 =	vld.idx.msk [tilespmem:v19+s3+$0x0], $0xffff  }
0x415: {  	[tilespmem:s4+$0x1B7B0] =	vst v6;
	v19 =	vld [tilespmem:s4+$0x197D0]  }
0x416: {  	[tilespmem:s4+$0x1B730] =	vst v8;
	v8 =	vld [tilespmem:s4+$0x19B20]  }
0x417: {  	v6 =	vld.idx.msk [tilespmem:v63+s3+$0x0], $0xffff  }
0x418: {  	[tilespmem:s1+$0x1BB00] =	vst v14;
	v21 =	vld.idx.msk [tilespmem:v61+s3+$0x0], $0xffff  }
0x419: {  	v12 =	vld.idx.msk [tilespmem:v12+s3+$0x0], $0xffff  }
0x41a: {  	v14 =	vld [tilespmem:s4+$0x197E0];
	[tilespmem:s1+$0x1BBB0] =	vst v16  }
0x41b: {  	[tilespmem:s0+$0x1BB30] =	vst v60;
	v16 =	vld.idx.msk [tilespmem:v15+s3+$0x0], $0xffff  }
0x41c: {  	[tilespmem:s4+$0x1B7C0] =	vst v6;
	v6 =	vld [tilespmem:s4+$0x19B30]  }
0x41d: {  	[tilespmem:s4+$0x1B740] =	vst v21;
	v19 =	vld.idx.msk [tilespmem:v19+s3+$0x0], $0xffff  }
0x41e: {  	[tilespmem:s1+$0x1BB10] =	vst v12;
	v15 =	vld.idx.msk [tilespmem:v23+s3+$0x0], $0xffff  }
0x41f: {  	[tilespmem:s2+$0x1BB20] =	vst v18;
	v13 =	vld.idx.msk [tilespmem:v13+s3+$0x0], $0xffff  }
0x420: {  	[tilespmem:s2+$0x1BBB8] =	vst v17;
	v12 =	vld.idx.msk [tilespmem:v9+s3+$0x0], $0xffff  }
0x421: {  	v9 =	vld.idx.msk [tilespmem:v3+s3+$0x0], $0xffff;
	[tilespmem:s1+$0x1BBB8] =	vst v16  }
0x422: {  	s6 =	simm.s32 $0x400;
	s7 =	simm.s32 $0x800;
	s5 =	simm.s32 $0x6;
	v16 =	vld [tilespmem:s4+$0x197F0];
	[tilespmem:s4+$0x1B7D0] =	vst v19  }
.LBB2_8:
0x423: {  	s8 =	sand.u32 $0x800, s7;
	s9 =	sand.u32 $0x300, s6;
	s5 =	sadd.s32 $0x2, s5;
	[tilespmem:s4+$0x1B750] =	vst v15;
	v14 =	vld.idx.msk [tilespmem:v14+s3+$0x0], $0xffff  }
0x424: {  	s8 =	sor.u32 s9, s8;
	p0 =	slt.u32 s5, $0xE;
	v10 =	vld.idx.msk [tilespmem:v10+s3+$0x0], $0xffff;
	[tilespmem:s1+$0x1BB20] =	vst v13  }
0x425: {  	v13 =	vld [tilespmem:s8+$0x19780];
	[tilespmem:s2+$0x1BB30] =	vst v12;
	v3 =	vmov v11  }
0x426: {  	v11 =	vld [tilespmem:s8+$0x19700]  }
0x427: {  	v12 =	vld [tilespmem:s8+$0x19710];
	[tilespmem:s0+$0x1BB38] =	vst v9;
	s0 =	smov.u32 s2;
	s2 =	smov.u32 s1;
	s1 =	smov.u32 s4  }
0x428: {  	s4 =	smov.u32 s8;
	v9 =	vld [tilespmem:s8+$0x19720]  }
0x429: {  	[tilespmem:s1+$0x1B7E0] =	vst v14;
	v14 =	vld [tilespmem:s1+$0x19B80]  }
0x42a: {  	[tilespmem:s1+$0x1B760] =	vst v10;
	v10 =	vld.idx.msk [tilespmem:v16+s3+$0x0], $0xffff  }
0x42b: {  	v15 =	vld [tilespmem:s4+$0x19730]  }
0x42c: {  	v16 =	vld [tilespmem:s4+$0x19790]  }
0x42d: {  	v13 =	vld.idx.msk [tilespmem:v13+s3+$0x0], $0xffff  }
0x42e: {  	v11 =	vld.idx.msk [tilespmem:v11+s3+$0x0], $0xffff  }
0x42f: {  	v17 =	vld [tilespmem:s4+$0x19740]  }
0x430: {  	[tilespmem:s1+$0x1B7F0] =	vst v10;
	v18 =	vld [tilespmem:s1+$0x19B90]  }
0x431: {  	v14 =	vld.idx.msk [tilespmem:v14+s3+$0x0], $0xffff  }
0x432: {  	v19 =	vld [tilespmem:s4+$0x19750]  }
0x433: {  	[tilespmem:s4+$0x1B780] =	vst v13;
	v13 =	vld [tilespmem:s4+$0x197A0]  }
0x434: {  	[tilespmem:s4+$0x1B700] =	vst v11;
	v11 =	vld.idx.msk [tilespmem:v16+s3+$0x0], $0xffff  }
0x435: {  	v12 =	vld.idx.msk [tilespmem:v12+s3+$0x0], $0xffff  }
0x436: {  	v10 =	vld [tilespmem:s4+$0x19760]  }
0x437: {  	[tilespmem:s1+$0x1BB80] =	vst v14;
	v14 =	vld [tilespmem:s1+$0x19BA0]  }
0x438: {  	v16 =	vld.idx.msk [tilespmem:v18+s3+$0x0], $0xffff  }
0x439: {  	v18 =	vld [tilespmem:s4+$0x19770]  }
0x43a: {  	[tilespmem:s4+$0x1B790] =	vst v11;
	v11 =	vld [tilespmem:s4+$0x197B0]  }
0x43b: {  	[tilespmem:s4+$0x1B710] =	vst v12;
	v12 =	vld.idx.msk [tilespmem:v13+s3+$0x0], $0xffff  }
0x43c: {  	v9 =	vld.idx.msk [tilespmem:v9+s3+$0x0], $0xffff  }
0x43d: {  	v13 =	vld.idx.msk [tilespmem:v4+s3+$0x0], $0xffff  }
0x43e: {  	[tilespmem:s1+$0x1BB90] =	vst v16;
	v16 =	vld [tilespmem:s1+$0x19BB0];
	v4 =	vmov v18  }
0x43f: {  	v14 =	vld.idx.msk [tilespmem:v14+s3+$0x0], $0xffff  }
0x440: {  	v18 =	vld [tilespmem:s4+$0x19B00]  }
0x441: {  	[tilespmem:s4+$0x1B7A0] =	vst v12;
	v12 =	vld [tilespmem:s4+$0x197C0]  }
0x442: {  	[tilespmem:s4+$0x1B720] =	vst v9;
	v9 =	vld.idx.msk [tilespmem:v11+s3+$0x0], $0xffff  }
0x443: {  	v11 =	vld.idx.msk [tilespmem:v15+s3+$0x0], $0xffff;
	[tilespmem:s1+$0x1B770] =	vst v13  }
0x444: {  	v13 =	vld.idx.msk [tilespmem:v5+s3+$0x0], $0xffff  }
0x445: {  	[tilespmem:s1+$0x1BBA0] =	vst v14;
	v14 =	vld [tilespmem:s1+$0x19BB8];
	v5 =	vmov v18  }
0x446: {  	v15 =	vld.idx.msk [tilespmem:v16+s3+$0x0], $0xffff  }
0x447: {  	v16 =	vld [tilespmem:s4+$0x19B10]  }
0x448: {  	[tilespmem:s4+$0x1B7B0] =	vst v9;
	v9 =	vld [tilespmem:s4+$0x197D0]  }
0x449: {  	[tilespmem:s4+$0x1B730] =	vst v11;
	v11 =	vld.idx.msk [tilespmem:v12+s3+$0x0], $0xffff  }
0x44a: {  	v12 =	vld.idx.msk [tilespmem:v17+s3+$0x0], $0xffff;
	[tilespmem:s1+$0x1BB00] =	vst v13  }
0x44b: {  	v13 =	vld.idx.msk [tilespmem:v7+s3+$0x0], $0xffff  }
0x44c: {  	v17 =	vld [tilespmem:s4+$0x19B20];
	[tilespmem:s1+$0x1BBB0] =	vst v15;
	v7 =	vmov v16  }
0x44d: {  	v16 =	vld.idx.msk [tilespmem:v14+s3+$0x0], $0xffff  }
0x44e: {  	v18 =	vld [tilespmem:s4+$0x19B30]  }
0x44f: {  	[tilespmem:s4+$0x1B7C0] =	vst v11;
	v14 =	vld [tilespmem:s4+$0x197E0]  }
0x450: {  	[tilespmem:s4+$0x1B740] =	vst v12;
	v20 =	vld.idx.msk [tilespmem:v9+s3+$0x0], $0xffff  }
0x451: {  	v15 =	vld.idx.msk [tilespmem:v19+s3+$0x0], $0xffff;
	[tilespmem:s1+$0x1BB10] =	vst v13  }
.Ltmp3:
0x452: {  	v13 =	vld.idx.msk [tilespmem:v8+s3+$0x0], $0xffff;
	v8 =	vmov v17;
	(pc) =	sbr.rel @p0 .LBB2_8-.Ltmp3, $4  }
0x453: {  	[tilespmem:s1+$0x1BBB8] =	vst v16;
	v12 =	vld.idx.msk [tilespmem:v1+s3+$0x0], $0xffff;
	v1 =	vmov v6;
	v6 =	vmov v18  }
0x454: {  	v11 =	vld [tilespmem:s4+$0x19B38]  }
0x455: {  	v9 =	vld.idx.msk [tilespmem:v0+s3+$0x0], $0xffff;
	v0 =	vmov v2;
	v2 =	vmov v3  }
0x456: {  	s6 =	sadd.s32 $0x100, s6;
	s7 =	sadd.s32 $0x200, s7;
	[tilespmem:s4+$0x1B7D0] =	vst v20;
	v16 =	vld [tilespmem:s4+$0x197F0]  }
0x457: {  	_ =	sdelay $0x3  }
0x458: {  	v3 =	vld.idx.msk [tilespmem:v14+s3+$0x0], $0xffff;
	_ =	sdelay $0x2  }
0x459: {  	[tilespmem:s4+$0x1B750] =	vst v15  }
0x45a: {  	v10 =	vld.idx.msk [tilespmem:v10+s3+$0x0], $0xffff  }
0x45b: {  	[tilespmem:s4+$0x1B7E0] =	vst v3;
	v3 =	vld [tilespmem:s4+$0x19B80];
	_ =	sdelay $0x1  }
0x45c: {  	v14 =	vld.idx.msk [tilespmem:v16+s3+$0x0], $0xffff;
	_ =	sdelay $0x2  }
0x45d: {  	[tilespmem:s4+$0x1B760] =	vst v10  }
0x45e: {  	v4 =	vld.idx.msk [tilespmem:v4+s3+$0x0], $0xffff  }
0x45f: {  	[tilespmem:s4+$0x1B7F0] =	vst v14;
	v14 =	vld [tilespmem:s4+$0x19B90]  }
0x460: {  	v3 =	vld.idx.msk [tilespmem:v3+s3+$0x0], $0xffff;
	_ =	sdelay $0x3  }
0x461: {  	[tilespmem:s4+$0x1B770] =	vst v4  }
0x462: {  	[tilespmem:s4+$0x1BB80] =	vst v3;
	v3 =	vld [tilespmem:s4+$0x19BA0]  }
0x463: {  	v4 =	vld.idx.msk [tilespmem:v5+s3+$0x0], $0xffff  }
0x464: {  	v10 =	vld.idx.msk [tilespmem:v14+s3+$0x0], $0xffff;
	_ =	sdelay $0x3  }
0x465: {  	[tilespmem:s4+$0x1BB00] =	vst v4  }
0x466: {  	v4 =	vld.idx.msk [tilespmem:v7+s3+$0x0], $0xffff;
	[tilespmem:s4+$0x1BB90] =	vst v10  }
0x467: {  	v3 =	vld.idx.msk [tilespmem:v3+s3+$0x0], $0xffff;
	_ =	sdelay $0x1  }
0x468: {  	v5 =	vld [tilespmem:s4+$0x19BB0];
	_ =	sdelay $0x1  }
0x469: {  	[tilespmem:s4+$0x1BB10] =	vst v4  }
0x46a: {  	[tilespmem:s4+$0x1BBA0] =	vst v3;
	v3 =	vld.idx.msk [tilespmem:v8+s3+$0x0], $0xffff;
	_ =	sdelay $0x2  }
0x46b: {  	[tilespmem:s1+$0x1BB20] =	vst v13;
	v4 =	vld [tilespmem:s4+$0x19BB8]  }
0x46c: {  	v1 =	vld.idx.msk [tilespmem:v1+s3+$0x0], $0xffff  }
0x46d: {  	v5 =	vld.idx.msk [tilespmem:v5+s3+$0x0], $0xffff;
	[tilespmem:s4+$0x1BB20] =	vst v3  }
0x46e: {  	v3 =	vld.idx.msk [tilespmem:v6+s3+$0x0], $0xffff;
	_ =	sdelay $0x1  }
0x46f: {  	[tilespmem:s2+$0x1BB30] =	vst v12  }
0x470: {  	v0 =	vld.idx.msk [tilespmem:v0+s3+$0x0], $0xffff;
	[tilespmem:s1+$0x1BB30] =	vst v1  }
0x471: {  	v1 =	vld.idx.msk [tilespmem:v2+s3+$0x0], $0xffff;
	[tilespmem:s4+$0x1BBB0] =	vst v5  }
0x472: {  	v4 =	vld.idx.msk [tilespmem:v4+s3+$0x0], $0xffff;
	[tilespmem:s4+$0x1BB30] =	vst v3  }
0x473: {  	v2 =	vld.idx.msk [tilespmem:v11+s3+$0x0], $0xffff  }
0x474: {  	[tilespmem:s0+$0x1BB38] =	vst v9  }
0x475: {  	[tilespmem:s2+$0x1BB38] =	vst v0  }
0x476: {  	[tilespmem:s1+$0x1BB38] =	vst v1  }
0x477: {  	[tilespmem:s4+$0x1BBB8] =	vst v4  }
0x478: {  	s2 =	simm.s32 $0x0;
	[tilespmem:s4+$0x1BB38] =	vst v2  }
0x479: {  	[hbm4b:s12+s2] =	stream.linear.scatter [tilespmem:s28], [sflag:$0x5], $0x1000, $0x38;
	[tilespmem:$0x1C700] =	vst v63  }
0x47a: {  	_ = 	snop  }
0x47b: {  	[tilespmem:s23], [sflag:$0x3] =	stream.linear.gather [hbm4b:s13+s2], $0x1000, $0x38;
	[tilespmem:$0x1C700] =	vst v63  }
0x47c: {  	_ =	swait.ge [sflag:s24], $0x1000  }
0x47d: {  	[sflag:s24] =	ssyncset.done $0x0  }
0x47e: {  	[sflag:s24] =	ssyncadd.s32 $0xFFFFF000  }
0x47f: {  	_ =	swait.ge [sflag:s29], $0x1000  }
0x480: {  	s0 =	sand.u32 $0x300, s2;
	s4 =	sand.u32 $0x800, s2;
	[sflag:s29] =	ssyncset.done $0x0  }
0x481: {  	s0 =	sor.u32 s0, s4;
	[sflag:s29] =	ssyncadd.s32 $0xFFFFF000  }
0x482: {  	v1 =	vld [tilespmem:s0+$0x18700];
	_ =	sdelay $0x1  }
0x483: {  	v0 =	vld [tilespmem:s0+$0x18780];
	_ =	sdelay $0x2  }
0x484: {  	v2 =	vld [tilespmem:s0+$0x18790]  }
0x485: {  	v3 =	vld [tilespmem:s0+$0x18710]  }
0x486: {  	v4 =	vld [tilespmem:s0+$0x18720]  }
0x487: {  	v1 =	vld.idx.msk [tilespmem:v1+s3+$0x0], $0xffff  }
0x488: {  	v5 =	vld [tilespmem:s0+$0x18730]  }
0x489: {  	v0 =	vld.idx.msk [tilespmem:v0+s3+$0x0], $0xffff  }
0x48a: {  	v6 =	vld [tilespmem:s0+$0x18740]  }
0x48b: {  	v7 =	vld [tilespmem:s0+$0x18750]  }
0x48c: {  	v8 =	vld [tilespmem:s0+$0x18760];
	[tilespmem:s0+$0x1A700] =	vst v1  }
0x48d: {  	v1 =	vld.idx.msk [tilespmem:v3+s3+$0x0], $0xffff  }
0x48e: {  	s5 =	simm.s32 $0x100;
	s6 =	simm.s32 $0x200;
	[tilespmem:s0+$0x1A780] =	vst v0;
	v0 =	vld [tilespmem:s0+$0x187A0]  }
0x48f: {  	s1 =	sand.u32 $0x300, s5;
	s2 =	sand.u32 $0x800, s6;
	v9 =	vld [tilespmem:s0+$0x18770]  }
0x490: {  	s2 =	sor.u32 s1, s2;
	v2 =	vld.idx.msk [tilespmem:v2+s3+$0x0], $0xffff  }
0x491: {  	v11 =	vld [tilespmem:s2+$0x18710]  }
0x492: {  	v12 =	vld [tilespmem:s2+$0x18720];
	[tilespmem:s0+$0x1A710] =	vst v1  }
0x493: {  	v1 =	vld.idx.msk [tilespmem:v4+s3+$0x0], $0xffff  }
0x494: {  	v13 =	vld [tilespmem:s2+$0x18730]  }
0x495: {  	[tilespmem:s0+$0x1A790] =	vst v2;
	v2 =	vld [tilespmem:s0+$0x187B0]  }
0x496: {  	v0 =	vld.idx.msk [tilespmem:v0+s3+$0x0], $0xffff  }
0x497: {  	v14 =	vld [tilespmem:s2+$0x18790]  }
0x498: {  	v15 =	vld [tilespmem:s2+$0x18740];
	[tilespmem:s0+$0x1A720] =	vst v1  }
0x499: {  	v1 =	vld.idx.msk [tilespmem:v5+s3+$0x0], $0xffff  }
0x49a: {  	v16 =	vld [tilespmem:s2+$0x18750]  }
0x49b: {  	s7 =	simm.s32 $0x200;
	s8 =	simm.s32 $0x400;
	[tilespmem:s0+$0x1A7A0] =	vst v0;
	v0 =	vld [tilespmem:s0+$0x187C0]  }
0x49c: {  	s4 =	sand.u32 $0x800, s8;
	s1 =	sand.u32 $0x300, s7;
	v17 =	vld [tilespmem:s2+$0x18770]  }
0x49d: {  	s1 =	sor.u32 s1, s4;
	v2 =	vld.idx.msk [tilespmem:v2+s3+$0x0], $0xffff  }
0x49e: {  	v18 =	vld [tilespmem:s1+$0x18730];
	[tilespmem:s0+$0x1A730] =	vst v1  }
0x49f: {  	v6 =	vld.idx.msk [tilespmem:v6+s3+$0x0], $0xffff  }
0x4a0: {  	v19 =	vld [tilespmem:s1+$0x18790]  }
0x4a1: {  	v3 =	vld [tilespmem:s0+$0x187D0]  }
0x4a2: {  	v20 =	vld [tilespmem:s1+$0x18740];
	[tilespmem:s0+$0x1A7B0] =	vst v2  }
0x4a3: {  	v0 =	vld.idx.msk [tilespmem:v0+s3+$0x0], $0xffff  }
0x4a4: {  	s9 =	simm.s32 $0x300;
	s5 =	simm.s32 $0x600;
	v21 =	vld [tilespmem:s1+$0x18750];
	[tilespmem:s0+$0x1A740] =	vst v6  }
0x4a5: {  	s5 =	sand.u32 $0x800, s5;
	s4 =	sand.u32 $0x300, s9;
	v6 =	vld.idx.msk [tilespmem:v7+s3+$0x0], $0xffff  }
0x4a6: {  	s4 =	sor.u32 s4, s5;
	v22 =	vld [tilespmem:s1+$0x18770]  }
0x4a7: {  	v61 =	vld [tilespmem:s4+$0x18740]  }
0x4a8: {  	v23 =	vld [tilespmem:s4+$0x18750];
	[tilespmem:s0+$0x1A7C0] =	vst v0  }
0x4a9: {  	v10 =	vld.idx.msk [tilespmem:v3+s3+$0x0], $0xffff  }
0x4aa: {  	v0 =	vld [tilespmem:s0+$0x187E0];
	[tilespmem:s0+$0x1A750] =	vst v6  }
0x4ab: {  	v6 =	vld.idx.msk [tilespmem:v8+s3+$0x0], $0xffff  }
0x4ac: {  	v8 =	vld [tilespmem:s2+$0x18780]  }
0x4ad: {  	v24 =	vld [tilespmem:s1+$0x18BA0]  }
0x4ae: {  	[tilespmem:s0+$0x1A7D0] =	vst v10;
	v10 =	vld [tilespmem:s2+$0x18700]  }
0x4af: {  	v63 =	vld [tilespmem:s4+$0x187C0]  }
0x4b0: {  	v4 =	vld [tilespmem:s0+$0x18B00]  }
0x4b1: {  	v5 =	vld [tilespmem:s0+$0x18B10]  }
0x4b2: {  	v7 =	vld [tilespmem:s0+$0x187F0]  }
0x4b3: {  	v0 =	vld.idx.msk [tilespmem:v0+s3+$0x0], $0xffff  }
0x4b4: {  	v8 =	vld.idx.msk [tilespmem:v8+s3+$0x0], $0xffff  }
0x4b5: {  	v1 =	vld [tilespmem:s0+$0x18B20]  }
0x4b6: {  	v10 =	vld.idx.msk [tilespmem:v10+s3+$0x0], $0xffff  }
0x4b7: {  	v2 =	vld [tilespmem:s0+$0x18B30]  }
0x4b8: {  	[tilespmem:s0+$0x1A7E0] =	vst v0;
	v0 =	vld [tilespmem:s0+$0x18B80]  }
0x4b9: {  	[tilespmem:s2+$0x1A780] =	vst v8;
	v8 =	vld [tilespmem:s2+$0x187A0]  }
0x4ba: {  	v7 =	vld.idx.msk [tilespmem:v7+s3+$0x0], $0xffff  }
0x4bb: {  	[tilespmem:s2+$0x1A700] =	vst v10;
	v10 =	vld.idx.msk [tilespmem:v14+s3+$0x0], $0xffff  }
0x4bc: {  	v3 =	vld [tilespmem:s0+$0x18B38];
	[tilespmem:s0+$0x1A760] =	vst v6  }
0x4bd: {  	v9 =	vld.idx.msk [tilespmem:v9+s3+$0x0], $0xffff  }
0x4be: {  	v11 =	vld.idx.msk [tilespmem:v11+s3+$0x0], $0xffff  }
0x4bf: {  	[tilespmem:s0+$0x1A7F0] =	vst v7;
	v7 =	vld [tilespmem:s0+$0x18B90]  }
0x4c0: {  	[tilespmem:s2+$0x1A790] =	vst v10;
	v10 =	vld [tilespmem:s2+$0x187B0]  }
0x4c1: {  	v8 =	vld.idx.msk [tilespmem:v8+s3+$0x0], $0xffff  }
0x4c2: {  	[tilespmem:s0+$0x1A770] =	vst v9;
	v0 =	vld.idx.msk [tilespmem:v0+s3+$0x0], $0xffff  }
0x4c3: {  	v9 =	vld [tilespmem:s2+$0x18B30];
	[tilespmem:s2+$0x1A710] =	vst v11  }
0x4c4: {  	v6 =	vld.idx.msk [tilespmem:v12+s3+$0x0], $0xffff  }
0x4c5: {  	v4 =	vld.idx.msk [tilespmem:v4+s3+$0x0], $0xffff  }
0x4c6: {  	[tilespmem:s2+$0x1A7A0] =	vst v8;
	v8 =	vld [tilespmem:s2+$0x187C0]  }
0x4c7: {  	[tilespmem:s0+$0x1AB80] =	vst v0;
	v0 =	vld [tilespmem:s0+$0x18BA0]  }
0x4c8: {  	v10 =	vld.idx.msk [tilespmem:v10+s3+$0x0], $0xffff  }
0x4c9: {  	v7 =	vld.idx.msk [tilespmem:v7+s3+$0x0], $0xffff;
	[tilespmem:s2+$0x1A720] =	vst v6  }
0x4ca: {  	v6 =	vld.idx.msk [tilespmem:v13+s3+$0x0], $0xffff  }
0x4cb: {  	v14 =	vld [tilespmem:s2+$0x18760];
	[tilespmem:s0+$0x1AB00] =	vst v4  }
0x4cc: {  	v5 =	vld.idx.msk [tilespmem:v5+s3+$0x0], $0xffff  }
0x4cd: {  	[tilespmem:s2+$0x1A7B0] =	vst v10;
	v10 =	vld [tilespmem:s2+$0x187D0]  }
0x4ce: {  	[tilespmem:s0+$0x1AB90] =	vst v7;
	v8 =	vld.idx.msk [tilespmem:v8+s3+$0x0], $0xffff  }
0x4cf: {  	v7 =	vld [tilespmem:s0+$0x18BB0];
	[tilespmem:s2+$0x1A730] =	vst v6  }
0x4d0: {  	v6 =	vld.idx.msk [tilespmem:v15+s3+$0x0], $0xffff  }
0x4d1: {  	v12 =	vld [tilespmem:s2+$0x18B00]  }
0x4d2: {  	v0 =	vld.idx.msk [tilespmem:v0+s3+$0x0], $0xffff  }
0x4d3: {  	[tilespmem:s2+$0x1A7C0] =	vst v8;
	v8 =	vld [tilespmem:s2+$0x187E0]  }
0x4d4: {  	v13 =	vld [tilespmem:s2+$0x18B10]  }
0x4d5: {  	[tilespmem:s2+$0x1A740] =	vst v6;
	v10 =	vld.idx.msk [tilespmem:v10+s3+$0x0], $0xffff  }
0x4d6: {  	v4 =	vld.idx.msk [tilespmem:v16+s3+$0x0], $0xffff  }
0x4d7: {  	v15 =	vld [tilespmem:s2+$0x18B20];
	[tilespmem:s0+$0x1ABA0] =	vst v0  }
0x4d8: {  	v7 =	vld.idx.msk [tilespmem:v7+s3+$0x0], $0xffff  }
0x4d9: {  	v6 =	vld [tilespmem:s2+$0x187F0]  }
0x4da: {  	[tilespmem:s2+$0x1A7D0] =	vst v10;
	v10 =	vld [tilespmem:s1+$0x18700]  }
0x4db: {  	[tilespmem:s2+$0x1A750] =	vst v4;
	v4 =	vld.idx.msk [tilespmem:v8+s3+$0x0], $0xffff  }
0x4dc: {  	v0 =	vld [tilespmem:s0+$0x18BB8]  }
0x4dd: {  	[tilespmem:s0+$0x1ABB0] =	vst v7;
	v7 =	vld.idx.msk [tilespmem:v14+s3+$0x0], $0xffff  }
0x4de: {  	v8 =	vld [tilespmem:s1+$0x18780]  }
0x4df: {  	v14 =	vld [tilespmem:s1+$0x18710]  }
0x4e0: {  	[tilespmem:s2+$0x1A7E0] =	vst v4;
	v4 =	vld [tilespmem:s2+$0x18B80]  }
0x4e1: {  	v6 =	vld.idx.msk [tilespmem:v6+s3+$0x0], $0xffff  }
0x4e2: {  	v10 =	vld.idx.msk [tilespmem:v10+s3+$0x0], $0xffff  }
0x4e3: {  	v16 =	vld [tilespmem:s1+$0x18720]  }
0x4e4: {  	v11 =	vld.idx.msk [tilespmem:v0+s3+$0x0], $0xffff  }
0x4e5: {  	v0 =	vld [tilespmem:s2+$0x18B38]  }
0x4e6: {  	v8 =	vld.idx.msk [tilespmem:v8+s3+$0x0], $0xffff;
	[tilespmem:s2+$0x1A7F0] =	vst v6  }
0x4e7: {  	v6 =	vld [tilespmem:s2+$0x18B90];
	[tilespmem:s1+$0x1A700] =	vst v10  }
0x4e8: {  	v14 =	vld.idx.msk [tilespmem:v14+s3+$0x0], $0xffff  }
0x4e9: {  	v4 =	vld.idx.msk [tilespmem:v4+s3+$0x0], $0xffff  }
0x4ea: {  	[tilespmem:s0+$0x1ABB8] =	vst v11;
	v11 =	vld [tilespmem:s4+$0x18B38]  }
0x4eb: {  	[tilespmem:s1+$0x1A780] =	vst v8;
	v8 =	vld [tilespmem:s1+$0x187A0]  }
0x4ec: {  	[tilespmem:s2+$0x1A760] =	vst v7;
	v10 =	vld.idx.msk [tilespmem:v19+s3+$0x0], $0xffff  }
0x4ed: {  	[tilespmem:s1+$0x1A710] =	vst v14;
	v14 =	vld.idx.msk [tilespmem:v17+s3+$0x0], $0xffff  }
0x4ee: {  	[tilespmem:s2+$0x1AB80] =	vst v4;
	v4 =	vld [tilespmem:s2+$0x18BA0]  }
0x4ef: {  	v7 =	vld.idx.msk [tilespmem:v16+s3+$0x0], $0xffff  }
0x4f0: {  	v6 =	vld.idx.msk [tilespmem:v6+s3+$0x0], $0xffff  }
0x4f1: {  	[tilespmem:s1+$0x1A790] =	vst v10;
	v10 =	vld [tilespmem:s1+$0x187B0]  }
0x4f2: {  	v19 =	vld [tilespmem:s1+$0x18760]  }
0x4f3: {  	v8 =	vld.idx.msk [tilespmem:v8+s3+$0x0], $0xffff  }
0x4f4: {  	v16 =	vld [tilespmem:s1+$0x18B00];
	[tilespmem:s2+$0x1A770] =	vst v14  }
0x4f5: {  	[tilespmem:s1+$0x1A720] =	vst v7;
	v7 =	vld.idx.msk [tilespmem:v12+s3+$0x0], $0xffff  }
0x4f6: {  	[tilespmem:s2+$0x1AB90] =	vst v6;
	v6 =	vld [tilespmem:s2+$0x18BB0]  }
0x4f7: {  	v4 =	vld.idx.msk [tilespmem:v4+s3+$0x0], $0xffff  }
0x4f8: {  	[tilespmem:s1+$0x1A7A0] =	vst v8;
	v8 =	vld [tilespmem:s1+$0x187C0]  }
0x4f9: {  	[tilespmem:s0+$0x1AB10] =	vst v5;
	v5 =	vld.idx.msk [tilespmem:v10+s3+$0x0], $0xffff  }
0x4fa: {  	v10 =	vld.idx.msk [tilespmem:v1+s3+$0x0], $0xffff  }
0x4fb: {  	v1 =	vld.idx.msk [tilespmem:v18+s3+$0x0], $0xffff;
	[tilespmem:s2+$0x1AB00] =	vst v7  }
0x4fc: {  	v7 =	vld.idx.msk [tilespmem:v13+s3+$0x0], $0xffff  }
0x4fd: {  	[tilespmem:s2+$0x1ABA0] =	vst v4;
	v4 =	vld [tilespmem:s2+$0x18BB8]  }
0x4fe: {  	[tilespmem:s1+$0x1A7B0] =	vst v5;
	v5 =	vld [tilespmem:s1+$0x187D0]  }
0x4ff: {  	v6 =	vld.idx.msk [tilespmem:v6+s3+$0x0], $0xffff  }
0x500: {  	v8 =	vld.idx.msk [tilespmem:v8+s3+$0x0], $0xffff  }
0x501: {  	v12 =	vld [tilespmem:s1+$0x18B10];
	[tilespmem:s1+$0x1A730] =	vst v1  }
0x502: {  	v14 =	vld.idx.msk [tilespmem:v20+s3+$0x0], $0xffff  }
0x503: {  	v13 =	vld [tilespmem:s1+$0x18B20];
	[tilespmem:s2+$0x1AB10] =	vst v7  }
0x504: {  	v7 =	vld [tilespmem:s4+$0x18780];
	[tilespmem:s2+$0x1ABB0] =	vst v6  }
0x505: {  	[tilespmem:s1+$0x1A7C0] =	vst v8;
	v8 =	vld [tilespmem:s1+$0x187E0]  }
0x506: {  	v17 =	vld.idx.msk [tilespmem:v4+s3+$0x0], $0xffff  }
0x507: {  	[tilespmem:s1+$0x1A740] =	vst v14;
	v5 =	vld.idx.msk [tilespmem:v5+s3+$0x0], $0xffff  }
0x508: {  	v4 =	vld.idx.msk [tilespmem:v21+s3+$0x0], $0xffff  }
0x509: {  	v1 =	vld [tilespmem:s1+$0x18B30]  }
0x50a: {  	[tilespmem:s0+$0x1AB20] =	vst v10;
	v10 =	vld [tilespmem:s4+$0x18710]  }
0x50b: {  	v60 =	vld.idx.msk [tilespmem:v2+s3+$0x0], $0xffff  }
0x50c: {  	[tilespmem:s1+$0x1A7D0] =	vst v5;
	v5 =	vld [tilespmem:s1+$0x187F0]  }
0x50d: {  	[tilespmem:s1+$0x1A750] =	vst v4;
	v4 =	vld.idx.msk [tilespmem:v8+s3+$0x0], $0xffff  }
0x50e: {  	v8 =	vld [tilespmem:s4+$0x18700]  }
0x50f: {  	v2 =	vld [tilespmem:s1+$0x18B38]  }
0x510: {  	v7 =	vld.idx.msk [tilespmem:v7+s3+$0x0], $0xffff  }
0x511: {  	v6 =	vld.idx.msk [tilespmem:v19+s3+$0x0], $0xffff  }
0x512: {  	[tilespmem:s1+$0x1A7E0] =	vst v4;
	v4 =	vld [tilespmem:s1+$0x18B80]  }
0x513: {  	v19 =	vld [tilespmem:s4+$0x18790]  }
0x514: {  	v5 =	vld.idx.msk [tilespmem:v5+s3+$0x0], $0xffff  }
0x515: {  	v18 =	vld.idx.msk [tilespmem:v15+s3+$0x0], $0xffff  }
0x516: {  	v8 =	vld.idx.msk [tilespmem:v8+s3+$0x0], $0xffff  }
0x517: {  	v15 =	vld [tilespmem:s4+$0x18730]  }
0x518: {  	[tilespmem:s4+$0x1A780] =	vst v7;
	v7 =	vld [tilespmem:s4+$0x187A0]  }
0x519: {  	[tilespmem:s1+$0x1A7F0] =	vst v5;
	v5 =	vld [tilespmem:s1+$0x18B90]  }
0x51a: {  	v4 =	vld.idx.msk [tilespmem:v4+s3+$0x0], $0xffff  }
0x51b: {  	[tilespmem:s4+$0x1A700] =	vst v8;
	v8 =	vld.idx.msk [tilespmem:v19+s3+$0x0], $0xffff  }
0x51c: {  	v14 =	vld [tilespmem:s4+$0x18720]  }
0x51d: {  	v19 =	vld.idx.msk [tilespmem:v10+s3+$0x0], $0xffff  }
0x51e: {  	v10 =	vld [tilespmem:s4+$0x18760]  }
0x51f: {  	[tilespmem:s1+$0x1AB80] =	vst v4;
	v4 =	vld [tilespmem:s4+$0x18770]  }
0x520: {  	[tilespmem:s4+$0x1A790] =	vst v8;
	v8 =	vld [tilespmem:s4+$0x187B0]  }
0x521: {  	v5 =	vld.idx.msk [tilespmem:v5+s3+$0x0], $0xffff  }
0x522: {  	v7 =	vld.idx.msk [tilespmem:v7+s3+$0x0], $0xffff  }
0x523: {  	[tilespmem:s4+$0x1A710] =	vst v19;
	v19 =	vld [tilespmem:s1+$0x18BB0]  }
0x524: {  	[tilespmem:s1+$0x1A760] =	vst v6;
	v6 =	vld.idx.msk [tilespmem:v14+s3+$0x0], $0xffff  }
0x525: {  	v14 =	vld.idx.msk [tilespmem:v22+s3+$0x0], $0xffff  }
0x526: {  	[tilespmem:s1+$0x1AB90] =	vst v5;
	v5 =	vld [tilespmem:s4+$0x18B00]  }
0x527: {  	v62 =	vld.idx.msk [tilespmem:v24+s3+$0x0], $0xffff  }
0x528: {  	[tilespmem:s4+$0x1A7A0] =	vst v7;
	v7 =	vld [tilespmem:s4+$0x18B10]  }
0x529: {  	[tilespmem:s4+$0x1A720] =	vst v6;
	v6 =	vld.idx.msk [tilespmem:v8+s3+$0x0], $0xffff  }
0x52a: {  	[tilespmem:s1+$0x1A770] =	vst v14;
	v8 =	vld.idx.msk [tilespmem:v15+s3+$0x0], $0xffff  }
0x52b: {  	v14 =	vld.idx.msk [tilespmem:v16+s3+$0x0], $0xffff  }
0x52c: {  	v15 =	vld [tilespmem:s1+$0x18BB8];
	[tilespmem:s1+$0x1ABA0] =	vst v62  }
0x52d: {  	v16 =	vld.idx.msk [tilespmem:v19+s3+$0x0], $0xffff  }
0x52e: {  	[tilespmem:s4+$0x1A7B0] =	vst v6;
	v19 =	vld [tilespmem:s4+$0x187D0]  }
0x52f: {  	[tilespmem:s4+$0x1A730] =	vst v8;
	v8 =	vld [tilespmem:s4+$0x18B20]  }
0x530: {  	v6 =	vld.idx.msk [tilespmem:v63+s3+$0x0], $0xffff  }
0x531: {  	[tilespmem:s1+$0x1AB00] =	vst v14;
	v21 =	vld.idx.msk [tilespmem:v61+s3+$0x0], $0xffff  }
0x532: {  	v12 =	vld.idx.msk [tilespmem:v12+s3+$0x0], $0xffff  }
0x533: {  	v14 =	vld [tilespmem:s4+$0x187E0];
	[tilespmem:s1+$0x1ABB0] =	vst v16  }
0x534: {  	[tilespmem:s0+$0x1AB30] =	vst v60;
	v16 =	vld.idx.msk [tilespmem:v15+s3+$0x0], $0xffff  }
0x535: {  	[tilespmem:s4+$0x1A7C0] =	vst v6;
	v6 =	vld [tilespmem:s4+$0x18B30]  }
0x536: {  	[tilespmem:s4+$0x1A740] =	vst v21;
	v19 =	vld.idx.msk [tilespmem:v19+s3+$0x0], $0xffff  }
0x537: {  	[tilespmem:s1+$0x1AB10] =	vst v12;
	v15 =	vld.idx.msk [tilespmem:v23+s3+$0x0], $0xffff  }
0x538: {  	[tilespmem:s2+$0x1AB20] =	vst v18;
	v13 =	vld.idx.msk [tilespmem:v13+s3+$0x0], $0xffff  }
0x539: {  	[tilespmem:s2+$0x1ABB8] =	vst v17;
	v12 =	vld.idx.msk [tilespmem:v9+s3+$0x0], $0xffff  }
0x53a: {  	v9 =	vld.idx.msk [tilespmem:v3+s3+$0x0], $0xffff;
	[tilespmem:s1+$0x1ABB8] =	vst v16  }
0x53b: {  	s6 =	simm.s32 $0x400;
	s7 =	simm.s32 $0x800;
	s5 =	simm.s32 $0x6;
	v16 =	vld [tilespmem:s4+$0x187F0];
	[tilespmem:s4+$0x1A7D0] =	vst v19  }
.LBB2_10:
0x53c: {  	s8 =	sand.u32 $0x800, s7;
	s9 =	sand.u32 $0x300, s6;
	s5 =	sadd.s32 $0x2, s5;
	[tilespmem:s4+$0x1A750] =	vst v15;
	v14 =	vld.idx.msk [tilespmem:v14+s3+$0x0], $0xffff  }
0x53d: {  	s8 =	sor.u32 s9, s8;
	p0 =	slt.u32 s5, $0xE;
	v10 =	vld.idx.msk [tilespmem:v10+s3+$0x0], $0xffff;
	[tilespmem:s1+$0x1AB20] =	vst v13  }
0x53e: {  	v13 =	vld [tilespmem:s8+$0x18780];
	[tilespmem:s2+$0x1AB30] =	vst v12;
	v3 =	vmov v11  }
0x53f: {  	v11 =	vld [tilespmem:s8+$0x18700]  }
0x540: {  	v12 =	vld [tilespmem:s8+$0x18710];
	[tilespmem:s0+$0x1AB38] =	vst v9;
	s0 =	smov.u32 s2;
	s2 =	smov.u32 s1;
	s1 =	smov.u32 s4  }
0x541: {  	s4 =	smov.u32 s8;
	v9 =	vld [tilespmem:s8+$0x18720]  }
0x542: {  	[tilespmem:s1+$0x1A7E0] =	vst v14;
	v14 =	vld [tilespmem:s1+$0x18B80]  }
0x543: {  	[tilespmem:s1+$0x1A760] =	vst v10;
	v10 =	vld.idx.msk [tilespmem:v16+s3+$0x0], $0xffff  }
0x544: {  	v15 =	vld [tilespmem:s4+$0x18730]  }
0x545: {  	v16 =	vld [tilespmem:s4+$0x18790]  }
0x546: {  	v13 =	vld.idx.msk [tilespmem:v13+s3+$0x0], $0xffff  }
0x547: {  	v11 =	vld.idx.msk [tilespmem:v11+s3+$0x0], $0xffff  }
0x548: {  	v17 =	vld [tilespmem:s4+$0x18740]  }
0x549: {  	[tilespmem:s1+$0x1A7F0] =	vst v10;
	v18 =	vld [tilespmem:s1+$0x18B90]  }
0x54a: {  	v14 =	vld.idx.msk [tilespmem:v14+s3+$0x0], $0xffff  }
0x54b: {  	v19 =	vld [tilespmem:s4+$0x18750]  }
0x54c: {  	[tilespmem:s4+$0x1A780] =	vst v13;
	v13 =	vld [tilespmem:s4+$0x187A0]  }
0x54d: {  	[tilespmem:s4+$0x1A700] =	vst v11;
	v11 =	vld.idx.msk [tilespmem:v16+s3+$0x0], $0xffff  }
0x54e: {  	v12 =	vld.idx.msk [tilespmem:v12+s3+$0x0], $0xffff  }
0x54f: {  	v10 =	vld [tilespmem:s4+$0x18760]  }
0x550: {  	[tilespmem:s1+$0x1AB80] =	vst v14;
	v14 =	vld [tilespmem:s1+$0x18BA0]  }
0x551: {  	v16 =	vld.idx.msk [tilespmem:v18+s3+$0x0], $0xffff  }
0x552: {  	v18 =	vld [tilespmem:s4+$0x18770]  }
0x553: {  	[tilespmem:s4+$0x1A790] =	vst v11;
	v11 =	vld [tilespmem:s4+$0x187B0]  }
0x554: {  	[tilespmem:s4+$0x1A710] =	vst v12;
	v12 =	vld.idx.msk [tilespmem:v13+s3+$0x0], $0xffff  }
0x555: {  	v9 =	vld.idx.msk [tilespmem:v9+s3+$0x0], $0xffff  }
0x556: {  	v13 =	vld.idx.msk [tilespmem:v4+s3+$0x0], $0xffff  }
0x557: {  	[tilespmem:s1+$0x1AB90] =	vst v16;
	v16 =	vld [tilespmem:s1+$0x18BB0];
	v4 =	vmov v18  }
0x558: {  	v14 =	vld.idx.msk [tilespmem:v14+s3+$0x0], $0xffff  }
0x559: {  	v18 =	vld [tilespmem:s4+$0x18B00]  }
0x55a: {  	[tilespmem:s4+$0x1A7A0] =	vst v12;
	v12 =	vld [tilespmem:s4+$0x187C0]  }
0x55b: {  	[tilespmem:s4+$0x1A720] =	vst v9;
	v9 =	vld.idx.msk [tilespmem:v11+s3+$0x0], $0xffff  }
0x55c: {  	v11 =	vld.idx.msk [tilespmem:v15+s3+$0x0], $0xffff;
	[tilespmem:s1+$0x1A770] =	vst v13  }
0x55d: {  	v13 =	vld.idx.msk [tilespmem:v5+s3+$0x0], $0xffff  }
0x55e: {  	[tilespmem:s1+$0x1ABA0] =	vst v14;
	v14 =	vld [tilespmem:s1+$0x18BB8];
	v5 =	vmov v18  }
0x55f: {  	v15 =	vld.idx.msk [tilespmem:v16+s3+$0x0], $0xffff  }
0x560: {  	v16 =	vld [tilespmem:s4+$0x18B10]  }
0x561: {  	[tilespmem:s4+$0x1A7B0] =	vst v9;
	v9 =	vld [tilespmem:s4+$0x187D0]  }
0x562: {  	[tilespmem:s4+$0x1A730] =	vst v11;
	v11 =	vld.idx.msk [tilespmem:v12+s3+$0x0], $0xffff  }
0x563: {  	v12 =	vld.idx.msk [tilespmem:v17+s3+$0x0], $0xffff;
	[tilespmem:s1+$0x1AB00] =	vst v13  }
0x564: {  	v13 =	vld.idx.msk [tilespmem:v7+s3+$0x0], $0xffff  }
0x565: {  	v17 =	vld [tilespmem:s4+$0x18B20];
	[tilespmem:s1+$0x1ABB0] =	vst v15;
	v7 =	vmov v16  }
0x566: {  	v16 =	vld.idx.msk [tilespmem:v14+s3+$0x0], $0xffff  }
0x567: {  	v18 =	vld [tilespmem:s4+$0x18B30]  }
0x568: {  	[tilespmem:s4+$0x1A7C0] =	vst v11;
	v14 =	vld [tilespmem:s4+$0x187E0]  }
0x569: {  	[tilespmem:s4+$0x1A740] =	vst v12;
	v20 =	vld.idx.msk [tilespmem:v9+s3+$0x0], $0xffff  }
0x56a: {  	v15 =	vld.idx.msk [tilespmem:v19+s3+$0x0], $0xffff;
	[tilespmem:s1+$0x1AB10] =	vst v13  }
.Ltmp4:
0x56b: {  	v13 =	vld.idx.msk [tilespmem:v8+s3+$0x0], $0xffff;
	v8 =	vmov v17;
	(pc) =	sbr.rel @p0 .LBB2_10-.Ltmp4, $4  }
0x56c: {  	[tilespmem:s1+$0x1ABB8] =	vst v16;
	v12 =	vld.idx.msk [tilespmem:v1+s3+$0x0], $0xffff;
	v1 =	vmov v6;
	v6 =	vmov v18  }
0x56d: {  	v11 =	vld [tilespmem:s4+$0x18B38]  }
0x56e: {  	v9 =	vld.idx.msk [tilespmem:v0+s3+$0x0], $0xffff;
	v0 =	vmov v2;
	v2 =	vmov v3  }
0x56f: {  	s6 =	sadd.s32 $0x100, s6;
	s7 =	sadd.s32 $0x200, s7;
	[tilespmem:s4+$0x1A7D0] =	vst v20;
	v16 =	vld [tilespmem:s4+$0x187F0]  }
0x570: {  	_ =	sdelay $0x3  }
0x571: {  	v3 =	vld.idx.msk [tilespmem:v14+s3+$0x0], $0xffff;
	_ =	sdelay $0x2  }
0x572: {  	[tilespmem:s4+$0x1A750] =	vst v15  }
0x573: {  	v10 =	vld.idx.msk [tilespmem:v10+s3+$0x0], $0xffff  }
0x574: {  	[tilespmem:s4+$0x1A7E0] =	vst v3;
	v3 =	vld [tilespmem:s4+$0x18B80];
	_ =	sdelay $0x1  }
0x575: {  	v14 =	vld.idx.msk [tilespmem:v16+s3+$0x0], $0xffff;
	_ =	sdelay $0x2  }
0x576: {  	[tilespmem:s4+$0x1A760] =	vst v10  }
0x577: {  	v4 =	vld.idx.msk [tilespmem:v4+s3+$0x0], $0xffff  }
0x578: {  	[tilespmem:s4+$0x1A7F0] =	vst v14;
	v14 =	vld [tilespmem:s4+$0x18B90]  }
0x579: {  	v3 =	vld.idx.msk [tilespmem:v3+s3+$0x0], $0xffff;
	_ =	sdelay $0x3  }
0x57a: {  	[tilespmem:s4+$0x1A770] =	vst v4  }
0x57b: {  	[tilespmem:s4+$0x1AB80] =	vst v3;
	v3 =	vld [tilespmem:s4+$0x18BA0]  }
0x57c: {  	v4 =	vld.idx.msk [tilespmem:v5+s3+$0x0], $0xffff  }
0x57d: {  	v10 =	vld.idx.msk [tilespmem:v14+s3+$0x0], $0xffff;
	_ =	sdelay $0x3  }
0x57e: {  	[tilespmem:s4+$0x1AB00] =	vst v4  }
0x57f: {  	v4 =	vld.idx.msk [tilespmem:v7+s3+$0x0], $0xffff;
	[tilespmem:s4+$0x1AB90] =	vst v10  }
0x580: {  	v3 =	vld.idx.msk [tilespmem:v3+s3+$0x0], $0xffff;
	_ =	sdelay $0x1  }
0x581: {  	v5 =	vld [tilespmem:s4+$0x18BB0];
	_ =	sdelay $0x1  }
0x582: {  	[tilespmem:s4+$0x1AB10] =	vst v4  }
0x583: {  	[tilespmem:s4+$0x1ABA0] =	vst v3;
	v3 =	vld.idx.msk [tilespmem:v8+s3+$0x0], $0xffff;
	_ =	sdelay $0x2  }
0x584: {  	[tilespmem:s1+$0x1AB20] =	vst v13;
	v4 =	vld [tilespmem:s4+$0x18BB8]  }
0x585: {  	v1 =	vld.idx.msk [tilespmem:v1+s3+$0x0], $0xffff  }
0x586: {  	v5 =	vld.idx.msk [tilespmem:v5+s3+$0x0], $0xffff;
	[tilespmem:s4+$0x1AB20] =	vst v3  }
0x587: {  	v3 =	vld.idx.msk [tilespmem:v6+s3+$0x0], $0xffff;
	_ =	sdelay $0x1  }
0x588: {  	[tilespmem:s2+$0x1AB30] =	vst v12  }
0x589: {  	v0 =	vld.idx.msk [tilespmem:v0+s3+$0x0], $0xffff;
	[tilespmem:s1+$0x1AB30] =	vst v1  }
0x58a: {  	v1 =	vld.idx.msk [tilespmem:v2+s3+$0x0], $0xffff;
	[tilespmem:s4+$0x1ABB0] =	vst v5  }
0x58b: {  	v4 =	vld.idx.msk [tilespmem:v4+s3+$0x0], $0xffff;
	[tilespmem:s4+$0x1AB30] =	vst v3  }
0x58c: {  	v2 =	vld.idx.msk [tilespmem:v11+s3+$0x0], $0xffff  }
0x58d: {  	[tilespmem:s0+$0x1AB38] =	vst v9  }
0x58e: {  	[tilespmem:s2+$0x1AB38] =	vst v0  }
0x58f: {  	[tilespmem:s1+$0x1AB38] =	vst v1  }
0x590: {  	[tilespmem:s4+$0x1ABB8] =	vst v4  }
0x591: {  	s2 =	simm.s32 $0x0;
	[tilespmem:s4+$0x1AB38] =	vst v2  }
0x592: {  	[hbm4b:s14+s2] =	stream.linear.scatter [tilespmem:s25], [sflag:$0x4], $0x1000, $0x38;
	[tilespmem:$0x1C700] =	vst v63  }
0x593: {  	_ = 	snop  }
0x594: {  	[tilespmem:s21], [sflag:$0x2] =	stream.linear.gather [hbm4b:s15+s2], $0x1000, $0x38;
	[tilespmem:$0x1C700] =	vst v63  }
0x595: {  	_ =	swait.ge [sflag:s26], $0x1000  }
0x596: {  	[sflag:s26] =	ssyncset.done $0x0  }
0x597: {  	[sflag:s26] =	ssyncadd.s32 $0xFFFFF000  }
0x598: {  	_ =	swait.ge [sflag:s30], $0x1000  }
0x599: {  	s0 =	sand.u32 $0x300, s2;
	s4 =	sand.u32 $0x800, s2;
	[sflag:s30] =	ssyncset.done $0x0  }
0x59a: {  	s0 =	sor.u32 s0, s4;
	[sflag:s30] =	ssyncadd.s32 $0xFFFFF000  }
0x59b: {  	v1 =	vld [tilespmem:s0+$0x19700];
	_ =	sdelay $0x1  }
0x59c: {  	v0 =	vld [tilespmem:s0+$0x19780];
	_ =	sdelay $0x2  }
0x59d: {  	v2 =	vld [tilespmem:s0+$0x19790]  }
0x59e: {  	v3 =	vld [tilespmem:s0+$0x19710]  }
0x59f: {  	v4 =	vld [tilespmem:s0+$0x19720]  }
0x5a0: {  	v1 =	vld.idx.msk [tilespmem:v1+s3+$0x0], $0xffff  }
0x5a1: {  	v5 =	vld [tilespmem:s0+$0x19730]  }
0x5a2: {  	v0 =	vld.idx.msk [tilespmem:v0+s3+$0x0], $0xffff  }
0x5a3: {  	v6 =	vld [tilespmem:s0+$0x19740]  }
0x5a4: {  	v7 =	vld [tilespmem:s0+$0x19750]  }
0x5a5: {  	v8 =	vld [tilespmem:s0+$0x19760];
	[tilespmem:s0+$0x1B700] =	vst v1  }
0x5a6: {  	v1 =	vld.idx.msk [tilespmem:v3+s3+$0x0], $0xffff  }
0x5a7: {  	s5 =	simm.s32 $0x100;
	s6 =	simm.s32 $0x200;
	[tilespmem:s0+$0x1B780] =	vst v0;
	v0 =	vld [tilespmem:s0+$0x197A0]  }
0x5a8: {  	s1 =	sand.u32 $0x300, s5;
	s2 =	sand.u32 $0x800, s6;
	v9 =	vld [tilespmem:s0+$0x19770]  }
0x5a9: {  	s2 =	sor.u32 s1, s2;
	v2 =	vld.idx.msk [tilespmem:v2+s3+$0x0], $0xffff  }
0x5aa: {  	v11 =	vld [tilespmem:s2+$0x19710]  }
0x5ab: {  	v12 =	vld [tilespmem:s2+$0x19720];
	[tilespmem:s0+$0x1B710] =	vst v1  }
0x5ac: {  	v1 =	vld.idx.msk [tilespmem:v4+s3+$0x0], $0xffff  }
0x5ad: {  	v13 =	vld [tilespmem:s2+$0x19730]  }
0x5ae: {  	[tilespmem:s0+$0x1B790] =	vst v2;
	v2 =	vld [tilespmem:s0+$0x197B0]  }
0x5af: {  	v0 =	vld.idx.msk [tilespmem:v0+s3+$0x0], $0xffff  }
0x5b0: {  	v14 =	vld [tilespmem:s2+$0x19790]  }
0x5b1: {  	v15 =	vld [tilespmem:s2+$0x19740];
	[tilespmem:s0+$0x1B720] =	vst v1  }
0x5b2: {  	v1 =	vld.idx.msk [tilespmem:v5+s3+$0x0], $0xffff  }
0x5b3: {  	v16 =	vld [tilespmem:s2+$0x19750]  }
0x5b4: {  	s7 =	simm.s32 $0x200;
	s8 =	simm.s32 $0x400;
	[tilespmem:s0+$0x1B7A0] =	vst v0;
	v0 =	vld [tilespmem:s0+$0x197C0]  }
0x5b5: {  	s4 =	sand.u32 $0x800, s8;
	s1 =	sand.u32 $0x300, s7;
	v17 =	vld [tilespmem:s2+$0x19770]  }
0x5b6: {  	s1 =	sor.u32 s1, s4;
	v2 =	vld.idx.msk [tilespmem:v2+s3+$0x0], $0xffff  }
0x5b7: {  	v18 =	vld [tilespmem:s1+$0x19730];
	[tilespmem:s0+$0x1B730] =	vst v1  }
0x5b8: {  	v6 =	vld.idx.msk [tilespmem:v6+s3+$0x0], $0xffff  }
0x5b9: {  	v19 =	vld [tilespmem:s1+$0x19790]  }
0x5ba: {  	v3 =	vld [tilespmem:s0+$0x197D0]  }
0x5bb: {  	v20 =	vld [tilespmem:s1+$0x19740];
	[tilespmem:s0+$0x1B7B0] =	vst v2  }
0x5bc: {  	v0 =	vld.idx.msk [tilespmem:v0+s3+$0x0], $0xffff  }
0x5bd: {  	s9 =	simm.s32 $0x300;
	s5 =	simm.s32 $0x600;
	v21 =	vld [tilespmem:s1+$0x19750];
	[tilespmem:s0+$0x1B740] =	vst v6  }
0x5be: {  	s5 =	sand.u32 $0x800, s5;
	s4 =	sand.u32 $0x300, s9;
	v6 =	vld.idx.msk [tilespmem:v7+s3+$0x0], $0xffff  }
0x5bf: {  	s4 =	sor.u32 s4, s5;
	v22 =	vld [tilespmem:s1+$0x19770]  }
0x5c0: {  	v61 =	vld [tilespmem:s4+$0x19740]  }
0x5c1: {  	v23 =	vld [tilespmem:s4+$0x19750];
	[tilespmem:s0+$0x1B7C0] =	vst v0  }
0x5c2: {  	v10 =	vld.idx.msk [tilespmem:v3+s3+$0x0], $0xffff  }
0x5c3: {  	v0 =	vld [tilespmem:s0+$0x197E0];
	[tilespmem:s0+$0x1B750] =	vst v6  }
0x5c4: {  	v6 =	vld.idx.msk [tilespmem:v8+s3+$0x0], $0xffff  }
0x5c5: {  	v8 =	vld [tilespmem:s2+$0x19780]  }
0x5c6: {  	v24 =	vld [tilespmem:s1+$0x19BA0]  }
0x5c7: {  	[tilespmem:s0+$0x1B7D0] =	vst v10;
	v10 =	vld [tilespmem:s2+$0x19700]  }
0x5c8: {  	v63 =	vld [tilespmem:s4+$0x197C0]  }
0x5c9: {  	v4 =	vld [tilespmem:s0+$0x19B00]  }
0x5ca: {  	v5 =	vld [tilespmem:s0+$0x19B10]  }
0x5cb: {  	v7 =	vld [tilespmem:s0+$0x197F0]  }
0x5cc: {  	v0 =	vld.idx.msk [tilespmem:v0+s3+$0x0], $0xffff  }
0x5cd: {  	v8 =	vld.idx.msk [tilespmem:v8+s3+$0x0], $0xffff  }
0x5ce: {  	v1 =	vld [tilespmem:s0+$0x19B20]  }
0x5cf: {  	v10 =	vld.idx.msk [tilespmem:v10+s3+$0x0], $0xffff  }
0x5d0: {  	v2 =	vld [tilespmem:s0+$0x19B30]  }
0x5d1: {  	[tilespmem:s0+$0x1B7E0] =	vst v0;
	v0 =	vld [tilespmem:s0+$0x19B80]  }
0x5d2: {  	[tilespmem:s2+$0x1B780] =	vst v8;
	v8 =	vld [tilespmem:s2+$0x197A0]  }
0x5d3: {  	v7 =	vld.idx.msk [tilespmem:v7+s3+$0x0], $0xffff  }
0x5d4: {  	[tilespmem:s2+$0x1B700] =	vst v10;
	v10 =	vld.idx.msk [tilespmem:v14+s3+$0x0], $0xffff  }
0x5d5: {  	v3 =	vld [tilespmem:s0+$0x19B38];
	[tilespmem:s0+$0x1B760] =	vst v6  }
0x5d6: {  	v9 =	vld.idx.msk [tilespmem:v9+s3+$0x0], $0xffff  }
0x5d7: {  	v11 =	vld.idx.msk [tilespmem:v11+s3+$0x0], $0xffff  }
0x5d8: {  	[tilespmem:s0+$0x1B7F0] =	vst v7;
	v7 =	vld [tilespmem:s0+$0x19B90]  }
0x5d9: {  	[tilespmem:s2+$0x1B790] =	vst v10;
	v10 =	vld [tilespmem:s2+$0x197B0]  }
0x5da: {  	v8 =	vld.idx.msk [tilespmem:v8+s3+$0x0], $0xffff  }
0x5db: {  	[tilespmem:s0+$0x1B770] =	vst v9;
	v0 =	vld.idx.msk [tilespmem:v0+s3+$0x0], $0xffff  }
0x5dc: {  	v9 =	vld [tilespmem:s2+$0x19B30];
	[tilespmem:s2+$0x1B710] =	vst v11  }
0x5dd: {  	v6 =	vld.idx.msk [tilespmem:v12+s3+$0x0], $0xffff  }
0x5de: {  	v4 =	vld.idx.msk [tilespmem:v4+s3+$0x0], $0xffff  }
0x5df: {  	[tilespmem:s2+$0x1B7A0] =	vst v8;
	v8 =	vld [tilespmem:s2+$0x197C0]  }
0x5e0: {  	[tilespmem:s0+$0x1BB80] =	vst v0;
	v0 =	vld [tilespmem:s0+$0x19BA0]  }
0x5e1: {  	v10 =	vld.idx.msk [tilespmem:v10+s3+$0x0], $0xffff  }
0x5e2: {  	v7 =	vld.idx.msk [tilespmem:v7+s3+$0x0], $0xffff;
	[tilespmem:s2+$0x1B720] =	vst v6  }
0x5e3: {  	v6 =	vld.idx.msk [tilespmem:v13+s3+$0x0], $0xffff  }
0x5e4: {  	v14 =	vld [tilespmem:s2+$0x19760];
	[tilespmem:s0+$0x1BB00] =	vst v4  }
0x5e5: {  	v5 =	vld.idx.msk [tilespmem:v5+s3+$0x0], $0xffff  }
0x5e6: {  	[tilespmem:s2+$0x1B7B0] =	vst v10;
	v10 =	vld [tilespmem:s2+$0x197D0]  }
0x5e7: {  	[tilespmem:s0+$0x1BB90] =	vst v7;
	v8 =	vld.idx.msk [tilespmem:v8+s3+$0x0], $0xffff  }
0x5e8: {  	v7 =	vld [tilespmem:s0+$0x19BB0];
	[tilespmem:s2+$0x1B730] =	vst v6  }
0x5e9: {  	v6 =	vld.idx.msk [tilespmem:v15+s3+$0x0], $0xffff  }
0x5ea: {  	v12 =	vld [tilespmem:s2+$0x19B00]  }
0x5eb: {  	v0 =	vld.idx.msk [tilespmem:v0+s3+$0x0], $0xffff  }
0x5ec: {  	[tilespmem:s2+$0x1B7C0] =	vst v8;
	v8 =	vld [tilespmem:s2+$0x197E0]  }
0x5ed: {  	v13 =	vld [tilespmem:s2+$0x19B10]  }
0x5ee: {  	[tilespmem:s2+$0x1B740] =	vst v6;
	v10 =	vld.idx.msk [tilespmem:v10+s3+$0x0], $0xffff  }
0x5ef: {  	v4 =	vld.idx.msk [tilespmem:v16+s3+$0x0], $0xffff  }
0x5f0: {  	v15 =	vld [tilespmem:s2+$0x19B20];
	[tilespmem:s0+$0x1BBA0] =	vst v0  }
0x5f1: {  	v7 =	vld.idx.msk [tilespmem:v7+s3+$0x0], $0xffff  }
0x5f2: {  	v6 =	vld [tilespmem:s2+$0x197F0]  }
0x5f3: {  	[tilespmem:s2+$0x1B7D0] =	vst v10;
	v10 =	vld [tilespmem:s1+$0x19700]  }
0x5f4: {  	[tilespmem:s2+$0x1B750] =	vst v4;
	v4 =	vld.idx.msk [tilespmem:v8+s3+$0x0], $0xffff  }
0x5f5: {  	v0 =	vld [tilespmem:s0+$0x19BB8]  }
0x5f6: {  	[tilespmem:s0+$0x1BBB0] =	vst v7;
	v7 =	vld.idx.msk [tilespmem:v14+s3+$0x0], $0xffff  }
0x5f7: {  	v8 =	vld [tilespmem:s1+$0x19780]  }
0x5f8: {  	v14 =	vld [tilespmem:s1+$0x19710]  }
0x5f9: {  	[tilespmem:s2+$0x1B7E0] =	vst v4;
	v4 =	vld [tilespmem:s2+$0x19B80]  }
0x5fa: {  	v6 =	vld.idx.msk [tilespmem:v6+s3+$0x0], $0xffff  }
0x5fb: {  	v10 =	vld.idx.msk [tilespmem:v10+s3+$0x0], $0xffff  }
0x5fc: {  	v16 =	vld [tilespmem:s1+$0x19720]  }
0x5fd: {  	v11 =	vld.idx.msk [tilespmem:v0+s3+$0x0], $0xffff  }
0x5fe: {  	v0 =	vld [tilespmem:s2+$0x19B38]  }
0x5ff: {  	v8 =	vld.idx.msk [tilespmem:v8+s3+$0x0], $0xffff;
	[tilespmem:s2+$0x1B7F0] =	vst v6  }
0x600: {  	v6 =	vld [tilespmem:s2+$0x19B90];
	[tilespmem:s1+$0x1B700] =	vst v10  }
0x601: {  	v14 =	vld.idx.msk [tilespmem:v14+s3+$0x0], $0xffff  }
0x602: {  	v4 =	vld.idx.msk [tilespmem:v4+s3+$0x0], $0xffff  }
0x603: {  	[tilespmem:s0+$0x1BBB8] =	vst v11;
	v11 =	vld [tilespmem:s4+$0x19B38]  }
0x604: {  	[tilespmem:s1+$0x1B780] =	vst v8;
	v8 =	vld [tilespmem:s1+$0x197A0]  }
0x605: {  	[tilespmem:s2+$0x1B760] =	vst v7;
	v10 =	vld.idx.msk [tilespmem:v19+s3+$0x0], $0xffff  }
0x606: {  	[tilespmem:s1+$0x1B710] =	vst v14;
	v14 =	vld.idx.msk [tilespmem:v17+s3+$0x0], $0xffff  }
0x607: {  	[tilespmem:s2+$0x1BB80] =	vst v4;
	v4 =	vld [tilespmem:s2+$0x19BA0]  }
0x608: {  	v7 =	vld.idx.msk [tilespmem:v16+s3+$0x0], $0xffff  }
0x609: {  	v6 =	vld.idx.msk [tilespmem:v6+s3+$0x0], $0xffff  }
0x60a: {  	[tilespmem:s1+$0x1B790] =	vst v10;
	v10 =	vld [tilespmem:s1+$0x197B0]  }
0x60b: {  	v19 =	vld [tilespmem:s1+$0x19760]  }
0x60c: {  	v8 =	vld.idx.msk [tilespmem:v8+s3+$0x0], $0xffff  }
0x60d: {  	v16 =	vld [tilespmem:s1+$0x19B00];
	[tilespmem:s2+$0x1B770] =	vst v14  }
0x60e: {  	[tilespmem:s1+$0x1B720] =	vst v7;
	v7 =	vld.idx.msk [tilespmem:v12+s3+$0x0], $0xffff  }
0x60f: {  	[tilespmem:s2+$0x1BB90] =	vst v6;
	v6 =	vld [tilespmem:s2+$0x19BB0]  }
0x610: {  	v4 =	vld.idx.msk [tilespmem:v4+s3+$0x0], $0xffff  }
0x611: {  	[tilespmem:s1+$0x1B7A0] =	vst v8;
	v8 =	vld [tilespmem:s1+$0x197C0]  }
0x612: {  	[tilespmem:s0+$0x1BB10] =	vst v5;
	v5 =	vld.idx.msk [tilespmem:v10+s3+$0x0], $0xffff  }
0x613: {  	v10 =	vld.idx.msk [tilespmem:v1+s3+$0x0], $0xffff  }
0x614: {  	v1 =	vld.idx.msk [tilespmem:v18+s3+$0x0], $0xffff;
	[tilespmem:s2+$0x1BB00] =	vst v7  }
0x615: {  	v7 =	vld.idx.msk [tilespmem:v13+s3+$0x0], $0xffff  }
0x616: {  	[tilespmem:s2+$0x1BBA0] =	vst v4;
	v4 =	vld [tilespmem:s2+$0x19BB8]  }
0x617: {  	[tilespmem:s1+$0x1B7B0] =	vst v5;
	v5 =	vld [tilespmem:s1+$0x197D0]  }
0x618: {  	v6 =	vld.idx.msk [tilespmem:v6+s3+$0x0], $0xffff  }
0x619: {  	v8 =	vld.idx.msk [tilespmem:v8+s3+$0x0], $0xffff  }
0x61a: {  	v12 =	vld [tilespmem:s1+$0x19B10];
	[tilespmem:s1+$0x1B730] =	vst v1  }
0x61b: {  	v14 =	vld.idx.msk [tilespmem:v20+s3+$0x0], $0xffff  }
0x61c: {  	v13 =	vld [tilespmem:s1+$0x19B20];
	[tilespmem:s2+$0x1BB10] =	vst v7  }
0x61d: {  	v7 =	vld [tilespmem:s4+$0x19780];
	[tilespmem:s2+$0x1BBB0] =	vst v6  }
0x61e: {  	[tilespmem:s1+$0x1B7C0] =	vst v8;
	v8 =	vld [tilespmem:s1+$0x197E0]  }
0x61f: {  	v17 =	vld.idx.msk [tilespmem:v4+s3+$0x0], $0xffff  }
0x620: {  	[tilespmem:s1+$0x1B740] =	vst v14;
	v5 =	vld.idx.msk [tilespmem:v5+s3+$0x0], $0xffff  }
0x621: {  	v4 =	vld.idx.msk [tilespmem:v21+s3+$0x0], $0xffff  }
0x622: {  	v1 =	vld [tilespmem:s1+$0x19B30]  }
0x623: {  	[tilespmem:s0+$0x1BB20] =	vst v10;
	v10 =	vld [tilespmem:s4+$0x19710]  }
0x624: {  	v60 =	vld.idx.msk [tilespmem:v2+s3+$0x0], $0xffff  }
0x625: {  	[tilespmem:s1+$0x1B7D0] =	vst v5;
	v5 =	vld [tilespmem:s1+$0x197F0]  }
0x626: {  	[tilespmem:s1+$0x1B750] =	vst v4;
	v4 =	vld.idx.msk [tilespmem:v8+s3+$0x0], $0xffff  }
0x627: {  	v8 =	vld [tilespmem:s4+$0x19700]  }
0x628: {  	v2 =	vld [tilespmem:s1+$0x19B38]  }
0x629: {  	v7 =	vld.idx.msk [tilespmem:v7+s3+$0x0], $0xffff  }
0x62a: {  	v6 =	vld.idx.msk [tilespmem:v19+s3+$0x0], $0xffff  }
0x62b: {  	[tilespmem:s1+$0x1B7E0] =	vst v4;
	v4 =	vld [tilespmem:s1+$0x19B80]  }
0x62c: {  	v19 =	vld [tilespmem:s4+$0x19790]  }
0x62d: {  	v5 =	vld.idx.msk [tilespmem:v5+s3+$0x0], $0xffff  }
0x62e: {  	v18 =	vld.idx.msk [tilespmem:v15+s3+$0x0], $0xffff  }
0x62f: {  	v8 =	vld.idx.msk [tilespmem:v8+s3+$0x0], $0xffff  }
0x630: {  	v15 =	vld [tilespmem:s4+$0x19730]  }
0x631: {  	[tilespmem:s4+$0x1B780] =	vst v7;
	v7 =	vld [tilespmem:s4+$0x197A0]  }
0x632: {  	[tilespmem:s1+$0x1B7F0] =	vst v5;
	v5 =	vld [tilespmem:s1+$0x19B90]  }
0x633: {  	v4 =	vld.idx.msk [tilespmem:v4+s3+$0x0], $0xffff  }
0x634: {  	[tilespmem:s4+$0x1B700] =	vst v8;
	v8 =	vld.idx.msk [tilespmem:v19+s3+$0x0], $0xffff  }
0x635: {  	v14 =	vld [tilespmem:s4+$0x19720]  }
0x636: {  	v19 =	vld.idx.msk [tilespmem:v10+s3+$0x0], $0xffff  }
0x637: {  	v10 =	vld [tilespmem:s4+$0x19760]  }
0x638: {  	[tilespmem:s1+$0x1BB80] =	vst v4;
	v4 =	vld [tilespmem:s4+$0x19770]  }
0x639: {  	[tilespmem:s4+$0x1B790] =	vst v8;
	v8 =	vld [tilespmem:s4+$0x197B0]  }
0x63a: {  	v5 =	vld.idx.msk [tilespmem:v5+s3+$0x0], $0xffff  }
0x63b: {  	v7 =	vld.idx.msk [tilespmem:v7+s3+$0x0], $0xffff  }
0x63c: {  	[tilespmem:s4+$0x1B710] =	vst v19;
	v19 =	vld [tilespmem:s1+$0x19BB0]  }
0x63d: {  	[tilespmem:s1+$0x1B760] =	vst v6;
	v6 =	vld.idx.msk [tilespmem:v14+s3+$0x0], $0xffff  }
0x63e: {  	v14 =	vld.idx.msk [tilespmem:v22+s3+$0x0], $0xffff  }
0x63f: {  	[tilespmem:s1+$0x1BB90] =	vst v5;
	v5 =	vld [tilespmem:s4+$0x19B00]  }
0x640: {  	v62 =	vld.idx.msk [tilespmem:v24+s3+$0x0], $0xffff  }
0x641: {  	[tilespmem:s4+$0x1B7A0] =	vst v7;
	v7 =	vld [tilespmem:s4+$0x19B10]  }
0x642: {  	[tilespmem:s4+$0x1B720] =	vst v6;
	v6 =	vld.idx.msk [tilespmem:v8+s3+$0x0], $0xffff  }
0x643: {  	[tilespmem:s1+$0x1B770] =	vst v14;
	v8 =	vld.idx.msk [tilespmem:v15+s3+$0x0], $0xffff  }
0x644: {  	v14 =	vld.idx.msk [tilespmem:v16+s3+$0x0], $0xffff  }
0x645: {  	v15 =	vld [tilespmem:s1+$0x19BB8];
	[tilespmem:s1+$0x1BBA0] =	vst v62  }
0x646: {  	v16 =	vld.idx.msk [tilespmem:v19+s3+$0x0], $0xffff  }
0x647: {  	[tilespmem:s4+$0x1B7B0] =	vst v6;
	v19 =	vld [tilespmem:s4+$0x197D0]  }
0x648: {  	[tilespmem:s4+$0x1B730] =	vst v8;
	v8 =	vld [tilespmem:s4+$0x19B20]  }
0x649: {  	v6 =	vld.idx.msk [tilespmem:v63+s3+$0x0], $0xffff  }
0x64a: {  	[tilespmem:s1+$0x1BB00] =	vst v14;
	v21 =	vld.idx.msk [tilespmem:v61+s3+$0x0], $0xffff  }
0x64b: {  	v12 =	vld.idx.msk [tilespmem:v12+s3+$0x0], $0xffff  }
0x64c: {  	v14 =	vld [tilespmem:s4+$0x197E0];
	[tilespmem:s1+$0x1BBB0] =	vst v16  }
0x64d: {  	[tilespmem:s0+$0x1BB30] =	vst v60;
	v16 =	vld.idx.msk [tilespmem:v15+s3+$0x0], $0xffff  }
0x64e: {  	[tilespmem:s4+$0x1B7C0] =	vst v6;
	v6 =	vld [tilespmem:s4+$0x19B30]  }
0x64f: {  	[tilespmem:s4+$0x1B740] =	vst v21;
	v19 =	vld.idx.msk [tilespmem:v19+s3+$0x0], $0xffff  }
0x650: {  	[tilespmem:s1+$0x1BB10] =	vst v12;
	v15 =	vld.idx.msk [tilespmem:v23+s3+$0x0], $0xffff  }
0x651: {  	[tilespmem:s2+$0x1BB20] =	vst v18;
	v13 =	vld.idx.msk [tilespmem:v13+s3+$0x0], $0xffff  }
0x652: {  	[tilespmem:s2+$0x1BBB8] =	vst v17;
	v12 =	vld.idx.msk [tilespmem:v9+s3+$0x0], $0xffff  }
0x653: {  	v9 =	vld.idx.msk [tilespmem:v3+s3+$0x0], $0xffff;
	[tilespmem:s1+$0x1BBB8] =	vst v16  }
0x654: {  	s6 =	simm.s32 $0x400;
	s7 =	simm.s32 $0x800;
	s5 =	simm.s32 $0x6;
	v16 =	vld [tilespmem:s4+$0x197F0];
	[tilespmem:s4+$0x1B7D0] =	vst v19  }
.LBB2_12:
0x655: {  	s8 =	sand.u32 $0x800, s7;
	s9 =	sand.u32 $0x300, s6;
	s5 =	sadd.s32 $0x2, s5;
	[tilespmem:s4+$0x1B750] =	vst v15;
	v14 =	vld.idx.msk [tilespmem:v14+s3+$0x0], $0xffff  }
0x656: {  	s8 =	sor.u32 s9, s8;
	p0 =	slt.u32 s5, $0xE;
	v10 =	vld.idx.msk [tilespmem:v10+s3+$0x0], $0xffff;
	[tilespmem:s1+$0x1BB20] =	vst v13  }
0x657: {  	v13 =	vld [tilespmem:s8+$0x19780];
	[tilespmem:s2+$0x1BB30] =	vst v12;
	v3 =	vmov v11  }
0x658: {  	v11 =	vld [tilespmem:s8+$0x19700]  }
0x659: {  	v12 =	vld [tilespmem:s8+$0x19710];
	[tilespmem:s0+$0x1BB38] =	vst v9;
	s0 =	smov.u32 s2;
	s2 =	smov.u32 s1;
	s1 =	smov.u32 s4  }
0x65a: {  	s4 =	smov.u32 s8;
	v9 =	vld [tilespmem:s8+$0x19720]  }
0x65b: {  	[tilespmem:s1+$0x1B7E0] =	vst v14;
	v14 =	vld [tilespmem:s1+$0x19B80]  }
0x65c: {  	[tilespmem:s1+$0x1B760] =	vst v10;
	v10 =	vld.idx.msk [tilespmem:v16+s3+$0x0], $0xffff  }
0x65d: {  	v15 =	vld [tilespmem:s4+$0x19730]  }
0x65e: {  	v16 =	vld [tilespmem:s4+$0x19790]  }
0x65f: {  	v13 =	vld.idx.msk [tilespmem:v13+s3+$0x0], $0xffff  }
0x660: {  	v11 =	vld.idx.msk [tilespmem:v11+s3+$0x0], $0xffff  }
0x661: {  	v17 =	vld [tilespmem:s4+$0x19740]  }
0x662: {  	[tilespmem:s1+$0x1B7F0] =	vst v10;
	v18 =	vld [tilespmem:s1+$0x19B90]  }
0x663: {  	v14 =	vld.idx.msk [tilespmem:v14+s3+$0x0], $0xffff  }
0x664: {  	v19 =	vld [tilespmem:s4+$0x19750]  }
0x665: {  	[tilespmem:s4+$0x1B780] =	vst v13;
	v13 =	vld [tilespmem:s4+$0x197A0]  }
0x666: {  	[tilespmem:s4+$0x1B700] =	vst v11;
	v11 =	vld.idx.msk [tilespmem:v16+s3+$0x0], $0xffff  }
0x667: {  	v12 =	vld.idx.msk [tilespmem:v12+s3+$0x0], $0xffff  }
0x668: {  	v10 =	vld [tilespmem:s4+$0x19760]  }
0x669: {  	[tilespmem:s1+$0x1BB80] =	vst v14;
	v14 =	vld [tilespmem:s1+$0x19BA0]  }
0x66a: {  	v16 =	vld.idx.msk [tilespmem:v18+s3+$0x0], $0xffff  }
0x66b: {  	v18 =	vld [tilespmem:s4+$0x19770]  }
0x66c: {  	[tilespmem:s4+$0x1B790] =	vst v11;
	v11 =	vld [tilespmem:s4+$0x197B0]  }
0x66d: {  	[tilespmem:s4+$0x1B710] =	vst v12;
	v12 =	vld.idx.msk [tilespmem:v13+s3+$0x0], $0xffff  }
0x66e: {  	v9 =	vld.idx.msk [tilespmem:v9+s3+$0x0], $0xffff  }
0x66f: {  	v13 =	vld.idx.msk [tilespmem:v4+s3+$0x0], $0xffff  }
0x670: {  	[tilespmem:s1+$0x1BB90] =	vst v16;
	v16 =	vld [tilespmem:s1+$0x19BB0];
	v4 =	vmov v18  }
0x671: {  	v14 =	vld.idx.msk [tilespmem:v14+s3+$0x0], $0xffff  }
0x672: {  	v18 =	vld [tilespmem:s4+$0x19B00]  }
0x673: {  	[tilespmem:s4+$0x1B7A0] =	vst v12;
	v12 =	vld [tilespmem:s4+$0x197C0]  }
0x674: {  	[tilespmem:s4+$0x1B720] =	vst v9;
	v9 =	vld.idx.msk [tilespmem:v11+s3+$0x0], $0xffff  }
0x675: {  	v11 =	vld.idx.msk [tilespmem:v15+s3+$0x0], $0xffff;
	[tilespmem:s1+$0x1B770] =	vst v13  }
0x676: {  	v13 =	vld.idx.msk [tilespmem:v5+s3+$0x0], $0xffff  }
0x677: {  	[tilespmem:s1+$0x1BBA0] =	vst v14;
	v14 =	vld [tilespmem:s1+$0x19BB8];
	v5 =	vmov v18  }
0x678: {  	v15 =	vld.idx.msk [tilespmem:v16+s3+$0x0], $0xffff  }
0x679: {  	v16 =	vld [tilespmem:s4+$0x19B10]  }
0x67a: {  	[tilespmem:s4+$0x1B7B0] =	vst v9;
	v9 =	vld [tilespmem:s4+$0x197D0]  }
0x67b: {  	[tilespmem:s4+$0x1B730] =	vst v11;
	v11 =	vld.idx.msk [tilespmem:v12+s3+$0x0], $0xffff  }
0x67c: {  	v12 =	vld.idx.msk [tilespmem:v17+s3+$0x0], $0xffff;
	[tilespmem:s1+$0x1BB00] =	vst v13  }
0x67d: {  	v13 =	vld.idx.msk [tilespmem:v7+s3+$0x0], $0xffff  }
0x67e: {  	v17 =	vld [tilespmem:s4+$0x19B20];
	[tilespmem:s1+$0x1BBB0] =	vst v15;
	v7 =	vmov v16  }
0x67f: {  	v16 =	vld.idx.msk [tilespmem:v14+s3+$0x0], $0xffff  }
0x680: {  	v18 =	vld [tilespmem:s4+$0x19B30]  }
0x681: {  	[tilespmem:s4+$0x1B7C0] =	vst v11;
	v14 =	vld [tilespmem:s4+$0x197E0]  }
0x682: {  	[tilespmem:s4+$0x1B740] =	vst v12;
	v20 =	vld.idx.msk [tilespmem:v9+s3+$0x0], $0xffff  }
0x683: {  	v15 =	vld.idx.msk [tilespmem:v19+s3+$0x0], $0xffff;
	[tilespmem:s1+$0x1BB10] =	vst v13  }
.Ltmp5:
0x684: {  	v13 =	vld.idx.msk [tilespmem:v8+s3+$0x0], $0xffff;
	v8 =	vmov v17;
	(pc) =	sbr.rel @p0 .LBB2_12-.Ltmp5, $4  }
0x685: {  	[tilespmem:s1+$0x1BBB8] =	vst v16;
	v12 =	vld.idx.msk [tilespmem:v1+s3+$0x0], $0xffff;
	v1 =	vmov v6;
	v6 =	vmov v18  }
0x686: {  	v11 =	vld [tilespmem:s4+$0x19B38]  }
0x687: {  	v9 =	vld.idx.msk [tilespmem:v0+s3+$0x0], $0xffff;
	v0 =	vmov v2;
	v2 =	vmov v3  }
0x688: {  	s6 =	sadd.s32 $0x100, s6;
	s7 =	sadd.s32 $0x200, s7;
	[tilespmem:s4+$0x1B7D0] =	vst v20;
	v16 =	vld [tilespmem:s4+$0x197F0]  }
0x689: {  	_ =	sdelay $0x3  }
0x68a: {  	v3 =	vld.idx.msk [tilespmem:v14+s3+$0x0], $0xffff;
	_ =	sdelay $0x2  }
0x68b: {  	[tilespmem:s4+$0x1B750] =	vst v15  }
0x68c: {  	v10 =	vld.idx.msk [tilespmem:v10+s3+$0x0], $0xffff  }
0x68d: {  	[tilespmem:s4+$0x1B7E0] =	vst v3;
	v3 =	vld [tilespmem:s4+$0x19B80];
	_ =	sdelay $0x1  }
0x68e: {  	v14 =	vld.idx.msk [tilespmem:v16+s3+$0x0], $0xffff;
	_ =	sdelay $0x2  }
0x68f: {  	[tilespmem:s4+$0x1B760] =	vst v10  }
0x690: {  	v4 =	vld.idx.msk [tilespmem:v4+s3+$0x0], $0xffff  }
0x691: {  	[tilespmem:s4+$0x1B7F0] =	vst v14;
	v14 =	vld [tilespmem:s4+$0x19B90]  }
0x692: {  	v3 =	vld.idx.msk [tilespmem:v3+s3+$0x0], $0xffff;
	_ =	sdelay $0x3  }
0x693: {  	[tilespmem:s4+$0x1B770] =	vst v4  }
0x694: {  	[tilespmem:s4+$0x1BB80] =	vst v3;
	v3 =	vld [tilespmem:s4+$0x19BA0]  }
0x695: {  	v4 =	vld.idx.msk [tilespmem:v5+s3+$0x0], $0xffff  }
0x696: {  	v10 =	vld.idx.msk [tilespmem:v14+s3+$0x0], $0xffff;
	_ =	sdelay $0x3  }
0x697: {  	[tilespmem:s4+$0x1BB00] =	vst v4  }
0x698: {  	v4 =	vld.idx.msk [tilespmem:v7+s3+$0x0], $0xffff;
	[tilespmem:s4+$0x1BB90] =	vst v10  }
0x699: {  	v3 =	vld.idx.msk [tilespmem:v3+s3+$0x0], $0xffff;
	_ =	sdelay $0x1  }
0x69a: {  	v5 =	vld [tilespmem:s4+$0x19BB0];
	_ =	sdelay $0x1  }
0x69b: {  	[tilespmem:s4+$0x1BB10] =	vst v4  }
0x69c: {  	[tilespmem:s4+$0x1BBA0] =	vst v3;
	v3 =	vld.idx.msk [tilespmem:v8+s3+$0x0], $0xffff;
	_ =	sdelay $0x2  }
0x69d: {  	[tilespmem:s1+$0x1BB20] =	vst v13;
	v4 =	vld [tilespmem:s4+$0x19BB8]  }
0x69e: {  	v1 =	vld.idx.msk [tilespmem:v1+s3+$0x0], $0xffff  }
0x69f: {  	v5 =	vld.idx.msk [tilespmem:v5+s3+$0x0], $0xffff;
	[tilespmem:s4+$0x1BB20] =	vst v3  }
0x6a0: {  	v3 =	vld.idx.msk [tilespmem:v6+s3+$0x0], $0xffff;
	_ =	sdelay $0x1  }
0x6a1: {  	[tilespmem:s2+$0x1BB30] =	vst v12  }
0x6a2: {  	v0 =	vld.idx.msk [tilespmem:v0+s3+$0x0], $0xffff;
	[tilespmem:s1+$0x1BB30] =	vst v1  }
0x6a3: {  	v1 =	vld.idx.msk [tilespmem:v2+s3+$0x0], $0xffff;
	[tilespmem:s4+$0x1BBB0] =	vst v5  }
0x6a4: {  	v4 =	vld.idx.msk [tilespmem:v4+s3+$0x0], $0xffff;
	[tilespmem:s4+$0x1BB30] =	vst v3  }
0x6a5: {  	v2 =	vld.idx.msk [tilespmem:v11+s3+$0x0], $0xffff  }
0x6a6: {  	[tilespmem:s0+$0x1BB38] =	vst v9  }
0x6a7: {  	[tilespmem:s2+$0x1BB38] =	vst v0  }
0x6a8: {  	[tilespmem:s1+$0x1BB38] =	vst v1  }
0x6a9: {  	[tilespmem:s4+$0x1BBB8] =	vst v4  }
0x6aa: {  	s2 =	simm.s32 $0x0;
	[tilespmem:s4+$0x1BB38] =	vst v2  }
0x6ab: {  	[hbm4b:s16+s2] =	stream.linear.scatter [tilespmem:s28], [sflag:$0x5], $0x1000, $0x38;
	[tilespmem:$0x1C700] =	vst v63  }
0x6ac: {  	_ = 	snop  }
0x6ad: {  	[tilespmem:s23], [sflag:$0x3] =	stream.linear.gather [hbm4b:s17+s2], $0x1000, $0x38;
	[tilespmem:$0x1C700] =	vst v63  }
0x6ae: {  	_ =	swait.ge [sflag:s24], $0x1000  }
0x6af: {  	[sflag:s24] =	ssyncset.done $0x0  }
0x6b0: {  	[sflag:s24] =	ssyncadd.s32 $0xFFFFF000  }
0x6b1: {  	_ =	swait.ge [sflag:s29], $0x1000  }
0x6b2: {  	s0 =	sand.u32 $0x300, s2;
	s4 =	sand.u32 $0x800, s2;
	[sflag:s29] =	ssyncset.done $0x0  }
0x6b3: {  	s0 =	sor.u32 s0, s4;
	[sflag:s29] =	ssyncadd.s32 $0xFFFFF000  }
0x6b4: {  	v1 =	vld [tilespmem:s0+$0x18700];
	_ =	sdelay $0x1  }
0x6b5: {  	v0 =	vld [tilespmem:s0+$0x18780];
	_ =	sdelay $0x2  }
0x6b6: {  	v2 =	vld [tilespmem:s0+$0x18790]  }
0x6b7: {  	v3 =	vld [tilespmem:s0+$0x18710]  }
0x6b8: {  	v4 =	vld [tilespmem:s0+$0x18720]  }
0x6b9: {  	v1 =	vld.idx.msk [tilespmem:v1+s3+$0x0], $0xffff  }
0x6ba: {  	v5 =	vld [tilespmem:s0+$0x18730]  }
0x6bb: {  	v0 =	vld.idx.msk [tilespmem:v0+s3+$0x0], $0xffff  }
0x6bc: {  	v6 =	vld [tilespmem:s0+$0x18740]  }
0x6bd: {  	v7 =	vld [tilespmem:s0+$0x18750]  }
0x6be: {  	v8 =	vld [tilespmem:s0+$0x18760];
	[tilespmem:s0+$0x1A700] =	vst v1  }
0x6bf: {  	v1 =	vld.idx.msk [tilespmem:v3+s3+$0x0], $0xffff  }
0x6c0: {  	s5 =	simm.s32 $0x100;
	s6 =	simm.s32 $0x200;
	[tilespmem:s0+$0x1A780] =	vst v0;
	v0 =	vld [tilespmem:s0+$0x187A0]  }
0x6c1: {  	s1 =	sand.u32 $0x300, s5;
	s2 =	sand.u32 $0x800, s6;
	v9 =	vld [tilespmem:s0+$0x18770]  }
0x6c2: {  	s2 =	sor.u32 s1, s2;
	v2 =	vld.idx.msk [tilespmem:v2+s3+$0x0], $0xffff  }
0x6c3: {  	v11 =	vld [tilespmem:s2+$0x18710]  }
0x6c4: {  	v12 =	vld [tilespmem:s2+$0x18720];
	[tilespmem:s0+$0x1A710] =	vst v1  }
0x6c5: {  	v1 =	vld.idx.msk [tilespmem:v4+s3+$0x0], $0xffff  }
0x6c6: {  	v13 =	vld [tilespmem:s2+$0x18730]  }
0x6c7: {  	[tilespmem:s0+$0x1A790] =	vst v2;
	v2 =	vld [tilespmem:s0+$0x187B0]  }
0x6c8: {  	v0 =	vld.idx.msk [tilespmem:v0+s3+$0x0], $0xffff  }
0x6c9: {  	v14 =	vld [tilespmem:s2+$0x18790]  }
0x6ca: {  	v15 =	vld [tilespmem:s2+$0x18740];
	[tilespmem:s0+$0x1A720] =	vst v1  }
0x6cb: {  	v1 =	vld.idx.msk [tilespmem:v5+s3+$0x0], $0xffff  }
0x6cc: {  	v16 =	vld [tilespmem:s2+$0x18750]  }
0x6cd: {  	s7 =	simm.s32 $0x200;
	s8 =	simm.s32 $0x400;
	[tilespmem:s0+$0x1A7A0] =	vst v0;
	v0 =	vld [tilespmem:s0+$0x187C0]  }
0x6ce: {  	s4 =	sand.u32 $0x800, s8;
	s1 =	sand.u32 $0x300, s7;
	v17 =	vld [tilespmem:s2+$0x18770]  }
0x6cf: {  	s1 =	sor.u32 s1, s4;
	v2 =	vld.idx.msk [tilespmem:v2+s3+$0x0], $0xffff  }
0x6d0: {  	v18 =	vld [tilespmem:s1+$0x18730];
	[tilespmem:s0+$0x1A730] =	vst v1  }
0x6d1: {  	v6 =	vld.idx.msk [tilespmem:v6+s3+$0x0], $0xffff  }
0x6d2: {  	v19 =	vld [tilespmem:s1+$0x18790]  }
0x6d3: {  	v3 =	vld [tilespmem:s0+$0x187D0]  }
0x6d4: {  	v20 =	vld [tilespmem:s1+$0x18740];
	[tilespmem:s0+$0x1A7B0] =	vst v2  }
0x6d5: {  	v0 =	vld.idx.msk [tilespmem:v0+s3+$0x0], $0xffff  }
0x6d6: {  	s9 =	simm.s32 $0x300;
	s5 =	simm.s32 $0x600;
	v21 =	vld [tilespmem:s1+$0x18750];
	[tilespmem:s0+$0x1A740] =	vst v6  }
0x6d7: {  	s5 =	sand.u32 $0x800, s5;
	s4 =	sand.u32 $0x300, s9;
	v6 =	vld.idx.msk [tilespmem:v7+s3+$0x0], $0xffff  }
0x6d8: {  	s4 =	sor.u32 s4, s5;
	v22 =	vld [tilespmem:s1+$0x18770]  }
0x6d9: {  	v61 =	vld [tilespmem:s4+$0x18740]  }
0x6da: {  	v23 =	vld [tilespmem:s4+$0x18750];
	[tilespmem:s0+$0x1A7C0] =	vst v0  }
0x6db: {  	v10 =	vld.idx.msk [tilespmem:v3+s3+$0x0], $0xffff  }
0x6dc: {  	v0 =	vld [tilespmem:s0+$0x187E0];
	[tilespmem:s0+$0x1A750] =	vst v6  }
0x6dd: {  	v6 =	vld.idx.msk [tilespmem:v8+s3+$0x0], $0xffff  }
0x6de: {  	v8 =	vld [tilespmem:s2+$0x18780]  }
0x6df: {  	v24 =	vld [tilespmem:s1+$0x18BA0]  }
0x6e0: {  	[tilespmem:s0+$0x1A7D0] =	vst v10;
	v10 =	vld [tilespmem:s2+$0x18700]  }
0x6e1: {  	v63 =	vld [tilespmem:s4+$0x187C0]  }
0x6e2: {  	v4 =	vld [tilespmem:s0+$0x18B00]  }
0x6e3: {  	v5 =	vld [tilespmem:s0+$0x18B10]  }
0x6e4: {  	v7 =	vld [tilespmem:s0+$0x187F0]  }
0x6e5: {  	v0 =	vld.idx.msk [tilespmem:v0+s3+$0x0], $0xffff  }
0x6e6: {  	v8 =	vld.idx.msk [tilespmem:v8+s3+$0x0], $0xffff  }
0x6e7: {  	v1 =	vld [tilespmem:s0+$0x18B20]  }
0x6e8: {  	v10 =	vld.idx.msk [tilespmem:v10+s3+$0x0], $0xffff  }
0x6e9: {  	v2 =	vld [tilespmem:s0+$0x18B30]  }
0x6ea: {  	[tilespmem:s0+$0x1A7E0] =	vst v0;
	v0 =	vld [tilespmem:s0+$0x18B80]  }
0x6eb: {  	[tilespmem:s2+$0x1A780] =	vst v8;
	v8 =	vld [tilespmem:s2+$0x187A0]  }
0x6ec: {  	v7 =	vld.idx.msk [tilespmem:v7+s3+$0x0], $0xffff  }
0x6ed: {  	[tilespmem:s2+$0x1A700] =	vst v10;
	v10 =	vld.idx.msk [tilespmem:v14+s3+$0x0], $0xffff  }
0x6ee: {  	v3 =	vld [tilespmem:s0+$0x18B38];
	[tilespmem:s0+$0x1A760] =	vst v6  }
0x6ef: {  	v9 =	vld.idx.msk [tilespmem:v9+s3+$0x0], $0xffff  }
0x6f0: {  	v11 =	vld.idx.msk [tilespmem:v11+s3+$0x0], $0xffff  }
0x6f1: {  	[tilespmem:s0+$0x1A7F0] =	vst v7;
	v7 =	vld [tilespmem:s0+$0x18B90]  }
0x6f2: {  	[tilespmem:s2+$0x1A790] =	vst v10;
	v10 =	vld [tilespmem:s2+$0x187B0]  }
0x6f3: {  	v8 =	vld.idx.msk [tilespmem:v8+s3+$0x0], $0xffff  }
0x6f4: {  	[tilespmem:s0+$0x1A770] =	vst v9;
	v0 =	vld.idx.msk [tilespmem:v0+s3+$0x0], $0xffff  }
0x6f5: {  	v9 =	vld [tilespmem:s2+$0x18B30];
	[tilespmem:s2+$0x1A710] =	vst v11  }
0x6f6: {  	v6 =	vld.idx.msk [tilespmem:v12+s3+$0x0], $0xffff  }
0x6f7: {  	v4 =	vld.idx.msk [tilespmem:v4+s3+$0x0], $0xffff  }
0x6f8: {  	[tilespmem:s2+$0x1A7A0] =	vst v8;
	v8 =	vld [tilespmem:s2+$0x187C0]  }
0x6f9: {  	[tilespmem:s0+$0x1AB80] =	vst v0;
	v0 =	vld [tilespmem:s0+$0x18BA0]  }
0x6fa: {  	v10 =	vld.idx.msk [tilespmem:v10+s3+$0x0], $0xffff  }
0x6fb: {  	v7 =	vld.idx.msk [tilespmem:v7+s3+$0x0], $0xffff;
	[tilespmem:s2+$0x1A720] =	vst v6  }
0x6fc: {  	v6 =	vld.idx.msk [tilespmem:v13+s3+$0x0], $0xffff  }
0x6fd: {  	v14 =	vld [tilespmem:s2+$0x18760];
	[tilespmem:s0+$0x1AB00] =	vst v4  }
0x6fe: {  	v5 =	vld.idx.msk [tilespmem:v5+s3+$0x0], $0xffff  }
0x6ff: {  	[tilespmem:s2+$0x1A7B0] =	vst v10;
	v10 =	vld [tilespmem:s2+$0x187D0]  }
0x700: {  	[tilespmem:s0+$0x1AB90] =	vst v7;
	v8 =	vld.idx.msk [tilespmem:v8+s3+$0x0], $0xffff  }
0x701: {  	v7 =	vld [tilespmem:s0+$0x18BB0];
	[tilespmem:s2+$0x1A730] =	vst v6  }
0x702: {  	v6 =	vld.idx.msk [tilespmem:v15+s3+$0x0], $0xffff  }
0x703: {  	v12 =	vld [tilespmem:s2+$0x18B00]  }
0x704: {  	v0 =	vld.idx.msk [tilespmem:v0+s3+$0x0], $0xffff  }
0x705: {  	[tilespmem:s2+$0x1A7C0] =	vst v8;
	v8 =	vld [tilespmem:s2+$0x187E0]  }
0x706: {  	v13 =	vld [tilespmem:s2+$0x18B10]  }
0x707: {  	[tilespmem:s2+$0x1A740] =	vst v6;
	v10 =	vld.idx.msk [tilespmem:v10+s3+$0x0], $0xffff  }
0x708: {  	v4 =	vld.idx.msk [tilespmem:v16+s3+$0x0], $0xffff  }
0x709: {  	v15 =	vld [tilespmem:s2+$0x18B20];
	[tilespmem:s0+$0x1ABA0] =	vst v0  }
0x70a: {  	v7 =	vld.idx.msk [tilespmem:v7+s3+$0x0], $0xffff  }
0x70b: {  	v6 =	vld [tilespmem:s2+$0x187F0]  }
0x70c: {  	[tilespmem:s2+$0x1A7D0] =	vst v10;
	v10 =	vld [tilespmem:s1+$0x18700]  }
0x70d: {  	[tilespmem:s2+$0x1A750] =	vst v4;
	v4 =	vld.idx.msk [tilespmem:v8+s3+$0x0], $0xffff  }
0x70e: {  	v0 =	vld [tilespmem:s0+$0x18BB8]  }
0x70f: {  	[tilespmem:s0+$0x1ABB0] =	vst v7;
	v7 =	vld.idx.msk [tilespmem:v14+s3+$0x0], $0xffff  }
0x710: {  	v8 =	vld [tilespmem:s1+$0x18780]  }
0x711: {  	v14 =	vld [tilespmem:s1+$0x18710]  }
0x712: {  	[tilespmem:s2+$0x1A7E0] =	vst v4;
	v4 =	vld [tilespmem:s2+$0x18B80]  }
0x713: {  	v6 =	vld.idx.msk [tilespmem:v6+s3+$0x0], $0xffff  }
0x714: {  	v10 =	vld.idx.msk [tilespmem:v10+s3+$0x0], $0xffff  }
0x715: {  	v16 =	vld [tilespmem:s1+$0x18720]  }
0x716: {  	v11 =	vld.idx.msk [tilespmem:v0+s3+$0x0], $0xffff  }
0x717: {  	v0 =	vld [tilespmem:s2+$0x18B38]  }
0x718: {  	v8 =	vld.idx.msk [tilespmem:v8+s3+$0x0], $0xffff;
	[tilespmem:s2+$0x1A7F0] =	vst v6  }
0x719: {  	v6 =	vld [tilespmem:s2+$0x18B90];
	[tilespmem:s1+$0x1A700] =	vst v10  }
0x71a: {  	v14 =	vld.idx.msk [tilespmem:v14+s3+$0x0], $0xffff  }
0x71b: {  	v4 =	vld.idx.msk [tilespmem:v4+s3+$0x0], $0xffff  }
0x71c: {  	[tilespmem:s0+$0x1ABB8] =	vst v11;
	v11 =	vld [tilespmem:s4+$0x18B38]  }
0x71d: {  	[tilespmem:s1+$0x1A780] =	vst v8;
	v8 =	vld [tilespmem:s1+$0x187A0]  }
0x71e: {  	[tilespmem:s2+$0x1A760] =	vst v7;
	v10 =	vld.idx.msk [tilespmem:v19+s3+$0x0], $0xffff  }
0x71f: {  	[tilespmem:s1+$0x1A710] =	vst v14;
	v14 =	vld.idx.msk [tilespmem:v17+s3+$0x0], $0xffff  }
0x720: {  	[tilespmem:s2+$0x1AB80] =	vst v4;
	v4 =	vld [tilespmem:s2+$0x18BA0]  }
0x721: {  	v7 =	vld.idx.msk [tilespmem:v16+s3+$0x0], $0xffff  }
0x722: {  	v6 =	vld.idx.msk [tilespmem:v6+s3+$0x0], $0xffff  }
0x723: {  	[tilespmem:s1+$0x1A790] =	vst v10;
	v10 =	vld [tilespmem:s1+$0x187B0]  }
0x724: {  	v19 =	vld [tilespmem:s1+$0x18760]  }
0x725: {  	v8 =	vld.idx.msk [tilespmem:v8+s3+$0x0], $0xffff  }
0x726: {  	v16 =	vld [tilespmem:s1+$0x18B00];
	[tilespmem:s2+$0x1A770] =	vst v14  }
0x727: {  	[tilespmem:s1+$0x1A720] =	vst v7;
	v7 =	vld.idx.msk [tilespmem:v12+s3+$0x0], $0xffff  }
0x728: {  	[tilespmem:s2+$0x1AB90] =	vst v6;
	v6 =	vld [tilespmem:s2+$0x18BB0]  }
0x729: {  	v4 =	vld.idx.msk [tilespmem:v4+s3+$0x0], $0xffff  }
0x72a: {  	[tilespmem:s1+$0x1A7A0] =	vst v8;
	v8 =	vld [tilespmem:s1+$0x187C0]  }
0x72b: {  	[tilespmem:s0+$0x1AB10] =	vst v5;
	v5 =	vld.idx.msk [tilespmem:v10+s3+$0x0], $0xffff  }
0x72c: {  	v10 =	vld.idx.msk [tilespmem:v1+s3+$0x0], $0xffff  }
0x72d: {  	v1 =	vld.idx.msk [tilespmem:v18+s3+$0x0], $0xffff;
	[tilespmem:s2+$0x1AB00] =	vst v7  }
0x72e: {  	v7 =	vld.idx.msk [tilespmem:v13+s3+$0x0], $0xffff  }
0x72f: {  	[tilespmem:s2+$0x1ABA0] =	vst v4;
	v4 =	vld [tilespmem:s2+$0x18BB8]  }
0x730: {  	[tilespmem:s1+$0x1A7B0] =	vst v5;
	v5 =	vld [tilespmem:s1+$0x187D0]  }
0x731: {  	v6 =	vld.idx.msk [tilespmem:v6+s3+$0x0], $0xffff  }
0x732: {  	v8 =	vld.idx.msk [tilespmem:v8+s3+$0x0], $0xffff  }
0x733: {  	v12 =	vld [tilespmem:s1+$0x18B10];
	[tilespmem:s1+$0x1A730] =	vst v1  }
0x734: {  	v14 =	vld.idx.msk [tilespmem:v20+s3+$0x0], $0xffff  }
0x735: {  	v13 =	vld [tilespmem:s1+$0x18B20];
	[tilespmem:s2+$0x1AB10] =	vst v7  }
0x736: {  	v7 =	vld [tilespmem:s4+$0x18780];
	[tilespmem:s2+$0x1ABB0] =	vst v6  }
0x737: {  	[tilespmem:s1+$0x1A7C0] =	vst v8;
	v8 =	vld [tilespmem:s1+$0x187E0]  }
0x738: {  	v17 =	vld.idx.msk [tilespmem:v4+s3+$0x0], $0xffff  }
0x739: {  	[tilespmem:s1+$0x1A740] =	vst v14;
	v5 =	vld.idx.msk [tilespmem:v5+s3+$0x0], $0xffff  }
0x73a: {  	v4 =	vld.idx.msk [tilespmem:v21+s3+$0x0], $0xffff  }
0x73b: {  	v1 =	vld [tilespmem:s1+$0x18B30]  }
0x73c: {  	[tilespmem:s0+$0x1AB20] =	vst v10;
	v10 =	vld [tilespmem:s4+$0x18710]  }
0x73d: {  	v60 =	vld.idx.msk [tilespmem:v2+s3+$0x0], $0xffff  }
0x73e: {  	[tilespmem:s1+$0x1A7D0] =	vst v5;
	v5 =	vld [tilespmem:s1+$0x187F0]  }
0x73f: {  	[tilespmem:s1+$0x1A750] =	vst v4;
	v4 =	vld.idx.msk [tilespmem:v8+s3+$0x0], $0xffff  }
0x740: {  	v8 =	vld [tilespmem:s4+$0x18700]  }
0x741: {  	v2 =	vld [tilespmem:s1+$0x18B38]  }
0x742: {  	v7 =	vld.idx.msk [tilespmem:v7+s3+$0x0], $0xffff  }
0x743: {  	v6 =	vld.idx.msk [tilespmem:v19+s3+$0x0], $0xffff  }
0x744: {  	[tilespmem:s1+$0x1A7E0] =	vst v4;
	v4 =	vld [tilespmem:s1+$0x18B80]  }
0x745: {  	v19 =	vld [tilespmem:s4+$0x18790]  }
0x746: {  	v5 =	vld.idx.msk [tilespmem:v5+s3+$0x0], $0xffff  }
0x747: {  	v18 =	vld.idx.msk [tilespmem:v15+s3+$0x0], $0xffff  }
0x748: {  	v8 =	vld.idx.msk [tilespmem:v8+s3+$0x0], $0xffff  }
0x749: {  	v15 =	vld [tilespmem:s4+$0x18730]  }
0x74a: {  	[tilespmem:s4+$0x1A780] =	vst v7;
	v7 =	vld [tilespmem:s4+$0x187A0]  }
0x74b: {  	[tilespmem:s1+$0x1A7F0] =	vst v5;
	v5 =	vld [tilespmem:s1+$0x18B90]  }
0x74c: {  	v4 =	vld.idx.msk [tilespmem:v4+s3+$0x0], $0xffff  }
0x74d: {  	[tilespmem:s4+$0x1A700] =	vst v8;
	v8 =	vld.idx.msk [tilespmem:v19+s3+$0x0], $0xffff  }
0x74e: {  	v14 =	vld [tilespmem:s4+$0x18720]  }
0x74f: {  	v19 =	vld.idx.msk [tilespmem:v10+s3+$0x0], $0xffff  }
0x750: {  	v10 =	vld [tilespmem:s4+$0x18760]  }
0x751: {  	[tilespmem:s1+$0x1AB80] =	vst v4;
	v4 =	vld [tilespmem:s4+$0x18770]  }
0x752: {  	[tilespmem:s4+$0x1A790] =	vst v8;
	v8 =	vld [tilespmem:s4+$0x187B0]  }
0x753: {  	v5 =	vld.idx.msk [tilespmem:v5+s3+$0x0], $0xffff  }
0x754: {  	v7 =	vld.idx.msk [tilespmem:v7+s3+$0x0], $0xffff  }
0x755: {  	[tilespmem:s4+$0x1A710] =	vst v19;
	v19 =	vld [tilespmem:s1+$0x18BB0]  }
0x756: {  	[tilespmem:s1+$0x1A760] =	vst v6;
	v6 =	vld.idx.msk [tilespmem:v14+s3+$0x0], $0xffff  }
0x757: {  	v14 =	vld.idx.msk [tilespmem:v22+s3+$0x0], $0xffff  }
0x758: {  	[tilespmem:s1+$0x1AB90] =	vst v5;
	v5 =	vld [tilespmem:s4+$0x18B00]  }
0x759: {  	v62 =	vld.idx.msk [tilespmem:v24+s3+$0x0], $0xffff  }
0x75a: {  	[tilespmem:s4+$0x1A7A0] =	vst v7;
	v7 =	vld [tilespmem:s4+$0x18B10]  }
0x75b: {  	[tilespmem:s4+$0x1A720] =	vst v6;
	v6 =	vld.idx.msk [tilespmem:v8+s3+$0x0], $0xffff  }
0x75c: {  	[tilespmem:s1+$0x1A770] =	vst v14;
	v8 =	vld.idx.msk [tilespmem:v15+s3+$0x0], $0xffff  }
0x75d: {  	v14 =	vld.idx.msk [tilespmem:v16+s3+$0x0], $0xffff  }
0x75e: {  	v15 =	vld [tilespmem:s1+$0x18BB8];
	[tilespmem:s1+$0x1ABA0] =	vst v62  }
0x75f: {  	v16 =	vld.idx.msk [tilespmem:v19+s3+$0x0], $0xffff  }
0x760: {  	[tilespmem:s4+$0x1A7B0] =	vst v6;
	v19 =	vld [tilespmem:s4+$0x187D0]  }
0x761: {  	[tilespmem:s4+$0x1A730] =	vst v8;
	v8 =	vld [tilespmem:s4+$0x18B20]  }
0x762: {  	v6 =	vld.idx.msk [tilespmem:v63+s3+$0x0], $0xffff  }
0x763: {  	[tilespmem:s1+$0x1AB00] =	vst v14;
	v21 =	vld.idx.msk [tilespmem:v61+s3+$0x0], $0xffff  }
0x764: {  	v12 =	vld.idx.msk [tilespmem:v12+s3+$0x0], $0xffff  }
0x765: {  	v14 =	vld [tilespmem:s4+$0x187E0];
	[tilespmem:s1+$0x1ABB0] =	vst v16  }
0x766: {  	[tilespmem:s0+$0x1AB30] =	vst v60;
	v16 =	vld.idx.msk [tilespmem:v15+s3+$0x0], $0xffff  }
0x767: {  	[tilespmem:s4+$0x1A7C0] =	vst v6;
	v6 =	vld [tilespmem:s4+$0x18B30]  }
0x768: {  	[tilespmem:s4+$0x1A740] =	vst v21;
	v19 =	vld.idx.msk [tilespmem:v19+s3+$0x0], $0xffff  }
0x769: {  	[tilespmem:s1+$0x1AB10] =	vst v12;
	v15 =	vld.idx.msk [tilespmem:v23+s3+$0x0], $0xffff  }
0x76a: {  	[tilespmem:s2+$0x1AB20] =	vst v18;
	v13 =	vld.idx.msk [tilespmem:v13+s3+$0x0], $0xffff  }
0x76b: {  	[tilespmem:s2+$0x1ABB8] =	vst v17;
	v12 =	vld.idx.msk [tilespmem:v9+s3+$0x0], $0xffff  }
0x76c: {  	v9 =	vld.idx.msk [tilespmem:v3+s3+$0x0], $0xffff;
	[tilespmem:s1+$0x1ABB8] =	vst v16  }
0x76d: {  	s6 =	simm.s32 $0x400;
	s7 =	simm.s32 $0x800;
	s5 =	simm.s32 $0x6;
	v16 =	vld [tilespmem:s4+$0x187F0];
	[tilespmem:s4+$0x1A7D0] =	vst v19  }
.LBB2_14:
0x76e: {  	s8 =	sand.u32 $0x800, s7;
	s9 =	sand.u32 $0x300, s6;
	s5 =	sadd.s32 $0x2, s5;
	[tilespmem:s4+$0x1A750] =	vst v15;
	v14 =	vld.idx.msk [tilespmem:v14+s3+$0x0], $0xffff  }
0x76f: {  	s8 =	sor.u32 s9, s8;
	p0 =	slt.u32 s5, $0xE;
	v10 =	vld.idx.msk [tilespmem:v10+s3+$0x0], $0xffff;
	[tilespmem:s1+$0x1AB20] =	vst v13  }
0x770: {  	v13 =	vld [tilespmem:s8+$0x18780];
	[tilespmem:s2+$0x1AB30] =	vst v12;
	v3 =	vmov v11  }
0x771: {  	v11 =	vld [tilespmem:s8+$0x18700]  }
0x772: {  	v12 =	vld [tilespmem:s8+$0x18710];
	[tilespmem:s0+$0x1AB38] =	vst v9;
	s0 =	smov.u32 s2;
	s2 =	smov.u32 s1;
	s1 =	smov.u32 s4  }
0x773: {  	s4 =	smov.u32 s8;
	v9 =	vld [tilespmem:s8+$0x18720]  }
0x774: {  	[tilespmem:s1+$0x1A7E0] =	vst v14;
	v14 =	vld [tilespmem:s1+$0x18B80]  }
0x775: {  	[tilespmem:s1+$0x1A760] =	vst v10;
	v10 =	vld.idx.msk [tilespmem:v16+s3+$0x0], $0xffff  }
0x776: {  	v15 =	vld [tilespmem:s4+$0x18730]  }
0x777: {  	v16 =	vld [tilespmem:s4+$0x18790]  }
0x778: {  	v13 =	vld.idx.msk [tilespmem:v13+s3+$0x0], $0xffff  }
0x779: {  	v11 =	vld.idx.msk [tilespmem:v11+s3+$0x0], $0xffff  }
0x77a: {  	v17 =	vld [tilespmem:s4+$0x18740]  }
0x77b: {  	[tilespmem:s1+$0x1A7F0] =	vst v10;
	v18 =	vld [tilespmem:s1+$0x18B90]  }
0x77c: {  	v14 =	vld.idx.msk [tilespmem:v14+s3+$0x0], $0xffff  }
0x77d: {  	v19 =	vld [tilespmem:s4+$0x18750]  }
0x77e: {  	[tilespmem:s4+$0x1A780] =	vst v13;
	v13 =	vld [tilespmem:s4+$0x187A0]  }
0x77f: {  	[tilespmem:s4+$0x1A700] =	vst v11;
	v11 =	vld.idx.msk [tilespmem:v16+s3+$0x0], $0xffff  }
0x780: {  	v12 =	vld.idx.msk [tilespmem:v12+s3+$0x0], $0xffff  }
0x781: {  	v10 =	vld [tilespmem:s4+$0x18760]  }
0x782: {  	[tilespmem:s1+$0x1AB80] =	vst v14;
	v14 =	vld [tilespmem:s1+$0x18BA0]  }
0x783: {  	v16 =	vld.idx.msk [tilespmem:v18+s3+$0x0], $0xffff  }
0x784: {  	v18 =	vld [tilespmem:s4+$0x18770]  }
0x785: {  	[tilespmem:s4+$0x1A790] =	vst v11;
	v11 =	vld [tilespmem:s4+$0x187B0]  }
0x786: {  	[tilespmem:s4+$0x1A710] =	vst v12;
	v12 =	vld.idx.msk [tilespmem:v13+s3+$0x0], $0xffff  }
0x787: {  	v9 =	vld.idx.msk [tilespmem:v9+s3+$0x0], $0xffff  }
0x788: {  	v13 =	vld.idx.msk [tilespmem:v4+s3+$0x0], $0xffff  }
0x789: {  	[tilespmem:s1+$0x1AB90] =	vst v16;
	v16 =	vld [tilespmem:s1+$0x18BB0];
	v4 =	vmov v18  }
0x78a: {  	v14 =	vld.idx.msk [tilespmem:v14+s3+$0x0], $0xffff  }
0x78b: {  	v18 =	vld [tilespmem:s4+$0x18B00]  }
0x78c: {  	[tilespmem:s4+$0x1A7A0] =	vst v12;
	v12 =	vld [tilespmem:s4+$0x187C0]  }
0x78d: {  	[tilespmem:s4+$0x1A720] =	vst v9;
	v9 =	vld.idx.msk [tilespmem:v11+s3+$0x0], $0xffff  }
0x78e: {  	v11 =	vld.idx.msk [tilespmem:v15+s3+$0x0], $0xffff;
	[tilespmem:s1+$0x1A770] =	vst v13  }
0x78f: {  	v13 =	vld.idx.msk [tilespmem:v5+s3+$0x0], $0xffff  }
0x790: {  	[tilespmem:s1+$0x1ABA0] =	vst v14;
	v14 =	vld [tilespmem:s1+$0x18BB8];
	v5 =	vmov v18  }
0x791: {  	v15 =	vld.idx.msk [tilespmem:v16+s3+$0x0], $0xffff  }
0x792: {  	v16 =	vld [tilespmem:s4+$0x18B10]  }
0x793: {  	[tilespmem:s4+$0x1A7B0] =	vst v9;
	v9 =	vld [tilespmem:s4+$0x187D0]  }
0x794: {  	[tilespmem:s4+$0x1A730] =	vst v11;
	v11 =	vld.idx.msk [tilespmem:v12+s3+$0x0], $0xffff  }
0x795: {  	v12 =	vld.idx.msk [tilespmem:v17+s3+$0x0], $0xffff;
	[tilespmem:s1+$0x1AB00] =	vst v13  }
0x796: {  	v13 =	vld.idx.msk [tilespmem:v7+s3+$0x0], $0xffff  }
0x797: {  	v17 =	vld [tilespmem:s4+$0x18B20];
	[tilespmem:s1+$0x1ABB0] =	vst v15;
	v7 =	vmov v16  }
0x798: {  	v16 =	vld.idx.msk [tilespmem:v14+s3+$0x0], $0xffff  }
0x799: {  	v18 =	vld [tilespmem:s4+$0x18B30]  }
0x79a: {  	[tilespmem:s4+$0x1A7C0] =	vst v11;
	v14 =	vld [tilespmem:s4+$0x187E0]  }
0x79b: {  	[tilespmem:s4+$0x1A740] =	vst v12;
	v20 =	vld.idx.msk [tilespmem:v9+s3+$0x0], $0xffff  }
0x79c: {  	v15 =	vld.idx.msk [tilespmem:v19+s3+$0x0], $0xffff;
	[tilespmem:s1+$0x1AB10] =	vst v13  }
.Ltmp6:
0x79d: {  	v13 =	vld.idx.msk [tilespmem:v8+s3+$0x0], $0xffff;
	v8 =	vmov v17;
	(pc) =	sbr.rel @p0 .LBB2_14-.Ltmp6, $4  }
0x79e: {  	[tilespmem:s1+$0x1ABB8] =	vst v16;
	v12 =	vld.idx.msk [tilespmem:v1+s3+$0x0], $0xffff;
	v1 =	vmov v6;
	v6 =	vmov v18  }
0x79f: {  	v11 =	vld [tilespmem:s4+$0x18B38]  }
0x7a0: {  	v9 =	vld.idx.msk [tilespmem:v0+s3+$0x0], $0xffff;
	v0 =	vmov v2;
	v2 =	vmov v3  }
0x7a1: {  	s6 =	sadd.s32 $0x100, s6;
	s7 =	sadd.s32 $0x200, s7;
	[tilespmem:s4+$0x1A7D0] =	vst v20;
	v16 =	vld [tilespmem:s4+$0x187F0]  }
0x7a2: {  	_ =	sdelay $0x3  }
0x7a3: {  	v3 =	vld.idx.msk [tilespmem:v14+s3+$0x0], $0xffff;
	_ =	sdelay $0x2  }
0x7a4: {  	[tilespmem:s4+$0x1A750] =	vst v15  }
0x7a5: {  	v10 =	vld.idx.msk [tilespmem:v10+s3+$0x0], $0xffff  }
0x7a6: {  	[tilespmem:s4+$0x1A7E0] =	vst v3;
	v3 =	vld [tilespmem:s4+$0x18B80];
	_ =	sdelay $0x1  }
0x7a7: {  	v14 =	vld.idx.msk [tilespmem:v16+s3+$0x0], $0xffff;
	_ =	sdelay $0x2  }
0x7a8: {  	[tilespmem:s4+$0x1A760] =	vst v10  }
0x7a9: {  	v4 =	vld.idx.msk [tilespmem:v4+s3+$0x0], $0xffff  }
0x7aa: {  	[tilespmem:s4+$0x1A7F0] =	vst v14;
	v14 =	vld [tilespmem:s4+$0x18B90]  }
0x7ab: {  	v3 =	vld.idx.msk [tilespmem:v3+s3+$0x0], $0xffff;
	_ =	sdelay $0x3  }
0x7ac: {  	[tilespmem:s4+$0x1A770] =	vst v4  }
0x7ad: {  	[tilespmem:s4+$0x1AB80] =	vst v3;
	v3 =	vld [tilespmem:s4+$0x18BA0]  }
0x7ae: {  	v4 =	vld.idx.msk [tilespmem:v5+s3+$0x0], $0xffff  }
0x7af: {  	v10 =	vld.idx.msk [tilespmem:v14+s3+$0x0], $0xffff;
	_ =	sdelay $0x3  }
0x7b0: {  	[tilespmem:s4+$0x1AB00] =	vst v4  }
0x7b1: {  	v4 =	vld.idx.msk [tilespmem:v7+s3+$0x0], $0xffff;
	[tilespmem:s4+$0x1AB90] =	vst v10  }
0x7b2: {  	v3 =	vld.idx.msk [tilespmem:v3+s3+$0x0], $0xffff;
	_ =	sdelay $0x1  }
0x7b3: {  	v5 =	vld [tilespmem:s4+$0x18BB0];
	_ =	sdelay $0x1  }
0x7b4: {  	[tilespmem:s4+$0x1AB10] =	vst v4  }
0x7b5: {  	[tilespmem:s4+$0x1ABA0] =	vst v3;
	v3 =	vld.idx.msk [tilespmem:v8+s3+$0x0], $0xffff;
	_ =	sdelay $0x2  }
0x7b6: {  	[tilespmem:s1+$0x1AB20] =	vst v13;
	v4 =	vld [tilespmem:s4+$0x18BB8]  }
0x7b7: {  	v1 =	vld.idx.msk [tilespmem:v1+s3+$0x0], $0xffff  }
0x7b8: {  	v5 =	vld.idx.msk [tilespmem:v5+s3+$0x0], $0xffff;
	[tilespmem:s4+$0x1AB20] =	vst v3  }
0x7b9: {  	v3 =	vld.idx.msk [tilespmem:v6+s3+$0x0], $0xffff;
	_ =	sdelay $0x1  }
0x7ba: {  	[tilespmem:s2+$0x1AB30] =	vst v12  }
0x7bb: {  	v0 =	vld.idx.msk [tilespmem:v0+s3+$0x0], $0xffff;
	[tilespmem:s1+$0x1AB30] =	vst v1  }
0x7bc: {  	v1 =	vld.idx.msk [tilespmem:v2+s3+$0x0], $0xffff;
	[tilespmem:s4+$0x1ABB0] =	vst v5  }
0x7bd: {  	v4 =	vld.idx.msk [tilespmem:v4+s3+$0x0], $0xffff;
	[tilespmem:s4+$0x1AB30] =	vst v3  }
0x7be: {  	v2 =	vld.idx.msk [tilespmem:v11+s3+$0x0], $0xffff  }
0x7bf: {  	[tilespmem:s0+$0x1AB38] =	vst v9  }
0x7c0: {  	[tilespmem:s2+$0x1AB38] =	vst v0  }
0x7c1: {  	[tilespmem:s1+$0x1AB38] =	vst v1  }
0x7c2: {  	[tilespmem:s4+$0x1ABB8] =	vst v4  }
0x7c3: {  	s2 =	simm.s32 $0x0;
	[tilespmem:s4+$0x1AB38] =	vst v2  }
0x7c4: {  	[hbm4b:s18+s2] =	stream.linear.scatter [tilespmem:s25], [sflag:$0x4], $0x1000, $0x38;
	[tilespmem:$0x1C700] =	vst v63  }
0x7c5: {  	_ =	swait.ge [sflag:s26], $0x1000  }
0x7c6: {  	[sflag:s26] =	ssyncset.done $0x0  }
0x7c7: {  	[sflag:s26] =	ssyncadd.s32 $0xFFFFF000  }
0x7c8: {  	_ =	swait.ge [sflag:s30], $0x1000  }
0x7c9: {  	s0 =	sand.u32 $0x300, s2;
	s4 =	sand.u32 $0x800, s2;
	[sflag:s30] =	ssyncset.done $0x0  }
0x7ca: {  	s0 =	sor.u32 s0, s4;
	[sflag:s30] =	ssyncadd.s32 $0xFFFFF000  }
0x7cb: {  	v1 =	vld [tilespmem:s0+$0x19700];
	_ =	sdelay $0x1  }
0x7cc: {  	v0 =	vld [tilespmem:s0+$0x19780];
	_ =	sdelay $0x2  }
0x7cd: {  	v2 =	vld [tilespmem:s0+$0x19790]  }
0x7ce: {  	v3 =	vld [tilespmem:s0+$0x19710]  }
0x7cf: {  	v4 =	vld [tilespmem:s0+$0x19720]  }
0x7d0: {  	v1 =	vld.idx.msk [tilespmem:v1+s3+$0x0], $0xffff  }
0x7d1: {  	v5 =	vld [tilespmem:s0+$0x19730]  }
0x7d2: {  	v0 =	vld.idx.msk [tilespmem:v0+s3+$0x0], $0xffff  }
0x7d3: {  	v6 =	vld [tilespmem:s0+$0x19740]  }
0x7d4: {  	v7 =	vld [tilespmem:s0+$0x19750]  }
0x7d5: {  	v8 =	vld [tilespmem:s0+$0x19760];
	[tilespmem:s0+$0x1B700] =	vst v1  }
0x7d6: {  	v1 =	vld.idx.msk [tilespmem:v3+s3+$0x0], $0xffff  }
0x7d7: {  	s5 =	simm.s32 $0x100;
	s6 =	simm.s32 $0x200;
	[tilespmem:s0+$0x1B780] =	vst v0;
	v0 =	vld [tilespmem:s0+$0x197A0]  }
0x7d8: {  	s1 =	sand.u32 $0x300, s5;
	s2 =	sand.u32 $0x800, s6;
	v9 =	vld [tilespmem:s0+$0x19770]  }
0x7d9: {  	s2 =	sor.u32 s1, s2;
	v2 =	vld.idx.msk [tilespmem:v2+s3+$0x0], $0xffff  }
0x7da: {  	v11 =	vld [tilespmem:s2+$0x19710]  }
0x7db: {  	v12 =	vld [tilespmem:s2+$0x19720];
	[tilespmem:s0+$0x1B710] =	vst v1  }
0x7dc: {  	v1 =	vld.idx.msk [tilespmem:v4+s3+$0x0], $0xffff  }
0x7dd: {  	v13 =	vld [tilespmem:s2+$0x19730]  }
0x7de: {  	[tilespmem:s0+$0x1B790] =	vst v2;
	v2 =	vld [tilespmem:s0+$0x197B0]  }
0x7df: {  	v0 =	vld.idx.msk [tilespmem:v0+s3+$0x0], $0xffff  }
0x7e0: {  	v14 =	vld [tilespmem:s2+$0x19790]  }
0x7e1: {  	v15 =	vld [tilespmem:s2+$0x19740];
	[tilespmem:s0+$0x1B720] =	vst v1  }
0x7e2: {  	v1 =	vld.idx.msk [tilespmem:v5+s3+$0x0], $0xffff  }
0x7e3: {  	v16 =	vld [tilespmem:s2+$0x19750]  }
0x7e4: {  	s7 =	simm.s32 $0x200;
	s8 =	simm.s32 $0x400;
	[tilespmem:s0+$0x1B7A0] =	vst v0;
	v0 =	vld [tilespmem:s0+$0x197C0]  }
0x7e5: {  	s4 =	sand.u32 $0x800, s8;
	s1 =	sand.u32 $0x300, s7;
	v17 =	vld [tilespmem:s2+$0x19770]  }
0x7e6: {  	s1 =	sor.u32 s1, s4;
	v2 =	vld.idx.msk [tilespmem:v2+s3+$0x0], $0xffff  }
0x7e7: {  	v18 =	vld [tilespmem:s1+$0x19730];
	[tilespmem:s0+$0x1B730] =	vst v1  }
0x7e8: {  	v6 =	vld.idx.msk [tilespmem:v6+s3+$0x0], $0xffff  }
0x7e9: {  	v19 =	vld [tilespmem:s1+$0x19790]  }
0x7ea: {  	v3 =	vld [tilespmem:s0+$0x197D0]  }
0x7eb: {  	v20 =	vld [tilespmem:s1+$0x19740];
	[tilespmem:s0+$0x1B7B0] =	vst v2  }
0x7ec: {  	v0 =	vld.idx.msk [tilespmem:v0+s3+$0x0], $0xffff  }
0x7ed: {  	s9 =	simm.s32 $0x300;
	s5 =	simm.s32 $0x600;
	v21 =	vld [tilespmem:s1+$0x19750];
	[tilespmem:s0+$0x1B740] =	vst v6  }
0x7ee: {  	s5 =	sand.u32 $0x800, s5;
	s4 =	sand.u32 $0x300, s9;
	v6 =	vld.idx.msk [tilespmem:v7+s3+$0x0], $0xffff  }
0x7ef: {  	s4 =	sor.u32 s4, s5;
	v22 =	vld [tilespmem:s1+$0x19770]  }
0x7f0: {  	v61 =	vld [tilespmem:s4+$0x19740]  }
0x7f1: {  	v23 =	vld [tilespmem:s4+$0x19750];
	[tilespmem:s0+$0x1B7C0] =	vst v0  }
0x7f2: {  	v10 =	vld.idx.msk [tilespmem:v3+s3+$0x0], $0xffff  }
0x7f3: {  	v0 =	vld [tilespmem:s0+$0x197E0];
	[tilespmem:s0+$0x1B750] =	vst v6  }
0x7f4: {  	v6 =	vld.idx.msk [tilespmem:v8+s3+$0x0], $0xffff  }
0x7f5: {  	v8 =	vld [tilespmem:s2+$0x19780]  }
0x7f6: {  	v24 =	vld [tilespmem:s1+$0x19BA0]  }
0x7f7: {  	[tilespmem:s0+$0x1B7D0] =	vst v10;
	v10 =	vld [tilespmem:s2+$0x19700]  }
0x7f8: {  	v63 =	vld [tilespmem:s4+$0x197C0]  }
0x7f9: {  	v4 =	vld [tilespmem:s0+$0x19B00]  }
0x7fa: {  	v5 =	vld [tilespmem:s0+$0x19B10]  }
0x7fb: {  	v7 =	vld [tilespmem:s0+$0x197F0]  }
0x7fc: {  	v0 =	vld.idx.msk [tilespmem:v0+s3+$0x0], $0xffff  }
0x7fd: {  	v8 =	vld.idx.msk [tilespmem:v8+s3+$0x0], $0xffff  }
0x7fe: {  	v1 =	vld [tilespmem:s0+$0x19B20]  }
0x7ff: {  	v10 =	vld.idx.msk [tilespmem:v10+s3+$0x0], $0xffff  }
0x800: {  	v2 =	vld [tilespmem:s0+$0x19B30]  }
0x801: {  	[tilespmem:s0+$0x1B7E0] =	vst v0;
	v0 =	vld [tilespmem:s0+$0x19B80]  }
0x802: {  	[tilespmem:s2+$0x1B780] =	vst v8;
	v8 =	vld [tilespmem:s2+$0x197A0]  }
0x803: {  	v7 =	vld.idx.msk [tilespmem:v7+s3+$0x0], $0xffff  }
0x804: {  	[tilespmem:s2+$0x1B700] =	vst v10;
	v10 =	vld.idx.msk [tilespmem:v14+s3+$0x0], $0xffff  }
0x805: {  	v3 =	vld [tilespmem:s0+$0x19B38];
	[tilespmem:s0+$0x1B760] =	vst v6  }
0x806: {  	v9 =	vld.idx.msk [tilespmem:v9+s3+$0x0], $0xffff  }
0x807: {  	v11 =	vld.idx.msk [tilespmem:v11+s3+$0x0], $0xffff  }
0x808: {  	[tilespmem:s0+$0x1B7F0] =	vst v7;
	v7 =	vld [tilespmem:s0+$0x19B90]  }
0x809: {  	[tilespmem:s2+$0x1B790] =	vst v10;
	v10 =	vld [tilespmem:s2+$0x197B0]  }
0x80a: {  	v8 =	vld.idx.msk [tilespmem:v8+s3+$0x0], $0xffff  }
0x80b: {  	[tilespmem:s0+$0x1B770] =	vst v9;
	v0 =	vld.idx.msk [tilespmem:v0+s3+$0x0], $0xffff  }
0x80c: {  	v9 =	vld [tilespmem:s2+$0x19B30];
	[tilespmem:s2+$0x1B710] =	vst v11  }
0x80d: {  	v6 =	vld.idx.msk [tilespmem:v12+s3+$0x0], $0xffff  }
0x80e: {  	v4 =	vld.idx.msk [tilespmem:v4+s3+$0x0], $0xffff  }
0x80f: {  	[tilespmem:s2+$0x1B7A0] =	vst v8;
	v8 =	vld [tilespmem:s2+$0x197C0]  }
0x810: {  	[tilespmem:s0+$0x1BB80] =	vst v0;
	v0 =	vld [tilespmem:s0+$0x19BA0]  }
0x811: {  	v10 =	vld.idx.msk [tilespmem:v10+s3+$0x0], $0xffff  }
0x812: {  	v7 =	vld.idx.msk [tilespmem:v7+s3+$0x0], $0xffff;
	[tilespmem:s2+$0x1B720] =	vst v6  }
0x813: {  	v6 =	vld.idx.msk [tilespmem:v13+s3+$0x0], $0xffff  }
0x814: {  	v14 =	vld [tilespmem:s2+$0x19760];
	[tilespmem:s0+$0x1BB00] =	vst v4  }
0x815: {  	v5 =	vld.idx.msk [tilespmem:v5+s3+$0x0], $0xffff  }
0x816: {  	[tilespmem:s2+$0x1B7B0] =	vst v10;
	v10 =	vld [tilespmem:s2+$0x197D0]  }
0x817: {  	[tilespmem:s0+$0x1BB90] =	vst v7;
	v8 =	vld.idx.msk [tilespmem:v8+s3+$0x0], $0xffff  }
0x818: {  	v7 =	vld [tilespmem:s0+$0x19BB0];
	[tilespmem:s2+$0x1B730] =	vst v6  }
0x819: {  	v6 =	vld.idx.msk [tilespmem:v15+s3+$0x0], $0xffff  }
0x81a: {  	v12 =	vld [tilespmem:s2+$0x19B00]  }
0x81b: {  	v0 =	vld.idx.msk [tilespmem:v0+s3+$0x0], $0xffff  }
0x81c: {  	[tilespmem:s2+$0x1B7C0] =	vst v8;
	v8 =	vld [tilespmem:s2+$0x197E0]  }
0x81d: {  	v13 =	vld [tilespmem:s2+$0x19B10]  }
0x81e: {  	[tilespmem:s2+$0x1B740] =	vst v6;
	v10 =	vld.idx.msk [tilespmem:v10+s3+$0x0], $0xffff  }
0x81f: {  	v4 =	vld.idx.msk [tilespmem:v16+s3+$0x0], $0xffff  }
0x820: {  	v15 =	vld [tilespmem:s2+$0x19B20];
	[tilespmem:s0+$0x1BBA0] =	vst v0  }
0x821: {  	v7 =	vld.idx.msk [tilespmem:v7+s3+$0x0], $0xffff  }
0x822: {  	v6 =	vld [tilespmem:s2+$0x197F0]  }
0x823: {  	[tilespmem:s2+$0x1B7D0] =	vst v10;
	v10 =	vld [tilespmem:s1+$0x19700]  }
0x824: {  	[tilespmem:s2+$0x1B750] =	vst v4;
	v4 =	vld.idx.msk [tilespmem:v8+s3+$0x0], $0xffff  }
0x825: {  	v0 =	vld [tilespmem:s0+$0x19BB8]  }
0x826: {  	[tilespmem:s0+$0x1BBB0] =	vst v7;
	v7 =	vld.idx.msk [tilespmem:v14+s3+$0x0], $0xffff  }
0x827: {  	v8 =	vld [tilespmem:s1+$0x19780]  }
0x828: {  	v14 =	vld [tilespmem:s1+$0x19710]  }
0x829: {  	[tilespmem:s2+$0x1B7E0] =	vst v4;
	v4 =	vld [tilespmem:s2+$0x19B80]  }
0x82a: {  	v6 =	vld.idx.msk [tilespmem:v6+s3+$0x0], $0xffff  }
0x82b: {  	v10 =	vld.idx.msk [tilespmem:v10+s3+$0x0], $0xffff  }
0x82c: {  	v16 =	vld [tilespmem:s1+$0x19720]  }
0x82d: {  	v11 =	vld.idx.msk [tilespmem:v0+s3+$0x0], $0xffff  }
0x82e: {  	v0 =	vld [tilespmem:s2+$0x19B38]  }
0x82f: {  	v8 =	vld.idx.msk [tilespmem:v8+s3+$0x0], $0xffff;
	[tilespmem:s2+$0x1B7F0] =	vst v6  }
0x830: {  	v6 =	vld [tilespmem:s2+$0x19B90];
	[tilespmem:s1+$0x1B700] =	vst v10  }
0x831: {  	v14 =	vld.idx.msk [tilespmem:v14+s3+$0x0], $0xffff  }
0x832: {  	v4 =	vld.idx.msk [tilespmem:v4+s3+$0x0], $0xffff  }
0x833: {  	[tilespmem:s0+$0x1BBB8] =	vst v11;
	v11 =	vld [tilespmem:s4+$0x19B38]  }
0x834: {  	[tilespmem:s1+$0x1B780] =	vst v8;
	v8 =	vld [tilespmem:s1+$0x197A0]  }
0x835: {  	[tilespmem:s2+$0x1B760] =	vst v7;
	v10 =	vld.idx.msk [tilespmem:v19+s3+$0x0], $0xffff  }
0x836: {  	[tilespmem:s1+$0x1B710] =	vst v14;
	v14 =	vld.idx.msk [tilespmem:v17+s3+$0x0], $0xffff  }
0x837: {  	[tilespmem:s2+$0x1BB80] =	vst v4;
	v4 =	vld [tilespmem:s2+$0x19BA0]  }
0x838: {  	v7 =	vld.idx.msk [tilespmem:v16+s3+$0x0], $0xffff  }
0x839: {  	v6 =	vld.idx.msk [tilespmem:v6+s3+$0x0], $0xffff  }
0x83a: {  	[tilespmem:s1+$0x1B790] =	vst v10;
	v10 =	vld [tilespmem:s1+$0x197B0]  }
0x83b: {  	v19 =	vld [tilespmem:s1+$0x19760]  }
0x83c: {  	v8 =	vld.idx.msk [tilespmem:v8+s3+$0x0], $0xffff  }
0x83d: {  	v16 =	vld [tilespmem:s1+$0x19B00];
	[tilespmem:s2+$0x1B770] =	vst v14  }
0x83e: {  	[tilespmem:s1+$0x1B720] =	vst v7;
	v7 =	vld.idx.msk [tilespmem:v12+s3+$0x0], $0xffff  }
0x83f: {  	[tilespmem:s2+$0x1BB90] =	vst v6;
	v6 =	vld [tilespmem:s2+$0x19BB0]  }
0x840: {  	v4 =	vld.idx.msk [tilespmem:v4+s3+$0x0], $0xffff  }
0x841: {  	[tilespmem:s1+$0x1B7A0] =	vst v8;
	v8 =	vld [tilespmem:s1+$0x197C0]  }
0x842: {  	[tilespmem:s0+$0x1BB10] =	vst v5;
	v5 =	vld.idx.msk [tilespmem:v10+s3+$0x0], $0xffff  }
0x843: {  	v10 =	vld.idx.msk [tilespmem:v1+s3+$0x0], $0xffff  }
0x844: {  	v1 =	vld.idx.msk [tilespmem:v18+s3+$0x0], $0xffff;
	[tilespmem:s2+$0x1BB00] =	vst v7  }
0x845: {  	v7 =	vld.idx.msk [tilespmem:v13+s3+$0x0], $0xffff  }
0x846: {  	[tilespmem:s2+$0x1BBA0] =	vst v4;
	v4 =	vld [tilespmem:s2+$0x19BB8]  }
0x847: {  	[tilespmem:s1+$0x1B7B0] =	vst v5;
	v5 =	vld [tilespmem:s1+$0x197D0]  }
0x848: {  	v6 =	vld.idx.msk [tilespmem:v6+s3+$0x0], $0xffff  }
0x849: {  	v8 =	vld.idx.msk [tilespmem:v8+s3+$0x0], $0xffff  }
0x84a: {  	v12 =	vld [tilespmem:s1+$0x19B10];
	[tilespmem:s1+$0x1B730] =	vst v1  }
0x84b: {  	v14 =	vld.idx.msk [tilespmem:v20+s3+$0x0], $0xffff  }
0x84c: {  	v13 =	vld [tilespmem:s1+$0x19B20];
	[tilespmem:s2+$0x1BB10] =	vst v7  }
0x84d: {  	v7 =	vld [tilespmem:s4+$0x19780];
	[tilespmem:s2+$0x1BBB0] =	vst v6  }
0x84e: {  	[tilespmem:s1+$0x1B7C0] =	vst v8;
	v8 =	vld [tilespmem:s1+$0x197E0]  }
0x84f: {  	v17 =	vld.idx.msk [tilespmem:v4+s3+$0x0], $0xffff  }
0x850: {  	[tilespmem:s1+$0x1B740] =	vst v14;
	v5 =	vld.idx.msk [tilespmem:v5+s3+$0x0], $0xffff  }
0x851: {  	v4 =	vld.idx.msk [tilespmem:v21+s3+$0x0], $0xffff  }
0x852: {  	v1 =	vld [tilespmem:s1+$0x19B30]  }
0x853: {  	[tilespmem:s0+$0x1BB20] =	vst v10;
	v10 =	vld [tilespmem:s4+$0x19710]  }
0x854: {  	v60 =	vld.idx.msk [tilespmem:v2+s3+$0x0], $0xffff  }
0x855: {  	[tilespmem:s1+$0x1B7D0] =	vst v5;
	v5 =	vld [tilespmem:s1+$0x197F0]  }
0x856: {  	[tilespmem:s1+$0x1B750] =	vst v4;
	v4 =	vld.idx.msk [tilespmem:v8+s3+$0x0], $0xffff  }
0x857: {  	v8 =	vld [tilespmem:s4+$0x19700]  }
0x858: {  	v2 =	vld [tilespmem:s1+$0x19B38]  }
0x859: {  	v7 =	vld.idx.msk [tilespmem:v7+s3+$0x0], $0xffff  }
0x85a: {  	v6 =	vld.idx.msk [tilespmem:v19+s3+$0x0], $0xffff  }
0x85b: {  	[tilespmem:s1+$0x1B7E0] =	vst v4;
	v4 =	vld [tilespmem:s1+$0x19B80]  }
0x85c: {  	v19 =	vld [tilespmem:s4+$0x19790]  }
0x85d: {  	v5 =	vld.idx.msk [tilespmem:v5+s3+$0x0], $0xffff  }
0x85e: {  	v18 =	vld.idx.msk [tilespmem:v15+s3+$0x0], $0xffff  }
0x85f: {  	v8 =	vld.idx.msk [tilespmem:v8+s3+$0x0], $0xffff  }
0x860: {  	v15 =	vld [tilespmem:s4+$0x19730]  }
0x861: {  	[tilespmem:s4+$0x1B780] =	vst v7;
	v7 =	vld [tilespmem:s4+$0x197A0]  }
0x862: {  	[tilespmem:s1+$0x1B7F0] =	vst v5;
	v5 =	vld [tilespmem:s1+$0x19B90]  }
0x863: {  	v4 =	vld.idx.msk [tilespmem:v4+s3+$0x0], $0xffff  }
0x864: {  	[tilespmem:s4+$0x1B700] =	vst v8;
	v8 =	vld.idx.msk [tilespmem:v19+s3+$0x0], $0xffff  }
0x865: {  	v14 =	vld [tilespmem:s4+$0x19720]  }
0x866: {  	v19 =	vld.idx.msk [tilespmem:v10+s3+$0x0], $0xffff  }
0x867: {  	v10 =	vld [tilespmem:s4+$0x19760]  }
0x868: {  	[tilespmem:s1+$0x1BB80] =	vst v4;
	v4 =	vld [tilespmem:s4+$0x19770]  }
0x869: {  	[tilespmem:s4+$0x1B790] =	vst v8;
	v8 =	vld [tilespmem:s4+$0x197B0]  }
0x86a: {  	v5 =	vld.idx.msk [tilespmem:v5+s3+$0x0], $0xffff  }
0x86b: {  	v7 =	vld.idx.msk [tilespmem:v7+s3+$0x0], $0xffff  }
0x86c: {  	[tilespmem:s4+$0x1B710] =	vst v19;
	v19 =	vld [tilespmem:s1+$0x19BB0]  }
0x86d: {  	[tilespmem:s1+$0x1B760] =	vst v6;
	v6 =	vld.idx.msk [tilespmem:v14+s3+$0x0], $0xffff  }
0x86e: {  	v14 =	vld.idx.msk [tilespmem:v22+s3+$0x0], $0xffff  }
0x86f: {  	[tilespmem:s1+$0x1BB90] =	vst v5;
	v5 =	vld [tilespmem:s4+$0x19B00]  }
0x870: {  	v62 =	vld.idx.msk [tilespmem:v24+s3+$0x0], $0xffff  }
0x871: {  	[tilespmem:s4+$0x1B7A0] =	vst v7;
	v7 =	vld [tilespmem:s4+$0x19B10]  }
0x872: {  	[tilespmem:s4+$0x1B720] =	vst v6;
	v6 =	vld.idx.msk [tilespmem:v8+s3+$0x0], $0xffff  }
0x873: {  	[tilespmem:s1+$0x1B770] =	vst v14;
	v8 =	vld.idx.msk [tilespmem:v15+s3+$0x0], $0xffff  }
0x874: {  	v14 =	vld.idx.msk [tilespmem:v16+s3+$0x0], $0xffff  }
0x875: {  	v15 =	vld [tilespmem:s1+$0x19BB8];
	[tilespmem:s1+$0x1BBA0] =	vst v62  }
0x876: {  	v16 =	vld.idx.msk [tilespmem:v19+s3+$0x0], $0xffff  }
0x877: {  	[tilespmem:s4+$0x1B7B0] =	vst v6;
	v19 =	vld [tilespmem:s4+$0x197D0]  }
0x878: {  	[tilespmem:s4+$0x1B730] =	vst v8;
	v8 =	vld [tilespmem:s4+$0x19B20]  }
0x879: {  	v6 =	vld.idx.msk [tilespmem:v63+s3+$0x0], $0xffff  }
0x87a: {  	[tilespmem:s1+$0x1BB00] =	vst v14;
	v21 =	vld.idx.msk [tilespmem:v61+s3+$0x0], $0xffff  }
0x87b: {  	v12 =	vld.idx.msk [tilespmem:v12+s3+$0x0], $0xffff  }
0x87c: {  	v14 =	vld [tilespmem:s4+$0x197E0];
	[tilespmem:s1+$0x1BBB0] =	vst v16  }
0x87d: {  	[tilespmem:s0+$0x1BB30] =	vst v60;
	v16 =	vld.idx.msk [tilespmem:v15+s3+$0x0], $0xffff  }
0x87e: {  	[tilespmem:s4+$0x1B7C0] =	vst v6;
	v6 =	vld [tilespmem:s4+$0x19B30]  }
0x87f: {  	[tilespmem:s4+$0x1B740] =	vst v21;
	v19 =	vld.idx.msk [tilespmem:v19+s3+$0x0], $0xffff  }
0x880: {  	[tilespmem:s1+$0x1BB10] =	vst v12;
	v15 =	vld.idx.msk [tilespmem:v23+s3+$0x0], $0xffff  }
0x881: {  	[tilespmem:s2+$0x1BB20] =	vst v18;
	v13 =	vld.idx.msk [tilespmem:v13+s3+$0x0], $0xffff  }
0x882: {  	[tilespmem:s2+$0x1BBB8] =	vst v17;
	v12 =	vld.idx.msk [tilespmem:v9+s3+$0x0], $0xffff  }
0x883: {  	v9 =	vld.idx.msk [tilespmem:v3+s3+$0x0], $0xffff;
	[tilespmem:s1+$0x1BBB8] =	vst v16  }
0x884: {  	s6 =	simm.s32 $0x400;
	s7 =	simm.s32 $0x800;
	s5 =	simm.s32 $0x6;
	v16 =	vld [tilespmem:s4+$0x197F0];
	[tilespmem:s4+$0x1B7D0] =	vst v19  }
.LBB2_16:
0x885: {  	s8 =	sand.u32 $0x800, s7;
	s9 =	sand.u32 $0x300, s6;
	s5 =	sadd.s32 $0x2, s5;
	[tilespmem:s4+$0x1B750] =	vst v15;
	v14 =	vld.idx.msk [tilespmem:v14+s3+$0x0], $0xffff  }
0x886: {  	s8 =	sor.u32 s9, s8;
	p0 =	slt.u32 s5, $0xE;
	v10 =	vld.idx.msk [tilespmem:v10+s3+$0x0], $0xffff;
	[tilespmem:s1+$0x1BB20] =	vst v13  }
0x887: {  	v13 =	vld [tilespmem:s8+$0x19780];
	[tilespmem:s2+$0x1BB30] =	vst v12;
	v3 =	vmov v11  }
0x888: {  	v11 =	vld [tilespmem:s8+$0x19700]  }
0x889: {  	v12 =	vld [tilespmem:s8+$0x19710];
	[tilespmem:s0+$0x1BB38] =	vst v9;
	s0 =	smov.u32 s2;
	s2 =	smov.u32 s1;
	s1 =	smov.u32 s4  }
0x88a: {  	s4 =	smov.u32 s8;
	v9 =	vld [tilespmem:s8+$0x19720]  }
0x88b: {  	[tilespmem:s1+$0x1B7E0] =	vst v14;
	v14 =	vld [tilespmem:s1+$0x19B80]  }
0x88c: {  	[tilespmem:s1+$0x1B760] =	vst v10;
	v10 =	vld.idx.msk [tilespmem:v16+s3+$0x0], $0xffff  }
0x88d: {  	v15 =	vld [tilespmem:s4+$0x19730]  }
0x88e: {  	v16 =	vld [tilespmem:s4+$0x19790]  }
0x88f: {  	v13 =	vld.idx.msk [tilespmem:v13+s3+$0x0], $0xffff  }
0x890: {  	v11 =	vld.idx.msk [tilespmem:v11+s3+$0x0], $0xffff  }
0x891: {  	v17 =	vld [tilespmem:s4+$0x19740]  }
0x892: {  	[tilespmem:s1+$0x1B7F0] =	vst v10;
	v18 =	vld [tilespmem:s1+$0x19B90]  }
0x893: {  	v14 =	vld.idx.msk [tilespmem:v14+s3+$0x0], $0xffff  }
0x894: {  	v19 =	vld [tilespmem:s4+$0x19750]  }
0x895: {  	[tilespmem:s4+$0x1B780] =	vst v13;
	v13 =	vld [tilespmem:s4+$0x197A0]  }
0x896: {  	[tilespmem:s4+$0x1B700] =	vst v11;
	v11 =	vld.idx.msk [tilespmem:v16+s3+$0x0], $0xffff  }
0x897: {  	v12 =	vld.idx.msk [tilespmem:v12+s3+$0x0], $0xffff  }
0x898: {  	v10 =	vld [tilespmem:s4+$0x19760]  }
0x899: {  	[tilespmem:s1+$0x1BB80] =	vst v14;
	v14 =	vld [tilespmem:s1+$0x19BA0]  }
0x89a: {  	v16 =	vld.idx.msk [tilespmem:v18+s3+$0x0], $0xffff  }
0x89b: {  	v18 =	vld [tilespmem:s4+$0x19770]  }
0x89c: {  	[tilespmem:s4+$0x1B790] =	vst v11;
	v11 =	vld [tilespmem:s4+$0x197B0]  }
0x89d: {  	[tilespmem:s4+$0x1B710] =	vst v12;
	v12 =	vld.idx.msk [tilespmem:v13+s3+$0x0], $0xffff  }
0x89e: {  	v9 =	vld.idx.msk [tilespmem:v9+s3+$0x0], $0xffff  }
0x89f: {  	v13 =	vld.idx.msk [tilespmem:v4+s3+$0x0], $0xffff  }
0x8a0: {  	[tilespmem:s1+$0x1BB90] =	vst v16;
	v16 =	vld [tilespmem:s1+$0x19BB0];
	v4 =	vmov v18  }
0x8a1: {  	v14 =	vld.idx.msk [tilespmem:v14+s3+$0x0], $0xffff  }
0x8a2: {  	v18 =	vld [tilespmem:s4+$0x19B00]  }
0x8a3: {  	[tilespmem:s4+$0x1B7A0] =	vst v12;
	v12 =	vld [tilespmem:s4+$0x197C0]  }
0x8a4: {  	[tilespmem:s4+$0x1B720] =	vst v9;
	v9 =	vld.idx.msk [tilespmem:v11+s3+$0x0], $0xffff  }
0x8a5: {  	v11 =	vld.idx.msk [tilespmem:v15+s3+$0x0], $0xffff;
	[tilespmem:s1+$0x1B770] =	vst v13  }
0x8a6: {  	v13 =	vld.idx.msk [tilespmem:v5+s3+$0x0], $0xffff  }
0x8a7: {  	[tilespmem:s1+$0x1BBA0] =	vst v14;
	v14 =	vld [tilespmem:s1+$0x19BB8];
	v5 =	vmov v18  }
0x8a8: {  	v15 =	vld.idx.msk [tilespmem:v16+s3+$0x0], $0xffff  }
0x8a9: {  	v16 =	vld [tilespmem:s4+$0x19B10]  }
0x8aa: {  	[tilespmem:s4+$0x1B7B0] =	vst v9;
	v9 =	vld [tilespmem:s4+$0x197D0]  }
0x8ab: {  	[tilespmem:s4+$0x1B730] =	vst v11;
	v11 =	vld.idx.msk [tilespmem:v12+s3+$0x0], $0xffff  }
0x8ac: {  	v12 =	vld.idx.msk [tilespmem:v17+s3+$0x0], $0xffff;
	[tilespmem:s1+$0x1BB00] =	vst v13  }
0x8ad: {  	v13 =	vld.idx.msk [tilespmem:v7+s3+$0x0], $0xffff  }
0x8ae: {  	v17 =	vld [tilespmem:s4+$0x19B20];
	[tilespmem:s1+$0x1BBB0] =	vst v15;
	v7 =	vmov v16  }
0x8af: {  	v16 =	vld.idx.msk [tilespmem:v14+s3+$0x0], $0xffff  }
0x8b0: {  	v18 =	vld [tilespmem:s4+$0x19B30]  }
0x8b1: {  	[tilespmem:s4+$0x1B7C0] =	vst v11;
	v14 =	vld [tilespmem:s4+$0x197E0]  }
0x8b2: {  	[tilespmem:s4+$0x1B740] =	vst v12;
	v20 =	vld.idx.msk [tilespmem:v9+s3+$0x0], $0xffff  }
0x8b3: {  	v15 =	vld.idx.msk [tilespmem:v19+s3+$0x0], $0xffff;
	[tilespmem:s1+$0x1BB10] =	vst v13  }
.Ltmp7:
0x8b4: {  	v13 =	vld.idx.msk [tilespmem:v8+s3+$0x0], $0xffff;
	v8 =	vmov v17;
	(pc) =	sbr.rel @p0 .LBB2_16-.Ltmp7, $4  }
0x8b5: {  	[tilespmem:s1+$0x1BBB8] =	vst v16;
	v12 =	vld.idx.msk [tilespmem:v1+s3+$0x0], $0xffff;
	v1 =	vmov v6;
	v6 =	vmov v18  }
0x8b6: {  	v11 =	vld [tilespmem:s4+$0x19B38]  }
0x8b7: {  	v9 =	vld.idx.msk [tilespmem:v0+s3+$0x0], $0xffff;
	v0 =	vmov v2;
	v2 =	vmov v3  }
0x8b8: {  	s6 =	sadd.s32 $0x100, s6;
	s7 =	sadd.s32 $0x200, s7;
	[tilespmem:s4+$0x1B7D0] =	vst v20;
	v16 =	vld [tilespmem:s4+$0x197F0]  }
0x8b9: {  	_ =	sdelay $0x3  }
0x8ba: {  	v3 =	vld.idx.msk [tilespmem:v14+s3+$0x0], $0xffff;
	[tilespmem:s4+$0x1B750] =	vst v15  }
0x8bb: {  	v10 =	vld.idx.msk [tilespmem:v10+s3+$0x0], $0xffff;
	_ =	sdelay $0x2  }
0x8bc: {  	v55 =	vld [tilespmem:s4+$0x19B80]  }
0x8bd: {  	[tilespmem:s4+$0x1B7E0] =	vst v3  }
0x8be: {  	v56 =	vld.idx.msk [tilespmem:v16+s3+$0x0], $0xffff;
	[tilespmem:s4+$0x1B760] =	vst v10  }
0x8bf: {  	v4 =	vld.idx.msk [tilespmem:v4+s3+$0x0], $0xffff;
	_ =	sdelay $0x2  }
0x8c0: {  	v57 =	vld [tilespmem:s4+$0x19B90]  }
0x8c1: {  	[tilespmem:s4+$0x1B7F0] =	vst v56  }
0x8c2: {  	v3 =	vld.idx.msk [tilespmem:v55+s3+$0x0], $0xffff;
	[tilespmem:s4+$0x1B770] =	vst v4  }
0x8c3: {  	v4 =	vld.idx.msk [tilespmem:v5+s3+$0x0], $0xffff;
	_ =	sdelay $0x2  }
0x8c4: {  	v58 =	vld [tilespmem:s4+$0x19BA0]  }
0x8c5: {  	[tilespmem:s4+$0x1BB80] =	vst v3  }
0x8c6: {  	v59 =	vld.idx.msk [tilespmem:v57+s3+$0x0], $0xffff;
	[tilespmem:s4+$0x1BB00] =	vst v4  }
0x8c7: {  	v4 =	vld.idx.msk [tilespmem:v7+s3+$0x0], $0xffff;
	_ =	sdelay $0x2  }
0x8c8: {  	v60 =	vld [tilespmem:s4+$0x19BB0]  }
0x8c9: {  	[tilespmem:s4+$0x1BB90] =	vst v59  }
0x8ca: {  	v3 =	vld.idx.msk [tilespmem:v58+s3+$0x0], $0xffff;
	[tilespmem:s4+$0x1BB10] =	vst v4  }
0x8cb: {  	v61 =	vld.idx.msk [tilespmem:v8+s3+$0x0], $0xffff;
	_ =	sdelay $0x2  }
0x8cc: {  	v62 =	vld [tilespmem:s4+$0x19BB8];
	[tilespmem:s1+$0x1BB20] =	vst v13  }
0x8cd: {  	v1 =	vld.idx.msk [tilespmem:v1+s3+$0x0], $0xffff;
	[tilespmem:s4+$0x1BBA0] =	vst v3  }
0x8ce: {  	v5 =	vld.idx.msk [tilespmem:v60+s3+$0x0], $0xffff;
	[tilespmem:s4+$0x1BB20] =	vst v61  }
0x8cf: {  	v3 =	vld.idx.msk [tilespmem:v6+s3+$0x0], $0xffff;
	_ =	sdelay $0x1  }
0x8d0: {  	[tilespmem:s2+$0x1BB30] =	vst v12  }
0x8d1: {  	v0 =	vld.idx.msk [tilespmem:v0+s3+$0x0], $0xffff;
	[tilespmem:s1+$0x1BB30] =	vst v1  }
0x8d2: {  	v1 =	vld.idx.msk [tilespmem:v2+s3+$0x0], $0xffff;
	[tilespmem:s4+$0x1BBB0] =	vst v5  }
0x8d3: {  	v4 =	vld.idx.msk [tilespmem:v62+s3+$0x0], $0xffff;
	[tilespmem:s4+$0x1BB30] =	vst v3  }
0x8d4: {  	v63 =	vld.idx.msk [tilespmem:v11+s3+$0x0], $0xffff  }
0x8d5: {  	[tilespmem:s0+$0x1BB38] =	vst v9  }
0x8d6: {  	[tilespmem:s2+$0x1BB38] =	vst v0  }
0x8d7: {  	[tilespmem:s1+$0x1BB38] =	vst v1  }
0x8d8: {  	[tilespmem:s4+$0x1BBB8] =	vst v4  }
0x8d9: {  	s31 =	sadd.s32 $0x1, s31;
	[tilespmem:s4+$0x1BB38] =	vst v63  }
0x8da: {  	[hbm4b:s19+s3] =	stream.linear.scatter [tilespmem:s28], [sflag:$0x5], $0x1000, $0x38;
	[tilespmem:$0x1C700] =	vst v63  }
0x8db: {  	p0 =	sne.s32 s31, s20;
	_ =	swait.ge [sflag:s29], $0x1000  }
.Ltmp8:
0x8dc: {  	[sflag:s29] =	ssyncset.done $0x0;
	(pc) =	sbr.rel @p0 .LBB2_1-.Ltmp8, $4  }
0x8dd: {  	[sflag:s29] =	ssyncadd.s32 $0xFFFFF000  }
0x8de: {  	_ =	swait.ge [sflag:s30], $0x1000  }
0x8df: {  	[sflag:s30] =	ssyncset.done $0x0  }
0x8e0: {  	[sflag:s30] =	ssyncadd.s32 $0xFFFFF000  }
0x8e1: {  	_ =	sfence.sel $0x180000  }
0x8e2: {  	[bflag:$0x0] =	sbarrier.arrive $0xFFFF  }
0x8e3: {  	_ =	strace $0x90000047  }
0x8e4: {  	s0 =	stileid.u32;
	[bflag:$0x2] =	sbarrier.arrive $0xFFFF  }
0x8e5: {  	p0 =	sne.s32 s0, $0x0;
	s0 =	rddreg [dreg:$0x2]  }
0x8e6: {  	s0 =	sadd.s32 @!p0 $0x100000, s0  }
0x8e7: {  	[sflag:s0] =	ssyncadd.tile.s32 @!p0 $0x1;
	_ =	shalt  }
.Lfunc_end2:
_tile_overlayer_lowered:
.L_overlay_start_2:
0x8e8: {  	(tag) =	ssettag $0x2  }
0x8e9: {  	s0 =	rddreg [dreg:$0x0];
	s2 =	stileid.u32  }
0x8ea: {  	s1 =	rddreg [dreg:$0x1];
	p0 =	sne.s32 s2, $0x0  }
0x8eb: {  	s3 =	rddreg [dreg:$0x2];
	[bflag:$0x3] =	sbarrier.arrive $0xFFFF;
	s2 =	simm.s32 @!p0 $0x1C06  }
0x8ec: {  	[timem:s3], [sflag:s2] =	dma.local @!p0 [hbm:s0], s1  }
0x8ed: {  	s0 =	simm.s32 @!p0 $0x6  }
0x8ee: {  	_ =	swait.ge @!p0 [sflag:s0], s1  }
0x8ef: {  	s1 =	ssub.s32 @!p0 $0x0, s1;
	[sflag:s0] =	ssyncset.done @!p0 $0x0  }
0x8f0: {  	[sflag:s0] =	ssyncadd.s32 @!p0 s1  }
0x8f1: {  	[bflag:$0x3] =	sbarrier.arrive $0xFFFF  }
0x8f2: {  	_ =	shalt  }

</sc_bundles>
